<compile_context>
chip_gen: v7x
topology: tpu7x:2x2x1
jax: 0.10.2.dev20260603
libtpu: 0.0.44.dev20260713+nightly
codegen_flags: <defaults>
</compile_context>

<pallas_src>
import functools

import jax
import jax.numpy as jnp
from jax import lax
from jax.experimental import pallas as pl
from jax.experimental.pallas import tpu as pltpu
from jax.experimental.pallas import tpu_sc as plsc

N = 10000
NP = 10240
E = 320000
D = 128

NC = 2
NS = 16
NW = NC * NS
EPW = E // NW
K = 125
NCHUNK = EPW // K
NB = 2
BLK = 8
NBLK = NCHUNK // BLK
RPT = NP // NS

_MESH = plsc.VectorSubcoreMesh(
    core_axis_name="c", subcore_axis_name="s", num_cores=NC, num_subcores=NS
)



def _deg_body(dst_hbm, ones_hbm, zeros_hbm, out_hbm, dst_v, ones_v, acc, sem):
    c = lax.axis_index("c")
    s = lax.axis_index("s")
    wid = c * NS + s
    pltpu.sync_copy(zeros_hbm.at[pl.ds(s * RPT, RPT)], acc.at[pl.ds(s * RPT, RPT)])
    pltpu.sync_copy(dst_hbm.at[wid], dst_v)
    pltpu.sync_copy(ones_hbm, ones_v)
    plsc.subcore_barrier()

    @pl.loop(0, NCHUNK, step=8)
    def _grp(i0):
        for b in range(8):
            pltpu.async_copy(ones_v, acc.at[dst_v.at[i0 + b]], sem, add=True)
        for b in range(8):
            pltpu.make_async_copy(ones_v, acc.at[pl.ds(0, K)], sem).wait()

    plsc.subcore_barrier()
    pltpu.sync_copy(acc.at[pl.ds(s * RPT, RPT)], out_hbm.at[c, pl.ds(s * RPT, RPT)])


@functools.partial(
    pl.kernel,
    out_type=jax.ShapeDtypeStruct((NC, NP, D), jnp.float32),
    mesh=_MESH,
    scratch_types=[
        pltpu.VMEM((NCHUNK, K), jnp.int32),
        pltpu.VMEM((K, D), jnp.float32),
        pltpu.VMEM_SHARED((NP, D), jnp.float32),
        pltpu.SemaphoreType.DMA,
    ],
)
def _sc_deg(dst_hbm, ones_hbm, zeros_hbm, out_hbm, dst_v, ones_v, acc, sem):
    _deg_body(dst_hbm, ones_hbm, zeros_hbm, out_hbm, dst_v, ones_v, acc, sem)


def _agg_body(t_hbm, src_hbm, dst_hbm, zeros_hbm, out_hbm,
              src_v, dstb, rows, acc,
              g0, g1, g2, g3, s0, s1, s2, s3, dsem):
    c = lax.axis_index("c")
    s = lax.axis_index("s")
    wid = c * NS + s
    gsems = [g0, g1, g2, g3]
    ssems = [s0, s1, s2, s3]

    @pl.when(c == 0)
    def _():
        pltpu.sync_copy(t_hbm.at[pl.ds(s * RPT, RPT)], acc.at[pl.ds(s * RPT, RPT)])

    @pl.when(c != 0)
    def _():
        pltpu.sync_copy(zeros_hbm.at[pl.ds(s * RPT, RPT)], acc.at[pl.ds(s * RPT, RPT)])

    pltpu.sync_copy(src_hbm.at[wid], src_v)
    pltpu.sync_copy(dst_hbm.at[wid, 0], dstb.at[0])
    plsc.subcore_barrier()

    pltpu.async_copy(t_hbm.at[src_v.at[0]], rows.at[0], gsems[0])
    pltpu.async_copy(t_hbm.at[src_v.at[1]], rows.at[1], gsems[1])

    @pl.loop(0, NBLK, step=2)
    def _blk2(j0):
        for jj in range(2):
            j = j0 + jj

            @pl.when(j < NBLK - 1)
            def _():
                pltpu.async_copy(dst_hbm.at[wid, j + 1], dstb.at[1 - jj], dsem)

            for cc in range(BLK):
                i = j * BLK + cc
                b = cc % NB
                pltpu.make_async_copy(t_hbm.at[src_v.at[i]], rows.at[b], gsems[b]).wait()
                pltpu.async_copy(rows.at[b], acc.at[dstb.at[jj, cc]], ssems[b], add=True)

                @pl.when(i < NCHUNK - 2)
                def _():
                    pltpu.make_async_copy(rows.at[b], acc.at[pl.ds(0, K)], ssems[b]).wait()
                    pltpu.async_copy(t_hbm.at[src_v.at[i + 2]], rows.at[b], gsems[b])

            @pl.when(j < NBLK - 1)
            def _():
                pltpu.make_async_copy(dst_hbm.at[wid, 0], dstb.at[1 - jj], dsem).wait()

    for b in range(NB):
        pltpu.make_async_copy(rows.at[b], acc.at[pl.ds(0, K)], ssems[b]).wait()

    plsc.subcore_barrier()
    pltpu.sync_copy(acc.at[pl.ds(s * RPT, RPT)], out_hbm.at[c, pl.ds(s * RPT, RPT)])


@functools.partial(
    pl.kernel,
    out_type=jax.ShapeDtypeStruct((NC, NP, D), jnp.float32),
    mesh=_MESH,
    scratch_types=[
        pltpu.VMEM((NCHUNK, K), jnp.int32),
        pltpu.VMEM((2, BLK, K), jnp.int32),
        pltpu.VMEM((NB, K, D), jnp.float32),
        pltpu.VMEM_SHARED((NP, D), jnp.float32),
        pltpu.SemaphoreType.DMA,
        pltpu.SemaphoreType.DMA,
        pltpu.SemaphoreType.DMA,
        pltpu.SemaphoreType.DMA,
        pltpu.SemaphoreType.DMA,
        pltpu.SemaphoreType.DMA,
        pltpu.SemaphoreType.DMA,
        pltpu.SemaphoreType.DMA,
        pltpu.SemaphoreType.DMA,
    ],
)
def _sc_agg(t_hbm, src_hbm, dst_hbm, zeros_hbm, out_hbm,
            src_v, dstb, rows, acc,
            g0, g1, g2, g3, s0, s1, s2, s3, dsem):
    _agg_body(t_hbm, src_hbm, dst_hbm, zeros_hbm, out_hbm,
              src_v, dstb, rows, acc,
              g0, g1, g2, g3, s0, s1, s2, s3, dsem)



_BN = 1024


def _mm_body(x_ref, w_ref, h_ref):
    h_ref[...] = jnp.dot(x_ref[...], w_ref[...],
                         precision=lax.Precision.HIGHEST,
                         preferred_element_type=jnp.float32)


def _mm(x, w1):
    return pl.pallas_call(
        _mm_body,
        grid=(NP // _BN,),
        in_specs=[
            pl.BlockSpec((_BN, D), lambda i: (i, 0)),
            pl.BlockSpec((D, D), lambda i: (0, 0)),
        ],
        out_specs=pl.BlockSpec((_BN, D), lambda i: (i, 0)),
        out_shape=jax.ShapeDtypeStruct((NP, D), jnp.float32),
    )(x, w1)


def _tc1_body(deg2_ref, h_ref, t_ref, dinv_ref):
    deg = deg2_ref[0, :, 0:1] + deg2_ref[1, :, 0:1] + 1.0
    dinv = lax.rsqrt(deg)
    t_ref[...] = dinv * h_ref[...]
    dinv_ref[...] = dinv


def _tc1(deg2, h1):
    return pl.pallas_call(
        _tc1_body,
        grid=(NP // _BN,),
        in_specs=[
            pl.BlockSpec((NC, _BN, D), lambda i: (0, i, 0)),
            pl.BlockSpec((_BN, D), lambda i: (i, 0)),
        ],
        out_specs=[
            pl.BlockSpec((_BN, D), lambda i: (i, 0)),
            pl.BlockSpec((_BN, 1), lambda i: (i, 0)),
        ],
        out_shape=[
            jax.ShapeDtypeStruct((NP, D), jnp.float32),
            jax.ShapeDtypeStruct((NP, 1), jnp.float32),
        ],
    )(deg2, h1)


def _tc2_body(agg_ref, dinv_ref, b_ref, w_ref, t_ref):
    g = agg_ref[0] + agg_ref[1]
    z = jnp.maximum(dinv_ref[...] * g + b_ref[...], 0.0)
    h = jnp.dot(z, w_ref[...], precision=lax.Precision.HIGHEST,
                preferred_element_type=jnp.float32)
    t_ref[...] = dinv_ref[...] * h


def _tc2(agg1, dinv, b1, w2):
    return pl.pallas_call(
        _tc2_body,
        grid=(NP // _BN,),
        in_specs=[
            pl.BlockSpec((NC, _BN, D), lambda i: (0, i, 0)),
            pl.BlockSpec((_BN, 1), lambda i: (i, 0)),
            pl.BlockSpec((D,), lambda i: (0,)),
            pl.BlockSpec((D, D), lambda i: (0, 0)),
        ],
        out_specs=pl.BlockSpec((_BN, D), lambda i: (i, 0)),
        out_shape=jax.ShapeDtypeStruct((NP, D), jnp.float32),
    )(agg1, dinv, b1, w2)


def _tc3_body(agg_ref, dinv_ref, b_ref, out_ref):
    out_ref[...] = dinv_ref[...] * (agg_ref[0] + agg_ref[1]) + b_ref[...]


def _tc3(agg2, dinv, b2):
    return pl.pallas_call(
        _tc3_body,
        grid=(NP // _BN,),
        in_specs=[
            pl.BlockSpec((NC, _BN, D), lambda i: (0, i, 0)),
            pl.BlockSpec((_BN, 1), lambda i: (i, 0)),
            pl.BlockSpec((D,), lambda i: (0,)),
        ],
        out_specs=pl.BlockSpec((_BN, D), lambda i: (i, 0)),
        out_shape=jax.ShapeDtypeStruct((NP, D), jnp.float32),
    )(agg2, dinv, b2)



def kernel(x, edge_index, W1, b1, W2, b2):
    src = edge_index[0].astype(jnp.int32).reshape(NW, NCHUNK, K)
    dst = edge_index[1].astype(jnp.int32).reshape(NW, NCHUNK, K)

    xp = jnp.pad(x, ((0, NP - N), (0, 0)))
    ones = jnp.zeros((K, D), jnp.float32).at[:, 0].set(1.0)
    zeros128 = jnp.zeros((NP, D), jnp.float32)

    deg2 = _sc_deg(dst, ones, zeros128)
    h1 = _mm(xp, W1)
    t1, dinv = _tc1(deg2, h1)
    dst4 = dst.reshape(NW, NBLK, BLK, K)
    agg1 = _sc_agg(t1, src, dst4, zeros128)
    t2 = _tc2(agg1, dinv, b1, W2)
    agg2 = _sc_agg(t2, src, dst4, zeros128)
    return _tc3(agg2, dinv, b2)[:N]

# --- scband reference (transcript-rebuilt; emitter-appended) ---
"""Pipeline reference for scband-gflow-gnn-9388798509588 (READ-ONLY COPY).

The authoritative reference and input builder live on the scoring server;
editing this copy changes nothing except your own understanding.
"""

import jax, jax.numpy as jnp
import numpy as np

N = 10000
E = 320000
D_IN = 128
D_HID = 128
D_OUT = 128


def setup_inputs(seed: int = 0) -> dict:
    key = jax.random.key(seed)
    k1, k2, k3, k4, k5, k6 = jax.random.split(key, 6)
    x = jax.random.normal(k1, (N, D_IN), dtype=jnp.float32)
    edge_index = jax.random.randint(k2, (2, E), 0, N)
    W1 = jax.random.normal(k3, (D_IN, D_HID), dtype=jnp.float32) * (1.0 / np.sqrt(D_IN))
    b1 = jnp.zeros((D_HID,), dtype=jnp.float32)
    W2 = jax.random.normal(k4, (D_HID, D_OUT), dtype=jnp.float32) * (1.0 / np.sqrt(D_HID))
    b2 = jnp.zeros((D_OUT,), dtype=jnp.float32)
    return {"x": x, "edge_index": edge_index, "W1": W1, "b1": b1, "W2": W2, "b2": b2}


def gcn_conv(x, edge_index, W, b):
    # Faithful GCNConv: linear transform, add self-loops, symmetric normalization,
    # scatter-add aggregation over destination nodes, then bias.
    n = x.shape[0]
    loop = jnp.arange(n, dtype=edge_index.dtype)
    src = jnp.concatenate([edge_index[0], loop])
    dst = jnp.concatenate([edge_index[1], loop])
    deg = jax.ops.segment_sum(jnp.ones_like(src, dtype=x.dtype), dst, num_segments=n)
    dinv = jax.lax.rsqrt(jnp.maximum(deg, 1e-12))
    norm = dinv[src] * dinv[dst]
    h = x @ W
    out = jax.ops.segment_sum(norm[:, None] * jnp.take(h, src, axis=0), dst, num_segments=n)
    return out + b


def reference(x, edge_index, W1, b1, W2, b2):
    h = gcn_conv(x, edge_index, W1, b1)
    h = jax.nn.relu(h)
    out = gcn_conv(h, edge_index, W2, b2)
    return out

if __name__ == "__main__":
    import jax
    _d = setup_inputs()
    print(jax.jit(kernel)(*tuple(_d.values())))

</pallas_src>

<mosaic_0001>
#map = affine_map<(d0, d1) -> (0, 0)>
#map1 = affine_map<(d0, d1) -> (0, 0, 0)>
#map2 = affine_map<(d0, d1) -> (0, 0, 0, 0)>
module attributes {stable_mosaic.version = 14 : i64} {
  func.func @_sc_agg(%arg0: i32, %arg1: i32, %arg2: memref<10240x128xf32, #tpu.memory_space<hbm>>, %arg3: memref<32x80x125xi32, #tpu.memory_space<hbm>>, %arg4: memref<32x10x8x125xi32, #tpu.memory_space<hbm>>, %arg5: memref<10240x128xf32, #tpu.memory_space<hbm>>, %arg6: memref<2x10240x128xf32, #tpu.memory_space<hbm>>, %arg7: memref<80x125xi32, #tpu.memory_space<vmem>>, %arg8: memref<2x8x125xi32, #tpu.memory_space<vmem>>, %arg9: memref<2x125x128xf32, #tpu.memory_space<vmem>>, %arg10: memref<10240x128xf32, #tpu.memory_space<vmem_shared>>, %arg11: memref<!tpu.dma_semaphore, #tpu.memory_space<semaphore_mem>>, %arg12: memref<!tpu.dma_semaphore, #tpu.memory_space<semaphore_mem>>, %arg13: memref<!tpu.dma_semaphore, #tpu.memory_space<semaphore_mem>>, %arg14: memref<!tpu.dma_semaphore, #tpu.memory_space<semaphore_mem>>, %arg15: memref<!tpu.dma_semaphore, #tpu.memory_space<semaphore_mem>>, %arg16: memref<!tpu.dma_semaphore, #tpu.memory_space<semaphore_mem>>, %arg17: memref<!tpu.dma_semaphore, #tpu.memory_space<semaphore_mem>>, %arg18: memref<!tpu.dma_semaphore, #tpu.memory_space<semaphore_mem>>, %arg19: memref<!tpu.dma_semaphore, #tpu.memory_space<semaphore_mem>>) attributes {dimension_semantics = [#tpu.dimension_semantics<core_parallel>, #tpu.dimension_semantics<subcore_parallel>], iteration_bounds = array<i64: 2, 16>, scalar_prefetch = 0 : i64, scratch_operands = 13 : i64, tpu.core_type = #tpu.core_type<sc_vector_subcore>, window_params = [{transform_indices = #map}, {transform_indices = #map1}, {transform_indices = #map2}, {transform_indices = #map}, {transform_indices = #map1}]} {
    %mul3A = arith.constant 16 : i32
    %mul3A_0 = arith.muli %arg0, %mul3A : i32
    %add3A = arith.addi %mul3A_0, %arg1 : i32
    %eq3A = arith.constant 0 : i32
    %eq3A_1 = arith.cmpi eq, %arg0, %eq3A : i32
    %convert_element_type3A = arith.extui %eq3A_1 : i1 to i32
    %cond3A = arith.constant 0 : i32
    %cond3A_2 = arith.cmpi ne, %convert_element_type3A, %cond3A : i32
    scf.if %cond3A_2 {
      %mul3A_69 = arith.constant 640 : i32
      %mul3A_70 = arith.muli %arg1, %mul3A_69 : i32
      %mul3A_71 = arith.constant 640 : i32
      %mul3A_72 = arith.muli %arg1, %mul3A_71 : i32
      "tpu.region"() ({
        %run_scoped3A_73 = tpu.sem_alloc : memref<!tpu.dma_semaphore, #tpu.memory_space<semaphore_mem>>
        %dma_start3A_74 = arith.constant 0 : i32
        %dma_start3A_75 = tpu.memref_slice %arg10[%mul3A_72, %dma_start3A_74] : memref<10240x128xf32, #tpu.memory_space<vmem_shared>> -> memref<640x128xf32, #tpu.memory_space<vmem_shared>>
        %dma_start3A_76 = arith.constant 0 : i32
        %dma_start3A_77 = tpu.memref_slice %arg2[%mul3A_70, %dma_start3A_76] : memref<10240x128xf32, #tpu.memory_space<hbm>> -> memref<640x128xf32, #tpu.memory_space<hbm>>
        tpu.enqueue_dma source(%dma_start3A_77 : memref<640x128xf32, #tpu.memory_space<hbm>>) target(%dma_start3A_75 : memref<640x128xf32, #tpu.memory_space<vmem_shared>>) target_semaphore(%run_scoped3A_73 : memref<!tpu.dma_semaphore, #tpu.memory_space<semaphore_mem>>)
        %dma_wait3A_78 = arith.constant 0 : i32
        %dma_wait3A_79 = tpu.memref_slice %arg10[%mul3A_72, %dma_wait3A_78] : memref<10240x128xf32, #tpu.memory_space<vmem_shared>> -> memref<640x128xf32, #tpu.memory_space<vmem_shared>>
        %dma_wait3A_80 = arith.constant 0 : i32
        %dma_wait3A_81 = tpu.memref_slice %arg2[%mul3A_70, %dma_wait3A_80] : memref<10240x128xf32, #tpu.memory_space<hbm>> -> memref<640x128xf32, #tpu.memory_space<hbm>>
        tpu.wait_dma2 semaphore(%run_scoped3A_73 : memref<!tpu.dma_semaphore, #tpu.memory_space<semaphore_mem>>) src(%dma_wait3A_81 : memref<640x128xf32, #tpu.memory_space<hbm>>) dst(%dma_wait3A_79 : memref<640x128xf32, #tpu.memory_space<vmem_shared>>)
        tpu.yield
      }) : () -> ()
    } else {
    }
    %ne3A = arith.constant 0 : i32
    %ne3A_3 = arith.cmpi ne, %arg0, %ne3A : i32
    %convert_element_type3A_4 = arith.extui %ne3A_3 : i1 to i32
    %cond3A_5 = arith.constant 0 : i32
    %cond3A_6 = arith.cmpi ne, %convert_element_type3A_4, %cond3A_5 : i32
    scf.if %cond3A_6 {
      %mul3A_69 = arith.constant 640 : i32
      %mul3A_70 = arith.muli %arg1, %mul3A_69 : i32
      %mul3A_71 = arith.constant 640 : i32
      %mul3A_72 = arith.muli %arg1, %mul3A_71 : i32
      "tpu.region"() ({
        %run_scoped3A_73 = tpu.sem_alloc : memref<!tpu.dma_semaphore, #tpu.memory_space<semaphore_mem>>
        %dma_start3A_74 = arith.constant 0 : i32
        %dma_start3A_75 = tpu.memref_slice %arg10[%mul3A_72, %dma_start3A_74] : memref<10240x128xf32, #tpu.memory_space<vmem_shared>> -> memref<640x128xf32, #tpu.memory_space<vmem_shared>>
        %dma_start3A_76 = arith.constant 0 : i32
        %dma_start3A_77 = tpu.memref_slice %arg5[%mul3A_70, %dma_start3A_76] : memref<10240x128xf32, #tpu.memory_space<hbm>> -> memref<640x128xf32, #tpu.memory_space<hbm>>
        tpu.enqueue_dma source(%dma_start3A_77 : memref<640x128xf32, #tpu.memory_space<hbm>>) target(%dma_start3A_75 : memref<640x128xf32, #tpu.memory_space<vmem_shared>>) target_semaphore(%run_scoped3A_73 : memref<!tpu.dma_semaphore, #tpu.memory_space<semaphore_mem>>)
        %dma_wait3A_78 = arith.constant 0 : i32
        %dma_wait3A_79 = tpu.memref_slice %arg10[%mul3A_72, %dma_wait3A_78] : memref<10240x128xf32, #tpu.memory_space<vmem_shared>> -> memref<640x128xf32, #tpu.memory_space<vmem_shared>>
        %dma_wait3A_80 = arith.constant 0 : i32
        %dma_wait3A_81 = tpu.memref_slice %arg5[%mul3A_70, %dma_wait3A_80] : memref<10240x128xf32, #tpu.memory_space<hbm>> -> memref<640x128xf32, #tpu.memory_space<hbm>>
        tpu.wait_dma2 semaphore(%run_scoped3A_73 : memref<!tpu.dma_semaphore, #tpu.memory_space<semaphore_mem>>) src(%dma_wait3A_81 : memref<640x128xf32, #tpu.memory_space<hbm>>) dst(%dma_wait3A_79 : memref<640x128xf32, #tpu.memory_space<vmem_shared>>)
        tpu.yield
      }) : () -> ()
    } else {
    }
    "tpu.region"() ({
      %run_scoped3A_69 = tpu.sem_alloc : memref<!tpu.dma_semaphore, #tpu.memory_space<semaphore_mem>>
      %dma_start3A_70 = arith.constant 0 : i32
      %dma_start3A_71 = arith.constant 0 : i32
      %dma_start3A_72 = tpu.memref_slice %arg3[%add3A, %dma_start3A_70, %dma_start3A_71] : memref<32x80x125xi32, #tpu.memory_space<hbm>> -> memref<1x80x125xi32, #tpu.memory_space<hbm>>
      %dma_start3A_73 = tpu.memref_squeeze %dma_start3A_72 : memref<1x80x125xi32, #tpu.memory_space<hbm>> -> memref<80x125xi32, #tpu.memory_space<hbm>>
      %dma_start3A_74 = arith.constant 0 : i32
      %dma_start3A_75 = arith.constant 0 : i32
      %dma_start3A_76 = tpu.memref_slice %arg3[%add3A, %dma_start3A_74, %dma_start3A_75] : memref<32x80x125xi32, #tpu.memory_space<hbm>> -> memref<1x80x125xi32, #tpu.memory_space<hbm>>
      %dma_start3A_77 = tpu.memref_squeeze %dma_start3A_76 : memref<1x80x125xi32, #tpu.memory_space<hbm>> -> memref<80x125xi32, #tpu.memory_space<hbm>>
      tpu.enqueue_dma source(%dma_start3A_77 : memref<80x125xi32, #tpu.memory_space<hbm>>) target(%arg7 : memref<80x125xi32, #tpu.memory_space<vmem>>) target_semaphore(%run_scoped3A_69 : memref<!tpu.dma_semaphore, #tpu.memory_space<semaphore_mem>>)
      %dma_wait3A_78 = arith.constant 0 : i32
      %dma_wait3A_79 = arith.constant 0 : i32
      %dma_wait3A_80 = tpu.memref_slice %arg3[%add3A, %dma_wait3A_78, %dma_wait3A_79] : memref<32x80x125xi32, #tpu.memory_space<hbm>> -> memref<1x80x125xi32, #tpu.memory_space<hbm>>
      %dma_wait3A_81 = tpu.memref_squeeze %dma_wait3A_80 : memref<1x80x125xi32, #tpu.memory_space<hbm>> -> memref<80x125xi32, #tpu.memory_space<hbm>>
      %dma_wait3A_82 = arith.constant 0 : i32
      %dma_wait3A_83 = arith.constant 0 : i32
      %dma_wait3A_84 = tpu.memref_slice %arg3[%add3A, %dma_wait3A_82, %dma_wait3A_83] : memref<32x80x125xi32, #tpu.memory_space<hbm>> -> memref<1x80x125xi32, #tpu.memory_space<hbm>>
      %dma_wait3A_85 = tpu.memref_squeeze %dma_wait3A_84 : memref<1x80x125xi32, #tpu.memory_space<hbm>> -> memref<80x125xi32, #tpu.memory_space<hbm>>
      tpu.wait_dma2 semaphore(%run_scoped3A_69 : memref<!tpu.dma_semaphore, #tpu.memory_space<semaphore_mem>>) src(%dma_wait3A_85 : memref<80x125xi32, #tpu.memory_space<hbm>>) dst(%arg7 : memref<80x125xi32, #tpu.memory_space<vmem>>)
      tpu.yield
    }) : () -> ()
    %run_scoped3A = arith.constant 0 : i32
    %run_scoped3A_7 = arith.constant 0 : i32
    "tpu.region"() ({
      %run_scoped3A_69 = tpu.sem_alloc : memref<!tpu.dma_semaphore, #tpu.memory_space<semaphore_mem>>
      %dma_start3A_70 = arith.constant 0 : i32
      %dma_start3A_71 = arith.constant 0 : i32
      %dma_start3A_72 = tpu.memref_slice %arg8[%run_scoped3A_7, %dma_start3A_70, %dma_start3A_71] : memref<2x8x125xi32, #tpu.memory_space<vmem>> -> memref<1x8x125xi32, #tpu.memory_space<vmem>>
      %dma_start3A_73 = tpu.memref_squeeze %dma_start3A_72 : memref<1x8x125xi32, #tpu.memory_space<vmem>> -> memref<8x125xi32, #tpu.memory_space<vmem>>
      %dma_start3A_74 = arith.constant 0 : i32
      %dma_start3A_75 = arith.constant 0 : i32
      %dma_start3A_76 = tpu.memref_slice %arg4[%add3A, %run_scoped3A, %dma_start3A_74, %dma_start3A_75] : memref<32x10x8x125xi32, #tpu.memory_space<hbm>> -> memref<1x1x8x125xi32, #tpu.memory_space<hbm>>
      %dma_start3A_77 = tpu.memref_squeeze %dma_start3A_76 : memref<1x1x8x125xi32, #tpu.memory_space<hbm>> -> memref<8x125xi32, #tpu.memory_space<hbm>>
      %dma_start3A_78 = arith.constant 0 : i32
      %dma_start3A_79 = arith.constant 0 : i32
      %dma_start3A_80 = tpu.memref_slice %arg8[%run_scoped3A_7, %dma_start3A_78, %dma_start3A_79] : memref<2x8x125xi32, #tpu.memory_space<vmem>> -> memref<1x8x125xi32, #tpu.memory_space<vmem>>
      %dma_start3A_81 = tpu.memref_squeeze %dma_start3A_80 : memref<1x8x125xi32, #tpu.memory_space<vmem>> -> memref<8x125xi32, #tpu.memory_space<vmem>>
      %dma_start3A_82 = arith.constant 0 : i32
      %dma_start3A_83 = arith.constant 0 : i32
      %dma_start3A_84 = tpu.memref_slice %arg4[%add3A, %run_scoped3A, %dma_start3A_82, %dma_start3A_83] : memref<32x10x8x125xi32, #tpu.memory_space<hbm>> -> memref<1x1x8x125xi32, #tpu.memory_space<hbm>>
      %dma_start3A_85 = tpu.memref_squeeze %dma_start3A_84 : memref<1x1x8x125xi32, #tpu.memory_space<hbm>> -> memref<8x125xi32, #tpu.memory_space<hbm>>
      tpu.enqueue_dma source(%dma_start3A_85 : memref<8x125xi32, #tpu.memory_space<hbm>>) target(%dma_start3A_81 : memref<8x125xi32, #tpu.memory_space<vmem>>) target_semaphore(%run_scoped3A_69 : memref<!tpu.dma_semaphore, #tpu.memory_space<semaphore_mem>>)
      %dma_wait3A_86 = arith.constant 0 : i32
      %dma_wait3A_87 = arith.constant 0 : i32
      %dma_wait3A_88 = tpu.memref_slice %arg8[%run_scoped3A_7, %dma_wait3A_86, %dma_wait3A_87] : memref<2x8x125xi32, #tpu.memory_space<vmem>> -> memref<1x8x125xi32, #tpu.memory_space<vmem>>
      %dma_wait3A_89 = tpu.memref_squeeze %dma_wait3A_88 : memref<1x8x125xi32, #tpu.memory_space<vmem>> -> memref<8x125xi32, #tpu.memory_space<vmem>>
      %dma_wait3A_90 = arith.constant 0 : i32
      %dma_wait3A_91 = arith.constant 0 : i32
      %dma_wait3A_92 = tpu.memref_slice %arg4[%add3A, %run_scoped3A, %dma_wait3A_90, %dma_wait3A_91] : memref<32x10x8x125xi32, #tpu.memory_space<hbm>> -> memref<1x1x8x125xi32, #tpu.memory_space<hbm>>
      %dma_wait3A_93 = tpu.memref_squeeze %dma_wait3A_92 : memref<1x1x8x125xi32, #tpu.memory_space<hbm>> -> memref<8x125xi32, #tpu.memory_space<hbm>>
      %dma_wait3A_94 = arith.constant 0 : i32
      %dma_wait3A_95 = arith.constant 0 : i32
      %dma_wait3A_96 = tpu.memref_slice %arg8[%run_scoped3A_7, %dma_wait3A_94, %dma_wait3A_95] : memref<2x8x125xi32, #tpu.memory_space<vmem>> -> memref<1x8x125xi32, #tpu.memory_space<vmem>>
      %dma_wait3A_97 = tpu.memref_squeeze %dma_wait3A_96 : memref<1x8x125xi32, #tpu.memory_space<vmem>> -> memref<8x125xi32, #tpu.memory_space<vmem>>
      %dma_wait3A_98 = arith.constant 0 : i32
      %dma_wait3A_99 = arith.constant 0 : i32
      %dma_wait3A_100 = tpu.memref_slice %arg4[%add3A, %run_scoped3A, %dma_wait3A_98, %dma_wait3A_99] : memref<32x10x8x125xi32, #tpu.memory_space<hbm>> -> memref<1x1x8x125xi32, #tpu.memory_space<hbm>>
      %dma_wait3A_101 = tpu.memref_squeeze %dma_wait3A_100 : memref<1x1x8x125xi32, #tpu.memory_space<hbm>> -> memref<8x125xi32, #tpu.memory_space<hbm>>
      tpu.wait_dma2 semaphore(%run_scoped3A_69 : memref<!tpu.dma_semaphore, #tpu.memory_space<semaphore_mem>>) src(%dma_wait3A_101 : memref<8x125xi32, #tpu.memory_space<hbm>>) dst(%dma_wait3A_97 : memref<8x125xi32, #tpu.memory_space<vmem>>)
      tpu.yield
    }) : () -> ()
    %barrier3A = arith.constant 0 : index
    tpu.barrier barrier_id(%barrier3A)
    %dma_start3A = arith.constant 0 : i32
    %dma_start3A_8 = arith.constant 0 : i32
    %dma_start3A_9 = arith.constant 0 : i32
    %dma_start3A_10 = arith.constant 0 : i32
    %dma_start3A_11 = tpu.memref_slice %arg9[%dma_start3A_8, %dma_start3A_9, %dma_start3A_10] : memref<2x125x128xf32, #tpu.memory_space<vmem>> -> memref<1x125x128xf32, #tpu.memory_space<vmem>>
    %dma_start3A_12 = tpu.memref_squeeze %dma_start3A_11 : memref<1x125x128xf32, #tpu.memory_space<vmem>> -> memref<125x128xf32, #tpu.memory_space<vmem>>
    %dma_start3A_13 = arith.constant 0 : i32
    %dma_start3A_14 = tpu.memref_slice %arg7[%dma_start3A, %dma_start3A_13] : memref<80x125xi32, #tpu.memory_space<vmem>> -> memref<1x125xi32, #tpu.memory_space<vmem>>
    %dma_start3A_15 = tpu.memref_squeeze %dma_start3A_14 : memref<1x125xi32, #tpu.memory_space<vmem>> -> memref<125xi32, #tpu.memory_space<vmem>>
    %dma_start3A_16 = arith.constant 0 : i32
    %dma_start3A_17 = arith.constant 0 : i32
    %dma_start3A_18 = tpu.memref_slice %arg2[%dma_start3A_16, %dma_start3A_17] : memref<10240x128xf32, #tpu.memory_space<hbm>> -> memref<10240x128xf32, #tpu.memory_space<hbm>>
    tpu.enqueue_indirect_dma source(%dma_start3A_18 : memref<10240x128xf32, #tpu.memory_space<hbm>>) target(%dma_start3A_12 : memref<125x128xf32, #tpu.memory_space<vmem>>) offsets(%dma_start3A_15 : memref<125xi32, #tpu.memory_space<vmem>>) semaphore(%arg11 : memref<!tpu.dma_semaphore, #tpu.memory_space<semaphore_mem>>)
    %dma_start3A_19 = arith.constant 1 : i32
    %dma_start3A_20 = arith.constant 1 : i32
    %dma_start3A_21 = arith.constant 0 : i32
    %dma_start3A_22 = arith.constant 0 : i32
    %dma_start3A_23 = tpu.memref_slice %arg9[%dma_start3A_20, %dma_start3A_21, %dma_start3A_22] : memref<2x125x128xf32, #tpu.memory_space<vmem>> -> memref<1x125x128xf32, #tpu.memory_space<vmem>>
    %dma_start3A_24 = tpu.memref_squeeze %dma_start3A_23 : memref<1x125x128xf32, #tpu.memory_space<vmem>> -> memref<125x128xf32, #tpu.memory_space<vmem>>
    %dma_start3A_25 = arith.constant 0 : i32
    %dma_start3A_26 = tpu.memref_slice %arg7[%dma_start3A_19, %dma_start3A_25] : memref<80x125xi32, #tpu.memory_space<vmem>> -> memref<1x125xi32, #tpu.memory_space<vmem>>
    %dma_start3A_27 = tpu.memref_squeeze %dma_start3A_26 : memref<1x125xi32, #tpu.memory_space<vmem>> -> memref<125xi32, #tpu.memory_space<vmem>>
    %dma_start3A_28 = arith.constant 0 : i32
    %dma_start3A_29 = arith.constant 0 : i32
    %dma_start3A_30 = tpu.memref_slice %arg2[%dma_start3A_28, %dma_start3A_29] : memref<10240x128xf32, #tpu.memory_space<hbm>> -> memref<10240x128xf32, #tpu.memory_space<hbm>>
    tpu.enqueue_indirect_dma source(%dma_start3A_30 : memref<10240x128xf32, #tpu.memory_space<hbm>>) target(%dma_start3A_24 : memref<125x128xf32, #tpu.memory_space<vmem>>) offsets(%dma_start3A_27 : memref<125xi32, #tpu.memory_space<vmem>>) semaphore(%arg12 : memref<!tpu.dma_semaphore, #tpu.memory_space<semaphore_mem>>)
    %scan3A = arith.constant 0 : i32
    %scan3A_31 = arith.constant 5 : i32
    %scan3A_32 = arith.addi %scan3A, %scan3A_31 : i32
    %scan3A_33 = arith.constant 1 : i32
    scf.for %scan3A_69 = %scan3A to %scan3A_32 step %scan3A_33  : i32 {
      %mul3A_70 = arith.constant 2 : i32
      %mul3A_71 = arith.muli %scan3A_69, %mul3A_70 : i32
      %add3A_72 = arith.constant 0 : i32
      %add3A_73 = arith.addi %add3A_72, %mul3A_71 : i32
      %add3A_74 = arith.constant 0 : i32
      %add3A_75 = arith.addi %add3A_73, %add3A_74 : i32
      %lt3A = arith.constant 9 : i32
      %lt3A_76 = arith.cmpi slt, %add3A_75, %lt3A : i32
      %convert_element_type3A_77 = arith.extui %lt3A_76 : i1 to i32
      %cond3A_78 = arith.constant 0 : i32
      %cond3A_79 = arith.cmpi ne, %convert_element_type3A_77, %cond3A_78 : i32
      scf.if %cond3A_79 {
        %add3A_625 = arith.constant 1 : i32
        %add3A_626 = arith.addi %add3A_75, %add3A_625 : i32
        %dma_start3A_627 = arith.constant 1 : i32
        %dma_start3A_628 = arith.constant 0 : i32
        %dma_start3A_629 = arith.constant 0 : i32
        %dma_start3A_630 = tpu.memref_slice %arg8[%dma_start3A_627, %dma_start3A_628, %dma_start3A_629] : memref<2x8x125xi32, #tpu.memory_space<vmem>> -> memref<1x8x125xi32, #tpu.memory_space<vmem>>
        %dma_start3A_631 = tpu.memref_squeeze %dma_start3A_630 : memref<1x8x125xi32, #tpu.memory_space<vmem>> -> memref<8x125xi32, #tpu.memory_space<vmem>>
        %dma_start3A_632 = arith.constant 0 : i32
        %dma_start3A_633 = arith.constant 0 : i32
        %dma_start3A_634 = tpu.memref_slice %arg4[%add3A, %add3A_626, %dma_start3A_632, %dma_start3A_633] : memref<32x10x8x125xi32, #tpu.memory_space<hbm>> -> memref<1x1x8x125xi32, #tpu.memory_space<hbm>>
        %dma_start3A_635 = tpu.memref_squeeze %dma_start3A_634 : memref<1x1x8x125xi32, #tpu.memory_space<hbm>> -> memref<8x125xi32, #tpu.memory_space<hbm>>
        %dma_start3A_636 = arith.constant 0 : i32
        %dma_start3A_637 = arith.constant 0 : i32
        %dma_start3A_638 = tpu.memref_slice %arg8[%dma_start3A_627, %dma_start3A_636, %dma_start3A_637] : memref<2x8x125xi32, #tpu.memory_space<vmem>> -> memref<1x8x125xi32, #tpu.memory_space<vmem>>
        %dma_start3A_639 = tpu.memref_squeeze %dma_start3A_638 : memref<1x8x125xi32, #tpu.memory_space<vmem>> -> memref<8x125xi32, #tpu.memory_space<vmem>>
        %dma_start3A_640 = arith.constant 0 : i32
        %dma_start3A_641 = arith.constant 0 : i32
        %dma_start3A_642 = tpu.memref_slice %arg4[%add3A, %add3A_626, %dma_start3A_640, %dma_start3A_641] : memref<32x10x8x125xi32, #tpu.memory_space<hbm>> -> memref<1x1x8x125xi32, #tpu.memory_space<hbm>>
        %dma_start3A_643 = tpu.memref_squeeze %dma_start3A_642 : memref<1x1x8x125xi32, #tpu.memory_space<hbm>> -> memref<8x125xi32, #tpu.memory_space<hbm>>
        tpu.enqueue_dma source(%dma_start3A_643 : memref<8x125xi32, #tpu.memory_space<hbm>>) target(%dma_start3A_639 : memref<8x125xi32, #tpu.memory_space<vmem>>) target_semaphore(%arg19 : memref<!tpu.dma_semaphore, #tpu.memory_space<semaphore_mem>>)
      } else {
      }
      %mul3A_80 = arith.constant 8 : i32
      %mul3A_81 = arith.muli %add3A_75, %mul3A_80 : i32
      %add3A_82 = arith.constant 0 : i32
      %add3A_83 = arith.addi %mul3A_81, %add3A_82 : i32
      %dma_wait3A_84 = arith.constant 0 : i32
      %dma_wait3A_85 = arith.constant 0 : i32
      %dma_wait3A_86 = arith.constant 0 : i32
      %dma_wait3A_87 = tpu.memref_slice %arg9[%dma_wait3A_84, %dma_wait3A_85, %dma_wait3A_86] : memref<2x125x128xf32, #tpu.memory_space<vmem>> -> memref<1x125x128xf32, #tpu.memory_space<vmem>>
      %dma_wait3A_88 = tpu.memref_squeeze %dma_wait3A_87 : memref<1x125x128xf32, #tpu.memory_space<vmem>> -> memref<125x128xf32, #tpu.memory_space<vmem>>
      %dma_wait3A_89 = arith.constant 0 : i32
      %dma_wait3A_90 = tpu.memref_slice %arg7[%add3A_83, %dma_wait3A_89] : memref<80x125xi32, #tpu.memory_space<vmem>> -> memref<1x125xi32, #tpu.memory_space<vmem>>
      %dma_wait3A_91 = tpu.memref_squeeze %dma_wait3A_90 : memref<1x125xi32, #tpu.memory_space<vmem>> -> memref<125xi32, #tpu.memory_space<vmem>>
      %dma_wait3A_92 = arith.constant 0 : i32
      %dma_wait3A_93 = arith.constant 0 : i32
      %dma_wait3A_94 = tpu.memref_slice %arg2[%dma_wait3A_92, %dma_wait3A_93] : memref<10240x128xf32, #tpu.memory_space<hbm>> -> memref<10240x128xf32, #tpu.memory_space<hbm>>
      tpu.wait_indirect_dma semaphore(%arg11 : memref<!tpu.dma_semaphore, #tpu.memory_space<semaphore_mem>>) src(%dma_wait3A_94 : memref<10240x128xf32, #tpu.memory_space<hbm>>) dst(%dma_wait3A_88 : memref<125x128xf32, #tpu.memory_space<vmem>>)
      %dma_start3A_95 = arith.constant 0 : i32
      %dma_start3A_96 = arith.constant 0 : i32
      %dma_start3A_97 = arith.constant 0 : i32
      %dma_start3A_98 = arith.constant 0 : i32
      %dma_start3A_99 = arith.constant 0 : i32
      %dma_start3A_100 = tpu.memref_slice %arg9[%dma_start3A_95, %dma_start3A_98, %dma_start3A_99] : memref<2x125x128xf32, #tpu.memory_space<vmem>> -> memref<1x125x128xf32, #tpu.memory_space<vmem>>
      %dma_start3A_101 = tpu.memref_squeeze %dma_start3A_100 : memref<1x125x128xf32, #tpu.memory_space<vmem>> -> memref<125x128xf32, #tpu.memory_space<vmem>>
      %dma_start3A_102 = arith.constant 0 : i32
      %dma_start3A_103 = tpu.memref_slice %arg8[%dma_start3A_96, %dma_start3A_97, %dma_start3A_102] : memref<2x8x125xi32, #tpu.memory_space<vmem>> -> memref<1x1x125xi32, #tpu.memory_space<vmem>>
      %dma_start3A_104 = tpu.memref_squeeze %dma_start3A_103 : memref<1x1x125xi32, #tpu.memory_space<vmem>> -> memref<125xi32, #tpu.memory_space<vmem>>
      %dma_start3A_105 = arith.constant 0 : i32
      %dma_start3A_106 = arith.constant 0 : i32
      %dma_start3A_107 = tpu.memref_slice %arg10[%dma_start3A_105, %dma_start3A_106] : memref<10240x128xf32, #tpu.memory_space<vmem_shared>> -> memref<10240x128xf32, #tpu.memory_space<vmem_shared>>
      tpu.enqueue_indirect_dma source(%dma_start3A_101 : memref<125x128xf32, #tpu.memory_space<vmem>>) target(%dma_start3A_107 : memref<10240x128xf32, #tpu.memory_space<vmem_shared>>) offsets(%dma_start3A_104 : memref<125xi32, #tpu.memory_space<vmem>>) semaphore(%arg15 : memref<!tpu.dma_semaphore, #tpu.memory_space<semaphore_mem>>) {add = true}
      %lt3A_108 = arith.constant 78 : i32
      %lt3A_109 = arith.cmpi slt, %add3A_83, %lt3A_108 : i32
      %convert_element_type3A_110 = arith.extui %lt3A_109 : i1 to i32
      %cond3A_111 = arith.constant 0 : i32
      %cond3A_112 = arith.cmpi ne, %convert_element_type3A_110, %cond3A_111 : i32
      scf.if %cond3A_112 {
        %dma_wait3A_625 = arith.constant 0 : i32
        %dma_wait3A_626 = arith.constant 0 : i32
        %dma_wait3A_627 = arith.constant 0 : i32
        %dma_wait3A_628 = tpu.memref_slice %arg9[%dma_wait3A_625, %dma_wait3A_626, %dma_wait3A_627] : memref<2x125x128xf32, #tpu.memory_space<vmem>> -> memref<1x125x128xf32, #tpu.memory_space<vmem>>
        %dma_wait3A_629 = tpu.memref_squeeze %dma_wait3A_628 : memref<1x125x128xf32, #tpu.memory_space<vmem>> -> memref<125x128xf32, #tpu.memory_space<vmem>>
        %dma_wait3A_630 = arith.constant 0 : i32
        %dma_wait3A_631 = arith.constant 0 : i32
        %dma_wait3A_632 = tpu.memref_slice %arg10[%dma_wait3A_630, %dma_wait3A_631] : memref<10240x128xf32, #tpu.memory_space<vmem_shared>> -> memref<125x128xf32, #tpu.memory_space<vmem_shared>>
        %dma_wait3A_633 = arith.constant 0 : i32
        %dma_wait3A_634 = arith.constant 0 : i32
        %dma_wait3A_635 = tpu.memref_slice %arg10[%dma_wait3A_633, %dma_wait3A_634] : memref<10240x128xf32, #tpu.memory_space<vmem_shared>> -> memref<125x128xf32, #tpu.memory_space<vmem_shared>>
        %dma_wait3A_636 = arith.constant 0 : i32
        %dma_wait3A_637 = arith.constant 0 : i32
        %dma_wait3A_638 = tpu.memref_slice %arg9[%dma_wait3A_625, %dma_wait3A_636, %dma_wait3A_637] : memref<2x125x128xf32, #tpu.memory_space<vmem>> -> memref<1x125x128xf32, #tpu.memory_space<vmem>>
        %dma_wait3A_639 = tpu.memref_squeeze %dma_wait3A_638 : memref<1x125x128xf32, #tpu.memory_space<vmem>> -> memref<125x128xf32, #tpu.memory_space<vmem>>
        tpu.wait_dma2 semaphore(%arg15 : memref<!tpu.dma_semaphore, #tpu.memory_space<semaphore_mem>>) src(%dma_wait3A_639 : memref<125x128xf32, #tpu.memory_space<vmem>>) dst(%dma_wait3A_635 : memref<125x128xf32, #tpu.memory_space<vmem_shared>>)
        %add3A_640 = arith.constant 2 : i32
        %add3A_641 = arith.addi %add3A_83, %add3A_640 : i32
        %dma_start3A_642 = arith.constant 0 : i32
        %dma_start3A_643 = arith.constant 0 : i32
        %dma_start3A_644 = arith.constant 0 : i32
        %dma_start3A_645 = tpu.memref_slice %arg9[%dma_start3A_642, %dma_start3A_643, %dma_start3A_644] : memref<2x125x128xf32, #tpu.memory_space<vmem>> -> memref<1x125x128xf32, #tpu.memory_space<vmem>>
        %dma_start3A_646 = tpu.memref_squeeze %dma_start3A_645 : memref<1x125x128xf32, #tpu.memory_space<vmem>> -> memref<125x128xf32, #tpu.memory_space<vmem>>
        %dma_start3A_647 = arith.constant 0 : i32
        %dma_start3A_648 = tpu.memref_slice %arg7[%add3A_641, %dma_start3A_647] : memref<80x125xi32, #tpu.memory_space<vmem>> -> memref<1x125xi32, #tpu.memory_space<vmem>>
        %dma_start3A_649 = tpu.memref_squeeze %dma_start3A_648 : memref<1x125xi32, #tpu.memory_space<vmem>> -> memref<125xi32, #tpu.memory_space<vmem>>
        %dma_start3A_650 = arith.constant 0 : i32
        %dma_start3A_651 = arith.constant 0 : i32
        %dma_start3A_652 = tpu.memref_slice %arg2[%dma_start3A_650, %dma_start3A_651] : memref<10240x128xf32, #tpu.memory_space<hbm>> -> memref<10240x128xf32, #tpu.memory_space<hbm>>
        tpu.enqueue_indirect_dma source(%dma_start3A_652 : memref<10240x128xf32, #tpu.memory_space<hbm>>) target(%dma_start3A_646 : memref<125x128xf32, #tpu.memory_space<vmem>>) offsets(%dma_start3A_649 : memref<125xi32, #tpu.memory_space<vmem>>) semaphore(%arg11 : memref<!tpu.dma_semaphore, #tpu.memory_space<semaphore_mem>>)
      } else {
      }
      %mul3A_113 = arith.constant 8 : i32
      %mul3A_114 = arith.muli %add3A_75, %mul3A_113 : i32
      %add3A_115 = arith.constant 1 : i32
      %add3A_116 = arith.addi %mul3A_114, %add3A_115 : i32
      %dma_wait3A_117 = arith.constant 1 : i32
      %dma_wait3A_118 = arith.constant 0 : i32
      %dma_wait3A_119 = arith.constant 0 : i32
      %dma_wait3A_120 = tpu.memref_slice %arg9[%dma_wait3A_117, %dma_wait3A_118, %dma_wait3A_119] : memref<2x125x128xf32, #tpu.memory_space<vmem>> -> memref<1x125x128xf32, #tpu.memory_space<vmem>>
      %dma_wait3A_121 = tpu.memref_squeeze %dma_wait3A_120 : memref<1x125x128xf32, #tpu.memory_space<vmem>> -> memref<125x128xf32, #tpu.memory_space<vmem>>
      %dma_wait3A_122 = arith.constant 0 : i32
      %dma_wait3A_123 = tpu.memref_slice %arg7[%add3A_116, %dma_wait3A_122] : memref<80x125xi32, #tpu.memory_space<vmem>> -> memref<1x125xi32, #tpu.memory_space<vmem>>
      %dma_wait3A_124 = tpu.memref_squeeze %dma_wait3A_123 : memref<1x125xi32, #tpu.memory_space<vmem>> -> memref<125xi32, #tpu.memory_space<vmem>>
      %dma_wait3A_125 = arith.constant 0 : i32
      %dma_wait3A_126 = arith.constant 0 : i32
      %dma_wait3A_127 = tpu.memref_slice %arg2[%dma_wait3A_125, %dma_wait3A_126] : memref<10240x128xf32, #tpu.memory_space<hbm>> -> memref<10240x128xf32, #tpu.memory_space<hbm>>
      tpu.wait_indirect_dma semaphore(%arg12 : memref<!tpu.dma_semaphore, #tpu.memory_space<semaphore_mem>>) src(%dma_wait3A_127 : memref<10240x128xf32, #tpu.memory_space<hbm>>) dst(%dma_wait3A_121 : memref<125x128xf32, #tpu.memory_space<vmem>>)
      %dma_start3A_128 = arith.constant 1 : i32
      %dma_start3A_129 = arith.constant 0 : i32
      %dma_start3A_130 = arith.constant 1 : i32
      %dma_start3A_131 = arith.constant 0 : i32
      %dma_start3A_132 = arith.constant 0 : i32
      %dma_start3A_133 = tpu.memref_slice %arg9[%dma_start3A_128, %dma_start3A_131, %dma_start3A_132] : memref<2x125x128xf32, #tpu.memory_space<vmem>> -> memref<1x125x128xf32, #tpu.memory_space<vmem>>
      %dma_start3A_134 = tpu.memref_squeeze %dma_start3A_133 : memref<1x125x128xf32, #tpu.memory_space<vmem>> -> memref<125x128xf32, #tpu.memory_space<vmem>>
      %dma_start3A_135 = arith.constant 0 : i32
      %dma_start3A_136 = tpu.memref_slice %arg8[%dma_start3A_129, %dma_start3A_130, %dma_start3A_135] : memref<2x8x125xi32, #tpu.memory_space<vmem>> -> memref<1x1x125xi32, #tpu.memory_space<vmem>>
      %dma_start3A_137 = tpu.memref_squeeze %dma_start3A_136 : memref<1x1x125xi32, #tpu.memory_space<vmem>> -> memref<125xi32, #tpu.memory_space<vmem>>
      %dma_start3A_138 = arith.constant 0 : i32
      %dma_start3A_139 = arith.constant 0 : i32
      %dma_start3A_140 = tpu.memref_slice %arg10[%dma_start3A_138, %dma_start3A_139] : memref<10240x128xf32, #tpu.memory_space<vmem_shared>> -> memref<10240x128xf32, #tpu.memory_space<vmem_shared>>
      tpu.enqueue_indirect_dma source(%dma_start3A_134 : memref<125x128xf32, #tpu.memory_space<vmem>>) target(%dma_start3A_140 : memref<10240x128xf32, #tpu.memory_space<vmem_shared>>) offsets(%dma_start3A_137 : memref<125xi32, #tpu.memory_space<vmem>>) semaphore(%arg16 : memref<!tpu.dma_semaphore, #tpu.memory_space<semaphore_mem>>) {add = true}
      %lt3A_141 = arith.constant 78 : i32
      %lt3A_142 = arith.cmpi slt, %add3A_116, %lt3A_141 : i32
      %convert_element_type3A_143 = arith.extui %lt3A_142 : i1 to i32
      %cond3A_144 = arith.constant 0 : i32
      %cond3A_145 = arith.cmpi ne, %convert_element_type3A_143, %cond3A_144 : i32
      scf.if %cond3A_145 {
        %dma_wait3A_625 = arith.constant 1 : i32
        %dma_wait3A_626 = arith.constant 0 : i32
        %dma_wait3A_627 = arith.constant 0 : i32
        %dma_wait3A_628 = tpu.memref_slice %arg9[%dma_wait3A_625, %dma_wait3A_626, %dma_wait3A_627] : memref<2x125x128xf32, #tpu.memory_space<vmem>> -> memref<1x125x128xf32, #tpu.memory_space<vmem>>
        %dma_wait3A_629 = tpu.memref_squeeze %dma_wait3A_628 : memref<1x125x128xf32, #tpu.memory_space<vmem>> -> memref<125x128xf32, #tpu.memory_space<vmem>>
        %dma_wait3A_630 = arith.constant 0 : i32
        %dma_wait3A_631 = arith.constant 0 : i32
        %dma_wait3A_632 = tpu.memref_slice %arg10[%dma_wait3A_630, %dma_wait3A_631] : memref<10240x128xf32, #tpu.memory_space<vmem_shared>> -> memref<125x128xf32, #tpu.memory_space<vmem_shared>>
        %dma_wait3A_633 = arith.constant 0 : i32
        %dma_wait3A_634 = arith.constant 0 : i32
        %dma_wait3A_635 = tpu.memref_slice %arg10[%dma_wait3A_633, %dma_wait3A_634] : memref<10240x128xf32, #tpu.memory_space<vmem_shared>> -> memref<125x128xf32, #tpu.memory_space<vmem_shared>>
        %dma_wait3A_636 = arith.constant 0 : i32
        %dma_wait3A_637 = arith.constant 0 : i32
        %dma_wait3A_638 = tpu.memref_slice %arg9[%dma_wait3A_625, %dma_wait3A_636, %dma_wait3A_637] : memref<2x125x128xf32, #tpu.memory_space<vmem>> -> memref<1x125x128xf32, #tpu.memory_space<vmem>>
        %dma_wait3A_639 = tpu.memref_squeeze %dma_wait3A_638 : memref<1x125x128xf32, #tpu.memory_space<vmem>> -> memref<125x128xf32, #tpu.memory_space<vmem>>
        tpu.wait_dma2 semaphore(%arg16 : memref<!tpu.dma_semaphore, #tpu.memory_space<semaphore_mem>>) src(%dma_wait3A_639 : memref<125x128xf32, #tpu.memory_space<vmem>>) dst(%dma_wait3A_635 : memref<125x128xf32, #tpu.memory_space<vmem_shared>>)
        %add3A_640 = arith.constant 2 : i32
        %add3A_641 = arith.addi %add3A_116, %add3A_640 : i32
        %dma_start3A_642 = arith.constant 1 : i32
        %dma_start3A_643 = arith.constant 0 : i32
        %dma_start3A_644 = arith.constant 0 : i32
        %dma_start3A_645 = tpu.memref_slice %arg9[%dma_start3A_642, %dma_start3A_643, %dma_start3A_644] : memref<2x125x128xf32, #tpu.memory_space<vmem>> -> memref<1x125x128xf32, #tpu.memory_space<vmem>>
        %dma_start3A_646 = tpu.memref_squeeze %dma_start3A_645 : memref<1x125x128xf32, #tpu.memory_space<vmem>> -> memref<125x128xf32, #tpu.memory_space<vmem>>
        %dma_start3A_647 = arith.constant 0 : i32
        %dma_start3A_648 = tpu.memref_slice %arg7[%add3A_641, %dma_start3A_647] : memref<80x125xi32, #tpu.memory_space<vmem>> -> memref<1x125xi32, #tpu.memory_space<vmem>>
        %dma_start3A_649 = tpu.memref_squeeze %dma_start3A_648 : memref<1x125xi32, #tpu.memory_space<vmem>> -> memref<125xi32, #tpu.memory_space<vmem>>
        %dma_start3A_650 = arith.constant 0 : i32
        %dma_start3A_651 = arith.constant 0 : i32
        %dma_start3A_652 = tpu.memref_slice %arg2[%dma_start3A_650, %dma_start3A_651] : memref<10240x128xf32, #tpu.memory_space<hbm>> -> memref<10240x128xf32, #tpu.memory_space<hbm>>
        tpu.enqueue_indirect_dma source(%dma_start3A_652 : memref<10240x128xf32, #tpu.memory_space<hbm>>) target(%dma_start3A_646 : memref<125x128xf32, #tpu.memory_space<vmem>>) offsets(%dma_start3A_649 : memref<125xi32, #tpu.memory_space<vmem>>) semaphore(%arg12 : memref<!tpu.dma_semaphore, #tpu.memory_space<semaphore_mem>>)
      } else {
      }
      %mul3A_146 = arith.constant 8 : i32
      %mul3A_147 = arith.muli %add3A_75, %mul3A_146 : i32
      %add3A_148 = arith.constant 2 : i32
      %add3A_149 = arith.addi %mul3A_147, %add3A_148 : i32
      %dma_wait3A_150 = arith.constant 0 : i32
      %dma_wait3A_151 = arith.constant 0 : i32
      %dma_wait3A_152 = arith.constant 0 : i32
      %dma_wait3A_153 = tpu.memref_slice %arg9[%dma_wait3A_150, %dma_wait3A_151, %dma_wait3A_152] : memref<2x125x128xf32, #tpu.memory_space<vmem>> -> memref<1x125x128xf32, #tpu.memory_space<vmem>>
      %dma_wait3A_154 = tpu.memref_squeeze %dma_wait3A_153 : memref<1x125x128xf32, #tpu.memory_space<vmem>> -> memref<125x128xf32, #tpu.memory_space<vmem>>
      %dma_wait3A_155 = arith.constant 0 : i32
      %dma_wait3A_156 = tpu.memref_slice %arg7[%add3A_149, %dma_wait3A_155] : memref<80x125xi32, #tpu.memory_space<vmem>> -> memref<1x125xi32, #tpu.memory_space<vmem>>
      %dma_wait3A_157 = tpu.memref_squeeze %dma_wait3A_156 : memref<1x125xi32, #tpu.memory_space<vmem>> -> memref<125xi32, #tpu.memory_space<vmem>>
      %dma_wait3A_158 = arith.constant 0 : i32
      %dma_wait3A_159 = arith.constant 0 : i32
      %dma_wait3A_160 = tpu.memref_slice %arg2[%dma_wait3A_158, %dma_wait3A_159] : memref<10240x128xf32, #tpu.memory_space<hbm>> -> memref<10240x128xf32, #tpu.memory_space<hbm>>
      tpu.wait_indirect_dma semaphore(%arg11 : memref<!tpu.dma_semaphore, #tpu.memory_space<semaphore_mem>>) src(%dma_wait3A_160 : memref<10240x128xf32, #tpu.memory_space<hbm>>) dst(%dma_wait3A_154 : memref<125x128xf32, #tpu.memory_space<vmem>>)
      %dma_start3A_161 = arith.constant 0 : i32
      %dma_start3A_162 = arith.constant 0 : i32
      %dma_start3A_163 = arith.constant 2 : i32
      %dma_start3A_164 = arith.constant 0 : i32
      %dma_start3A_165 = arith.constant 0 : i32
      %dma_start3A_166 = tpu.memref_slice %arg9[%dma_start3A_161, %dma_start3A_164, %dma_start3A_165] : memref<2x125x128xf32, #tpu.memory_space<vmem>> -> memref<1x125x128xf32, #tpu.memory_space<vmem>>
      %dma_start3A_167 = tpu.memref_squeeze %dma_start3A_166 : memref<1x125x128xf32, #tpu.memory_space<vmem>> -> memref<125x128xf32, #tpu.memory_space<vmem>>
      %dma_start3A_168 = arith.constant 0 : i32
      %dma_start3A_169 = tpu.memref_slice %arg8[%dma_start3A_162, %dma_start3A_163, %dma_start3A_168] : memref<2x8x125xi32, #tpu.memory_space<vmem>> -> memref<1x1x125xi32, #tpu.memory_space<vmem>>
      %dma_start3A_170 = tpu.memref_squeeze %dma_start3A_169 : memref<1x1x125xi32, #tpu.memory_space<vmem>> -> memref<125xi32, #tpu.memory_space<vmem>>
      %dma_start3A_171 = arith.constant 0 : i32
      %dma_start3A_172 = arith.constant 0 : i32
      %dma_start3A_173 = tpu.memref_slice %arg10[%dma_start3A_171, %dma_start3A_172] : memref<10240x128xf32, #tpu.memory_space<vmem_shared>> -> memref<10240x128xf32, #tpu.memory_space<vmem_shared>>
      tpu.enqueue_indirect_dma source(%dma_start3A_167 : memref<125x128xf32, #tpu.memory_space<vmem>>) target(%dma_start3A_173 : memref<10240x128xf32, #tpu.memory_space<vmem_shared>>) offsets(%dma_start3A_170 : memref<125xi32, #tpu.memory_space<vmem>>) semaphore(%arg15 : memref<!tpu.dma_semaphore, #tpu.memory_space<semaphore_mem>>) {add = true}
      %lt3A_174 = arith.constant 78 : i32
      %lt3A_175 = arith.cmpi slt, %add3A_149, %lt3A_174 : i32
      %convert_element_type3A_176 = arith.extui %lt3A_175 : i1 to i32
      %cond3A_177 = arith.constant 0 : i32
      %cond3A_178 = arith.cmpi ne, %convert_element_type3A_176, %cond3A_177 : i32
      scf.if %cond3A_178 {
        %dma_wait3A_625 = arith.constant 0 : i32
        %dma_wait3A_626 = arith.constant 0 : i32
        %dma_wait3A_627 = arith.constant 0 : i32
        %dma_wait3A_628 = tpu.memref_slice %arg9[%dma_wait3A_625, %dma_wait3A_626, %dma_wait3A_627] : memref<2x125x128xf32, #tpu.memory_space<vmem>> -> memref<1x125x128xf32, #tpu.memory_space<vmem>>
        %dma_wait3A_629 = tpu.memref_squeeze %dma_wait3A_628 : memref<1x125x128xf32, #tpu.memory_space<vmem>> -> memref<125x128xf32, #tpu.memory_space<vmem>>
        %dma_wait3A_630 = arith.constant 0 : i32
        %dma_wait3A_631 = arith.constant 0 : i32
        %dma_wait3A_632 = tpu.memref_slice %arg10[%dma_wait3A_630, %dma_wait3A_631] : memref<10240x128xf32, #tpu.memory_space<vmem_shared>> -> memref<125x128xf32, #tpu.memory_space<vmem_shared>>
        %dma_wait3A_633 = arith.constant 0 : i32
        %dma_wait3A_634 = arith.constant 0 : i32
        %dma_wait3A_635 = tpu.memref_slice %arg10[%dma_wait3A_633, %dma_wait3A_634] : memref<10240x128xf32, #tpu.memory_space<vmem_shared>> -> memref<125x128xf32, #tpu.memory_space<vmem_shared>>
        %dma_wait3A_636 = arith.constant 0 : i32
        %dma_wait3A_637 = arith.constant 0 : i32
        %dma_wait3A_638 = tpu.memref_slice %arg9[%dma_wait3A_625, %dma_wait3A_636, %dma_wait3A_637] : memref<2x125x128xf32, #tpu.memory_space<vmem>> -> memref<1x125x128xf32, #tpu.memory_space<vmem>>
        %dma_wait3A_639 = tpu.memref_squeeze %dma_wait3A_638 : memref<1x125x128xf32, #tpu.memory_space<vmem>> -> memref<125x128xf32, #tpu.memory_space<vmem>>
        tpu.wait_dma2 semaphore(%arg15 : memref<!tpu.dma_semaphore, #tpu.memory_space<semaphore_mem>>) src(%dma_wait3A_639 : memref<125x128xf32, #tpu.memory_space<vmem>>) dst(%dma_wait3A_635 : memref<125x128xf32, #tpu.memory_space<vmem_shared>>)
        %add3A_640 = arith.constant 2 : i32
        %add3A_641 = arith.addi %add3A_149, %add3A_640 : i32
        %dma_start3A_642 = arith.constant 0 : i32
        %dma_start3A_643 = arith.constant 0 : i32
        %dma_start3A_644 = arith.constant 0 : i32
        %dma_start3A_645 = tpu.memref_slice %arg9[%dma_start3A_642, %dma_start3A_643, %dma_start3A_644] : memref<2x125x128xf32, #tpu.memory_space<vmem>> -> memref<1x125x128xf32, #tpu.memory_space<vmem>>
        %dma_start3A_646 = tpu.memref_squeeze %dma_start3A_645 : memref<1x125x128xf32, #tpu.memory_space<vmem>> -> memref<125x128xf32, #tpu.memory_space<vmem>>
        %dma_start3A_647 = arith.constant 0 : i32
        %dma_start3A_648 = tpu.memref_slice %arg7[%add3A_641, %dma_start3A_647] : memref<80x125xi32, #tpu.memory_space<vmem>> -> memref<1x125xi32, #tpu.memory_space<vmem>>
        %dma_start3A_649 = tpu.memref_squeeze %dma_start3A_648 : memref<1x125xi32, #tpu.memory_space<vmem>> -> memref<125xi32, #tpu.memory_space<vmem>>
        %dma_start3A_650 = arith.constant 0 : i32
        %dma_start3A_651 = arith.constant 0 : i32
        %dma_start3A_652 = tpu.memref_slice %arg2[%dma_start3A_650, %dma_start3A_651] : memref<10240x128xf32, #tpu.memory_space<hbm>> -> memref<10240x128xf32, #tpu.memory_space<hbm>>
        tpu.enqueue_indirect_dma source(%dma_start3A_652 : memref<10240x128xf32, #tpu.memory_space<hbm>>) target(%dma_start3A_646 : memref<125x128xf32, #tpu.memory_space<vmem>>) offsets(%dma_start3A_649 : memref<125xi32, #tpu.memory_space<vmem>>) semaphore(%arg11 : memref<!tpu.dma_semaphore, #tpu.memory_space<semaphore_mem>>)
      } else {
      }
      %mul3A_179 = arith.constant 8 : i32
      %mul3A_180 = arith.muli %add3A_75, %mul3A_179 : i32
      %add3A_181 = arith.constant 3 : i32
      %add3A_182 = arith.addi %mul3A_180, %add3A_181 : i32
      %dma_wait3A_183 = arith.constant 1 : i32
      %dma_wait3A_184 = arith.constant 0 : i32
      %dma_wait3A_185 = arith.constant 0 : i32
      %dma_wait3A_186 = tpu.memref_slice %arg9[%dma_wait3A_183, %dma_wait3A_184, %dma_wait3A_185] : memref<2x125x128xf32, #tpu.memory_space<vmem>> -> memref<1x125x128xf32, #tpu.memory_space<vmem>>
      %dma_wait3A_187 = tpu.memref_squeeze %dma_wait3A_186 : memref<1x125x128xf32, #tpu.memory_space<vmem>> -> memref<125x128xf32, #tpu.memory_space<vmem>>
      %dma_wait3A_188 = arith.constant 0 : i32
      %dma_wait3A_189 = tpu.memref_slice %arg7[%add3A_182, %dma_wait3A_188] : memref<80x125xi32, #tpu.memory_space<vmem>> -> memref<1x125xi32, #tpu.memory_space<vmem>>
      %dma_wait3A_190 = tpu.memref_squeeze %dma_wait3A_189 : memref<1x125xi32, #tpu.memory_space<vmem>> -> memref<125xi32, #tpu.memory_space<vmem>>
      %dma_wait3A_191 = arith.constant 0 : i32
      %dma_wait3A_192 = arith.constant 0 : i32
      %dma_wait3A_193 = tpu.memref_slice %arg2[%dma_wait3A_191, %dma_wait3A_192] : memref<10240x128xf32, #tpu.memory_space<hbm>> -> memref<10240x128xf32, #tpu.memory_space<hbm>>
      tpu.wait_indirect_dma semaphore(%arg12 : memref<!tpu.dma_semaphore, #tpu.memory_space<semaphore_mem>>) src(%dma_wait3A_193 : memref<10240x128xf32, #tpu.memory_space<hbm>>) dst(%dma_wait3A_187 : memref<125x128xf32, #tpu.memory_space<vmem>>)
      %dma_start3A_194 = arith.constant 1 : i32
      %dma_start3A_195 = arith.constant 0 : i32
      %dma_start3A_196 = arith.constant 3 : i32
      %dma_start3A_197 = arith.constant 0 : i32
      %dma_start3A_198 = arith.constant 0 : i32
      %dma_start3A_199 = tpu.memref_slice %arg9[%dma_start3A_194, %dma_start3A_197, %dma_start3A_198] : memref<2x125x128xf32, #tpu.memory_space<vmem>> -> memref<1x125x128xf32, #tpu.memory_space<vmem>>
      %dma_start3A_200 = tpu.memref_squeeze %dma_start3A_199 : memref<1x125x128xf32, #tpu.memory_space<vmem>> -> memref<125x128xf32, #tpu.memory_space<vmem>>
      %dma_start3A_201 = arith.constant 0 : i32
      %dma_start3A_202 = tpu.memref_slice %arg8[%dma_start3A_195, %dma_start3A_196, %dma_start3A_201] : memref<2x8x125xi32, #tpu.memory_space<vmem>> -> memref<1x1x125xi32, #tpu.memory_space<vmem>>
      %dma_start3A_203 = tpu.memref_squeeze %dma_start3A_202 : memref<1x1x125xi32, #tpu.memory_space<vmem>> -> memref<125xi32, #tpu.memory_space<vmem>>
      %dma_start3A_204 = arith.constant 0 : i32
      %dma_start3A_205 = arith.constant 0 : i32
      %dma_start3A_206 = tpu.memref_slice %arg10[%dma_start3A_204, %dma_start3A_205] : memref<10240x128xf32, #tpu.memory_space<vmem_shared>> -> memref<10240x128xf32, #tpu.memory_space<vmem_shared>>
      tpu.enqueue_indirect_dma source(%dma_start3A_200 : memref<125x128xf32, #tpu.memory_space<vmem>>) target(%dma_start3A_206 : memref<10240x128xf32, #tpu.memory_space<vmem_shared>>) offsets(%dma_start3A_203 : memref<125xi32, #tpu.memory_space<vmem>>) semaphore(%arg16 : memref<!tpu.dma_semaphore, #tpu.memory_space<semaphore_mem>>) {add = true}
      %lt3A_207 = arith.constant 78 : i32
      %lt3A_208 = arith.cmpi slt, %add3A_182, %lt3A_207 : i32
      %convert_element_type3A_209 = arith.extui %lt3A_208 : i1 to i32
      %cond3A_210 = arith.constant 0 : i32
      %cond3A_211 = arith.cmpi ne, %convert_element_type3A_209, %cond3A_210 : i32
      scf.if %cond3A_211 {
        %dma_wait3A_625 = arith.constant 1 : i32
        %dma_wait3A_626 = arith.constant 0 : i32
        %dma_wait3A_627 = arith.constant 0 : i32
        %dma_wait3A_628 = tpu.memref_slice %arg9[%dma_wait3A_625, %dma_wait3A_626, %dma_wait3A_627] : memref<2x125x128xf32, #tpu.memory_space<vmem>> -> memref<1x125x128xf32, #tpu.memory_space<vmem>>
        %dma_wait3A_629 = tpu.memref_squeeze %dma_wait3A_628 : memref<1x125x128xf32, #tpu.memory_space<vmem>> -> memref<125x128xf32, #tpu.memory_space<vmem>>
        %dma_wait3A_630 = arith.constant 0 : i32
        %dma_wait3A_631 = arith.constant 0 : i32
        %dma_wait3A_632 = tpu.memref_slice %arg10[%dma_wait3A_630, %dma_wait3A_631] : memref<10240x128xf32, #tpu.memory_space<vmem_shared>> -> memref<125x128xf32, #tpu.memory_space<vmem_shared>>
        %dma_wait3A_633 = arith.constant 0 : i32
        %dma_wait3A_634 = arith.constant 0 : i32
        %dma_wait3A_635 = tpu.memref_slice %arg10[%dma_wait3A_633, %dma_wait3A_634] : memref<10240x128xf32, #tpu.memory_space<vmem_shared>> -> memref<125x128xf32, #tpu.memory_space<vmem_shared>>
        %dma_wait3A_636 = arith.constant 0 : i32
        %dma_wait3A_637 = arith.constant 0 : i32
        %dma_wait3A_638 = tpu.memref_slice %arg9[%dma_wait3A_625, %dma_wait3A_636, %dma_wait3A_637] : memref<2x125x128xf32, #tpu.memory_space<vmem>> -> memref<1x125x128xf32, #tpu.memory_space<vmem>>
        %dma_wait3A_639 = tpu.memref_squeeze %dma_wait3A_638 : memref<1x125x128xf32, #tpu.memory_space<vmem>> -> memref<125x128xf32, #tpu.memory_space<vmem>>
        tpu.wait_dma2 semaphore(%arg16 : memref<!tpu.dma_semaphore, #tpu.memory_space<semaphore_mem>>) src(%dma_wait3A_639 : memref<125x128xf32, #tpu.memory_space<vmem>>) dst(%dma_wait3A_635 : memref<125x128xf32, #tpu.memory_space<vmem_shared>>)
        %add3A_640 = arith.constant 2 : i32
        %add3A_641 = arith.addi %add3A_182, %add3A_640 : i32
        %dma_start3A_642 = arith.constant 1 : i32
        %dma_start3A_643 = arith.constant 0 : i32
        %dma_start3A_644 = arith.constant 0 : i32
        %dma_start3A_645 = tpu.memref_slice %arg9[%dma_start3A_642, %dma_start3A_643, %dma_start3A_644] : memref<2x125x128xf32, #tpu.memory_space<vmem>> -> memref<1x125x128xf32, #tpu.memory_space<vmem>>
        %dma_start3A_646 = tpu.memref_squeeze %dma_start3A_645 : memref<1x125x128xf32, #tpu.memory_space<vmem>> -> memref<125x128xf32, #tpu.memory_space<vmem>>
        %dma_start3A_647 = arith.constant 0 : i32
        %dma_start3A_648 = tpu.memref_slice %arg7[%add3A_641, %dma_start3A_647] : memref<80x125xi32, #tpu.memory_space<vmem>> -> memref<1x125xi32, #tpu.memory_space<vmem>>
        %dma_start3A_649 = tpu.memref_squeeze %dma_start3A_648 : memref<1x125xi32, #tpu.memory_space<vmem>> -> memref<125xi32, #tpu.memory_space<vmem>>
        %dma_start3A_650 = arith.constant 0 : i32
        %dma_start3A_651 = arith.constant 0 : i32
        %dma_start3A_652 = tpu.memref_slice %arg2[%dma_start3A_650, %dma_start3A_651] : memref<10240x128xf32, #tpu.memory_space<hbm>> -> memref<10240x128xf32, #tpu.memory_space<hbm>>
        tpu.enqueue_indirect_dma source(%dma_start3A_652 : memref<10240x128xf32, #tpu.memory_space<hbm>>) target(%dma_start3A_646 : memref<125x128xf32, #tpu.memory_space<vmem>>) offsets(%dma_start3A_649 : memref<125xi32, #tpu.memory_space<vmem>>) semaphore(%arg12 : memref<!tpu.dma_semaphore, #tpu.memory_space<semaphore_mem>>)
      } else {
      }
      %mul3A_212 = arith.constant 8 : i32
      %mul3A_213 = arith.muli %add3A_75, %mul3A_212 : i32
      %add3A_214 = arith.constant 4 : i32
      %add3A_215 = arith.addi %mul3A_213, %add3A_214 : i32
      %dma_wait3A_216 = arith.constant 0 : i32
      %dma_wait3A_217 = arith.constant 0 : i32
      %dma_wait3A_218 = arith.constant 0 : i32
      %dma_wait3A_219 = tpu.memref_slice %arg9[%dma_wait3A_216, %dma_wait3A_217, %dma_wait3A_218] : memref<2x125x128xf32, #tpu.memory_space<vmem>> -> memref<1x125x128xf32, #tpu.memory_space<vmem>>
      %dma_wait3A_220 = tpu.memref_squeeze %dma_wait3A_219 : memref<1x125x128xf32, #tpu.memory_space<vmem>> -> memref<125x128xf32, #tpu.memory_space<vmem>>
      %dma_wait3A_221 = arith.constant 0 : i32
      %dma_wait3A_222 = tpu.memref_slice %arg7[%add3A_215, %dma_wait3A_221] : memref<80x125xi32, #tpu.memory_space<vmem>> -> memref<1x125xi32, #tpu.memory_space<vmem>>
      %dma_wait3A_223 = tpu.memref_squeeze %dma_wait3A_222 : memref<1x125xi32, #tpu.memory_space<vmem>> -> memref<125xi32, #tpu.memory_space<vmem>>
      %dma_wait3A_224 = arith.constant 0 : i32
      %dma_wait3A_225 = arith.constant 0 : i32
      %dma_wait3A_226 = tpu.memref_slice %arg2[%dma_wait3A_224, %dma_wait3A_225] : memref<10240x128xf32, #tpu.memory_space<hbm>> -> memref<10240x128xf32, #tpu.memory_space<hbm>>
      tpu.wait_indirect_dma semaphore(%arg11 : memref<!tpu.dma_semaphore, #tpu.memory_space<semaphore_mem>>) src(%dma_wait3A_226 : memref<10240x128xf32, #tpu.memory_space<hbm>>) dst(%dma_wait3A_220 : memref<125x128xf32, #tpu.memory_space<vmem>>)
      %dma_start3A_227 = arith.constant 0 : i32
      %dma_start3A_228 = arith.constant 0 : i32
      %dma_start3A_229 = arith.constant 4 : i32
      %dma_start3A_230 = arith.constant 0 : i32
      %dma_start3A_231 = arith.constant 0 : i32
      %dma_start3A_232 = tpu.memref_slice %arg9[%dma_start3A_227, %dma_start3A_230, %dma_start3A_231] : memref<2x125x128xf32, #tpu.memory_space<vmem>> -> memref<1x125x128xf32, #tpu.memory_space<vmem>>
      %dma_start3A_233 = tpu.memref_squeeze %dma_start3A_232 : memref<1x125x128xf32, #tpu.memory_space<vmem>> -> memref<125x128xf32, #tpu.memory_space<vmem>>
      %dma_start3A_234 = arith.constant 0 : i32
      %dma_start3A_235 = tpu.memref_slice %arg8[%dma_start3A_228, %dma_start3A_229, %dma_start3A_234] : memref<2x8x125xi32, #tpu.memory_space<vmem>> -> memref<1x1x125xi32, #tpu.memory_space<vmem>>
      %dma_start3A_236 = tpu.memref_squeeze %dma_start3A_235 : memref<1x1x125xi32, #tpu.memory_space<vmem>> -> memref<125xi32, #tpu.memory_space<vmem>>
      %dma_start3A_237 = arith.constant 0 : i32
      %dma_start3A_238 = arith.constant 0 : i32
      %dma_start3A_239 = tpu.memref_slice %arg10[%dma_start3A_237, %dma_start3A_238] : memref<10240x128xf32, #tpu.memory_space<vmem_shared>> -> memref<10240x128xf32, #tpu.memory_space<vmem_shared>>
      tpu.enqueue_indirect_dma source(%dma_start3A_233 : memref<125x128xf32, #tpu.memory_space<vmem>>) target(%dma_start3A_239 : memref<10240x128xf32, #tpu.memory_space<vmem_shared>>) offsets(%dma_start3A_236 : memref<125xi32, #tpu.memory_space<vmem>>) semaphore(%arg15 : memref<!tpu.dma_semaphore, #tpu.memory_space<semaphore_mem>>) {add = true}
      %lt3A_240 = arith.constant 78 : i32
      %lt3A_241 = arith.cmpi slt, %add3A_215, %lt3A_240 : i32
      %convert_element_type3A_242 = arith.extui %lt3A_241 : i1 to i32
      %cond3A_243 = arith.constant 0 : i32
      %cond3A_244 = arith.cmpi ne, %convert_element_type3A_242, %cond3A_243 : i32
      scf.if %cond3A_244 {
        %dma_wait3A_625 = arith.constant 0 : i32
        %dma_wait3A_626 = arith.constant 0 : i32
        %dma_wait3A_627 = arith.constant 0 : i32
        %dma_wait3A_628 = tpu.memref_slice %arg9[%dma_wait3A_625, %dma_wait3A_626, %dma_wait3A_627] : memref<2x125x128xf32, #tpu.memory_space<vmem>> -> memref<1x125x128xf32, #tpu.memory_space<vmem>>
        %dma_wait3A_629 = tpu.memref_squeeze %dma_wait3A_628 : memref<1x125x128xf32, #tpu.memory_space<vmem>> -> memref<125x128xf32, #tpu.memory_space<vmem>>
        %dma_wait3A_630 = arith.constant 0 : i32
        %dma_wait3A_631 = arith.constant 0 : i32
        %dma_wait3A_632 = tpu.memref_slice %arg10[%dma_wait3A_630, %dma_wait3A_631] : memref<10240x128xf32, #tpu.memory_space<vmem_shared>> -> memref<125x128xf32, #tpu.memory_space<vmem_shared>>
        %dma_wait3A_633 = arith.constant 0 : i32
        %dma_wait3A_634 = arith.constant 0 : i32
        %dma_wait3A_635 = tpu.memref_slice %arg10[%dma_wait3A_633, %dma_wait3A_634] : memref<10240x128xf32, #tpu.memory_space<vmem_shared>> -> memref<125x128xf32, #tpu.memory_space<vmem_shared>>
        %dma_wait3A_636 = arith.constant 0 : i32
        %dma_wait3A_637 = arith.constant 0 : i32
        %dma_wait3A_638 = tpu.memref_slice %arg9[%dma_wait3A_625, %dma_wait3A_636, %dma_wait3A_637] : memref<2x125x128xf32, #tpu.memory_space<vmem>> -> memref<1x125x128xf32, #tpu.memory_space<vmem>>
        %dma_wait3A_639 = tpu.memref_squeeze %dma_wait3A_638 : memref<1x125x128xf32, #tpu.memory_space<vmem>> -> memref<125x128xf32, #tpu.memory_space<vmem>>
        tpu.wait_dma2 semaphore(%arg15 : memref<!tpu.dma_semaphore, #tpu.memory_space<semaphore_mem>>) src(%dma_wait3A_639 : memref<125x128xf32, #tpu.memory_space<vmem>>) dst(%dma_wait3A_635 : memref<125x128xf32, #tpu.memory_space<vmem_shared>>)
        %add3A_640 = arith.constant 2 : i32
        %add3A_641 = arith.addi %add3A_215, %add3A_640 : i32
        %dma_start3A_642 = arith.constant 0 : i32
        %dma_start3A_643 = arith.constant 0 : i32
        %dma_start3A_644 = arith.constant 0 : i32
        %dma_start3A_645 = tpu.memref_slice %arg9[%dma_start3A_642, %dma_start3A_643, %dma_start3A_644] : memref<2x125x128xf32, #tpu.memory_space<vmem>> -> memref<1x125x128xf32, #tpu.memory_space<vmem>>
        %dma_start3A_646 = tpu.memref_squeeze %dma_start3A_645 : memref<1x125x128xf32, #tpu.memory_space<vmem>> -> memref<125x128xf32, #tpu.memory_space<vmem>>
        %dma_start3A_647 = arith.constant 0 : i32
        %dma_start3A_648 = tpu.memref_slice %arg7[%add3A_641, %dma_start3A_647] : memref<80x125xi32, #tpu.memory_space<vmem>> -> memref<1x125xi32, #tpu.memory_space<vmem>>
        %dma_start3A_649 = tpu.memref_squeeze %dma_start3A_648 : memref<1x125xi32, #tpu.memory_space<vmem>> -> memref<125xi32, #tpu.memory_space<vmem>>
        %dma_start3A_650 = arith.constant 0 : i32
        %dma_start3A_651 = arith.constant 0 : i32
        %dma_start3A_652 = tpu.memref_slice %arg2[%dma_start3A_650, %dma_start3A_651] : memref<10240x128xf32, #tpu.memory_space<hbm>> -> memref<10240x128xf32, #tpu.memory_space<hbm>>
        tpu.enqueue_indirect_dma source(%dma_start3A_652 : memref<10240x128xf32, #tpu.memory_space<hbm>>) target(%dma_start3A_646 : memref<125x128xf32, #tpu.memory_space<vmem>>) offsets(%dma_start3A_649 : memref<125xi32, #tpu.memory_space<vmem>>) semaphore(%arg11 : memref<!tpu.dma_semaphore, #tpu.memory_space<semaphore_mem>>)
      } else {
      }
      %mul3A_245 = arith.constant 8 : i32
      %mul3A_246 = arith.muli %add3A_75, %mul3A_245 : i32
      %add3A_247 = arith.constant 5 : i32
      %add3A_248 = arith.addi %mul3A_246, %add3A_247 : i32
      %dma_wait3A_249 = arith.constant 1 : i32
      %dma_wait3A_250 = arith.constant 0 : i32
      %dma_wait3A_251 = arith.constant 0 : i32
      %dma_wait3A_252 = tpu.memref_slice %arg9[%dma_wait3A_249, %dma_wait3A_250, %dma_wait3A_251] : memref<2x125x128xf32, #tpu.memory_space<vmem>> -> memref<1x125x128xf32, #tpu.memory_space<vmem>>
      %dma_wait3A_253 = tpu.memref_squeeze %dma_wait3A_252 : memref<1x125x128xf32, #tpu.memory_space<vmem>> -> memref<125x128xf32, #tpu.memory_space<vmem>>
      %dma_wait3A_254 = arith.constant 0 : i32
      %dma_wait3A_255 = tpu.memref_slice %arg7[%add3A_248, %dma_wait3A_254] : memref<80x125xi32, #tpu.memory_space<vmem>> -> memref<1x125xi32, #tpu.memory_space<vmem>>
      %dma_wait3A_256 = tpu.memref_squeeze %dma_wait3A_255 : memref<1x125xi32, #tpu.memory_space<vmem>> -> memref<125xi32, #tpu.memory_space<vmem>>
      %dma_wait3A_257 = arith.constant 0 : i32
      %dma_wait3A_258 = arith.constant 0 : i32
      %dma_wait3A_259 = tpu.memref_slice %arg2[%dma_wait3A_257, %dma_wait3A_258] : memref<10240x128xf32, #tpu.memory_space<hbm>> -> memref<10240x128xf32, #tpu.memory_space<hbm>>
      tpu.wait_indirect_dma semaphore(%arg12 : memref<!tpu.dma_semaphore, #tpu.memory_space<semaphore_mem>>) src(%dma_wait3A_259 : memref<10240x128xf32, #tpu.memory_space<hbm>>) dst(%dma_wait3A_253 : memref<125x128xf32, #tpu.memory_space<vmem>>)
      %dma_start3A_260 = arith.constant 1 : i32
      %dma_start3A_261 = arith.constant 0 : i32
      %dma_start3A_262 = arith.constant 5 : i32
      %dma_start3A_263 = arith.constant 0 : i32
      %dma_start3A_264 = arith.constant 0 : i32
      %dma_start3A_265 = tpu.memref_slice %arg9[%dma_start3A_260, %dma_start3A_263, %dma_start3A_264] : memref<2x125x128xf32, #tpu.memory_space<vmem>> -> memref<1x125x128xf32, #tpu.memory_space<vmem>>
      %dma_start3A_266 = tpu.memref_squeeze %dma_start3A_265 : memref<1x125x128xf32, #tpu.memory_space<vmem>> -> memref<125x128xf32, #tpu.memory_space<vmem>>
      %dma_start3A_267 = arith.constant 0 : i32
      %dma_start3A_268 = tpu.memref_slice %arg8[%dma_start3A_261, %dma_start3A_262, %dma_start3A_267] : memref<2x8x125xi32, #tpu.memory_space<vmem>> -> memref<1x1x125xi32, #tpu.memory_space<vmem>>
      %dma_start3A_269 = tpu.memref_squeeze %dma_start3A_268 : memref<1x1x125xi32, #tpu.memory_space<vmem>> -> memref<125xi32, #tpu.memory_space<vmem>>
      %dma_start3A_270 = arith.constant 0 : i32
      %dma_start3A_271 = arith.constant 0 : i32
      %dma_start3A_272 = tpu.memref_slice %arg10[%dma_start3A_270, %dma_start3A_271] : memref<10240x128xf32, #tpu.memory_space<vmem_shared>> -> memref<10240x128xf32, #tpu.memory_space<vmem_shared>>
      tpu.enqueue_indirect_dma source(%dma_start3A_266 : memref<125x128xf32, #tpu.memory_space<vmem>>) target(%dma_start3A_272 : memref<10240x128xf32, #tpu.memory_space<vmem_shared>>) offsets(%dma_start3A_269 : memref<125xi32, #tpu.memory_space<vmem>>) semaphore(%arg16 : memref<!tpu.dma_semaphore, #tpu.memory_space<semaphore_mem>>) {add = true}
      %lt3A_273 = arith.constant 78 : i32
      %lt3A_274 = arith.cmpi slt, %add3A_248, %lt3A_273 : i32
      %convert_element_type3A_275 = arith.extui %lt3A_274 : i1 to i32
      %cond3A_276 = arith.constant 0 : i32
      %cond3A_277 = arith.cmpi ne, %convert_element_type3A_275, %cond3A_276 : i32
      scf.if %cond3A_277 {
        %dma_wait3A_625 = arith.constant 1 : i32
        %dma_wait3A_626 = arith.constant 0 : i32
        %dma_wait3A_627 = arith.constant 0 : i32
        %dma_wait3A_628 = tpu.memref_slice %arg9[%dma_wait3A_625, %dma_wait3A_626, %dma_wait3A_627] : memref<2x125x128xf32, #tpu.memory_space<vmem>> -> memref<1x125x128xf32, #tpu.memory_space<vmem>>
        %dma_wait3A_629 = tpu.memref_squeeze %dma_wait3A_628 : memref<1x125x128xf32, #tpu.memory_space<vmem>> -> memref<125x128xf32, #tpu.memory_space<vmem>>
        %dma_wait3A_630 = arith.constant 0 : i32
        %dma_wait3A_631 = arith.constant 0 : i32
        %dma_wait3A_632 = tpu.memref_slice %arg10[%dma_wait3A_630, %dma_wait3A_631] : memref<10240x128xf32, #tpu.memory_space<vmem_shared>> -> memref<125x128xf32, #tpu.memory_space<vmem_shared>>
        %dma_wait3A_633 = arith.constant 0 : i32
        %dma_wait3A_634 = arith.constant 0 : i32
        %dma_wait3A_635 = tpu.memref_slice %arg10[%dma_wait3A_633, %dma_wait3A_634] : memref<10240x128xf32, #tpu.memory_space<vmem_shared>> -> memref<125x128xf32, #tpu.memory_space<vmem_shared>>
        %dma_wait3A_636 = arith.constant 0 : i32
        %dma_wait3A_637 = arith.constant 0 : i32
        %dma_wait3A_638 = tpu.memref_slice %arg9[%dma_wait3A_625, %dma_wait3A_636, %dma_wait3A_637] : memref<2x125x128xf32, #tpu.memory_space<vmem>> -> memref<1x125x128xf32, #tpu.memory_space<vmem>>
        %dma_wait3A_639 = tpu.memref_squeeze %dma_wait3A_638 : memref<1x125x128xf32, #tpu.memory_space<vmem>> -> memref<125x128xf32, #tpu.memory_space<vmem>>
        tpu.wait_dma2 semaphore(%arg16 : memref<!tpu.dma_semaphore, #tpu.memory_space<semaphore_mem>>) src(%dma_wait3A_639 : memref<125x128xf32, #tpu.memory_space<vmem>>) dst(%dma_wait3A_635 : memref<125x128xf32, #tpu.memory_space<vmem_shared>>)
        %add3A_640 = arith.constant 2 : i32
        %add3A_641 = arith.addi %add3A_248, %add3A_640 : i32
        %dma_start3A_642 = arith.constant 1 : i32
        %dma_start3A_643 = arith.constant 0 : i32
        %dma_start3A_644 = arith.constant 0 : i32
        %dma_start3A_645 = tpu.memref_slice %arg9[%dma_start3A_642, %dma_start3A_643, %dma_start3A_644] : memref<2x125x128xf32, #tpu.memory_space<vmem>> -> memref<1x125x128xf32, #tpu.memory_space<vmem>>
        %dma_start3A_646 = tpu.memref_squeeze %dma_start3A_645 : memref<1x125x128xf32, #tpu.memory_space<vmem>> -> memref<125x128xf32, #tpu.memory_space<vmem>>
        %dma_start3A_647 = arith.constant 0 : i32
        %dma_start3A_648 = tpu.memref_slice %arg7[%add3A_641, %dma_start3A_647] : memref<80x125xi32, #tpu.memory_space<vmem>> -> memref<1x125xi32, #tpu.memory_space<vmem>>
        %dma_start3A_649 = tpu.memref_squeeze %dma_start3A_648 : memref<1x125xi32, #tpu.memory_space<vmem>> -> memref<125xi32, #tpu.memory_space<vmem>>
        %dma_start3A_650 = arith.constant 0 : i32
        %dma_start3A_651 = arith.constant 0 : i32
        %dma_start3A_652 = tpu.memref_slice %arg2[%dma_start3A_650, %dma_start3A_651] : memref<10240x128xf32, #tpu.memory_space<hbm>> -> memref<10240x128xf32, #tpu.memory_space<hbm>>
        tpu.enqueue_indirect_dma source(%dma_start3A_652 : memref<10240x128xf32, #tpu.memory_space<hbm>>) target(%dma_start3A_646 : memref<125x128xf32, #tpu.memory_space<vmem>>) offsets(%dma_start3A_649 : memref<125xi32, #tpu.memory_space<vmem>>) semaphore(%arg12 : memref<!tpu.dma_semaphore, #tpu.memory_space<semaphore_mem>>)
      } else {
      }
      %mul3A_278 = arith.constant 8 : i32
      %mul3A_279 = arith.muli %add3A_75, %mul3A_278 : i32
      %add3A_280 = arith.constant 6 : i32
      %add3A_281 = arith.addi %mul3A_279, %add3A_280 : i32
      %dma_wait3A_282 = arith.constant 0 : i32
      %dma_wait3A_283 = arith.constant 0 : i32
      %dma_wait3A_284 = arith.constant 0 : i32
      %dma_wait3A_285 = tpu.memref_slice %arg9[%dma_wait3A_282, %dma_wait3A_283, %dma_wait3A_284] : memref<2x125x128xf32, #tpu.memory_space<vmem>> -> memref<1x125x128xf32, #tpu.memory_space<vmem>>
      %dma_wait3A_286 = tpu.memref_squeeze %dma_wait3A_285 : memref<1x125x128xf32, #tpu.memory_space<vmem>> -> memref<125x128xf32, #tpu.memory_space<vmem>>
      %dma_wait3A_287 = arith.constant 0 : i32
      %dma_wait3A_288 = tpu.memref_slice %arg7[%add3A_281, %dma_wait3A_287] : memref<80x125xi32, #tpu.memory_space<vmem>> -> memref<1x125xi32, #tpu.memory_space<vmem>>
      %dma_wait3A_289 = tpu.memref_squeeze %dma_wait3A_288 : memref<1x125xi32, #tpu.memory_space<vmem>> -> memref<125xi32, #tpu.memory_space<vmem>>
      %dma_wait3A_290 = arith.constant 0 : i32
      %dma_wait3A_291 = arith.constant 0 : i32
      %dma_wait3A_292 = tpu.memref_slice %arg2[%dma_wait3A_290, %dma_wait3A_291] : memref<10240x128xf32, #tpu.memory_space<hbm>> -> memref<10240x128xf32, #tpu.memory_space<hbm>>
      tpu.wait_indirect_dma semaphore(%arg11 : memref<!tpu.dma_semaphore, #tpu.memory_space<semaphore_mem>>) src(%dma_wait3A_292 : memref<10240x128xf32, #tpu.memory_space<hbm>>) dst(%dma_wait3A_286 : memref<125x128xf32, #tpu.memory_space<vmem>>)
      %dma_start3A_293 = arith.constant 0 : i32
      %dma_start3A_294 = arith.constant 0 : i32
      %dma_start3A_295 = arith.constant 6 : i32
      %dma_start3A_296 = arith.constant 0 : i32
      %dma_start3A_297 = arith.constant 0 : i32
      %dma_start3A_298 = tpu.memref_slice %arg9[%dma_start3A_293, %dma_start3A_296, %dma_start3A_297] : memref<2x125x128xf32, #tpu.memory_space<vmem>> -> memref<1x125x128xf32, #tpu.memory_space<vmem>>
      %dma_start3A_299 = tpu.memref_squeeze %dma_start3A_298 : memref<1x125x128xf32, #tpu.memory_space<vmem>> -> memref<125x128xf32, #tpu.memory_space<vmem>>
      %dma_start3A_300 = arith.constant 0 : i32
      %dma_start3A_301 = tpu.memref_slice %arg8[%dma_start3A_294, %dma_start3A_295, %dma_start3A_300] : memref<2x8x125xi32, #tpu.memory_space<vmem>> -> memref<1x1x125xi32, #tpu.memory_space<vmem>>
      %dma_start3A_302 = tpu.memref_squeeze %dma_start3A_301 : memref<1x1x125xi32, #tpu.memory_space<vmem>> -> memref<125xi32, #tpu.memory_space<vmem>>
      %dma_start3A_303 = arith.constant 0 : i32
      %dma_start3A_304 = arith.constant 0 : i32
      %dma_start3A_305 = tpu.memref_slice %arg10[%dma_start3A_303, %dma_start3A_304] : memref<10240x128xf32, #tpu.memory_space<vmem_shared>> -> memref<10240x128xf32, #tpu.memory_space<vmem_shared>>
      tpu.enqueue_indirect_dma source(%dma_start3A_299 : memref<125x128xf32, #tpu.memory_space<vmem>>) target(%dma_start3A_305 : memref<10240x128xf32, #tpu.memory_space<vmem_shared>>) offsets(%dma_start3A_302 : memref<125xi32, #tpu.memory_space<vmem>>) semaphore(%arg15 : memref<!tpu.dma_semaphore, #tpu.memory_space<semaphore_mem>>) {add = true}
      %lt3A_306 = arith.constant 78 : i32
      %lt3A_307 = arith.cmpi slt, %add3A_281, %lt3A_306 : i32
      %convert_element_type3A_308 = arith.extui %lt3A_307 : i1 to i32
      %cond3A_309 = arith.constant 0 : i32
      %cond3A_310 = arith.cmpi ne, %convert_element_type3A_308, %cond3A_309 : i32
      scf.if %cond3A_310 {
        %dma_wait3A_625 = arith.constant 0 : i32
        %dma_wait3A_626 = arith.constant 0 : i32
        %dma_wait3A_627 = arith.constant 0 : i32
        %dma_wait3A_628 = tpu.memref_slice %arg9[%dma_wait3A_625, %dma_wait3A_626, %dma_wait3A_627] : memref<2x125x128xf32, #tpu.memory_space<vmem>> -> memref<1x125x128xf32, #tpu.memory_space<vmem>>
        %dma_wait3A_629 = tpu.memref_squeeze %dma_wait3A_628 : memref<1x125x128xf32, #tpu.memory_space<vmem>> -> memref<125x128xf32, #tpu.memory_space<vmem>>
        %dma_wait3A_630 = arith.constant 0 : i32
        %dma_wait3A_631 = arith.constant 0 : i32
        %dma_wait3A_632 = tpu.memref_slice %arg10[%dma_wait3A_630, %dma_wait3A_631] : memref<10240x128xf32, #tpu.memory_space<vmem_shared>> -> memref<125x128xf32, #tpu.memory_space<vmem_shared>>
        %dma_wait3A_633 = arith.constant 0 : i32
        %dma_wait3A_634 = arith.constant 0 : i32
        %dma_wait3A_635 = tpu.memref_slice %arg10[%dma_wait3A_633, %dma_wait3A_634] : memref<10240x128xf32, #tpu.memory_space<vmem_shared>> -> memref<125x128xf32, #tpu.memory_space<vmem_shared>>
        %dma_wait3A_636 = arith.constant 0 : i32
        %dma_wait3A_637 = arith.constant 0 : i32
        %dma_wait3A_638 = tpu.memref_slice %arg9[%dma_wait3A_625, %dma_wait3A_636, %dma_wait3A_637] : memref<2x125x128xf32, #tpu.memory_space<vmem>> -> memref<1x125x128xf32, #tpu.memory_space<vmem>>
        %dma_wait3A_639 = tpu.memref_squeeze %dma_wait3A_638 : memref<1x125x128xf32, #tpu.memory_space<vmem>> -> memref<125x128xf32, #tpu.memory_space<vmem>>
        tpu.wait_dma2 semaphore(%arg15 : memref<!tpu.dma_semaphore, #tpu.memory_space<semaphore_mem>>) src(%dma_wait3A_639 : memref<125x128xf32, #tpu.memory_space<vmem>>) dst(%dma_wait3A_635 : memref<125x128xf32, #tpu.memory_space<vmem_shared>>)
        %add3A_640 = arith.constant 2 : i32
        %add3A_641 = arith.addi %add3A_281, %add3A_640 : i32
        %dma_start3A_642 = arith.constant 0 : i32
        %dma_start3A_643 = arith.constant 0 : i32
        %dma_start3A_644 = arith.constant 0 : i32
        %dma_start3A_645 = tpu.memref_slice %arg9[%dma_start3A_642, %dma_start3A_643, %dma_start3A_644] : memref<2x125x128xf32, #tpu.memory_space<vmem>> -> memref<1x125x128xf32, #tpu.memory_space<vmem>>
        %dma_start3A_646 = tpu.memref_squeeze %dma_start3A_645 : memref<1x125x128xf32, #tpu.memory_space<vmem>> -> memref<125x128xf32, #tpu.memory_space<vmem>>
        %dma_start3A_647 = arith.constant 0 : i32
        %dma_start3A_648 = tpu.memref_slice %arg7[%add3A_641, %dma_start3A_647] : memref<80x125xi32, #tpu.memory_space<vmem>> -> memref<1x125xi32, #tpu.memory_space<vmem>>
        %dma_start3A_649 = tpu.memref_squeeze %dma_start3A_648 : memref<1x125xi32, #tpu.memory_space<vmem>> -> memref<125xi32, #tpu.memory_space<vmem>>
        %dma_start3A_650 = arith.constant 0 : i32
        %dma_start3A_651 = arith.constant 0 : i32
        %dma_start3A_652 = tpu.memref_slice %arg2[%dma_start3A_650, %dma_start3A_651] : memref<10240x128xf32, #tpu.memory_space<hbm>> -> memref<10240x128xf32, #tpu.memory_space<hbm>>
        tpu.enqueue_indirect_dma source(%dma_start3A_652 : memref<10240x128xf32, #tpu.memory_space<hbm>>) target(%dma_start3A_646 : memref<125x128xf32, #tpu.memory_space<vmem>>) offsets(%dma_start3A_649 : memref<125xi32, #tpu.memory_space<vmem>>) semaphore(%arg11 : memref<!tpu.dma_semaphore, #tpu.memory_space<semaphore_mem>>)
      } else {
      }
      %mul3A_311 = arith.constant 8 : i32
      %mul3A_312 = arith.muli %add3A_75, %mul3A_311 : i32
      %add3A_313 = arith.constant 7 : i32
      %add3A_314 = arith.addi %mul3A_312, %add3A_313 : i32
      %dma_wait3A_315 = arith.constant 1 : i32
      %dma_wait3A_316 = arith.constant 0 : i32
      %dma_wait3A_317 = arith.constant 0 : i32
      %dma_wait3A_318 = tpu.memref_slice %arg9[%dma_wait3A_315, %dma_wait3A_316, %dma_wait3A_317] : memref<2x125x128xf32, #tpu.memory_space<vmem>> -> memref<1x125x128xf32, #tpu.memory_space<vmem>>
      %dma_wait3A_319 = tpu.memref_squeeze %dma_wait3A_318 : memref<1x125x128xf32, #tpu.memory_space<vmem>> -> memref<125x128xf32, #tpu.memory_space<vmem>>
      %dma_wait3A_320 = arith.constant 0 : i32
      %dma_wait3A_321 = tpu.memref_slice %arg7[%add3A_314, %dma_wait3A_320] : memref<80x125xi32, #tpu.memory_space<vmem>> -> memref<1x125xi32, #tpu.memory_space<vmem>>
      %dma_wait3A_322 = tpu.memref_squeeze %dma_wait3A_321 : memref<1x125xi32, #tpu.memory_space<vmem>> -> memref<125xi32, #tpu.memory_space<vmem>>
      %dma_wait3A_323 = arith.constant 0 : i32
      %dma_wait3A_324 = arith.constant 0 : i32
      %dma_wait3A_325 = tpu.memref_slice %arg2[%dma_wait3A_323, %dma_wait3A_324] : memref<10240x128xf32, #tpu.memory_space<hbm>> -> memref<10240x128xf32, #tpu.memory_space<hbm>>
      tpu.wait_indirect_dma semaphore(%arg12 : memref<!tpu.dma_semaphore, #tpu.memory_space<semaphore_mem>>) src(%dma_wait3A_325 : memref<10240x128xf32, #tpu.memory_space<hbm>>) dst(%dma_wait3A_319 : memref<125x128xf32, #tpu.memory_space<vmem>>)
      %dma_start3A_326 = arith.constant 1 : i32
      %dma_start3A_327 = arith.constant 0 : i32
      %dma_start3A_328 = arith.constant 7 : i32
      %dma_start3A_329 = arith.constant 0 : i32
      %dma_start3A_330 = arith.constant 0 : i32
      %dma_start3A_331 = tpu.memref_slice %arg9[%dma_start3A_326, %dma_start3A_329, %dma_start3A_330] : memref<2x125x128xf32, #tpu.memory_space<vmem>> -> memref<1x125x128xf32, #tpu.memory_space<vmem>>
      %dma_start3A_332 = tpu.memref_squeeze %dma_start3A_331 : memref<1x125x128xf32, #tpu.memory_space<vmem>> -> memref<125x128xf32, #tpu.memory_space<vmem>>
      %dma_start3A_333 = arith.constant 0 : i32
      %dma_start3A_334 = tpu.memref_slice %arg8[%dma_start3A_327, %dma_start3A_328, %dma_start3A_333] : memref<2x8x125xi32, #tpu.memory_space<vmem>> -> memref<1x1x125xi32, #tpu.memory_space<vmem>>
      %dma_start3A_335 = tpu.memref_squeeze %dma_start3A_334 : memref<1x1x125xi32, #tpu.memory_space<vmem>> -> memref<125xi32, #tpu.memory_space<vmem>>
      %dma_start3A_336 = arith.constant 0 : i32
      %dma_start3A_337 = arith.constant 0 : i32
      %dma_start3A_338 = tpu.memref_slice %arg10[%dma_start3A_336, %dma_start3A_337] : memref<10240x128xf32, #tpu.memory_space<vmem_shared>> -> memref<10240x128xf32, #tpu.memory_space<vmem_shared>>
      tpu.enqueue_indirect_dma source(%dma_start3A_332 : memref<125x128xf32, #tpu.memory_space<vmem>>) target(%dma_start3A_338 : memref<10240x128xf32, #tpu.memory_space<vmem_shared>>) offsets(%dma_start3A_335 : memref<125xi32, #tpu.memory_space<vmem>>) semaphore(%arg16 : memref<!tpu.dma_semaphore, #tpu.memory_space<semaphore_mem>>) {add = true}
      %lt3A_339 = arith.constant 78 : i32
      %lt3A_340 = arith.cmpi slt, %add3A_314, %lt3A_339 : i32
      %convert_element_type3A_341 = arith.extui %lt3A_340 : i1 to i32
      %cond3A_342 = arith.constant 0 : i32
      %cond3A_343 = arith.cmpi ne, %convert_element_type3A_341, %cond3A_342 : i32
      scf.if %cond3A_343 {
        %dma_wait3A_625 = arith.constant 1 : i32
        %dma_wait3A_626 = arith.constant 0 : i32
        %dma_wait3A_627 = arith.constant 0 : i32
        %dma_wait3A_628 = tpu.memref_slice %arg9[%dma_wait3A_625, %dma_wait3A_626, %dma_wait3A_627] : memref<2x125x128xf32, #tpu.memory_space<vmem>> -> memref<1x125x128xf32, #tpu.memory_space<vmem>>
        %dma_wait3A_629 = tpu.memref_squeeze %dma_wait3A_628 : memref<1x125x128xf32, #tpu.memory_space<vmem>> -> memref<125x128xf32, #tpu.memory_space<vmem>>
        %dma_wait3A_630 = arith.constant 0 : i32
        %dma_wait3A_631 = arith.constant 0 : i32
        %dma_wait3A_632 = tpu.memref_slice %arg10[%dma_wait3A_630, %dma_wait3A_631] : memref<10240x128xf32, #tpu.memory_space<vmem_shared>> -> memref<125x128xf32, #tpu.memory_space<vmem_shared>>
        %dma_wait3A_633 = arith.constant 0 : i32
        %dma_wait3A_634 = arith.constant 0 : i32
        %dma_wait3A_635 = tpu.memref_slice %arg10[%dma_wait3A_633, %dma_wait3A_634] : memref<10240x128xf32, #tpu.memory_space<vmem_shared>> -> memref<125x128xf32, #tpu.memory_space<vmem_shared>>
        %dma_wait3A_636 = arith.constant 0 : i32
        %dma_wait3A_637 = arith.constant 0 : i32
        %dma_wait3A_638 = tpu.memref_slice %arg9[%dma_wait3A_625, %dma_wait3A_636, %dma_wait3A_637] : memref<2x125x128xf32, #tpu.memory_space<vmem>> -> memref<1x125x128xf32, #tpu.memory_space<vmem>>
        %dma_wait3A_639 = tpu.memref_squeeze %dma_wait3A_638 : memref<1x125x128xf32, #tpu.memory_space<vmem>> -> memref<125x128xf32, #tpu.memory_space<vmem>>
        tpu.wait_dma2 semaphore(%arg16 : memref<!tpu.dma_semaphore, #tpu.memory_space<semaphore_mem>>) src(%dma_wait3A_639 : memref<125x128xf32, #tpu.memory_space<vmem>>) dst(%dma_wait3A_635 : memref<125x128xf32, #tpu.memory_space<vmem_shared>>)
        %add3A_640 = arith.constant 2 : i32
        %add3A_641 = arith.addi %add3A_314, %add3A_640 : i32
        %dma_start3A_642 = arith.constant 1 : i32
        %dma_start3A_643 = arith.constant 0 : i32
        %dma_start3A_644 = arith.constant 0 : i32
        %dma_start3A_645 = tpu.memref_slice %arg9[%dma_start3A_642, %dma_start3A_643, %dma_start3A_644] : memref<2x125x128xf32, #tpu.memory_space<vmem>> -> memref<1x125x128xf32, #tpu.memory_space<vmem>>
        %dma_start3A_646 = tpu.memref_squeeze %dma_start3A_645 : memref<1x125x128xf32, #tpu.memory_space<vmem>> -> memref<125x128xf32, #tpu.memory_space<vmem>>
        %dma_start3A_647 = arith.constant 0 : i32
        %dma_start3A_648 = tpu.memref_slice %arg7[%add3A_641, %dma_start3A_647] : memref<80x125xi32, #tpu.memory_space<vmem>> -> memref<1x125xi32, #tpu.memory_space<vmem>>
        %dma_start3A_649 = tpu.memref_squeeze %dma_start3A_648 : memref<1x125xi32, #tpu.memory_space<vmem>> -> memref<125xi32, #tpu.memory_space<vmem>>
        %dma_start3A_650 = arith.constant 0 : i32
        %dma_start3A_651 = arith.constant 0 : i32
        %dma_start3A_652 = tpu.memref_slice %arg2[%dma_start3A_650, %dma_start3A_651] : memref<10240x128xf32, #tpu.memory_space<hbm>> -> memref<10240x128xf32, #tpu.memory_space<hbm>>
        tpu.enqueue_indirect_dma source(%dma_start3A_652 : memref<10240x128xf32, #tpu.memory_space<hbm>>) target(%dma_start3A_646 : memref<125x128xf32, #tpu.memory_space<vmem>>) offsets(%dma_start3A_649 : memref<125xi32, #tpu.memory_space<vmem>>) semaphore(%arg12 : memref<!tpu.dma_semaphore, #tpu.memory_space<semaphore_mem>>)
      } else {
      }
      %lt3A_344 = arith.constant 9 : i32
      %lt3A_345 = arith.cmpi slt, %add3A_75, %lt3A_344 : i32
      %convert_element_type3A_346 = arith.extui %lt3A_345 : i1 to i32
      %cond3A_347 = arith.constant 0 : i32
      %cond3A_348 = arith.cmpi ne, %convert_element_type3A_346, %cond3A_347 : i32
      scf.if %cond3A_348 {
        %dma_wait3A_625 = arith.constant 0 : i32
        %dma_wait3A_626 = arith.constant 1 : i32
        %dma_wait3A_627 = arith.constant 0 : i32
        %dma_wait3A_628 = arith.constant 0 : i32
        %dma_wait3A_629 = tpu.memref_slice %arg8[%dma_wait3A_626, %dma_wait3A_627, %dma_wait3A_628] : memref<2x8x125xi32, #tpu.memory_space<vmem>> -> memref<1x8x125xi32, #tpu.memory_space<vmem>>
        %dma_wait3A_630 = tpu.memref_squeeze %dma_wait3A_629 : memref<1x8x125xi32, #tpu.memory_space<vmem>> -> memref<8x125xi32, #tpu.memory_space<vmem>>
        %dma_wait3A_631 = arith.constant 0 : i32
        %dma_wait3A_632 = arith.constant 0 : i32
        %dma_wait3A_633 = tpu.memref_slice %arg4[%add3A, %dma_wait3A_625, %dma_wait3A_631, %dma_wait3A_632] : memref<32x10x8x125xi32, #tpu.memory_space<hbm>> -> memref<1x1x8x125xi32, #tpu.memory_space<hbm>>
        %dma_wait3A_634 = tpu.memref_squeeze %dma_wait3A_633 : memref<1x1x8x125xi32, #tpu.memory_space<hbm>> -> memref<8x125xi32, #tpu.memory_space<hbm>>
        %dma_wait3A_635 = arith.constant 0 : i32
        %dma_wait3A_636 = arith.constant 0 : i32
        %dma_wait3A_637 = tpu.memref_slice %arg8[%dma_wait3A_626, %dma_wait3A_635, %dma_wait3A_636] : memref<2x8x125xi32, #tpu.memory_space<vmem>> -> memref<1x8x125xi32, #tpu.memory_space<vmem>>
        %dma_wait3A_638 = tpu.memref_squeeze %dma_wait3A_637 : memref<1x8x125xi32, #tpu.memory_space<vmem>> -> memref<8x125xi32, #tpu.memory_space<vmem>>
        %dma_wait3A_639 = arith.constant 0 : i32
        %dma_wait3A_640 = arith.constant 0 : i32
        %dma_wait3A_641 = tpu.memref_slice %arg4[%add3A, %dma_wait3A_625, %dma_wait3A_639, %dma_wait3A_640] : memref<32x10x8x125xi32, #tpu.memory_space<hbm>> -> memref<1x1x8x125xi32, #tpu.memory_space<hbm>>
        %dma_wait3A_642 = tpu.memref_squeeze %dma_wait3A_641 : memref<1x1x8x125xi32, #tpu.memory_space<hbm>> -> memref<8x125xi32, #tpu.memory_space<hbm>>
        tpu.wait_dma2 semaphore(%arg19 : memref<!tpu.dma_semaphore, #tpu.memory_space<semaphore_mem>>) src(%dma_wait3A_642 : memref<8x125xi32, #tpu.memory_space<hbm>>) dst(%dma_wait3A_638 : memref<8x125xi32, #tpu.memory_space<vmem>>)
      } else {
      }
      %add3A_349 = arith.constant 1 : i32
      %add3A_350 = arith.addi %add3A_73, %add3A_349 : i32
      %lt3A_351 = arith.constant 9 : i32
      %lt3A_352 = arith.cmpi slt, %add3A_350, %lt3A_351 : i32
      %convert_element_type3A_353 = arith.extui %lt3A_352 : i1 to i32
      %cond3A_354 = arith.constant 0 : i32
      %cond3A_355 = arith.cmpi ne, %convert_element_type3A_353, %cond3A_354 : i32
      scf.if %cond3A_355 {
        %add3A_625 = arith.constant 1 : i32
        %add3A_626 = arith.addi %add3A_350, %add3A_625 : i32
        %dma_start3A_627 = arith.constant 0 : i32
        %dma_start3A_628 = arith.constant 0 : i32
        %dma_start3A_629 = arith.constant 0 : i32
        %dma_start3A_630 = tpu.memref_slice %arg8[%dma_start3A_627, %dma_start3A_628, %dma_start3A_629] : memref<2x8x125xi32, #tpu.memory_space<vmem>> -> memref<1x8x125xi32, #tpu.memory_space<vmem>>
        %dma_start3A_631 = tpu.memref_squeeze %dma_start3A_630 : memref<1x8x125xi32, #tpu.memory_space<vmem>> -> memref<8x125xi32, #tpu.memory_space<vmem>>
        %dma_start3A_632 = arith.constant 0 : i32
        %dma_start3A_633 = arith.constant 0 : i32
        %dma_start3A_634 = tpu.memref_slice %arg4[%add3A, %add3A_626, %dma_start3A_632, %dma_start3A_633] : memref<32x10x8x125xi32, #tpu.memory_space<hbm>> -> memref<1x1x8x125xi32, #tpu.memory_space<hbm>>
        %dma_start3A_635 = tpu.memref_squeeze %dma_start3A_634 : memref<1x1x8x125xi32, #tpu.memory_space<hbm>> -> memref<8x125xi32, #tpu.memory_space<hbm>>
        %dma_start3A_636 = arith.constant 0 : i32
        %dma_start3A_637 = arith.constant 0 : i32
        %dma_start3A_638 = tpu.memref_slice %arg8[%dma_start3A_627, %dma_start3A_636, %dma_start3A_637] : memref<2x8x125xi32, #tpu.memory_space<vmem>> -> memref<1x8x125xi32, #tpu.memory_space<vmem>>
        %dma_start3A_639 = tpu.memref_squeeze %dma_start3A_638 : memref<1x8x125xi32, #tpu.memory_space<vmem>> -> memref<8x125xi32, #tpu.memory_space<vmem>>
        %dma_start3A_640 = arith.constant 0 : i32
        %dma_start3A_641 = arith.constant 0 : i32
        %dma_start3A_642 = tpu.memref_slice %arg4[%add3A, %add3A_626, %dma_start3A_640, %dma_start3A_641] : memref<32x10x8x125xi32, #tpu.memory_space<hbm>> -> memref<1x1x8x125xi32, #tpu.memory_space<hbm>>
        %dma_start3A_643 = tpu.memref_squeeze %dma_start3A_642 : memref<1x1x8x125xi32, #tpu.memory_space<hbm>> -> memref<8x125xi32, #tpu.memory_space<hbm>>
        tpu.enqueue_dma source(%dma_start3A_643 : memref<8x125xi32, #tpu.memory_space<hbm>>) target(%dma_start3A_639 : memref<8x125xi32, #tpu.memory_space<vmem>>) target_semaphore(%arg19 : memref<!tpu.dma_semaphore, #tpu.memory_space<semaphore_mem>>)
      } else {
      }
      %mul3A_356 = arith.constant 8 : i32
      %mul3A_357 = arith.muli %add3A_350, %mul3A_356 : i32
      %add3A_358 = arith.constant 0 : i32
      %add3A_359 = arith.addi %mul3A_357, %add3A_358 : i32
      %dma_wait3A_360 = arith.constant 0 : i32
      %dma_wait3A_361 = arith.constant 0 : i32
      %dma_wait3A_362 = arith.constant 0 : i32
      %dma_wait3A_363 = tpu.memref_slice %arg9[%dma_wait3A_360, %dma_wait3A_361, %dma_wait3A_362] : memref<2x125x128xf32, #tpu.memory_space<vmem>> -> memref<1x125x128xf32, #tpu.memory_space<vmem>>
      %dma_wait3A_364 = tpu.memref_squeeze %dma_wait3A_363 : memref<1x125x128xf32, #tpu.memory_space<vmem>> -> memref<125x128xf32, #tpu.memory_space<vmem>>
      %dma_wait3A_365 = arith.constant 0 : i32
      %dma_wait3A_366 = tpu.memref_slice %arg7[%add3A_359, %dma_wait3A_365] : memref<80x125xi32, #tpu.memory_space<vmem>> -> memref<1x125xi32, #tpu.memory_space<vmem>>
      %dma_wait3A_367 = tpu.memref_squeeze %dma_wait3A_366 : memref<1x125xi32, #tpu.memory_space<vmem>> -> memref<125xi32, #tpu.memory_space<vmem>>
      %dma_wait3A_368 = arith.constant 0 : i32
      %dma_wait3A_369 = arith.constant 0 : i32
      %dma_wait3A_370 = tpu.memref_slice %arg2[%dma_wait3A_368, %dma_wait3A_369] : memref<10240x128xf32, #tpu.memory_space<hbm>> -> memref<10240x128xf32, #tpu.memory_space<hbm>>
      tpu.wait_indirect_dma semaphore(%arg11 : memref<!tpu.dma_semaphore, #tpu.memory_space<semaphore_mem>>) src(%dma_wait3A_370 : memref<10240x128xf32, #tpu.memory_space<hbm>>) dst(%dma_wait3A_364 : memref<125x128xf32, #tpu.memory_space<vmem>>)
      %dma_start3A_371 = arith.constant 0 : i32
      %dma_start3A_372 = arith.constant 1 : i32
      %dma_start3A_373 = arith.constant 0 : i32
      %dma_start3A_374 = arith.constant 0 : i32
      %dma_start3A_375 = arith.constant 0 : i32
      %dma_start3A_376 = tpu.memref_slice %arg9[%dma_start3A_371, %dma_start3A_374, %dma_start3A_375] : memref<2x125x128xf32, #tpu.memory_space<vmem>> -> memref<1x125x128xf32, #tpu.memory_space<vmem>>
      %dma_start3A_377 = tpu.memref_squeeze %dma_start3A_376 : memref<1x125x128xf32, #tpu.memory_space<vmem>> -> memref<125x128xf32, #tpu.memory_space<vmem>>
      %dma_start3A_378 = arith.constant 0 : i32
      %dma_start3A_379 = tpu.memref_slice %arg8[%dma_start3A_372, %dma_start3A_373, %dma_start3A_378] : memref<2x8x125xi32, #tpu.memory_space<vmem>> -> memref<1x1x125xi32, #tpu.memory_space<vmem>>
      %dma_start3A_380 = tpu.memref_squeeze %dma_start3A_379 : memref<1x1x125xi32, #tpu.memory_space<vmem>> -> memref<125xi32, #tpu.memory_space<vmem>>
      %dma_start3A_381 = arith.constant 0 : i32
      %dma_start3A_382 = arith.constant 0 : i32
      %dma_start3A_383 = tpu.memref_slice %arg10[%dma_start3A_381, %dma_start3A_382] : memref<10240x128xf32, #tpu.memory_space<vmem_shared>> -> memref<10240x128xf32, #tpu.memory_space<vmem_shared>>
      tpu.enqueue_indirect_dma source(%dma_start3A_377 : memref<125x128xf32, #tpu.memory_space<vmem>>) target(%dma_start3A_383 : memref<10240x128xf32, #tpu.memory_space<vmem_shared>>) offsets(%dma_start3A_380 : memref<125xi32, #tpu.memory_space<vmem>>) semaphore(%arg15 : memref<!tpu.dma_semaphore, #tpu.memory_space<semaphore_mem>>) {add = true}
      %lt3A_384 = arith.constant 78 : i32
      %lt3A_385 = arith.cmpi slt, %add3A_359, %lt3A_384 : i32
      %convert_element_type3A_386 = arith.extui %lt3A_385 : i1 to i32
      %cond3A_387 = arith.constant 0 : i32
      %cond3A_388 = arith.cmpi ne, %convert_element_type3A_386, %cond3A_387 : i32
      scf.if %cond3A_388 {
        %dma_wait3A_625 = arith.constant 0 : i32
        %dma_wait3A_626 = arith.constant 0 : i32
        %dma_wait3A_627 = arith.constant 0 : i32
        %dma_wait3A_628 = tpu.memref_slice %arg9[%dma_wait3A_625, %dma_wait3A_626, %dma_wait3A_627] : memref<2x125x128xf32, #tpu.memory_space<vmem>> -> memref<1x125x128xf32, #tpu.memory_space<vmem>>
        %dma_wait3A_629 = tpu.memref_squeeze %dma_wait3A_628 : memref<1x125x128xf32, #tpu.memory_space<vmem>> -> memref<125x128xf32, #tpu.memory_space<vmem>>
        %dma_wait3A_630 = arith.constant 0 : i32
        %dma_wait3A_631 = arith.constant 0 : i32
        %dma_wait3A_632 = tpu.memref_slice %arg10[%dma_wait3A_630, %dma_wait3A_631] : memref<10240x128xf32, #tpu.memory_space<vmem_shared>> -> memref<125x128xf32, #tpu.memory_space<vmem_shared>>
        %dma_wait3A_633 = arith.constant 0 : i32
        %dma_wait3A_634 = arith.constant 0 : i32
        %dma_wait3A_635 = tpu.memref_slice %arg10[%dma_wait3A_633, %dma_wait3A_634] : memref<10240x128xf32, #tpu.memory_space<vmem_shared>> -> memref<125x128xf32, #tpu.memory_space<vmem_shared>>
        %dma_wait3A_636 = arith.constant 0 : i32
        %dma_wait3A_637 = arith.constant 0 : i32
        %dma_wait3A_638 = tpu.memref_slice %arg9[%dma_wait3A_625, %dma_wait3A_636, %dma_wait3A_637] : memref<2x125x128xf32, #tpu.memory_space<vmem>> -> memref<1x125x128xf32, #tpu.memory_space<vmem>>
        %dma_wait3A_639 = tpu.memref_squeeze %dma_wait3A_638 : memref<1x125x128xf32, #tpu.memory_space<vmem>> -> memref<125x128xf32, #tpu.memory_space<vmem>>
        tpu.wait_dma2 semaphore(%arg15 : memref<!tpu.dma_semaphore, #tpu.memory_space<semaphore_mem>>) src(%dma_wait3A_639 : memref<125x128xf32, #tpu.memory_space<vmem>>) dst(%dma_wait3A_635 : memref<125x128xf32, #tpu.memory_space<vmem_shared>>)
        %add3A_640 = arith.constant 2 : i32
        %add3A_641 = arith.addi %add3A_359, %add3A_640 : i32
        %dma_start3A_642 = arith.constant 0 : i32
        %dma_start3A_643 = arith.constant 0 : i32
        %dma_start3A_644 = arith.constant 0 : i32
        %dma_start3A_645 = tpu.memref_slice %arg9[%dma_start3A_642, %dma_start3A_643, %dma_start3A_644] : memref<2x125x128xf32, #tpu.memory_space<vmem>> -> memref<1x125x128xf32, #tpu.memory_space<vmem>>
        %dma_start3A_646 = tpu.memref_squeeze %dma_start3A_645 : memref<1x125x128xf32, #tpu.memory_space<vmem>> -> memref<125x128xf32, #tpu.memory_space<vmem>>
        %dma_start3A_647 = arith.constant 0 : i32
        %dma_start3A_648 = tpu.memref_slice %arg7[%add3A_641, %dma_start3A_647] : memref<80x125xi32, #tpu.memory_space<vmem>> -> memref<1x125xi32, #tpu.memory_space<vmem>>
        %dma_start3A_649 = tpu.memref_squeeze %dma_start3A_648 : memref<1x125xi32, #tpu.memory_space<vmem>> -> memref<125xi32, #tpu.memory_space<vmem>>
        %dma_start3A_650 = arith.constant 0 : i32
        %dma_start3A_651 = arith.constant 0 : i32
        %dma_start3A_652 = tpu.memref_slice %arg2[%dma_start3A_650, %dma_start3A_651] : memref<10240x128xf32, #tpu.memory_space<hbm>> -> memref<10240x128xf32, #tpu.memory_space<hbm>>
        tpu.enqueue_indirect_dma source(%dma_start3A_652 : memref<10240x128xf32, #tpu.memory_space<hbm>>) target(%dma_start3A_646 : memref<125x128xf32, #tpu.memory_space<vmem>>) offsets(%dma_start3A_649 : memref<125xi32, #tpu.memory_space<vmem>>) semaphore(%arg11 : memref<!tpu.dma_semaphore, #tpu.memory_space<semaphore_mem>>)
      } else {
      }
      %mul3A_389 = arith.constant 8 : i32
      %mul3A_390 = arith.muli %add3A_350, %mul3A_389 : i32
      %add3A_391 = arith.constant 1 : i32
      %add3A_392 = arith.addi %mul3A_390, %add3A_391 : i32
      %dma_wait3A_393 = arith.constant 1 : i32
      %dma_wait3A_394 = arith.constant 0 : i32
      %dma_wait3A_395 = arith.constant 0 : i32
      %dma_wait3A_396 = tpu.memref_slice %arg9[%dma_wait3A_393, %dma_wait3A_394, %dma_wait3A_395] : memref<2x125x128xf32, #tpu.memory_space<vmem>> -> memref<1x125x128xf32, #tpu.memory_space<vmem>>
      %dma_wait3A_397 = tpu.memref_squeeze %dma_wait3A_396 : memref<1x125x128xf32, #tpu.memory_space<vmem>> -> memref<125x128xf32, #tpu.memory_space<vmem>>
      %dma_wait3A_398 = arith.constant 0 : i32
      %dma_wait3A_399 = tpu.memref_slice %arg7[%add3A_392, %dma_wait3A_398] : memref<80x125xi32, #tpu.memory_space<vmem>> -> memref<1x125xi32, #tpu.memory_space<vmem>>
      %dma_wait3A_400 = tpu.memref_squeeze %dma_wait3A_399 : memref<1x125xi32, #tpu.memory_space<vmem>> -> memref<125xi32, #tpu.memory_space<vmem>>
      %dma_wait3A_401 = arith.constant 0 : i32
      %dma_wait3A_402 = arith.constant 0 : i32
      %dma_wait3A_403 = tpu.memref_slice %arg2[%dma_wait3A_401, %dma_wait3A_402] : memref<10240x128xf32, #tpu.memory_space<hbm>> -> memref<10240x128xf32, #tpu.memory_space<hbm>>
      tpu.wait_indirect_dma semaphore(%arg12 : memref<!tpu.dma_semaphore, #tpu.memory_space<semaphore_mem>>) src(%dma_wait3A_403 : memref<10240x128xf32, #tpu.memory_space<hbm>>) dst(%dma_wait3A_397 : memref<125x128xf32, #tpu.memory_space<vmem>>)
      %dma_start3A_404 = arith.constant 1 : i32
      %dma_start3A_405 = arith.constant 1 : i32
      %dma_start3A_406 = arith.constant 1 : i32
      %dma_start3A_407 = arith.constant 0 : i32
      %dma_start3A_408 = arith.constant 0 : i32
      %dma_start3A_409 = tpu.memref_slice %arg9[%dma_start3A_404, %dma_start3A_407, %dma_start3A_408] : memref<2x125x128xf32, #tpu.memory_space<vmem>> -> memref<1x125x128xf32, #tpu.memory_space<vmem>>
      %dma_start3A_410 = tpu.memref_squeeze %dma_start3A_409 : memref<1x125x128xf32, #tpu.memory_space<vmem>> -> memref<125x128xf32, #tpu.memory_space<vmem>>
      %dma_start3A_411 = arith.constant 0 : i32
      %dma_start3A_412 = tpu.memref_slice %arg8[%dma_start3A_405, %dma_start3A_406, %dma_start3A_411] : memref<2x8x125xi32, #tpu.memory_space<vmem>> -> memref<1x1x125xi32, #tpu.memory_space<vmem>>
      %dma_start3A_413 = tpu.memref_squeeze %dma_start3A_412 : memref<1x1x125xi32, #tpu.memory_space<vmem>> -> memref<125xi32, #tpu.memory_space<vmem>>
      %dma_start3A_414 = arith.constant 0 : i32
      %dma_start3A_415 = arith.constant 0 : i32
      %dma_start3A_416 = tpu.memref_slice %arg10[%dma_start3A_414, %dma_start3A_415] : memref<10240x128xf32, #tpu.memory_space<vmem_shared>> -> memref<10240x128xf32, #tpu.memory_space<vmem_shared>>
      tpu.enqueue_indirect_dma source(%dma_start3A_410 : memref<125x128xf32, #tpu.memory_space<vmem>>) target(%dma_start3A_416 : memref<10240x128xf32, #tpu.memory_space<vmem_shared>>) offsets(%dma_start3A_413 : memref<125xi32, #tpu.memory_space<vmem>>) semaphore(%arg16 : memref<!tpu.dma_semaphore, #tpu.memory_space<semaphore_mem>>) {add = true}
      %lt3A_417 = arith.constant 78 : i32
      %lt3A_418 = arith.cmpi slt, %add3A_392, %lt3A_417 : i32
      %convert_element_type3A_419 = arith.extui %lt3A_418 : i1 to i32
      %cond3A_420 = arith.constant 0 : i32
      %cond3A_421 = arith.cmpi ne, %convert_element_type3A_419, %cond3A_420 : i32
      scf.if %cond3A_421 {
        %dma_wait3A_625 = arith.constant 1 : i32
        %dma_wait3A_626 = arith.constant 0 : i32
        %dma_wait3A_627 = arith.constant 0 : i32
        %dma_wait3A_628 = tpu.memref_slice %arg9[%dma_wait3A_625, %dma_wait3A_626, %dma_wait3A_627] : memref<2x125x128xf32, #tpu.memory_space<vmem>> -> memref<1x125x128xf32, #tpu.memory_space<vmem>>
        %dma_wait3A_629 = tpu.memref_squeeze %dma_wait3A_628 : memref<1x125x128xf32, #tpu.memory_space<vmem>> -> memref<125x128xf32, #tpu.memory_space<vmem>>
        %dma_wait3A_630 = arith.constant 0 : i32
        %dma_wait3A_631 = arith.constant 0 : i32
        %dma_wait3A_632 = tpu.memref_slice %arg10[%dma_wait3A_630, %dma_wait3A_631] : memref<10240x128xf32, #tpu.memory_space<vmem_shared>> -> memref<125x128xf32, #tpu.memory_space<vmem_shared>>
        %dma_wait3A_633 = arith.constant 0 : i32
        %dma_wait3A_634 = arith.constant 0 : i32
        %dma_wait3A_635 = tpu.memref_slice %arg10[%dma_wait3A_633, %dma_wait3A_634] : memref<10240x128xf32, #tpu.memory_space<vmem_shared>> -> memref<125x128xf32, #tpu.memory_space<vmem_shared>>
        %dma_wait3A_636 = arith.constant 0 : i32
        %dma_wait3A_637 = arith.constant 0 : i32
        %dma_wait3A_638 = tpu.memref_slice %arg9[%dma_wait3A_625, %dma_wait3A_636, %dma_wait3A_637] : memref<2x125x128xf32, #tpu.memory_space<vmem>> -> memref<1x125x128xf32, #tpu.memory_space<vmem>>
        %dma_wait3A_639 = tpu.memref_squeeze %dma_wait3A_638 : memref<1x125x128xf32, #tpu.memory_space<vmem>> -> memref<125x128xf32, #tpu.memory_space<vmem>>
        tpu.wait_dma2 semaphore(%arg16 : memref<!tpu.dma_semaphore, #tpu.memory_space<semaphore_mem>>) src(%dma_wait3A_639 : memref<125x128xf32, #tpu.memory_space<vmem>>) dst(%dma_wait3A_635 : memref<125x128xf32, #tpu.memory_space<vmem_shared>>)
        %add3A_640 = arith.constant 2 : i32
        %add3A_641 = arith.addi %add3A_392, %add3A_640 : i32
        %dma_start3A_642 = arith.constant 1 : i32
        %dma_start3A_643 = arith.constant 0 : i32
        %dma_start3A_644 = arith.constant 0 : i32
        %dma_start3A_645 = tpu.memref_slice %arg9[%dma_start3A_642, %dma_start3A_643, %dma_start3A_644] : memref<2x125x128xf32, #tpu.memory_space<vmem>> -> memref<1x125x128xf32, #tpu.memory_space<vmem>>
        %dma_start3A_646 = tpu.memref_squeeze %dma_start3A_645 : memref<1x125x128xf32, #tpu.memory_space<vmem>> -> memref<125x128xf32, #tpu.memory_space<vmem>>
        %dma_start3A_647 = arith.constant 0 : i32
        %dma_start3A_648 = tpu.memref_slice %arg7[%add3A_641, %dma_start3A_647] : memref<80x125xi32, #tpu.memory_space<vmem>> -> memref<1x125xi32, #tpu.memory_space<vmem>>
        %dma_start3A_649 = tpu.memref_squeeze %dma_start3A_648 : memref<1x125xi32, #tpu.memory_space<vmem>> -> memref<125xi32, #tpu.memory_space<vmem>>
        %dma_start3A_650 = arith.constant 0 : i32
        %dma_start3A_651 = arith.constant 0 : i32
        %dma_start3A_652 = tpu.memref_slice %arg2[%dma_start3A_650, %dma_start3A_651] : memref<10240x128xf32, #tpu.memory_space<hbm>> -> memref<10240x128xf32, #tpu.memory_space<hbm>>
        tpu.enqueue_indirect_dma source(%dma_start3A_652 : memref<10240x128xf32, #tpu.memory_space<hbm>>) target(%dma_start3A_646 : memref<125x128xf32, #tpu.memory_space<vmem>>) offsets(%dma_start3A_649 : memref<125xi32, #tpu.memory_space<vmem>>) semaphore(%arg12 : memref<!tpu.dma_semaphore, #tpu.memory_space<semaphore_mem>>)
      } else {
      }
      %mul3A_422 = arith.constant 8 : i32
      %mul3A_423 = arith.muli %add3A_350, %mul3A_422 : i32
      %add3A_424 = arith.constant 2 : i32
      %add3A_425 = arith.addi %mul3A_423, %add3A_424 : i32
      %dma_wait3A_426 = arith.constant 0 : i32
      %dma_wait3A_427 = arith.constant 0 : i32
      %dma_wait3A_428 = arith.constant 0 : i32
      %dma_wait3A_429 = tpu.memref_slice %arg9[%dma_wait3A_426, %dma_wait3A_427, %dma_wait3A_428] : memref<2x125x128xf32, #tpu.memory_space<vmem>> -> memref<1x125x128xf32, #tpu.memory_space<vmem>>
      %dma_wait3A_430 = tpu.memref_squeeze %dma_wait3A_429 : memref<1x125x128xf32, #tpu.memory_space<vmem>> -> memref<125x128xf32, #tpu.memory_space<vmem>>
      %dma_wait3A_431 = arith.constant 0 : i32
      %dma_wait3A_432 = tpu.memref_slice %arg7[%add3A_425, %dma_wait3A_431] : memref<80x125xi32, #tpu.memory_space<vmem>> -> memref<1x125xi32, #tpu.memory_space<vmem>>
      %dma_wait3A_433 = tpu.memref_squeeze %dma_wait3A_432 : memref<1x125xi32, #tpu.memory_space<vmem>> -> memref<125xi32, #tpu.memory_space<vmem>>
      %dma_wait3A_434 = arith.constant 0 : i32
      %dma_wait3A_435 = arith.constant 0 : i32
      %dma_wait3A_436 = tpu.memref_slice %arg2[%dma_wait3A_434, %dma_wait3A_435] : memref<10240x128xf32, #tpu.memory_space<hbm>> -> memref<10240x128xf32, #tpu.memory_space<hbm>>
      tpu.wait_indirect_dma semaphore(%arg11 : memref<!tpu.dma_semaphore, #tpu.memory_space<semaphore_mem>>) src(%dma_wait3A_436 : memref<10240x128xf32, #tpu.memory_space<hbm>>) dst(%dma_wait3A_430 : memref<125x128xf32, #tpu.memory_space<vmem>>)
      %dma_start3A_437 = arith.constant 0 : i32
      %dma_start3A_438 = arith.constant 1 : i32
      %dma_start3A_439 = arith.constant 2 : i32
      %dma_start3A_440 = arith.constant 0 : i32
      %dma_start3A_441 = arith.constant 0 : i32
      %dma_start3A_442 = tpu.memref_slice %arg9[%dma_start3A_437, %dma_start3A_440, %dma_start3A_441] : memref<2x125x128xf32, #tpu.memory_space<vmem>> -> memref<1x125x128xf32, #tpu.memory_space<vmem>>
      %dma_start3A_443 = tpu.memref_squeeze %dma_start3A_442 : memref<1x125x128xf32, #tpu.memory_space<vmem>> -> memref<125x128xf32, #tpu.memory_space<vmem>>
      %dma_start3A_444 = arith.constant 0 : i32
      %dma_start3A_445 = tpu.memref_slice %arg8[%dma_start3A_438, %dma_start3A_439, %dma_start3A_444] : memref<2x8x125xi32, #tpu.memory_space<vmem>> -> memref<1x1x125xi32, #tpu.memory_space<vmem>>
      %dma_start3A_446 = tpu.memref_squeeze %dma_start3A_445 : memref<1x1x125xi32, #tpu.memory_space<vmem>> -> memref<125xi32, #tpu.memory_space<vmem>>
      %dma_start3A_447 = arith.constant 0 : i32
      %dma_start3A_448 = arith.constant 0 : i32
      %dma_start3A_449 = tpu.memref_slice %arg10[%dma_start3A_447, %dma_start3A_448] : memref<10240x128xf32, #tpu.memory_space<vmem_shared>> -> memref<10240x128xf32, #tpu.memory_space<vmem_shared>>
      tpu.enqueue_indirect_dma source(%dma_start3A_443 : memref<125x128xf32, #tpu.memory_space<vmem>>) target(%dma_start3A_449 : memref<10240x128xf32, #tpu.memory_space<vmem_shared>>) offsets(%dma_start3A_446 : memref<125xi32, #tpu.memory_space<vmem>>) semaphore(%arg15 : memref<!tpu.dma_semaphore, #tpu.memory_space<semaphore_mem>>) {add = true}
      %lt3A_450 = arith.constant 78 : i32
      %lt3A_451 = arith.cmpi slt, %add3A_425, %lt3A_450 : i32
      %convert_element_type3A_452 = arith.extui %lt3A_451 : i1 to i32
      %cond3A_453 = arith.constant 0 : i32
      %cond3A_454 = arith.cmpi ne, %convert_element_type3A_452, %cond3A_453 : i32
      scf.if %cond3A_454 {
        %dma_wait3A_625 = arith.constant 0 : i32
        %dma_wait3A_626 = arith.constant 0 : i32
        %dma_wait3A_627 = arith.constant 0 : i32
        %dma_wait3A_628 = tpu.memref_slice %arg9[%dma_wait3A_625, %dma_wait3A_626, %dma_wait3A_627] : memref<2x125x128xf32, #tpu.memory_space<vmem>> -> memref<1x125x128xf32, #tpu.memory_space<vmem>>
        %dma_wait3A_629 = tpu.memref_squeeze %dma_wait3A_628 : memref<1x125x128xf32, #tpu.memory_space<vmem>> -> memref<125x128xf32, #tpu.memory_space<vmem>>
        %dma_wait3A_630 = arith.constant 0 : i32
        %dma_wait3A_631 = arith.constant 0 : i32
        %dma_wait3A_632 = tpu.memref_slice %arg10[%dma_wait3A_630, %dma_wait3A_631] : memref<10240x128xf32, #tpu.memory_space<vmem_shared>> -> memref<125x128xf32, #tpu.memory_space<vmem_shared>>
        %dma_wait3A_633 = arith.constant 0 : i32
        %dma_wait3A_634 = arith.constant 0 : i32
        %dma_wait3A_635 = tpu.memref_slice %arg10[%dma_wait3A_633, %dma_wait3A_634] : memref<10240x128xf32, #tpu.memory_space<vmem_shared>> -> memref<125x128xf32, #tpu.memory_space<vmem_shared>>
        %dma_wait3A_636 = arith.constant 0 : i32
        %dma_wait3A_637 = arith.constant 0 : i32
        %dma_wait3A_638 = tpu.memref_slice %arg9[%dma_wait3A_625, %dma_wait3A_636, %dma_wait3A_637] : memref<2x125x128xf32, #tpu.memory_space<vmem>> -> memref<1x125x128xf32, #tpu.memory_space<vmem>>
        %dma_wait3A_639 = tpu.memref_squeeze %dma_wait3A_638 : memref<1x125x128xf32, #tpu.memory_space<vmem>> -> memref<125x128xf32, #tpu.memory_space<vmem>>
        tpu.wait_dma2 semaphore(%arg15 : memref<!tpu.dma_semaphore, #tpu.memory_space<semaphore_mem>>) src(%dma_wait3A_639 : memref<125x128xf32, #tpu.memory_space<vmem>>) dst(%dma_wait3A_635 : memref<125x128xf32, #tpu.memory_space<vmem_shared>>)
        %add3A_640 = arith.constant 2 : i32
        %add3A_641 = arith.addi %add3A_425, %add3A_640 : i32
        %dma_start3A_642 = arith.constant 0 : i32
        %dma_start3A_643 = arith.constant 0 : i32
        %dma_start3A_644 = arith.constant 0 : i32
        %dma_start3A_645 = tpu.memref_slice %arg9[%dma_start3A_642, %dma_start3A_643, %dma_start3A_644] : memref<2x125x128xf32, #tpu.memory_space<vmem>> -> memref<1x125x128xf32, #tpu.memory_space<vmem>>
        %dma_start3A_646 = tpu.memref_squeeze %dma_start3A_645 : memref<1x125x128xf32, #tpu.memory_space<vmem>> -> memref<125x128xf32, #tpu.memory_space<vmem>>
        %dma_start3A_647 = arith.constant 0 : i32
        %dma_start3A_648 = tpu.memref_slice %arg7[%add3A_641, %dma_start3A_647] : memref<80x125xi32, #tpu.memory_space<vmem>> -> memref<1x125xi32, #tpu.memory_space<vmem>>
        %dma_start3A_649 = tpu.memref_squeeze %dma_start3A_648 : memref<1x125xi32, #tpu.memory_space<vmem>> -> memref<125xi32, #tpu.memory_space<vmem>>
        %dma_start3A_650 = arith.constant 0 : i32
        %dma_start3A_651 = arith.constant 0 : i32
        %dma_start3A_652 = tpu.memref_slice %arg2[%dma_start3A_650, %dma_start3A_651] : memref<10240x128xf32, #tpu.memory_space<hbm>> -> memref<10240x128xf32, #tpu.memory_space<hbm>>
        tpu.enqueue_indirect_dma source(%dma_start3A_652 : memref<10240x128xf32, #tpu.memory_space<hbm>>) target(%dma_start3A_646 : memref<125x128xf32, #tpu.memory_space<vmem>>) offsets(%dma_start3A_649 : memref<125xi32, #tpu.memory_space<vmem>>) semaphore(%arg11 : memref<!tpu.dma_semaphore, #tpu.memory_space<semaphore_mem>>)
      } else {
      }
      %mul3A_455 = arith.constant 8 : i32
      %mul3A_456 = arith.muli %add3A_350, %mul3A_455 : i32
      %add3A_457 = arith.constant 3 : i32
      %add3A_458 = arith.addi %mul3A_456, %add3A_457 : i32
      %dma_wait3A_459 = arith.constant 1 : i32
      %dma_wait3A_460 = arith.constant 0 : i32
      %dma_wait3A_461 = arith.constant 0 : i32
      %dma_wait3A_462 = tpu.memref_slice %arg9[%dma_wait3A_459, %dma_wait3A_460, %dma_wait3A_461] : memref<2x125x128xf32, #tpu.memory_space<vmem>> -> memref<1x125x128xf32, #tpu.memory_space<vmem>>
      %dma_wait3A_463 = tpu.memref_squeeze %dma_wait3A_462 : memref<1x125x128xf32, #tpu.memory_space<vmem>> -> memref<125x128xf32, #tpu.memory_space<vmem>>
      %dma_wait3A_464 = arith.constant 0 : i32
      %dma_wait3A_465 = tpu.memref_slice %arg7[%add3A_458, %dma_wait3A_464] : memref<80x125xi32, #tpu.memory_space<vmem>> -> memref<1x125xi32, #tpu.memory_space<vmem>>
      %dma_wait3A_466 = tpu.memref_squeeze %dma_wait3A_465 : memref<1x125xi32, #tpu.memory_space<vmem>> -> memref<125xi32, #tpu.memory_space<vmem>>
      %dma_wait3A_467 = arith.constant 0 : i32
      %dma_wait3A_468 = arith.constant 0 : i32
      %dma_wait3A_469 = tpu.memref_slice %arg2[%dma_wait3A_467, %dma_wait3A_468] : memref<10240x128xf32, #tpu.memory_space<hbm>> -> memref<10240x128xf32, #tpu.memory_space<hbm>>
      tpu.wait_indirect_dma semaphore(%arg12 : memref<!tpu.dma_semaphore, #tpu.memory_space<semaphore_mem>>) src(%dma_wait3A_469 : memref<10240x128xf32, #tpu.memory_space<hbm>>) dst(%dma_wait3A_463 : memref<125x128xf32, #tpu.memory_space<vmem>>)
      %dma_start3A_470 = arith.constant 1 : i32
      %dma_start3A_471 = arith.constant 1 : i32
      %dma_start3A_472 = arith.constant 3 : i32
      %dma_start3A_473 = arith.constant 0 : i32
      %dma_start3A_474 = arith.constant 0 : i32
      %dma_start3A_475 = tpu.memref_slice %arg9[%dma_start3A_470, %dma_start3A_473, %dma_start3A_474] : memref<2x125x128xf32, #tpu.memory_space<vmem>> -> memref<1x125x128xf32, #tpu.memory_space<vmem>>
      %dma_start3A_476 = tpu.memref_squeeze %dma_start3A_475 : memref<1x125x128xf32, #tpu.memory_space<vmem>> -> memref<125x128xf32, #tpu.memory_space<vmem>>
      %dma_start3A_477 = arith.constant 0 : i32
      %dma_start3A_478 = tpu.memref_slice %arg8[%dma_start3A_471, %dma_start3A_472, %dma_start3A_477] : memref<2x8x125xi32, #tpu.memory_space<vmem>> -> memref<1x1x125xi32, #tpu.memory_space<vmem>>
      %dma_start3A_479 = tpu.memref_squeeze %dma_start3A_478 : memref<1x1x125xi32, #tpu.memory_space<vmem>> -> memref<125xi32, #tpu.memory_space<vmem>>
      %dma_start3A_480 = arith.constant 0 : i32
      %dma_start3A_481 = arith.constant 0 : i32
      %dma_start3A_482 = tpu.memref_slice %arg10[%dma_start3A_480, %dma_start3A_481] : memref<10240x128xf32, #tpu.memory_space<vmem_shared>> -> memref<10240x128xf32, #tpu.memory_space<vmem_shared>>
      tpu.enqueue_indirect_dma source(%dma_start3A_476 : memref<125x128xf32, #tpu.memory_space<vmem>>) target(%dma_start3A_482 : memref<10240x128xf32, #tpu.memory_space<vmem_shared>>) offsets(%dma_start3A_479 : memref<125xi32, #tpu.memory_space<vmem>>) semaphore(%arg16 : memref<!tpu.dma_semaphore, #tpu.memory_space<semaphore_mem>>) {add = true}
      %lt3A_483 = arith.constant 78 : i32
      %lt3A_484 = arith.cmpi slt, %add3A_458, %lt3A_483 : i32
      %convert_element_type3A_485 = arith.extui %lt3A_484 : i1 to i32
      %cond3A_486 = arith.constant 0 : i32
      %cond3A_487 = arith.cmpi ne, %convert_element_type3A_485, %cond3A_486 : i32
      scf.if %cond3A_487 {
        %dma_wait3A_625 = arith.constant 1 : i32
        %dma_wait3A_626 = arith.constant 0 : i32
        %dma_wait3A_627 = arith.constant 0 : i32
        %dma_wait3A_628 = tpu.memref_slice %arg9[%dma_wait3A_625, %dma_wait3A_626, %dma_wait3A_627] : memref<2x125x128xf32, #tpu.memory_space<vmem>> -> memref<1x125x128xf32, #tpu.memory_space<vmem>>
        %dma_wait3A_629 = tpu.memref_squeeze %dma_wait3A_628 : memref<1x125x128xf32, #tpu.memory_space<vmem>> -> memref<125x128xf32, #tpu.memory_space<vmem>>
        %dma_wait3A_630 = arith.constant 0 : i32
        %dma_wait3A_631 = arith.constant 0 : i32
        %dma_wait3A_632 = tpu.memref_slice %arg10[%dma_wait3A_630, %dma_wait3A_631] : memref<10240x128xf32, #tpu.memory_space<vmem_shared>> -> memref<125x128xf32, #tpu.memory_space<vmem_shared>>
        %dma_wait3A_633 = arith.constant 0 : i32
        %dma_wait3A_634 = arith.constant 0 : i32
        %dma_wait3A_635 = tpu.memref_slice %arg10[%dma_wait3A_633, %dma_wait3A_634] : memref<10240x128xf32, #tpu.memory_space<vmem_shared>> -> memref<125x128xf32, #tpu.memory_space<vmem_shared>>
        %dma_wait3A_636 = arith.constant 0 : i32
        %dma_wait3A_637 = arith.constant 0 : i32
        %dma_wait3A_638 = tpu.memref_slice %arg9[%dma_wait3A_625, %dma_wait3A_636, %dma_wait3A_637] : memref<2x125x128xf32, #tpu.memory_space<vmem>> -> memref<1x125x128xf32, #tpu.memory_space<vmem>>
        %dma_wait3A_639 = tpu.memref_squeeze %dma_wait3A_638 : memref<1x125x128xf32, #tpu.memory_space<vmem>> -> memref<125x128xf32, #tpu.memory_space<vmem>>
        tpu.wait_dma2 semaphore(%arg16 : memref<!tpu.dma_semaphore, #tpu.memory_space<semaphore_mem>>) src(%dma_wait3A_639 : memref<125x128xf32, #tpu.memory_space<vmem>>) dst(%dma_wait3A_635 : memref<125x128xf32, #tpu.memory_space<vmem_shared>>)
        %add3A_640 = arith.constant 2 : i32
        %add3A_641 = arith.addi %add3A_458, %add3A_640 : i32
        %dma_start3A_642 = arith.constant 1 : i32
        %dma_start3A_643 = arith.constant 0 : i32
        %dma_start3A_644 = arith.constant 0 : i32
        %dma_start3A_645 = tpu.memref_slice %arg9[%dma_start3A_642, %dma_start3A_643, %dma_start3A_644] : memref<2x125x128xf32, #tpu.memory_space<vmem>> -> memref<1x125x128xf32, #tpu.memory_space<vmem>>
        %dma_start3A_646 = tpu.memref_squeeze %dma_start3A_645 : memref<1x125x128xf32, #tpu.memory_space<vmem>> -> memref<125x128xf32, #tpu.memory_space<vmem>>
        %dma_start3A_647 = arith.constant 0 : i32
        %dma_start3A_648 = tpu.memref_slice %arg7[%add3A_641, %dma_start3A_647] : memref<80x125xi32, #tpu.memory_space<vmem>> -> memref<1x125xi32, #tpu.memory_space<vmem>>
        %dma_start3A_649 = tpu.memref_squeeze %dma_start3A_648 : memref<1x125xi32, #tpu.memory_space<vmem>> -> memref<125xi32, #tpu.memory_space<vmem>>
        %dma_start3A_650 = arith.constant 0 : i32
        %dma_start3A_651 = arith.constant 0 : i32
        %dma_start3A_652 = tpu.memref_slice %arg2[%dma_start3A_650, %dma_start3A_651] : memref<10240x128xf32, #tpu.memory_space<hbm>> -> memref<10240x128xf32, #tpu.memory_space<hbm>>
        tpu.enqueue_indirect_dma source(%dma_start3A_652 : memref<10240x128xf32, #tpu.memory_space<hbm>>) target(%dma_start3A_646 : memref<125x128xf32, #tpu.memory_space<vmem>>) offsets(%dma_start3A_649 : memref<125xi32, #tpu.memory_space<vmem>>) semaphore(%arg12 : memref<!tpu.dma_semaphore, #tpu.memory_space<semaphore_mem>>)
      } else {
      }
      %mul3A_488 = arith.constant 8 : i32
      %mul3A_489 = arith.muli %add3A_350, %mul3A_488 : i32
      %add3A_490 = arith.constant 4 : i32
      %add3A_491 = arith.addi %mul3A_489, %add3A_490 : i32
      %dma_wait3A_492 = arith.constant 0 : i32
      %dma_wait3A_493 = arith.constant 0 : i32
      %dma_wait3A_494 = arith.constant 0 : i32
      %dma_wait3A_495 = tpu.memref_slice %arg9[%dma_wait3A_492, %dma_wait3A_493, %dma_wait3A_494] : memref<2x125x128xf32, #tpu.memory_space<vmem>> -> memref<1x125x128xf32, #tpu.memory_space<vmem>>
      %dma_wait3A_496 = tpu.memref_squeeze %dma_wait3A_495 : memref<1x125x128xf32, #tpu.memory_space<vmem>> -> memref<125x128xf32, #tpu.memory_space<vmem>>
      %dma_wait3A_497 = arith.constant 0 : i32
      %dma_wait3A_498 = tpu.memref_slice %arg7[%add3A_491, %dma_wait3A_497] : memref<80x125xi32, #tpu.memory_space<vmem>> -> memref<1x125xi32, #tpu.memory_space<vmem>>
      %dma_wait3A_499 = tpu.memref_squeeze %dma_wait3A_498 : memref<1x125xi32, #tpu.memory_space<vmem>> -> memref<125xi32, #tpu.memory_space<vmem>>
      %dma_wait3A_500 = arith.constant 0 : i32
      %dma_wait3A_501 = arith.constant 0 : i32
      %dma_wait3A_502 = tpu.memref_slice %arg2[%dma_wait3A_500, %dma_wait3A_501] : memref<10240x128xf32, #tpu.memory_space<hbm>> -> memref<10240x128xf32, #tpu.memory_space<hbm>>
      tpu.wait_indirect_dma semaphore(%arg11 : memref<!tpu.dma_semaphore, #tpu.memory_space<semaphore_mem>>) src(%dma_wait3A_502 : memref<10240x128xf32, #tpu.memory_space<hbm>>) dst(%dma_wait3A_496 : memref<125x128xf32, #tpu.memory_space<vmem>>)
      %dma_start3A_503 = arith.constant 0 : i32
      %dma_start3A_504 = arith.constant 1 : i32
      %dma_start3A_505 = arith.constant 4 : i32
      %dma_start3A_506 = arith.constant 0 : i32
      %dma_start3A_507 = arith.constant 0 : i32
      %dma_start3A_508 = tpu.memref_slice %arg9[%dma_start3A_503, %dma_start3A_506, %dma_start3A_507] : memref<2x125x128xf32, #tpu.memory_space<vmem>> -> memref<1x125x128xf32, #tpu.memory_space<vmem>>
      %dma_start3A_509 = tpu.memref_squeeze %dma_start3A_508 : memref<1x125x128xf32, #tpu.memory_space<vmem>> -> memref<125x128xf32, #tpu.memory_space<vmem>>
      %dma_start3A_510 = arith.constant 0 : i32
      %dma_start3A_511 = tpu.memref_slice %arg8[%dma_start3A_504, %dma_start3A_505, %dma_start3A_510] : memref<2x8x125xi32, #tpu.memory_space<vmem>> -> memref<1x1x125xi32, #tpu.memory_space<vmem>>
      %dma_start3A_512 = tpu.memref_squeeze %dma_start3A_511 : memref<1x1x125xi32, #tpu.memory_space<vmem>> -> memref<125xi32, #tpu.memory_space<vmem>>
      %dma_start3A_513 = arith.constant 0 : i32
      %dma_start3A_514 = arith.constant 0 : i32
      %dma_start3A_515 = tpu.memref_slice %arg10[%dma_start3A_513, %dma_start3A_514] : memref<10240x128xf32, #tpu.memory_space<vmem_shared>> -> memref<10240x128xf32, #tpu.memory_space<vmem_shared>>
      tpu.enqueue_indirect_dma source(%dma_start3A_509 : memref<125x128xf32, #tpu.memory_space<vmem>>) target(%dma_start3A_515 : memref<10240x128xf32, #tpu.memory_space<vmem_shared>>) offsets(%dma_start3A_512 : memref<125xi32, #tpu.memory_space<vmem>>) semaphore(%arg15 : memref<!tpu.dma_semaphore, #tpu.memory_space<semaphore_mem>>) {add = true}
      %lt3A_516 = arith.constant 78 : i32
      %lt3A_517 = arith.cmpi slt, %add3A_491, %lt3A_516 : i32
      %convert_element_type3A_518 = arith.extui %lt3A_517 : i1 to i32
      %cond3A_519 = arith.constant 0 : i32
      %cond3A_520 = arith.cmpi ne, %convert_element_type3A_518, %cond3A_519 : i32
      scf.if %cond3A_520 {
        %dma_wait3A_625 = arith.constant 0 : i32
        %dma_wait3A_626 = arith.constant 0 : i32
        %dma_wait3A_627 = arith.constant 0 : i32
        %dma_wait3A_628 = tpu.memref_slice %arg9[%dma_wait3A_625, %dma_wait3A_626, %dma_wait3A_627] : memref<2x125x128xf32, #tpu.memory_space<vmem>> -> memref<1x125x128xf32, #tpu.memory_space<vmem>>
        %dma_wait3A_629 = tpu.memref_squeeze %dma_wait3A_628 : memref<1x125x128xf32, #tpu.memory_space<vmem>> -> memref<125x128xf32, #tpu.memory_space<vmem>>
        %dma_wait3A_630 = arith.constant 0 : i32
        %dma_wait3A_631 = arith.constant 0 : i32
        %dma_wait3A_632 = tpu.memref_slice %arg10[%dma_wait3A_630, %dma_wait3A_631] : memref<10240x128xf32, #tpu.memory_space<vmem_shared>> -> memref<125x128xf32, #tpu.memory_space<vmem_shared>>
        %dma_wait3A_633 = arith.constant 0 : i32
        %dma_wait3A_634 = arith.constant 0 : i32
        %dma_wait3A_635 = tpu.memref_slice %arg10[%dma_wait3A_633, %dma_wait3A_634] : memref<10240x128xf32, #tpu.memory_space<vmem_shared>> -> memref<125x128xf32, #tpu.memory_space<vmem_shared>>
        %dma_wait3A_636 = arith.constant 0 : i32
        %dma_wait3A_637 = arith.constant 0 : i32
        %dma_wait3A_638 = tpu.memref_slice %arg9[%dma_wait3A_625, %dma_wait3A_636, %dma_wait3A_637] : memref<2x125x128xf32, #tpu.memory_space<vmem>> -> memref<1x125x128xf32, #tpu.memory_space<vmem>>
        %dma_wait3A_639 = tpu.memref_squeeze %dma_wait3A_638 : memref<1x125x128xf32, #tpu.memory_space<vmem>> -> memref<125x128xf32, #tpu.memory_space<vmem>>
        tpu.wait_dma2 semaphore(%arg15 : memref<!tpu.dma_semaphore, #tpu.memory_space<semaphore_mem>>) src(%dma_wait3A_639 : memref<125x128xf32, #tpu.memory_space<vmem>>) dst(%dma_wait3A_635 : memref<125x128xf32, #tpu.memory_space<vmem_shared>>)
        %add3A_640 = arith.constant 2 : i32
        %add3A_641 = arith.addi %add3A_491, %add3A_640 : i32
        %dma_start3A_642 = arith.constant 0 : i32
        %dma_start3A_643 = arith.constant 0 : i32
        %dma_start3A_644 = arith.constant 0 : i32
        %dma_start3A_645 = tpu.memref_slice %arg9[%dma_start3A_642, %dma_start3A_643, %dma_start3A_644] : memref<2x125x128xf32, #tpu.memory_space<vmem>> -> memref<1x125x128xf32, #tpu.memory_space<vmem>>
        %dma_start3A_646 = tpu.memref_squeeze %dma_start3A_645 : memref<1x125x128xf32, #tpu.memory_space<vmem>> -> memref<125x128xf32, #tpu.memory_space<vmem>>
        %dma_start3A_647 = arith.constant 0 : i32
        %dma_start3A_648 = tpu.memref_slice %arg7[%add3A_641, %dma_start3A_647] : memref<80x125xi32, #tpu.memory_space<vmem>> -> memref<1x125xi32, #tpu.memory_space<vmem>>
        %dma_start3A_649 = tpu.memref_squeeze %dma_start3A_648 : memref<1x125xi32, #tpu.memory_space<vmem>> -> memref<125xi32, #tpu.memory_space<vmem>>
        %dma_start3A_650 = arith.constant 0 : i32
        %dma_start3A_651 = arith.constant 0 : i32
        %dma_start3A_652 = tpu.memref_slice %arg2[%dma_start3A_650, %dma_start3A_651] : memref<10240x128xf32, #tpu.memory_space<hbm>> -> memref<10240x128xf32, #tpu.memory_space<hbm>>
        tpu.enqueue_indirect_dma source(%dma_start3A_652 : memref<10240x128xf32, #tpu.memory_space<hbm>>) target(%dma_start3A_646 : memref<125x128xf32, #tpu.memory_space<vmem>>) offsets(%dma_start3A_649 : memref<125xi32, #tpu.memory_space<vmem>>) semaphore(%arg11 : memref<!tpu.dma_semaphore, #tpu.memory_space<semaphore_mem>>)
      } else {
      }
      %mul3A_521 = arith.constant 8 : i32
      %mul3A_522 = arith.muli %add3A_350, %mul3A_521 : i32
      %add3A_523 = arith.constant 5 : i32
      %add3A_524 = arith.addi %mul3A_522, %add3A_523 : i32
      %dma_wait3A_525 = arith.constant 1 : i32
      %dma_wait3A_526 = arith.constant 0 : i32
      %dma_wait3A_527 = arith.constant 0 : i32
      %dma_wait3A_528 = tpu.memref_slice %arg9[%dma_wait3A_525, %dma_wait3A_526, %dma_wait3A_527] : memref<2x125x128xf32, #tpu.memory_space<vmem>> -> memref<1x125x128xf32, #tpu.memory_space<vmem>>
      %dma_wait3A_529 = tpu.memref_squeeze %dma_wait3A_528 : memref<1x125x128xf32, #tpu.memory_space<vmem>> -> memref<125x128xf32, #tpu.memory_space<vmem>>
      %dma_wait3A_530 = arith.constant 0 : i32
      %dma_wait3A_531 = tpu.memref_slice %arg7[%add3A_524, %dma_wait3A_530] : memref<80x125xi32, #tpu.memory_space<vmem>> -> memref<1x125xi32, #tpu.memory_space<vmem>>
      %dma_wait3A_532 = tpu.memref_squeeze %dma_wait3A_531 : memref<1x125xi32, #tpu.memory_space<vmem>> -> memref<125xi32, #tpu.memory_space<vmem>>
      %dma_wait3A_533 = arith.constant 0 : i32
      %dma_wait3A_534 = arith.constant 0 : i32
      %dma_wait3A_535 = tpu.memref_slice %arg2[%dma_wait3A_533, %dma_wait3A_534] : memref<10240x128xf32, #tpu.memory_space<hbm>> -> memref<10240x128xf32, #tpu.memory_space<hbm>>
      tpu.wait_indirect_dma semaphore(%arg12 : memref<!tpu.dma_semaphore, #tpu.memory_space<semaphore_mem>>) src(%dma_wait3A_535 : memref<10240x128xf32, #tpu.memory_space<hbm>>) dst(%dma_wait3A_529 : memref<125x128xf32, #tpu.memory_space<vmem>>)
      %dma_start3A_536 = arith.constant 1 : i32
      %dma_start3A_537 = arith.constant 1 : i32
      %dma_start3A_538 = arith.constant 5 : i32
      %dma_start3A_539 = arith.constant 0 : i32
      %dma_start3A_540 = arith.constant 0 : i32
      %dma_start3A_541 = tpu.memref_slice %arg9[%dma_start3A_536, %dma_start3A_539, %dma_start3A_540] : memref<2x125x128xf32, #tpu.memory_space<vmem>> -> memref<1x125x128xf32, #tpu.memory_space<vmem>>
      %dma_start3A_542 = tpu.memref_squeeze %dma_start3A_541 : memref<1x125x128xf32, #tpu.memory_space<vmem>> -> memref<125x128xf32, #tpu.memory_space<vmem>>
      %dma_start3A_543 = arith.constant 0 : i32
      %dma_start3A_544 = tpu.memref_slice %arg8[%dma_start3A_537, %dma_start3A_538, %dma_start3A_543] : memref<2x8x125xi32, #tpu.memory_space<vmem>> -> memref<1x1x125xi32, #tpu.memory_space<vmem>>
      %dma_start3A_545 = tpu.memref_squeeze %dma_start3A_544 : memref<1x1x125xi32, #tpu.memory_space<vmem>> -> memref<125xi32, #tpu.memory_space<vmem>>
      %dma_start3A_546 = arith.constant 0 : i32
      %dma_start3A_547 = arith.constant 0 : i32
      %dma_start3A_548 = tpu.memref_slice %arg10[%dma_start3A_546, %dma_start3A_547] : memref<10240x128xf32, #tpu.memory_space<vmem_shared>> -> memref<10240x128xf32, #tpu.memory_space<vmem_shared>>
      tpu.enqueue_indirect_dma source(%dma_start3A_542 : memref<125x128xf32, #tpu.memory_space<vmem>>) target(%dma_start3A_548 : memref<10240x128xf32, #tpu.memory_space<vmem_shared>>) offsets(%dma_start3A_545 : memref<125xi32, #tpu.memory_space<vmem>>) semaphore(%arg16 : memref<!tpu.dma_semaphore, #tpu.memory_space<semaphore_mem>>) {add = true}
      %lt3A_549 = arith.constant 78 : i32
      %lt3A_550 = arith.cmpi slt, %add3A_524, %lt3A_549 : i32
      %convert_element_type3A_551 = arith.extui %lt3A_550 : i1 to i32
      %cond3A_552 = arith.constant 0 : i32
      %cond3A_553 = arith.cmpi ne, %convert_element_type3A_551, %cond3A_552 : i32
      scf.if %cond3A_553 {
        %dma_wait3A_625 = arith.constant 1 : i32
        %dma_wait3A_626 = arith.constant 0 : i32
        %dma_wait3A_627 = arith.constant 0 : i32
        %dma_wait3A_628 = tpu.memref_slice %arg9[%dma_wait3A_625, %dma_wait3A_626, %dma_wait3A_627] : memref<2x125x128xf32, #tpu.memory_space<vmem>> -> memref<1x125x128xf32, #tpu.memory_space<vmem>>
        %dma_wait3A_629 = tpu.memref_squeeze %dma_wait3A_628 : memref<1x125x128xf32, #tpu.memory_space<vmem>> -> memref<125x128xf32, #tpu.memory_space<vmem>>
        %dma_wait3A_630 = arith.constant 0 : i32
        %dma_wait3A_631 = arith.constant 0 : i32
        %dma_wait3A_632 = tpu.memref_slice %arg10[%dma_wait3A_630, %dma_wait3A_631] : memref<10240x128xf32, #tpu.memory_space<vmem_shared>> -> memref<125x128xf32, #tpu.memory_space<vmem_shared>>
        %dma_wait3A_633 = arith.constant 0 : i32
        %dma_wait3A_634 = arith.constant 0 : i32
        %dma_wait3A_635 = tpu.memref_slice %arg10[%dma_wait3A_633, %dma_wait3A_634] : memref<10240x128xf32, #tpu.memory_space<vmem_shared>> -> memref<125x128xf32, #tpu.memory_space<vmem_shared>>
        %dma_wait3A_636 = arith.constant 0 : i32
        %dma_wait3A_637 = arith.constant 0 : i32
        %dma_wait3A_638 = tpu.memref_slice %arg9[%dma_wait3A_625, %dma_wait3A_636, %dma_wait3A_637] : memref<2x125x128xf32, #tpu.memory_space<vmem>> -> memref<1x125x128xf32, #tpu.memory_space<vmem>>
        %dma_wait3A_639 = tpu.memref_squeeze %dma_wait3A_638 : memref<1x125x128xf32, #tpu.memory_space<vmem>> -> memref<125x128xf32, #tpu.memory_space<vmem>>
        tpu.wait_dma2 semaphore(%arg16 : memref<!tpu.dma_semaphore, #tpu.memory_space<semaphore_mem>>) src(%dma_wait3A_639 : memref<125x128xf32, #tpu.memory_space<vmem>>) dst(%dma_wait3A_635 : memref<125x128xf32, #tpu.memory_space<vmem_shared>>)
        %add3A_640 = arith.constant 2 : i32
        %add3A_641 = arith.addi %add3A_524, %add3A_640 : i32
        %dma_start3A_642 = arith.constant 1 : i32
        %dma_start3A_643 = arith.constant 0 : i32
        %dma_start3A_644 = arith.constant 0 : i32
        %dma_start3A_645 = tpu.memref_slice %arg9[%dma_start3A_642, %dma_start3A_643, %dma_start3A_644] : memref<2x125x128xf32, #tpu.memory_space<vmem>> -> memref<1x125x128xf32, #tpu.memory_space<vmem>>
        %dma_start3A_646 = tpu.memref_squeeze %dma_start3A_645 : memref<1x125x128xf32, #tpu.memory_space<vmem>> -> memref<125x128xf32, #tpu.memory_space<vmem>>
        %dma_start3A_647 = arith.constant 0 : i32
        %dma_start3A_648 = tpu.memref_slice %arg7[%add3A_641, %dma_start3A_647] : memref<80x125xi32, #tpu.memory_space<vmem>> -> memref<1x125xi32, #tpu.memory_space<vmem>>
        %dma_start3A_649 = tpu.memref_squeeze %dma_start3A_648 : memref<1x125xi32, #tpu.memory_space<vmem>> -> memref<125xi32, #tpu.memory_space<vmem>>
        %dma_start3A_650 = arith.constant 0 : i32
        %dma_start3A_651 = arith.constant 0 : i32
        %dma_start3A_652 = tpu.memref_slice %arg2[%dma_start3A_650, %dma_start3A_651] : memref<10240x128xf32, #tpu.memory_space<hbm>> -> memref<10240x128xf32, #tpu.memory_space<hbm>>
        tpu.enqueue_indirect_dma source(%dma_start3A_652 : memref<10240x128xf32, #tpu.memory_space<hbm>>) target(%dma_start3A_646 : memref<125x128xf32, #tpu.memory_space<vmem>>) offsets(%dma_start3A_649 : memref<125xi32, #tpu.memory_space<vmem>>) semaphore(%arg12 : memref<!tpu.dma_semaphore, #tpu.memory_space<semaphore_mem>>)
      } else {
      }
      %mul3A_554 = arith.constant 8 : i32
      %mul3A_555 = arith.muli %add3A_350, %mul3A_554 : i32
      %add3A_556 = arith.constant 6 : i32
      %add3A_557 = arith.addi %mul3A_555, %add3A_556 : i32
      %dma_wait3A_558 = arith.constant 0 : i32
      %dma_wait3A_559 = arith.constant 0 : i32
      %dma_wait3A_560 = arith.constant 0 : i32
      %dma_wait3A_561 = tpu.memref_slice %arg9[%dma_wait3A_558, %dma_wait3A_559, %dma_wait3A_560] : memref<2x125x128xf32, #tpu.memory_space<vmem>> -> memref<1x125x128xf32, #tpu.memory_space<vmem>>
      %dma_wait3A_562 = tpu.memref_squeeze %dma_wait3A_561 : memref<1x125x128xf32, #tpu.memory_space<vmem>> -> memref<125x128xf32, #tpu.memory_space<vmem>>
      %dma_wait3A_563 = arith.constant 0 : i32
      %dma_wait3A_564 = tpu.memref_slice %arg7[%add3A_557, %dma_wait3A_563] : memref<80x125xi32, #tpu.memory_space<vmem>> -> memref<1x125xi32, #tpu.memory_space<vmem>>
      %dma_wait3A_565 = tpu.memref_squeeze %dma_wait3A_564 : memref<1x125xi32, #tpu.memory_space<vmem>> -> memref<125xi32, #tpu.memory_space<vmem>>
      %dma_wait3A_566 = arith.constant 0 : i32
      %dma_wait3A_567 = arith.constant 0 : i32
      %dma_wait3A_568 = tpu.memref_slice %arg2[%dma_wait3A_566, %dma_wait3A_567] : memref<10240x128xf32, #tpu.memory_space<hbm>> -> memref<10240x128xf32, #tpu.memory_space<hbm>>
      tpu.wait_indirect_dma semaphore(%arg11 : memref<!tpu.dma_semaphore, #tpu.memory_space<semaphore_mem>>) src(%dma_wait3A_568 : memref<10240x128xf32, #tpu.memory_space<hbm>>) dst(%dma_wait3A_562 : memref<125x128xf32, #tpu.memory_space<vmem>>)
      %dma_start3A_569 = arith.constant 0 : i32
      %dma_start3A_570 = arith.constant 1 : i32
      %dma_start3A_571 = arith.constant 6 : i32
      %dma_start3A_572 = arith.constant 0 : i32
      %dma_start3A_573 = arith.constant 0 : i32
      %dma_start3A_574 = tpu.memref_slice %arg9[%dma_start3A_569, %dma_start3A_572, %dma_start3A_573] : memref<2x125x128xf32, #tpu.memory_space<vmem>> -> memref<1x125x128xf32, #tpu.memory_space<vmem>>
      %dma_start3A_575 = tpu.memref_squeeze %dma_start3A_574 : memref<1x125x128xf32, #tpu.memory_space<vmem>> -> memref<125x128xf32, #tpu.memory_space<vmem>>
      %dma_start3A_576 = arith.constant 0 : i32
      %dma_start3A_577 = tpu.memref_slice %arg8[%dma_start3A_570, %dma_start3A_571, %dma_start3A_576] : memref<2x8x125xi32, #tpu.memory_space<vmem>> -> memref<1x1x125xi32, #tpu.memory_space<vmem>>
      %dma_start3A_578 = tpu.memref_squeeze %dma_start3A_577 : memref<1x1x125xi32, #tpu.memory_space<vmem>> -> memref<125xi32, #tpu.memory_space<vmem>>
      %dma_start3A_579 = arith.constant 0 : i32
      %dma_start3A_580 = arith.constant 0 : i32
      %dma_start3A_581 = tpu.memref_slice %arg10[%dma_start3A_579, %dma_start3A_580] : memref<10240x128xf32, #tpu.memory_space<vmem_shared>> -> memref<10240x128xf32, #tpu.memory_space<vmem_shared>>
      tpu.enqueue_indirect_dma source(%dma_start3A_575 : memref<125x128xf32, #tpu.memory_space<vmem>>) target(%dma_start3A_581 : memref<10240x128xf32, #tpu.memory_space<vmem_shared>>) offsets(%dma_start3A_578 : memref<125xi32, #tpu.memory_space<vmem>>) semaphore(%arg15 : memref<!tpu.dma_semaphore, #tpu.memory_space<semaphore_mem>>) {add = true}
      %lt3A_582 = arith.constant 78 : i32
      %lt3A_583 = arith.cmpi slt, %add3A_557, %lt3A_582 : i32
      %convert_element_type3A_584 = arith.extui %lt3A_583 : i1 to i32
      %cond3A_585 = arith.constant 0 : i32
      %cond3A_586 = arith.cmpi ne, %convert_element_type3A_584, %cond3A_585 : i32
      scf.if %cond3A_586 {
        %dma_wait3A_625 = arith.constant 0 : i32
        %dma_wait3A_626 = arith.constant 0 : i32
        %dma_wait3A_627 = arith.constant 0 : i32
        %dma_wait3A_628 = tpu.memref_slice %arg9[%dma_wait3A_625, %dma_wait3A_626, %dma_wait3A_627] : memref<2x125x128xf32, #tpu.memory_space<vmem>> -> memref<1x125x128xf32, #tpu.memory_space<vmem>>
        %dma_wait3A_629 = tpu.memref_squeeze %dma_wait3A_628 : memref<1x125x128xf32, #tpu.memory_space<vmem>> -> memref<125x128xf32, #tpu.memory_space<vmem>>
        %dma_wait3A_630 = arith.constant 0 : i32
        %dma_wait3A_631 = arith.constant 0 : i32
        %dma_wait3A_632 = tpu.memref_slice %arg10[%dma_wait3A_630, %dma_wait3A_631] : memref<10240x128xf32, #tpu.memory_space<vmem_shared>> -> memref<125x128xf32, #tpu.memory_space<vmem_shared>>
        %dma_wait3A_633 = arith.constant 0 : i32
        %dma_wait3A_634 = arith.constant 0 : i32
        %dma_wait3A_635 = tpu.memref_slice %arg10[%dma_wait3A_633, %dma_wait3A_634] : memref<10240x128xf32, #tpu.memory_space<vmem_shared>> -> memref<125x128xf32, #tpu.memory_space<vmem_shared>>
        %dma_wait3A_636 = arith.constant 0 : i32
        %dma_wait3A_637 = arith.constant 0 : i32
        %dma_wait3A_638 = tpu.memref_slice %arg9[%dma_wait3A_625, %dma_wait3A_636, %dma_wait3A_637] : memref<2x125x128xf32, #tpu.memory_space<vmem>> -> memref<1x125x128xf32, #tpu.memory_space<vmem>>
        %dma_wait3A_639 = tpu.memref_squeeze %dma_wait3A_638 : memref<1x125x128xf32, #tpu.memory_space<vmem>> -> memref<125x128xf32, #tpu.memory_space<vmem>>
        tpu.wait_dma2 semaphore(%arg15 : memref<!tpu.dma_semaphore, #tpu.memory_space<semaphore_mem>>) src(%dma_wait3A_639 : memref<125x128xf32, #tpu.memory_space<vmem>>) dst(%dma_wait3A_635 : memref<125x128xf32, #tpu.memory_space<vmem_shared>>)
        %add3A_640 = arith.constant 2 : i32
        %add3A_641 = arith.addi %add3A_557, %add3A_640 : i32
        %dma_start3A_642 = arith.constant 0 : i32
        %dma_start3A_643 = arith.constant 0 : i32
        %dma_start3A_644 = arith.constant 0 : i32
        %dma_start3A_645 = tpu.memref_slice %arg9[%dma_start3A_642, %dma_start3A_643, %dma_start3A_644] : memref<2x125x128xf32, #tpu.memory_space<vmem>> -> memref<1x125x128xf32, #tpu.memory_space<vmem>>
        %dma_start3A_646 = tpu.memref_squeeze %dma_start3A_645 : memref<1x125x128xf32, #tpu.memory_space<vmem>> -> memref<125x128xf32, #tpu.memory_space<vmem>>
        %dma_start3A_647 = arith.constant 0 : i32
        %dma_start3A_648 = tpu.memref_slice %arg7[%add3A_641, %dma_start3A_647] : memref<80x125xi32, #tpu.memory_space<vmem>> -> memref<1x125xi32, #tpu.memory_space<vmem>>
        %dma_start3A_649 = tpu.memref_squeeze %dma_start3A_648 : memref<1x125xi32, #tpu.memory_space<vmem>> -> memref<125xi32, #tpu.memory_space<vmem>>
        %dma_start3A_650 = arith.constant 0 : i32
        %dma_start3A_651 = arith.constant 0 : i32
        %dma_start3A_652 = tpu.memref_slice %arg2[%dma_start3A_650, %dma_start3A_651] : memref<10240x128xf32, #tpu.memory_space<hbm>> -> memref<10240x128xf32, #tpu.memory_space<hbm>>
        tpu.enqueue_indirect_dma source(%dma_start3A_652 : memref<10240x128xf32, #tpu.memory_space<hbm>>) target(%dma_start3A_646 : memref<125x128xf32, #tpu.memory_space<vmem>>) offsets(%dma_start3A_649 : memref<125xi32, #tpu.memory_space<vmem>>) semaphore(%arg11 : memref<!tpu.dma_semaphore, #tpu.memory_space<semaphore_mem>>)
      } else {
      }
      %mul3A_587 = arith.constant 8 : i32
      %mul3A_588 = arith.muli %add3A_350, %mul3A_587 : i32
      %add3A_589 = arith.constant 7 : i32
      %add3A_590 = arith.addi %mul3A_588, %add3A_589 : i32
      %dma_wait3A_591 = arith.constant 1 : i32
      %dma_wait3A_592 = arith.constant 0 : i32
      %dma_wait3A_593 = arith.constant 0 : i32
      %dma_wait3A_594 = tpu.memref_slice %arg9[%dma_wait3A_591, %dma_wait3A_592, %dma_wait3A_593] : memref<2x125x128xf32, #tpu.memory_space<vmem>> -> memref<1x125x128xf32, #tpu.memory_space<vmem>>
      %dma_wait3A_595 = tpu.memref_squeeze %dma_wait3A_594 : memref<1x125x128xf32, #tpu.memory_space<vmem>> -> memref<125x128xf32, #tpu.memory_space<vmem>>
      %dma_wait3A_596 = arith.constant 0 : i32
      %dma_wait3A_597 = tpu.memref_slice %arg7[%add3A_590, %dma_wait3A_596] : memref<80x125xi32, #tpu.memory_space<vmem>> -> memref<1x125xi32, #tpu.memory_space<vmem>>
      %dma_wait3A_598 = tpu.memref_squeeze %dma_wait3A_597 : memref<1x125xi32, #tpu.memory_space<vmem>> -> memref<125xi32, #tpu.memory_space<vmem>>
      %dma_wait3A_599 = arith.constant 0 : i32
      %dma_wait3A_600 = arith.constant 0 : i32
      %dma_wait3A_601 = tpu.memref_slice %arg2[%dma_wait3A_599, %dma_wait3A_600] : memref<10240x128xf32, #tpu.memory_space<hbm>> -> memref<10240x128xf32, #tpu.memory_space<hbm>>
      tpu.wait_indirect_dma semaphore(%arg12 : memref<!tpu.dma_semaphore, #tpu.memory_space<semaphore_mem>>) src(%dma_wait3A_601 : memref<10240x128xf32, #tpu.memory_space<hbm>>) dst(%dma_wait3A_595 : memref<125x128xf32, #tpu.memory_space<vmem>>)
      %dma_start3A_602 = arith.constant 1 : i32
      %dma_start3A_603 = arith.constant 1 : i32
      %dma_start3A_604 = arith.constant 7 : i32
      %dma_start3A_605 = arith.constant 0 : i32
      %dma_start3A_606 = arith.constant 0 : i32
      %dma_start3A_607 = tpu.memref_slice %arg9[%dma_start3A_602, %dma_start3A_605, %dma_start3A_606] : memref<2x125x128xf32, #tpu.memory_space<vmem>> -> memref<1x125x128xf32, #tpu.memory_space<vmem>>
      %dma_start3A_608 = tpu.memref_squeeze %dma_start3A_607 : memref<1x125x128xf32, #tpu.memory_space<vmem>> -> memref<125x128xf32, #tpu.memory_space<vmem>>
      %dma_start3A_609 = arith.constant 0 : i32
      %dma_start3A_610 = tpu.memref_slice %arg8[%dma_start3A_603, %dma_start3A_604, %dma_start3A_609] : memref<2x8x125xi32, #tpu.memory_space<vmem>> -> memref<1x1x125xi32, #tpu.memory_space<vmem>>
      %dma_start3A_611 = tpu.memref_squeeze %dma_start3A_610 : memref<1x1x125xi32, #tpu.memory_space<vmem>> -> memref<125xi32, #tpu.memory_space<vmem>>
      %dma_start3A_612 = arith.constant 0 : i32
      %dma_start3A_613 = arith.constant 0 : i32
      %dma_start3A_614 = tpu.memref_slice %arg10[%dma_start3A_612, %dma_start3A_613] : memref<10240x128xf32, #tpu.memory_space<vmem_shared>> -> memref<10240x128xf32, #tpu.memory_space<vmem_shared>>
      tpu.enqueue_indirect_dma source(%dma_start3A_608 : memref<125x128xf32, #tpu.memory_space<vmem>>) target(%dma_start3A_614 : memref<10240x128xf32, #tpu.memory_space<vmem_shared>>) offsets(%dma_start3A_611 : memref<125xi32, #tpu.memory_space<vmem>>) semaphore(%arg16 : memref<!tpu.dma_semaphore, #tpu.memory_space<semaphore_mem>>) {add = true}
      %lt3A_615 = arith.constant 78 : i32
      %lt3A_616 = arith.cmpi slt, %add3A_590, %lt3A_615 : i32
      %convert_element_type3A_617 = arith.extui %lt3A_616 : i1 to i32
      %cond3A_618 = arith.constant 0 : i32
      %cond3A_619 = arith.cmpi ne, %convert_element_type3A_617, %cond3A_618 : i32
      scf.if %cond3A_619 {
        %dma_wait3A_625 = arith.constant 1 : i32
        %dma_wait3A_626 = arith.constant 0 : i32
        %dma_wait3A_627 = arith.constant 0 : i32
        %dma_wait3A_628 = tpu.memref_slice %arg9[%dma_wait3A_625, %dma_wait3A_626, %dma_wait3A_627] : memref<2x125x128xf32, #tpu.memory_space<vmem>> -> memref<1x125x128xf32, #tpu.memory_space<vmem>>
        %dma_wait3A_629 = tpu.memref_squeeze %dma_wait3A_628 : memref<1x125x128xf32, #tpu.memory_space<vmem>> -> memref<125x128xf32, #tpu.memory_space<vmem>>
        %dma_wait3A_630 = arith.constant 0 : i32
        %dma_wait3A_631 = arith.constant 0 : i32
        %dma_wait3A_632 = tpu.memref_slice %arg10[%dma_wait3A_630, %dma_wait3A_631] : memref<10240x128xf32, #tpu.memory_space<vmem_shared>> -> memref<125x128xf32, #tpu.memory_space<vmem_shared>>
        %dma_wait3A_633 = arith.constant 0 : i32
        %dma_wait3A_634 = arith.constant 0 : i32
        %dma_wait3A_635 = tpu.memref_slice %arg10[%dma_wait3A_633, %dma_wait3A_634] : memref<10240x128xf32, #tpu.memory_space<vmem_shared>> -> memref<125x128xf32, #tpu.memory_space<vmem_shared>>
        %dma_wait3A_636 = arith.constant 0 : i32
        %dma_wait3A_637 = arith.constant 0 : i32
        %dma_wait3A_638 = tpu.memref_slice %arg9[%dma_wait3A_625, %dma_wait3A_636, %dma_wait3A_637] : memref<2x125x128xf32, #tpu.memory_space<vmem>> -> memref<1x125x128xf32, #tpu.memory_space<vmem>>
        %dma_wait3A_639 = tpu.memref_squeeze %dma_wait3A_638 : memref<1x125x128xf32, #tpu.memory_space<vmem>> -> memref<125x128xf32, #tpu.memory_space<vmem>>
        tpu.wait_dma2 semaphore(%arg16 : memref<!tpu.dma_semaphore, #tpu.memory_space<semaphore_mem>>) src(%dma_wait3A_639 : memref<125x128xf32, #tpu.memory_space<vmem>>) dst(%dma_wait3A_635 : memref<125x128xf32, #tpu.memory_space<vmem_shared>>)
        %add3A_640 = arith.constant 2 : i32
        %add3A_641 = arith.addi %add3A_590, %add3A_640 : i32
        %dma_start3A_642 = arith.constant 1 : i32
        %dma_start3A_643 = arith.constant 0 : i32
        %dma_start3A_644 = arith.constant 0 : i32
        %dma_start3A_645 = tpu.memref_slice %arg9[%dma_start3A_642, %dma_start3A_643, %dma_start3A_644] : memref<2x125x128xf32, #tpu.memory_space<vmem>> -> memref<1x125x128xf32, #tpu.memory_space<vmem>>
        %dma_start3A_646 = tpu.memref_squeeze %dma_start3A_645 : memref<1x125x128xf32, #tpu.memory_space<vmem>> -> memref<125x128xf32, #tpu.memory_space<vmem>>
        %dma_start3A_647 = arith.constant 0 : i32
        %dma_start3A_648 = tpu.memref_slice %arg7[%add3A_641, %dma_start3A_647] : memref<80x125xi32, #tpu.memory_space<vmem>> -> memref<1x125xi32, #tpu.memory_space<vmem>>
        %dma_start3A_649 = tpu.memref_squeeze %dma_start3A_648 : memref<1x125xi32, #tpu.memory_space<vmem>> -> memref<125xi32, #tpu.memory_space<vmem>>
        %dma_start3A_650 = arith.constant 0 : i32
        %dma_start3A_651 = arith.constant 0 : i32
        %dma_start3A_652 = tpu.memref_slice %arg2[%dma_start3A_650, %dma_start3A_651] : memref<10240x128xf32, #tpu.memory_space<hbm>> -> memref<10240x128xf32, #tpu.memory_space<hbm>>
        tpu.enqueue_indirect_dma source(%dma_start3A_652 : memref<10240x128xf32, #tpu.memory_space<hbm>>) target(%dma_start3A_646 : memref<125x128xf32, #tpu.memory_space<vmem>>) offsets(%dma_start3A_649 : memref<125xi32, #tpu.memory_space<vmem>>) semaphore(%arg12 : memref<!tpu.dma_semaphore, #tpu.memory_space<semaphore_mem>>)
      } else {
      }
      %lt3A_620 = arith.constant 9 : i32
      %lt3A_621 = arith.cmpi slt, %add3A_350, %lt3A_620 : i32
      %convert_element_type3A_622 = arith.extui %lt3A_621 : i1 to i32
      %cond3A_623 = arith.constant 0 : i32
      %cond3A_624 = arith.cmpi ne, %convert_element_type3A_622, %cond3A_623 : i32
      scf.if %cond3A_624 {
        %dma_wait3A_625 = arith.constant 0 : i32
        %dma_wait3A_626 = arith.constant 0 : i32
        %dma_wait3A_627 = arith.constant 0 : i32
        %dma_wait3A_628 = arith.constant 0 : i32
        %dma_wait3A_629 = tpu.memref_slice %arg8[%dma_wait3A_626, %dma_wait3A_627, %dma_wait3A_628] : memref<2x8x125xi32, #tpu.memory_space<vmem>> -> memref<1x8x125xi32, #tpu.memory_space<vmem>>
        %dma_wait3A_630 = tpu.memref_squeeze %dma_wait3A_629 : memref<1x8x125xi32, #tpu.memory_space<vmem>> -> memref<8x125xi32, #tpu.memory_space<vmem>>
        %dma_wait3A_631 = arith.constant 0 : i32
        %dma_wait3A_632 = arith.constant 0 : i32
        %dma_wait3A_633 = tpu.memref_slice %arg4[%add3A, %dma_wait3A_625, %dma_wait3A_631, %dma_wait3A_632] : memref<32x10x8x125xi32, #tpu.memory_space<hbm>> -> memref<1x1x8x125xi32, #tpu.memory_space<hbm>>
        %dma_wait3A_634 = tpu.memref_squeeze %dma_wait3A_633 : memref<1x1x8x125xi32, #tpu.memory_space<hbm>> -> memref<8x125xi32, #tpu.memory_space<hbm>>
        %dma_wait3A_635 = arith.constant 0 : i32
        %dma_wait3A_636 = arith.constant 0 : i32
        %dma_wait3A_637 = tpu.memref_slice %arg8[%dma_wait3A_626, %dma_wait3A_635, %dma_wait3A_636] : memref<2x8x125xi32, #tpu.memory_space<vmem>> -> memref<1x8x125xi32, #tpu.memory_space<vmem>>
        %dma_wait3A_638 = tpu.memref_squeeze %dma_wait3A_637 : memref<1x8x125xi32, #tpu.memory_space<vmem>> -> memref<8x125xi32, #tpu.memory_space<vmem>>
        %dma_wait3A_639 = arith.constant 0 : i32
        %dma_wait3A_640 = arith.constant 0 : i32
        %dma_wait3A_641 = tpu.memref_slice %arg4[%add3A, %dma_wait3A_625, %dma_wait3A_639, %dma_wait3A_640] : memref<32x10x8x125xi32, #tpu.memory_space<hbm>> -> memref<1x1x8x125xi32, #tpu.memory_space<hbm>>
        %dma_wait3A_642 = tpu.memref_squeeze %dma_wait3A_641 : memref<1x1x8x125xi32, #tpu.memory_space<hbm>> -> memref<8x125xi32, #tpu.memory_space<hbm>>
        tpu.wait_dma2 semaphore(%arg19 : memref<!tpu.dma_semaphore, #tpu.memory_space<semaphore_mem>>) src(%dma_wait3A_642 : memref<8x125xi32, #tpu.memory_space<hbm>>) dst(%dma_wait3A_638 : memref<8x125xi32, #tpu.memory_space<vmem>>)
      } else {
      }
    }
    %scan3A_34 = arith.constant 5 : i32
    %dma_wait3A = arith.constant 0 : i32
    %dma_wait3A_35 = arith.constant 0 : i32
    %dma_wait3A_36 = arith.constant 0 : i32
    %dma_wait3A_37 = tpu.memref_slice %arg9[%dma_wait3A, %dma_wait3A_35, %dma_wait3A_36] : memref<2x125x128xf32, #tpu.memory_space<vmem>> -> memref<1x125x128xf32, #tpu.memory_space<vmem>>
    %dma_wait3A_38 = tpu.memref_squeeze %dma_wait3A_37 : memref<1x125x128xf32, #tpu.memory_space<vmem>> -> memref<125x128xf32, #tpu.memory_space<vmem>>
    %dma_wait3A_39 = arith.constant 0 : i32
    %dma_wait3A_40 = arith.constant 0 : i32
    %dma_wait3A_41 = tpu.memref_slice %arg10[%dma_wait3A_39, %dma_wait3A_40] : memref<10240x128xf32, #tpu.memory_space<vmem_shared>> -> memref<125x128xf32, #tpu.memory_space<vmem_shared>>
    %dma_wait3A_42 = arith.constant 0 : i32
    %dma_wait3A_43 = arith.constant 0 : i32
    %dma_wait3A_44 = tpu.memref_slice %arg10[%dma_wait3A_42, %dma_wait3A_43] : memref<10240x128xf32, #tpu.memory_space<vmem_shared>> -> memref<125x128xf32, #tpu.memory_space<vmem_shared>>
    %dma_wait3A_45 = arith.constant 0 : i32
    %dma_wait3A_46 = arith.constant 0 : i32
    %dma_wait3A_47 = tpu.memref_slice %arg9[%dma_wait3A, %dma_wait3A_45, %dma_wait3A_46] : memref<2x125x128xf32, #tpu.memory_space<vmem>> -> memref<1x125x128xf32, #tpu.memory_space<vmem>>
    %dma_wait3A_48 = tpu.memref_squeeze %dma_wait3A_47 : memref<1x125x128xf32, #tpu.memory_space<vmem>> -> memref<125x128xf32, #tpu.memory_space<vmem>>
    tpu.wait_dma2 semaphore(%arg15 : memref<!tpu.dma_semaphore, #tpu.memory_space<semaphore_mem>>) src(%dma_wait3A_48 : memref<125x128xf32, #tpu.memory_space<vmem>>) dst(%dma_wait3A_44 : memref<125x128xf32, #tpu.memory_space<vmem_shared>>)
    %dma_wait3A_49 = arith.constant 1 : i32
    %dma_wait3A_50 = arith.constant 0 : i32
    %dma_wait3A_51 = arith.constant 0 : i32
    %dma_wait3A_52 = tpu.memref_slice %arg9[%dma_wait3A_49, %dma_wait3A_50, %dma_wait3A_51] : memref<2x125x128xf32, #tpu.memory_space<vmem>> -> memref<1x125x128xf32, #tpu.memory_space<vmem>>
    %dma_wait3A_53 = tpu.memref_squeeze %dma_wait3A_52 : memref<1x125x128xf32, #tpu.memory_space<vmem>> -> memref<125x128xf32, #tpu.memory_space<vmem>>
    %dma_wait3A_54 = arith.constant 0 : i32
    %dma_wait3A_55 = arith.constant 0 : i32
    %dma_wait3A_56 = tpu.memref_slice %arg10[%dma_wait3A_54, %dma_wait3A_55] : memref<10240x128xf32, #tpu.memory_space<vmem_shared>> -> memref<125x128xf32, #tpu.memory_space<vmem_shared>>
    %dma_wait3A_57 = arith.constant 0 : i32
    %dma_wait3A_58 = arith.constant 0 : i32
    %dma_wait3A_59 = tpu.memref_slice %arg10[%dma_wait3A_57, %dma_wait3A_58] : memref<10240x128xf32, #tpu.memory_space<vmem_shared>> -> memref<125x128xf32, #tpu.memory_space<vmem_shared>>
    %dma_wait3A_60 = arith.constant 0 : i32
    %dma_wait3A_61 = arith.constant 0 : i32
    %dma_wait3A_62 = tpu.memref_slice %arg9[%dma_wait3A_49, %dma_wait3A_60, %dma_wait3A_61] : memref<2x125x128xf32, #tpu.memory_space<vmem>> -> memref<1x125x128xf32, #tpu.memory_space<vmem>>
    %dma_wait3A_63 = tpu.memref_squeeze %dma_wait3A_62 : memref<1x125x128xf32, #tpu.memory_space<vmem>> -> memref<125x128xf32, #tpu.memory_space<vmem>>
    tpu.wait_dma2 semaphore(%arg16 : memref<!tpu.dma_semaphore, #tpu.memory_space<semaphore_mem>>) src(%dma_wait3A_63 : memref<125x128xf32, #tpu.memory_space<vmem>>) dst(%dma_wait3A_59 : memref<125x128xf32, #tpu.memory_space<vmem_shared>>)
    %barrier3A_64 = arith.constant 0 : index
    tpu.barrier barrier_id(%barrier3A_64)
    %mul3A_65 = arith.constant 640 : i32
    %mul3A_66 = arith.muli %arg1, %mul3A_65 : i32
    %mul3A_67 = arith.constant 640 : i32
    %mul3A_68 = arith.muli %arg1, %mul3A_67 : i32
    "tpu.region"() ({
      %run_scoped3A_69 = tpu.sem_alloc : memref<!tpu.dma_semaphore, #tpu.memory_space<semaphore_mem>>
      %dma_start3A_70 = arith.constant 0 : i32
      %dma_start3A_71 = tpu.memref_slice %arg6[%arg0, %mul3A_68, %dma_start3A_70] : memref<2x10240x128xf32, #tpu.memory_space<hbm>> -> memref<1x640x128xf32, #tpu.memory_space<hbm>>
      %dma_start3A_72 = tpu.memref_squeeze %dma_start3A_71 : memref<1x640x128xf32, #tpu.memory_space<hbm>> -> memref<640x128xf32, #tpu.memory_space<hbm>>
      %dma_start3A_73 = arith.constant 0 : i32
      %dma_start3A_74 = tpu.memref_slice %arg10[%mul3A_66, %dma_start3A_73] : memref<10240x128xf32, #tpu.memory_space<vmem_shared>> -> memref<640x128xf32, #tpu.memory_space<vmem_shared>>
      tpu.enqueue_dma source(%dma_start3A_74 : memref<640x128xf32, #tpu.memory_space<vmem_shared>>) target(%dma_start3A_72 : memref<640x128xf32, #tpu.memory_space<hbm>>) target_semaphore(%run_scoped3A_69 : memref<!tpu.dma_semaphore, #tpu.memory_space<semaphore_mem>>)
      %dma_wait3A_75 = arith.constant 0 : i32
      %dma_wait3A_76 = tpu.memref_slice %arg6[%arg0, %mul3A_68, %dma_wait3A_75] : memref<2x10240x128xf32, #tpu.memory_space<hbm>> -> memref<1x640x128xf32, #tpu.memory_space<hbm>>
      %dma_wait3A_77 = tpu.memref_squeeze %dma_wait3A_76 : memref<1x640x128xf32, #tpu.memory_space<hbm>> -> memref<640x128xf32, #tpu.memory_space<hbm>>
      %dma_wait3A_78 = arith.constant 0 : i32
      %dma_wait3A_79 = tpu.memref_slice %arg10[%mul3A_66, %dma_wait3A_78] : memref<10240x128xf32, #tpu.memory_space<vmem_shared>> -> memref<640x128xf32, #tpu.memory_space<vmem_shared>>
      tpu.wait_dma2 semaphore(%run_scoped3A_69 : memref<!tpu.dma_semaphore, #tpu.memory_space<semaphore_mem>>) src(%dma_wait3A_79 : memref<640x128xf32, #tpu.memory_space<vmem_shared>>) dst(%dma_wait3A_77 : memref<640x128xf32, #tpu.memory_space<hbm>>)
      tpu.yield
    }) : () -> ()
    return
  }
}

#map = affine_map<(d0, d1) -> (0, 0, 0)>
#map1 = affine_map<(d0, d1) -> (0, 0)>
module attributes {stable_mosaic.version = 14 : i64} {
  func.func @_sc_deg(%arg0: i32, %arg1: i32, %arg2: memref<32x80x125xi32, #tpu.memory_space<hbm>>, %arg3: memref<125x128xf32, #tpu.memory_space<hbm>>, %arg4: memref<10240x128xf32, #tpu.memory_space<hbm>>, %arg5: memref<2x10240x128xf32, #tpu.memory_space<hbm>>, %arg6: memref<80x125xi32, #tpu.memory_space<vmem>>, %arg7: memref<125x128xf32, #tpu.memory_space<vmem>>, %arg8: memref<10240x128xf32, #tpu.memory_space<vmem_shared>>, %arg9: memref<!tpu.dma_semaphore, #tpu.memory_space<semaphore_mem>>) attributes {dimension_semantics = [#tpu.dimension_semantics<core_parallel>, #tpu.dimension_semantics<subcore_parallel>], iteration_bounds = array<i64: 2, 16>, scalar_prefetch = 0 : i64, scratch_operands = 4 : i64, tpu.core_type = #tpu.core_type<sc_vector_subcore>, window_params = [{transform_indices = #map}, {transform_indices = #map1}, {transform_indices = #map1}, {transform_indices = #map}]} {
    %mul3A = arith.constant 16 : i32
    %mul3A_0 = arith.muli %arg0, %mul3A : i32
    %add3A = arith.addi %mul3A_0, %arg1 : i32
    %mul3A_1 = arith.constant 640 : i32
    %mul3A_2 = arith.muli %arg1, %mul3A_1 : i32
    %mul3A_3 = arith.constant 640 : i32
    %mul3A_4 = arith.muli %arg1, %mul3A_3 : i32
    "tpu.region"() ({
      %run_scoped3A = tpu.sem_alloc : memref<!tpu.dma_semaphore, #tpu.memory_space<semaphore_mem>>
      %dma_start3A = arith.constant 0 : i32
      %dma_start3A_14 = tpu.memref_slice %arg8[%mul3A_4, %dma_start3A] : memref<10240x128xf32, #tpu.memory_space<vmem_shared>> -> memref<640x128xf32, #tpu.memory_space<vmem_shared>>
      %dma_start3A_15 = arith.constant 0 : i32
      %dma_start3A_16 = tpu.memref_slice %arg4[%mul3A_2, %dma_start3A_15] : memref<10240x128xf32, #tpu.memory_space<hbm>> -> memref<640x128xf32, #tpu.memory_space<hbm>>
      tpu.enqueue_dma source(%dma_start3A_16 : memref<640x128xf32, #tpu.memory_space<hbm>>) target(%dma_start3A_14 : memref<640x128xf32, #tpu.memory_space<vmem_shared>>) target_semaphore(%run_scoped3A : memref<!tpu.dma_semaphore, #tpu.memory_space<semaphore_mem>>)
      %dma_wait3A = arith.constant 0 : i32
      %dma_wait3A_17 = tpu.memref_slice %arg8[%mul3A_4, %dma_wait3A] : memref<10240x128xf32, #tpu.memory_space<vmem_shared>> -> memref<640x128xf32, #tpu.memory_space<vmem_shared>>
      %dma_wait3A_18 = arith.constant 0 : i32
      %dma_wait3A_19 = tpu.memref_slice %arg4[%mul3A_2, %dma_wait3A_18] : memref<10240x128xf32, #tpu.memory_space<hbm>> -> memref<640x128xf32, #tpu.memory_space<hbm>>
      tpu.wait_dma2 semaphore(%run_scoped3A : memref<!tpu.dma_semaphore, #tpu.memory_space<semaphore_mem>>) src(%dma_wait3A_19 : memref<640x128xf32, #tpu.memory_space<hbm>>) dst(%dma_wait3A_17 : memref<640x128xf32, #tpu.memory_space<vmem_shared>>)
      tpu.yield
    }) : () -> ()
    "tpu.region"() ({
      %run_scoped3A = tpu.sem_alloc : memref<!tpu.dma_semaphore, #tpu.memory_space<semaphore_mem>>
      %dma_start3A = arith.constant 0 : i32
      %dma_start3A_14 = arith.constant 0 : i32
      %dma_start3A_15 = tpu.memref_slice %arg2[%add3A, %dma_start3A, %dma_start3A_14] : memref<32x80x125xi32, #tpu.memory_space<hbm>> -> memref<1x80x125xi32, #tpu.memory_space<hbm>>
      %dma_start3A_16 = tpu.memref_squeeze %dma_start3A_15 : memref<1x80x125xi32, #tpu.memory_space<hbm>> -> memref<80x125xi32, #tpu.memory_space<hbm>>
      %dma_start3A_17 = arith.constant 0 : i32
      %dma_start3A_18 = arith.constant 0 : i32
      %dma_start3A_19 = tpu.memref_slice %arg2[%add3A, %dma_start3A_17, %dma_start3A_18] : memref<32x80x125xi32, #tpu.memory_space<hbm>> -> memref<1x80x125xi32, #tpu.memory_space<hbm>>
      %dma_start3A_20 = tpu.memref_squeeze %dma_start3A_19 : memref<1x80x125xi32, #tpu.memory_space<hbm>> -> memref<80x125xi32, #tpu.memory_space<hbm>>
      tpu.enqueue_dma source(%dma_start3A_20 : memref<80x125xi32, #tpu.memory_space<hbm>>) target(%arg6 : memref<80x125xi32, #tpu.memory_space<vmem>>) target_semaphore(%run_scoped3A : memref<!tpu.dma_semaphore, #tpu.memory_space<semaphore_mem>>)
      %dma_wait3A = arith.constant 0 : i32
      %dma_wait3A_21 = arith.constant 0 : i32
      %dma_wait3A_22 = tpu.memref_slice %arg2[%add3A, %dma_wait3A, %dma_wait3A_21] : memref<32x80x125xi32, #tpu.memory_space<hbm>> -> memref<1x80x125xi32, #tpu.memory_space<hbm>>
      %dma_wait3A_23 = tpu.memref_squeeze %dma_wait3A_22 : memref<1x80x125xi32, #tpu.memory_space<hbm>> -> memref<80x125xi32, #tpu.memory_space<hbm>>
      %dma_wait3A_24 = arith.constant 0 : i32
      %dma_wait3A_25 = arith.constant 0 : i32
      %dma_wait3A_26 = tpu.memref_slice %arg2[%add3A, %dma_wait3A_24, %dma_wait3A_25] : memref<32x80x125xi32, #tpu.memory_space<hbm>> -> memref<1x80x125xi32, #tpu.memory_space<hbm>>
      %dma_wait3A_27 = tpu.memref_squeeze %dma_wait3A_26 : memref<1x80x125xi32, #tpu.memory_space<hbm>> -> memref<80x125xi32, #tpu.memory_space<hbm>>
      tpu.wait_dma2 semaphore(%run_scoped3A : memref<!tpu.dma_semaphore, #tpu.memory_space<semaphore_mem>>) src(%dma_wait3A_27 : memref<80x125xi32, #tpu.memory_space<hbm>>) dst(%arg6 : memref<80x125xi32, #tpu.memory_space<vmem>>)
      tpu.yield
    }) : () -> ()
    "tpu.region"() ({
      %run_scoped3A = tpu.sem_alloc : memref<!tpu.dma_semaphore, #tpu.memory_space<semaphore_mem>>
      tpu.enqueue_dma source(%arg3 : memref<125x128xf32, #tpu.memory_space<hbm>>) target(%arg7 : memref<125x128xf32, #tpu.memory_space<vmem>>) target_semaphore(%run_scoped3A : memref<!tpu.dma_semaphore, #tpu.memory_space<semaphore_mem>>)
      tpu.wait_dma2 semaphore(%run_scoped3A : memref<!tpu.dma_semaphore, #tpu.memory_space<semaphore_mem>>) src(%arg3 : memref<125x128xf32, #tpu.memory_space<hbm>>) dst(%arg7 : memref<125x128xf32, #tpu.memory_space<vmem>>)
      tpu.yield
    }) : () -> ()
    %barrier3A = arith.constant 0 : index
    tpu.barrier barrier_id(%barrier3A)
    %scan3A = arith.constant 0 : i32
    %scan3A_5 = arith.constant 10 : i32
    %scan3A_6 = arith.addi %scan3A, %scan3A_5 : i32
    %scan3A_7 = arith.constant 1 : i32
    scf.for %scan3A_14 = %scan3A to %scan3A_6 step %scan3A_7  : i32 {
      %mul3A_15 = arith.constant 8 : i32
      %mul3A_16 = arith.muli %scan3A_14, %mul3A_15 : i32
      %add3A_17 = arith.constant 0 : i32
      %add3A_18 = arith.addi %add3A_17, %mul3A_16 : i32
      %add3A_19 = arith.constant 0 : i32
      %add3A_20 = arith.addi %add3A_18, %add3A_19 : i32
      %dma_start3A = arith.constant 0 : i32
      %dma_start3A_21 = tpu.memref_slice %arg6[%add3A_20, %dma_start3A] : memref<80x125xi32, #tpu.memory_space<vmem>> -> memref<1x125xi32, #tpu.memory_space<vmem>>
      %dma_start3A_22 = tpu.memref_squeeze %dma_start3A_21 : memref<1x125xi32, #tpu.memory_space<vmem>> -> memref<125xi32, #tpu.memory_space<vmem>>
      %dma_start3A_23 = arith.constant 0 : i32
      %dma_start3A_24 = arith.constant 0 : i32
      %dma_start3A_25 = tpu.memref_slice %arg8[%dma_start3A_23, %dma_start3A_24] : memref<10240x128xf32, #tpu.memory_space<vmem_shared>> -> memref<10240x128xf32, #tpu.memory_space<vmem_shared>>
      tpu.enqueue_indirect_dma source(%arg7 : memref<125x128xf32, #tpu.memory_space<vmem>>) target(%dma_start3A_25 : memref<10240x128xf32, #tpu.memory_space<vmem_shared>>) offsets(%dma_start3A_22 : memref<125xi32, #tpu.memory_space<vmem>>) semaphore(%arg9 : memref<!tpu.dma_semaphore, #tpu.memory_space<semaphore_mem>>) {add = true}
      %add3A_26 = arith.constant 1 : i32
      %add3A_27 = arith.addi %add3A_18, %add3A_26 : i32
      %dma_start3A_28 = arith.constant 0 : i32
      %dma_start3A_29 = tpu.memref_slice %arg6[%add3A_27, %dma_start3A_28] : memref<80x125xi32, #tpu.memory_space<vmem>> -> memref<1x125xi32, #tpu.memory_space<vmem>>
      %dma_start3A_30 = tpu.memref_squeeze %dma_start3A_29 : memref<1x125xi32, #tpu.memory_space<vmem>> -> memref<125xi32, #tpu.memory_space<vmem>>
      %dma_start3A_31 = arith.constant 0 : i32
      %dma_start3A_32 = arith.constant 0 : i32
      %dma_start3A_33 = tpu.memref_slice %arg8[%dma_start3A_31, %dma_start3A_32] : memref<10240x128xf32, #tpu.memory_space<vmem_shared>> -> memref<10240x128xf32, #tpu.memory_space<vmem_shared>>
      tpu.enqueue_indirect_dma source(%arg7 : memref<125x128xf32, #tpu.memory_space<vmem>>) target(%dma_start3A_33 : memref<10240x128xf32, #tpu.memory_space<vmem_shared>>) offsets(%dma_start3A_30 : memref<125xi32, #tpu.memory_space<vmem>>) semaphore(%arg9 : memref<!tpu.dma_semaphore, #tpu.memory_space<semaphore_mem>>) {add = true}
      %add3A_34 = arith.constant 2 : i32
      %add3A_35 = arith.addi %add3A_18, %add3A_34 : i32
      %dma_start3A_36 = arith.constant 0 : i32
      %dma_start3A_37 = tpu.memref_slice %arg6[%add3A_35, %dma_start3A_36] : memref<80x125xi32, #tpu.memory_space<vmem>> -> memref<1x125xi32, #tpu.memory_space<vmem>>
      %dma_start3A_38 = tpu.memref_squeeze %dma_start3A_37 : memref<1x125xi32, #tpu.memory_space<vmem>> -> memref<125xi32, #tpu.memory_space<vmem>>
      %dma_start3A_39 = arith.constant 0 : i32
      %dma_start3A_40 = arith.constant 0 : i32
      %dma_start3A_41 = tpu.memref_slice %arg8[%dma_start3A_39, %dma_start3A_40] : memref<10240x128xf32, #tpu.memory_space<vmem_shared>> -> memref<10240x128xf32, #tpu.memory_space<vmem_shared>>
      tpu.enqueue_indirect_dma source(%arg7 : memref<125x128xf32, #tpu.memory_space<vmem>>) target(%dma_start3A_41 : memref<10240x128xf32, #tpu.memory_space<vmem_shared>>) offsets(%dma_start3A_38 : memref<125xi32, #tpu.memory_space<vmem>>) semaphore(%arg9 : memref<!tpu.dma_semaphore, #tpu.memory_space<semaphore_mem>>) {add = true}
      %add3A_42 = arith.constant 3 : i32
      %add3A_43 = arith.addi %add3A_18, %add3A_42 : i32
      %dma_start3A_44 = arith.constant 0 : i32
      %dma_start3A_45 = tpu.memref_slice %arg6[%add3A_43, %dma_start3A_44] : memref<80x125xi32, #tpu.memory_space<vmem>> -> memref<1x125xi32, #tpu.memory_space<vmem>>
      %dma_start3A_46 = tpu.memref_squeeze %dma_start3A_45 : memref<1x125xi32, #tpu.memory_space<vmem>> -> memref<125xi32, #tpu.memory_space<vmem>>
      %dma_start3A_47 = arith.constant 0 : i32
      %dma_start3A_48 = arith.constant 0 : i32
      %dma_start3A_49 = tpu.memref_slice %arg8[%dma_start3A_47, %dma_start3A_48] : memref<10240x128xf32, #tpu.memory_space<vmem_shared>> -> memref<10240x128xf32, #tpu.memory_space<vmem_shared>>
      tpu.enqueue_indirect_dma source(%arg7 : memref<125x128xf32, #tpu.memory_space<vmem>>) target(%dma_start3A_49 : memref<10240x128xf32, #tpu.memory_space<vmem_shared>>) offsets(%dma_start3A_46 : memref<125xi32, #tpu.memory_space<vmem>>) semaphore(%arg9 : memref<!tpu.dma_semaphore, #tpu.memory_space<semaphore_mem>>) {add = true}
      %add3A_50 = arith.constant 4 : i32
      %add3A_51 = arith.addi %add3A_18, %add3A_50 : i32
      %dma_start3A_52 = arith.constant 0 : i32
      %dma_start3A_53 = tpu.memref_slice %arg6[%add3A_51, %dma_start3A_52] : memref<80x125xi32, #tpu.memory_space<vmem>> -> memref<1x125xi32, #tpu.memory_space<vmem>>
      %dma_start3A_54 = tpu.memref_squeeze %dma_start3A_53 : memref<1x125xi32, #tpu.memory_space<vmem>> -> memref<125xi32, #tpu.memory_space<vmem>>
      %dma_start3A_55 = arith.constant 0 : i32
      %dma_start3A_56 = arith.constant 0 : i32
      %dma_start3A_57 = tpu.memref_slice %arg8[%dma_start3A_55, %dma_start3A_56] : memref<10240x128xf32, #tpu.memory_space<vmem_shared>> -> memref<10240x128xf32, #tpu.memory_space<vmem_shared>>
      tpu.enqueue_indirect_dma source(%arg7 : memref<125x128xf32, #tpu.memory_space<vmem>>) target(%dma_start3A_57 : memref<10240x128xf32, #tpu.memory_space<vmem_shared>>) offsets(%dma_start3A_54 : memref<125xi32, #tpu.memory_space<vmem>>) semaphore(%arg9 : memref<!tpu.dma_semaphore, #tpu.memory_space<semaphore_mem>>) {add = true}
      %add3A_58 = arith.constant 5 : i32
      %add3A_59 = arith.addi %add3A_18, %add3A_58 : i32
      %dma_start3A_60 = arith.constant 0 : i32
      %dma_start3A_61 = tpu.memref_slice %arg6[%add3A_59, %dma_start3A_60] : memref<80x125xi32, #tpu.memory_space<vmem>> -> memref<1x125xi32, #tpu.memory_space<vmem>>
      %dma_start3A_62 = tpu.memref_squeeze %dma_start3A_61 : memref<1x125xi32, #tpu.memory_space<vmem>> -> memref<125xi32, #tpu.memory_space<vmem>>
      %dma_start3A_63 = arith.constant 0 : i32
      %dma_start3A_64 = arith.constant 0 : i32
      %dma_start3A_65 = tpu.memref_slice %arg8[%dma_start3A_63, %dma_start3A_64] : memref<10240x128xf32, #tpu.memory_space<vmem_shared>> -> memref<10240x128xf32, #tpu.memory_space<vmem_shared>>
      tpu.enqueue_indirect_dma source(%arg7 : memref<125x128xf32, #tpu.memory_space<vmem>>) target(%dma_start3A_65 : memref<10240x128xf32, #tpu.memory_space<vmem_shared>>) offsets(%dma_start3A_62 : memref<125xi32, #tpu.memory_space<vmem>>) semaphore(%arg9 : memref<!tpu.dma_semaphore, #tpu.memory_space<semaphore_mem>>) {add = true}
      %add3A_66 = arith.constant 6 : i32
      %add3A_67 = arith.addi %add3A_18, %add3A_66 : i32
      %dma_start3A_68 = arith.constant 0 : i32
      %dma_start3A_69 = tpu.memref_slice %arg6[%add3A_67, %dma_start3A_68] : memref<80x125xi32, #tpu.memory_space<vmem>> -> memref<1x125xi32, #tpu.memory_space<vmem>>
      %dma_start3A_70 = tpu.memref_squeeze %dma_start3A_69 : memref<1x125xi32, #tpu.memory_space<vmem>> -> memref<125xi32, #tpu.memory_space<vmem>>
      %dma_start3A_71 = arith.constant 0 : i32
      %dma_start3A_72 = arith.constant 0 : i32
      %dma_start3A_73 = tpu.memref_slice %arg8[%dma_start3A_71, %dma_start3A_72] : memref<10240x128xf32, #tpu.memory_space<vmem_shared>> -> memref<10240x128xf32, #tpu.memory_space<vmem_shared>>
      tpu.enqueue_indirect_dma source(%arg7 : memref<125x128xf32, #tpu.memory_space<vmem>>) target(%dma_start3A_73 : memref<10240x128xf32, #tpu.memory_space<vmem_shared>>) offsets(%dma_start3A_70 : memref<125xi32, #tpu.memory_space<vmem>>) semaphore(%arg9 : memref<!tpu.dma_semaphore, #tpu.memory_space<semaphore_mem>>) {add = true}
      %add3A_74 = arith.constant 7 : i32
      %add3A_75 = arith.addi %add3A_18, %add3A_74 : i32
      %dma_start3A_76 = arith.constant 0 : i32
      %dma_start3A_77 = tpu.memref_slice %arg6[%add3A_75, %dma_start3A_76] : memref<80x125xi32, #tpu.memory_space<vmem>> -> memref<1x125xi32, #tpu.memory_space<vmem>>
      %dma_start3A_78 = tpu.memref_squeeze %dma_start3A_77 : memref<1x125xi32, #tpu.memory_space<vmem>> -> memref<125xi32, #tpu.memory_space<vmem>>
      %dma_start3A_79 = arith.constant 0 : i32
      %dma_start3A_80 = arith.constant 0 : i32
      %dma_start3A_81 = tpu.memref_slice %arg8[%dma_start3A_79, %dma_start3A_80] : memref<10240x128xf32, #tpu.memory_space<vmem_shared>> -> memref<10240x128xf32, #tpu.memory_space<vmem_shared>>
      tpu.enqueue_indirect_dma source(%arg7 : memref<125x128xf32, #tpu.memory_space<vmem>>) target(%dma_start3A_81 : memref<10240x128xf32, #tpu.memory_space<vmem_shared>>) offsets(%dma_start3A_78 : memref<125xi32, #tpu.memory_space<vmem>>) semaphore(%arg9 : memref<!tpu.dma_semaphore, #tpu.memory_space<semaphore_mem>>) {add = true}
      %dma_wait3A = arith.constant 0 : i32
      %dma_wait3A_82 = arith.constant 0 : i32
      %dma_wait3A_83 = tpu.memref_slice %arg8[%dma_wait3A, %dma_wait3A_82] : memref<10240x128xf32, #tpu.memory_space<vmem_shared>> -> memref<125x128xf32, #tpu.memory_space<vmem_shared>>
      %dma_wait3A_84 = arith.constant 0 : i32
      %dma_wait3A_85 = arith.constant 0 : i32
      %dma_wait3A_86 = tpu.memref_slice %arg8[%dma_wait3A_84, %dma_wait3A_85] : memref<10240x128xf32, #tpu.memory_space<vmem_shared>> -> memref<125x128xf32, #tpu.memory_space<vmem_shared>>
      tpu.wait_dma2 semaphore(%arg9 : memref<!tpu.dma_semaphore, #tpu.memory_space<semaphore_mem>>) src(%arg7 : memref<125x128xf32, #tpu.memory_space<vmem>>) dst(%dma_wait3A_86 : memref<125x128xf32, #tpu.memory_space<vmem_shared>>)
      %dma_wait3A_87 = arith.constant 0 : i32
      %dma_wait3A_88 = arith.constant 0 : i32
      %dma_wait3A_89 = tpu.memref_slice %arg8[%dma_wait3A_87, %dma_wait3A_88] : memref<10240x128xf32, #tpu.memory_space<vmem_shared>> -> memref<125x128xf32, #tpu.memory_space<vmem_shared>>
      %dma_wait3A_90 = arith.constant 0 : i32
      %dma_wait3A_91 = arith.constant 0 : i32
      %dma_wait3A_92 = tpu.memref_slice %arg8[%dma_wait3A_90, %dma_wait3A_91] : memref<10240x128xf32, #tpu.memory_space<vmem_shared>> -> memref<125x128xf32, #tpu.memory_space<vmem_shared>>
      tpu.wait_dma2 semaphore(%arg9 : memref<!tpu.dma_semaphore, #tpu.memory_space<semaphore_mem>>) src(%arg7 : memref<125x128xf32, #tpu.memory_space<vmem>>) dst(%dma_wait3A_92 : memref<125x128xf32, #tpu.memory_space<vmem_shared>>)
      %dma_wait3A_93 = arith.constant 0 : i32
      %dma_wait3A_94 = arith.constant 0 : i32
      %dma_wait3A_95 = tpu.memref_slice %arg8[%dma_wait3A_93, %dma_wait3A_94] : memref<10240x128xf32, #tpu.memory_space<vmem_shared>> -> memref<125x128xf32, #tpu.memory_space<vmem_shared>>
      %dma_wait3A_96 = arith.constant 0 : i32
      %dma_wait3A_97 = arith.constant 0 : i32
      %dma_wait3A_98 = tpu.memref_slice %arg8[%dma_wait3A_96, %dma_wait3A_97] : memref<10240x128xf32, #tpu.memory_space<vmem_shared>> -> memref<125x128xf32, #tpu.memory_space<vmem_shared>>
      tpu.wait_dma2 semaphore(%arg9 : memref<!tpu.dma_semaphore, #tpu.memory_space<semaphore_mem>>) src(%arg7 : memref<125x128xf32, #tpu.memory_space<vmem>>) dst(%dma_wait3A_98 : memref<125x128xf32, #tpu.memory_space<vmem_shared>>)
      %dma_wait3A_99 = arith.constant 0 : i32
      %dma_wait3A_100 = arith.constant 0 : i32
      %dma_wait3A_101 = tpu.memref_slice %arg8[%dma_wait3A_99, %dma_wait3A_100] : memref<10240x128xf32, #tpu.memory_space<vmem_shared>> -> memref<125x128xf32, #tpu.memory_space<vmem_shared>>
      %dma_wait3A_102 = arith.constant 0 : i32
      %dma_wait3A_103 = arith.constant 0 : i32
      %dma_wait3A_104 = tpu.memref_slice %arg8[%dma_wait3A_102, %dma_wait3A_103] : memref<10240x128xf32, #tpu.memory_space<vmem_shared>> -> memref<125x128xf32, #tpu.memory_space<vmem_shared>>
      tpu.wait_dma2 semaphore(%arg9 : memref<!tpu.dma_semaphore, #tpu.memory_space<semaphore_mem>>) src(%arg7 : memref<125x128xf32, #tpu.memory_space<vmem>>) dst(%dma_wait3A_104 : memref<125x128xf32, #tpu.memory_space<vmem_shared>>)
      %dma_wait3A_105 = arith.constant 0 : i32
      %dma_wait3A_106 = arith.constant 0 : i32
      %dma_wait3A_107 = tpu.memref_slice %arg8[%dma_wait3A_105, %dma_wait3A_106] : memref<10240x128xf32, #tpu.memory_space<vmem_shared>> -> memref<125x128xf32, #tpu.memory_space<vmem_shared>>
      %dma_wait3A_108 = arith.constant 0 : i32
      %dma_wait3A_109 = arith.constant 0 : i32
      %dma_wait3A_110 = tpu.memref_slice %arg8[%dma_wait3A_108, %dma_wait3A_109] : memref<10240x128xf32, #tpu.memory_space<vmem_shared>> -> memref<125x128xf32, #tpu.memory_space<vmem_shared>>
      tpu.wait_dma2 semaphore(%arg9 : memref<!tpu.dma_semaphore, #tpu.memory_space<semaphore_mem>>) src(%arg7 : memref<125x128xf32, #tpu.memory_space<vmem>>) dst(%dma_wait3A_110 : memref<125x128xf32, #tpu.memory_space<vmem_shared>>)
      %dma_wait3A_111 = arith.constant 0 : i32
      %dma_wait3A_112 = arith.constant 0 : i32
      %dma_wait3A_113 = tpu.memref_slice %arg8[%dma_wait3A_111, %dma_wait3A_112] : memref<10240x128xf32, #tpu.memory_space<vmem_shared>> -> memref<125x128xf32, #tpu.memory_space<vmem_shared>>
      %dma_wait3A_114 = arith.constant 0 : i32
      %dma_wait3A_115 = arith.constant 0 : i32
      %dma_wait3A_116 = tpu.memref_slice %arg8[%dma_wait3A_114, %dma_wait3A_115] : memref<10240x128xf32, #tpu.memory_space<vmem_shared>> -> memref<125x128xf32, #tpu.memory_space<vmem_shared>>
      tpu.wait_dma2 semaphore(%arg9 : memref<!tpu.dma_semaphore, #tpu.memory_space<semaphore_mem>>) src(%arg7 : memref<125x128xf32, #tpu.memory_space<vmem>>) dst(%dma_wait3A_116 : memref<125x128xf32, #tpu.memory_space<vmem_shared>>)
      %dma_wait3A_117 = arith.constant 0 : i32
      %dma_wait3A_118 = arith.constant 0 : i32
      %dma_wait3A_119 = tpu.memref_slice %arg8[%dma_wait3A_117, %dma_wait3A_118] : memref<10240x128xf32, #tpu.memory_space<vmem_shared>> -> memref<125x128xf32, #tpu.memory_space<vmem_shared>>
      %dma_wait3A_120 = arith.constant 0 : i32
      %dma_wait3A_121 = arith.constant 0 : i32
      %dma_wait3A_122 = tpu.memref_slice %arg8[%dma_wait3A_120, %dma_wait3A_121] : memref<10240x128xf32, #tpu.memory_space<vmem_shared>> -> memref<125x128xf32, #tpu.memory_space<vmem_shared>>
      tpu.wait_dma2 semaphore(%arg9 : memref<!tpu.dma_semaphore, #tpu.memory_space<semaphore_mem>>) src(%arg7 : memref<125x128xf32, #tpu.memory_space<vmem>>) dst(%dma_wait3A_122 : memref<125x128xf32, #tpu.memory_space<vmem_shared>>)
      %dma_wait3A_123 = arith.constant 0 : i32
      %dma_wait3A_124 = arith.constant 0 : i32
      %dma_wait3A_125 = tpu.memref_slice %arg8[%dma_wait3A_123, %dma_wait3A_124] : memref<10240x128xf32, #tpu.memory_space<vmem_shared>> -> memref<125x128xf32, #tpu.memory_space<vmem_shared>>
      %dma_wait3A_126 = arith.constant 0 : i32
      %dma_wait3A_127 = arith.constant 0 : i32
      %dma_wait3A_128 = tpu.memref_slice %arg8[%dma_wait3A_126, %dma_wait3A_127] : memref<10240x128xf32, #tpu.memory_space<vmem_shared>> -> memref<125x128xf32, #tpu.memory_space<vmem_shared>>
      tpu.wait_dma2 semaphore(%arg9 : memref<!tpu.dma_semaphore, #tpu.memory_space<semaphore_mem>>) src(%arg7 : memref<125x128xf32, #tpu.memory_space<vmem>>) dst(%dma_wait3A_128 : memref<125x128xf32, #tpu.memory_space<vmem_shared>>)
    }
    %scan3A_8 = arith.constant 10 : i32
    %barrier3A_9 = arith.constant 0 : index
    tpu.barrier barrier_id(%barrier3A_9)
    %mul3A_10 = arith.constant 640 : i32
    %mul3A_11 = arith.muli %arg1, %mul3A_10 : i32
    %mul3A_12 = arith.constant 640 : i32
    %mul3A_13 = arith.muli %arg1, %mul3A_12 : i32
    "tpu.region"() ({
      %run_scoped3A = tpu.sem_alloc : memref<!tpu.dma_semaphore, #tpu.memory_space<semaphore_mem>>
      %dma_start3A = arith.constant 0 : i32
      %dma_start3A_14 = tpu.memref_slice %arg5[%arg0, %mul3A_13, %dma_start3A] : memref<2x10240x128xf32, #tpu.memory_space<hbm>> -> memref<1x640x128xf32, #tpu.memory_space<hbm>>
      %dma_start3A_15 = tpu.memref_squeeze %dma_start3A_14 : memref<1x640x128xf32, #tpu.memory_space<hbm>> -> memref<640x128xf32, #tpu.memory_space<hbm>>
      %dma_start3A_16 = arith.constant 0 : i32
      %dma_start3A_17 = tpu.memref_slice %arg8[%mul3A_11, %dma_start3A_16] : memref<10240x128xf32, #tpu.memory_space<vmem_shared>> -> memref<640x128xf32, #tpu.memory_space<vmem_shared>>
      tpu.enqueue_dma source(%dma_start3A_17 : memref<640x128xf32, #tpu.memory_space<vmem_shared>>) target(%dma_start3A_15 : memref<640x128xf32, #tpu.memory_space<hbm>>) target_semaphore(%run_scoped3A : memref<!tpu.dma_semaphore, #tpu.memory_space<semaphore_mem>>)
      %dma_wait3A = arith.constant 0 : i32
      %dma_wait3A_18 = tpu.memref_slice %arg5[%arg0, %mul3A_13, %dma_wait3A] : memref<2x10240x128xf32, #tpu.memory_space<hbm>> -> memref<1x640x128xf32, #tpu.memory_space<hbm>>
      %dma_wait3A_19 = tpu.memref_squeeze %dma_wait3A_18 : memref<1x640x128xf32, #tpu.memory_space<hbm>> -> memref<640x128xf32, #tpu.memory_space<hbm>>
      %dma_wait3A_20 = arith.constant 0 : i32
      %dma_wait3A_21 = tpu.memref_slice %arg8[%mul3A_11, %dma_wait3A_20] : memref<10240x128xf32, #tpu.memory_space<vmem_shared>> -> memref<640x128xf32, #tpu.memory_space<vmem_shared>>
      tpu.wait_dma2 semaphore(%run_scoped3A : memref<!tpu.dma_semaphore, #tpu.memory_space<semaphore_mem>>) src(%dma_wait3A_21 : memref<640x128xf32, #tpu.memory_space<vmem_shared>>) dst(%dma_wait3A_19 : memref<640x128xf32, #tpu.memory_space<hbm>>)
      tpu.yield
    }) : () -> ()
    return
  }
}

#map = affine_map<(d0, d1) -> (0, 0)>
#map1 = affine_map<(d0, d1) -> (0, 0, 0)>
#map2 = affine_map<(d0, d1) -> (0, 0, 0, 0)>
module attributes {stable_mosaic.version = 14 : i64} {
  func.func @_sc_agg(%arg0: i32, %arg1: i32, %arg2: memref<10240x128xf32, #tpu.memory_space<hbm>>, %arg3: memref<32x80x125xi32, #tpu.memory_space<hbm>>, %arg4: memref<32x10x8x125xi32, #tpu.memory_space<hbm>>, %arg5: memref<10240x128xf32, #tpu.memory_space<hbm>>, %arg6: memref<2x10240x128xf32, #tpu.memory_space<hbm>>, %arg7: memref<80x125xi32, #tpu.memory_space<vmem>>, %arg8: memref<2x8x125xi32, #tpu.memory_space<vmem>>, %arg9: memref<2x125x128xf32, #tpu.memory_space<vmem>>, %arg10: memref<10240x128xf32, #tpu.memory_space<vmem_shared>>, %arg11: memref<!tpu.dma_semaphore, #tpu.memory_space<semaphore_mem>>, %arg12: memref<!tpu.dma_semaphore, #tpu.memory_space<semaphore_mem>>, %arg13: memref<!tpu.dma_semaphore, #tpu.memory_space<semaphore_mem>>, %arg14: memref<!tpu.dma_semaphore, #tpu.memory_space<semaphore_mem>>, %arg15: memref<!tpu.dma_semaphore, #tpu.memory_space<semaphore_mem>>, %arg16: memref<!tpu.dma_semaphore, #tpu.memory_space<semaphore_mem>>, %arg17: memref<!tpu.dma_semaphore, #tpu.memory_space<semaphore_mem>>, %arg18: memref<!tpu.dma_semaphore, #tpu.memory_space<semaphore_mem>>, %arg19: memref<!tpu.dma_semaphore, #tpu.memory_space<semaphore_mem>>) attributes {dimension_semantics = [#tpu.dimension_semantics<core_parallel>, #tpu.dimension_semantics<subcore_parallel>], iteration_bounds = array<i64: 2, 16>, scalar_prefetch = 0 : i64, scratch_operands = 13 : i64, tpu.core_type = #tpu.core_type<sc_vector_subcore>, window_params = [{transform_indices = #map}, {transform_indices = #map1}, {transform_indices = #map2}, {transform_indices = #map}, {transform_indices = #map1}]} {
    %mul3A = arith.constant 16 : i32
    %mul3A_0 = arith.muli %arg0, %mul3A : i32
    %add3A = arith.addi %mul3A_0, %arg1 : i32
    %eq3A = arith.constant 0 : i32
    %eq3A_1 = arith.cmpi eq, %arg0, %eq3A : i32
    %convert_element_type3A = arith.extui %eq3A_1 : i1 to i32
    %cond3A = arith.constant 0 : i32
    %cond3A_2 = arith.cmpi ne, %convert_element_type3A, %cond3A : i32
    scf.if %cond3A_2 {
      %mul3A_69 = arith.constant 640 : i32
      %mul3A_70 = arith.muli %arg1, %mul3A_69 : i32
      %mul3A_71 = arith.constant 640 : i32
      %mul3A_72 = arith.muli %arg1, %mul3A_71 : i32
      "tpu.region"() ({
        %run_scoped3A_73 = tpu.sem_alloc : memref<!tpu.dma_semaphore, #tpu.memory_space<semaphore_mem>>
        %dma_start3A_74 = arith.constant 0 : i32
        %dma_start3A_75 = tpu.memref_slice %arg10[%mul3A_72, %dma_start3A_74] : memref<10240x128xf32, #tpu.memory_space<vmem_shared>> -> memref<640x128xf32, #tpu.memory_space<vmem_shared>>
        %dma_start3A_76 = arith.constant 0 : i32
        %dma_start3A_77 = tpu.memref_slice %arg2[%mul3A_70, %dma_start3A_76] : memref<10240x128xf32, #tpu.memory_space<hbm>> -> memref<640x128xf32, #tpu.memory_space<hbm>>
        tpu.enqueue_dma source(%dma_start3A_77 : memref<640x128xf32, #tpu.memory_space<hbm>>) target(%dma_start3A_75 : memref<640x128xf32, #tpu.memory_space<vmem_shared>>) target_semaphore(%run_scoped3A_73 : memref<!tpu.dma_semaphore, #tpu.memory_space<semaphore_mem>>)
        %dma_wait3A_78 = arith.constant 0 : i32
        %dma_wait3A_79 = tpu.memref_slice %arg10[%mul3A_72, %dma_wait3A_78] : memref<10240x128xf32, #tpu.memory_space<vmem_shared>> -> memref<640x128xf32, #tpu.memory_space<vmem_shared>>
        %dma_wait3A_80 = arith.constant 0 : i32
        %dma_wait3A_81 = tpu.memref_slice %arg2[%mul3A_70, %dma_wait3A_80] : memref<10240x128xf32, #tpu.memory_space<hbm>> -> memref<640x128xf32, #tpu.memory_space<hbm>>
        tpu.wait_dma2 semaphore(%run_scoped3A_73 : memref<!tpu.dma_semaphore, #tpu.memory_space<semaphore_mem>>) src(%dma_wait3A_81 : memref<640x128xf32, #tpu.memory_space<hbm>>) dst(%dma_wait3A_79 : memref<640x128xf32, #tpu.memory_space<vmem_shared>>)
        tpu.yield
      }) : () -> ()
    } else {
    }
    %ne3A = arith.constant 0 : i32
    %ne3A_3 = arith.cmpi ne, %arg0, %ne3A : i32
    %convert_element_type3A_4 = arith.extui %ne3A_3 : i1 to i32
    %cond3A_5 = arith.constant 0 : i32
    %cond3A_6 = arith.cmpi ne, %convert_element_type3A_4, %cond3A_5 : i32
    scf.if %cond3A_6 {
      %mul3A_69 = arith.constant 640 : i32
      %mul3A_70 = arith.muli %arg1, %mul3A_69 : i32
      %mul3A_71 = arith.constant 640 : i32
      %mul3A_72 = arith.muli %arg1, %mul3A_71 : i32
      "tpu.region"() ({
        %run_scoped3A_73 = tpu.sem_alloc : memref<!tpu.dma_semaphore, #tpu.memory_space<semaphore_mem>>
        %dma_start3A_74 = arith.constant 0 : i32
        %dma_start3A_75 = tpu.memref_slice %arg10[%mul3A_72, %dma_start3A_74] : memref<10240x128xf32, #tpu.memory_space<vmem_shared>> -> memref<640x128xf32, #tpu.memory_space<vmem_shared>>
        %dma_start3A_76 = arith.constant 0 : i32
        %dma_start3A_77 = tpu.memref_slice %arg5[%mul3A_70, %dma_start3A_76] : memref<10240x128xf32, #tpu.memory_space<hbm>> -> memref<640x128xf32, #tpu.memory_space<hbm>>
        tpu.enqueue_dma source(%dma_start3A_77 : memref<640x128xf32, #tpu.memory_space<hbm>>) target(%dma_start3A_75 : memref<640x128xf32, #tpu.memory_space<vmem_shared>>) target_semaphore(%run_scoped3A_73 : memref<!tpu.dma_semaphore, #tpu.memory_space<semaphore_mem>>)
        %dma_wait3A_78 = arith.constant 0 : i32
        %dma_wait3A_79 = tpu.memref_slice %arg10[%mul3A_72, %dma_wait3A_78] : memref<10240x128xf32, #tpu.memory_space<vmem_shared>> -> memref<640x128xf32, #tpu.memory_space<vmem_shared>>
        %dma_wait3A_80 = arith.constant 0 : i32
        %dma_wait3A_81 = tpu.memref_slice %arg5[%mul3A_70, %dma_wait3A_80] : memref<10240x128xf32, #tpu.memory_space<hbm>> -> memref<640x128xf32, #tpu.memory_space<hbm>>
        tpu.wait_dma2 semaphore(%run_scoped3A_73 : memref<!tpu.dma_semaphore, #tpu.memory_space<semaphore_mem>>) src(%dma_wait3A_81 : memref<640x128xf32, #tpu.memory_space<hbm>>) dst(%dma_wait3A_79 : memref<640x128xf32, #tpu.memory_space<vmem_shared>>)
        tpu.yield
      }) : () -> ()
    } else {
    }
    "tpu.region"() ({
      %run_scoped3A_69 = tpu.sem_alloc : memref<!tpu.dma_semaphore, #tpu.memory_space<semaphore_mem>>
      %dma_start3A_70 = arith.constant 0 : i32
      %dma_start3A_71 = arith.constant 0 : i32
      %dma_start3A_72 = tpu.memref_slice %arg3[%add3A, %dma_start3A_70, %dma_start3A_71] : memref<32x80x125xi32, #tpu.memory_space<hbm>> -> memref<1x80x125xi32, #tpu.memory_space<hbm>>
      %dma_start3A_73 = tpu.memref_squeeze %dma_start3A_72 : memref<1x80x125xi32, #tpu.memory_space<hbm>> -> memref<80x125xi32, #tpu.memory_space<hbm>>
      %dma_start3A_74 = arith.constant 0 : i32
      %dma_start3A_75 = arith.constant 0 : i32
      %dma_start3A_76 = tpu.memref_slice %arg3[%add3A, %dma_start3A_74, %dma_start3A_75] : memref<32x80x125xi32, #tpu.memory_space<hbm>> -> memref<1x80x125xi32, #tpu.memory_space<hbm>>
      %dma_start3A_77 = tpu.memref_squeeze %dma_start3A_76 : memref<1x80x125xi32, #tpu.memory_space<hbm>> -> memref<80x125xi32, #tpu.memory_space<hbm>>
      tpu.enqueue_dma source(%dma_start3A_77 : memref<80x125xi32, #tpu.memory_space<hbm>>) target(%arg7 : memref<80x125xi32, #tpu.memory_space<vmem>>) target_semaphore(%run_scoped3A_69 : memref<!tpu.dma_semaphore, #tpu.memory_space<semaphore_mem>>)
      %dma_wait3A_78 = arith.constant 0 : i32
      %dma_wait3A_79 = arith.constant 0 : i32
      %dma_wait3A_80 = tpu.memref_slice %arg3[%add3A, %dma_wait3A_78, %dma_wait3A_79] : memref<32x80x125xi32, #tpu.memory_space<hbm>> -> memref<1x80x125xi32, #tpu.memory_space<hbm>>
      %dma_wait3A_81 = tpu.memref_squeeze %dma_wait3A_80 : memref<1x80x125xi32, #tpu.memory_space<hbm>> -> memref<80x125xi32, #tpu.memory_space<hbm>>
      %dma_wait3A_82 = arith.constant 0 : i32
      %dma_wait3A_83 = arith.constant 0 : i32
      %dma_wait3A_84 = tpu.memref_slice %arg3[%add3A, %dma_wait3A_82, %dma_wait3A_83] : memref<32x80x125xi32, #tpu.memory_space<hbm>> -> memref<1x80x125xi32, #tpu.memory_space<hbm>>
      %dma_wait3A_85 = tpu.memref_squeeze %dma_wait3A_84 : memref<1x80x125xi32, #tpu.memory_space<hbm>> -> memref<80x125xi32, #tpu.memory_space<hbm>>
      tpu.wait_dma2 semaphore(%run_scoped3A_69 : memref<!tpu.dma_semaphore, #tpu.memory_space<semaphore_mem>>) src(%dma_wait3A_85 : memref<80x125xi32, #tpu.memory_space<hbm>>) dst(%arg7 : memref<80x125xi32, #tpu.memory_space<vmem>>)
      tpu.yield
    }) : () -> ()
    %run_scoped3A = arith.constant 0 : i32
    %run_scoped3A_7 = arith.constant 0 : i32
    "tpu.region"() ({
      %run_scoped3A_69 = tpu.sem_alloc : memref<!tpu.dma_semaphore, #tpu.memory_space<semaphore_mem>>
      %dma_start3A_70 = arith.constant 0 : i32
      %dma_start3A_71 = arith.constant 0 : i32
      %dma_start3A_72 = tpu.memref_slice %arg8[%run_scoped3A_7, %dma_start3A_70, %dma_start3A_71] : memref<2x8x125xi32, #tpu.memory_space<vmem>> -> memref<1x8x125xi32, #tpu.memory_space<vmem>>
      %dma_start3A_73 = tpu.memref_squeeze %dma_start3A_72 : memref<1x8x125xi32, #tpu.memory_space<vmem>> -> memref<8x125xi32, #tpu.memory_space<vmem>>
      %dma_start3A_74 = arith.constant 0 : i32
      %dma_start3A_75 = arith.constant 0 : i32
      %dma_start3A_76 = tpu.memref_slice %arg4[%add3A, %run_scoped3A, %dma_start3A_74, %dma_start3A_75] : memref<32x10x8x125xi32, #tpu.memory_space<hbm>> -> memref<1x1x8x125xi32, #tpu.memory_space<hbm>>
      %dma_start3A_77 = tpu.memref_squeeze %dma_start3A_76 : memref<1x1x8x125xi32, #tpu.memory_space<hbm>> -> memref<8x125xi32, #tpu.memory_space<hbm>>
      %dma_start3A_78 = arith.constant 0 : i32
      %dma_start3A_79 = arith.constant 0 : i32
      %dma_start3A_80 = tpu.memref_slice %arg8[%run_scoped3A_7, %dma_start3A_78, %dma_start3A_79] : memref<2x8x125xi32, #tpu.memory_space<vmem>> -> memref<1x8x125xi32, #tpu.memory_space<vmem>>
      %dma_start3A_81 = tpu.memref_squeeze %dma_start3A_80 : memref<1x8x125xi32, #tpu.memory_space<vmem>> -> memref<8x125xi32, #tpu.memory_space<vmem>>
      %dma_start3A_82 = arith.constant 0 : i32
      %dma_start3A_83 = arith.constant 0 : i32
      %dma_start3A_84 = tpu.memref_slice %arg4[%add3A, %run_scoped3A, %dma_start3A_82, %dma_start3A_83] : memref<32x10x8x125xi32, #tpu.memory_space<hbm>> -> memref<1x1x8x125xi32, #tpu.memory_space<hbm>>
      %dma_start3A_85 = tpu.memref_squeeze %dma_start3A_84 : memref<1x1x8x125xi32, #tpu.memory_space<hbm>> -> memref<8x125xi32, #tpu.memory_space<hbm>>
      tpu.enqueue_dma source(%dma_start3A_85 : memref<8x125xi32, #tpu.memory_space<hbm>>) target(%dma_start3A_81 : memref<8x125xi32, #tpu.memory_space<vmem>>) target_semaphore(%run_scoped3A_69 : memref<!tpu.dma_semaphore, #tpu.memory_space<semaphore_mem>>)
      %dma_wait3A_86 = arith.constant 0 : i32
      %dma_wait3A_87 = arith.constant 0 : i32
      %dma_wait3A_88 = tpu.memref_slice %arg8[%run_scoped3A_7, %dma_wait3A_86, %dma_wait3A_87] : memref<2x8x125xi32, #tpu.memory_space<vmem>> -> memref<1x8x125xi32, #tpu.memory_space<vmem>>
      %dma_wait3A_89 = tpu.memref_squeeze %dma_wait3A_88 : memref<1x8x125xi32, #tpu.memory_space<vmem>> -> memref<8x125xi32, #tpu.memory_space<vmem>>
      %dma_wait3A_90 = arith.constant 0 : i32
      %dma_wait3A_91 = arith.constant 0 : i32
      %dma_wait3A_92 = tpu.memref_slice %arg4[%add3A, %run_scoped3A, %dma_wait3A_90, %dma_wait3A_91] : memref<32x10x8x125xi32, #tpu.memory_space<hbm>> -> memref<1x1x8x125xi32, #tpu.memory_space<hbm>>
      %dma_wait3A_93 = tpu.memref_squeeze %dma_wait3A_92 : memref<1x1x8x125xi32, #tpu.memory_space<hbm>> -> memref<8x125xi32, #tpu.memory_space<hbm>>
      %dma_wait3A_94 = arith.constant 0 : i32
      %dma_wait3A_95 = arith.constant 0 : i32
      %dma_wait3A_96 = tpu.memref_slice %arg8[%run_scoped3A_7, %dma_wait3A_94, %dma_wait3A_95] : memref<2x8x125xi32, #tpu.memory_space<vmem>> -> memref<1x8x125xi32, #tpu.memory_space<vmem>>
      %dma_wait3A_97 = tpu.memref_squeeze %dma_wait3A_96 : memref<1x8x125xi32, #tpu.memory_space<vmem>> -> memref<8x125xi32, #tpu.memory_space<vmem>>
      %dma_wait3A_98 = arith.constant 0 : i32
      %dma_wait3A_99 = arith.constant 0 : i32
      %dma_wait3A_100 = tpu.memref_slice %arg4[%add3A, %run_scoped3A, %dma_wait3A_98, %dma_wait3A_99] : memref<32x10x8x125xi32, #tpu.memory_space<hbm>> -> memref<1x1x8x125xi32, #tpu.memory_space<hbm>>
      %dma_wait3A_101 = tpu.memref_squeeze %dma_wait3A_100 : memref<1x1x8x125xi32, #tpu.memory_space<hbm>> -> memref<8x125xi32, #tpu.memory_space<hbm>>
      tpu.wait_dma2 semaphore(%run_scoped3A_69 : memref<!tpu.dma_semaphore, #tpu.memory_space<semaphore_mem>>) src(%dma_wait3A_101 : memref<8x125xi32, #tpu.memory_space<hbm>>) dst(%dma_wait3A_97 : memref<8x125xi32, #tpu.memory_space<vmem>>)
      tpu.yield
    }) : () -> ()
    %barrier3A = arith.constant 0 : index
    tpu.barrier barrier_id(%barrier3A)
    %dma_start3A = arith.constant 0 : i32
    %dma_start3A_8 = arith.constant 0 : i32
    %dma_start3A_9 = arith.constant 0 : i32
    %dma_start3A_10 = arith.constant 0 : i32
    %dma_start3A_11 = tpu.memref_slice %arg9[%dma_start3A_8, %dma_start3A_9, %dma_start3A_10] : memref<2x125x128xf32, #tpu.memory_space<vmem>> -> memref<1x125x128xf32, #tpu.memory_space<vmem>>
    %dma_start3A_12 = tpu.memref_squeeze %dma_start3A_11 : memref<1x125x128xf32, #tpu.memory_space<vmem>> -> memref<125x128xf32, #tpu.memory_space<vmem>>
    %dma_start3A_13 = arith.constant 0 : i32
    %dma_start3A_14 = tpu.memref_slice %arg7[%dma_start3A, %dma_start3A_13] : memref<80x125xi32, #tpu.memory_space<vmem>> -> memref<1x125xi32, #tpu.memory_space<vmem>>
    %dma_start3A_15 = tpu.memref_squeeze %dma_start3A_14 : memref<1x125xi32, #tpu.memory_space<vmem>> -> memref<125xi32, #tpu.memory_space<vmem>>
    %dma_start3A_16 = arith.constant 0 : i32
    %dma_start3A_17 = arith.constant 0 : i32
    %dma_start3A_18 = tpu.memref_slice %arg2[%dma_start3A_16, %dma_start3A_17] : memref<10240x128xf32, #tpu.memory_space<hbm>> -> memref<10240x128xf32, #tpu.memory_space<hbm>>
    tpu.enqueue_indirect_dma source(%dma_start3A_18 : memref<10240x128xf32, #tpu.memory_space<hbm>>) target(%dma_start3A_12 : memref<125x128xf32, #tpu.memory_space<vmem>>) offsets(%dma_start3A_15 : memref<125xi32, #tpu.memory_space<vmem>>) semaphore(%arg11 : memref<!tpu.dma_semaphore, #tpu.memory_space<semaphore_mem>>)
    %dma_start3A_19 = arith.constant 1 : i32
    %dma_start3A_20 = arith.constant 1 : i32
    %dma_start3A_21 = arith.constant 0 : i32
    %dma_start3A_22 = arith.constant 0 : i32
    %dma_start3A_23 = tpu.memref_slice %arg9[%dma_start3A_20, %dma_start3A_21, %dma_start3A_22] : memref<2x125x128xf32, #tpu.memory_space<vmem>> -> memref<1x125x128xf32, #tpu.memory_space<vmem>>
    %dma_start3A_24 = tpu.memref_squeeze %dma_start3A_23 : memref<1x125x128xf32, #tpu.memory_space<vmem>> -> memref<125x128xf32, #tpu.memory_space<vmem>>
    %dma_start3A_25 = arith.constant 0 : i32
    %dma_start3A_26 = tpu.memref_slice %arg7[%dma_start3A_19, %dma_start3A_25] : memref<80x125xi32, #tpu.memory_space<vmem>> -> memref<1x125xi32, #tpu.memory_space<vmem>>
    %dma_start3A_27 = tpu.memref_squeeze %dma_start3A_26 : memref<1x125xi32, #tpu.memory_space<vmem>> -> memref<125xi32, #tpu.memory_space<vmem>>
    %dma_start3A_28 = arith.constant 0 : i32
    %dma_start3A_29 = arith.constant 0 : i32
    %dma_start3A_30 = tpu.memref_slice %arg2[%dma_start3A_28, %dma_start3A_29] : memref<10240x128xf32, #tpu.memory_space<hbm>> -> memref<10240x128xf32, #tpu.memory_space<hbm>>
    tpu.enqueue_indirect_dma source(%dma_start3A_30 : memref<10240x128xf32, #tpu.memory_space<hbm>>) target(%dma_start3A_24 : memref<125x128xf32, #tpu.memory_space<vmem>>) offsets(%dma_start3A_27 : memref<125xi32, #tpu.memory_space<vmem>>) semaphore(%arg12 : memref<!tpu.dma_semaphore, #tpu.memory_space<semaphore_mem>>)
    %scan3A = arith.constant 0 : i32
    %scan3A_31 = arith.constant 5 : i32
    %scan3A_32 = arith.addi %scan3A, %scan3A_31 : i32
    %scan3A_33 = arith.constant 1 : i32
    scf.for %scan3A_69 = %scan3A to %scan3A_32 step %scan3A_33  : i32 {
      %mul3A_70 = arith.constant 2 : i32
      %mul3A_71 = arith.muli %scan3A_69, %mul3A_70 : i32
      %add3A_72 = arith.constant 0 : i32
      %add3A_73 = arith.addi %add3A_72, %mul3A_71 : i32
      %add3A_74 = arith.constant 0 : i32
      %add3A_75 = arith.addi %add3A_73, %add3A_74 : i32
      %lt3A = arith.constant 9 : i32
      %lt3A_76 = arith.cmpi slt, %add3A_75, %lt3A : i32
      %convert_element_type3A_77 = arith.extui %lt3A_76 : i1 to i32
      %cond3A_78 = arith.constant 0 : i32
      %cond3A_79 = arith.cmpi ne, %convert_element_type3A_77, %cond3A_78 : i32
      scf.if %cond3A_79 {
        %add3A_625 = arith.constant 1 : i32
        %add3A_626 = arith.addi %add3A_75, %add3A_625 : i32
        %dma_start3A_627 = arith.constant 1 : i32
        %dma_start3A_628 = arith.constant 0 : i32
        %dma_start3A_629 = arith.constant 0 : i32
        %dma_start3A_630 = tpu.memref_slice %arg8[%dma_start3A_627, %dma_start3A_628, %dma_start3A_629] : memref<2x8x125xi32, #tpu.memory_space<vmem>> -> memref<1x8x125xi32, #tpu.memory_space<vmem>>
        %dma_start3A_631 = tpu.memref_squeeze %dma_start3A_630 : memref<1x8x125xi32, #tpu.memory_space<vmem>> -> memref<8x125xi32, #tpu.memory_space<vmem>>
        %dma_start3A_632 = arith.constant 0 : i32
        %dma_start3A_633 = arith.constant 0 : i32
        %dma_start3A_634 = tpu.memref_slice %arg4[%add3A, %add3A_626, %dma_start3A_632, %dma_start3A_633] : memref<32x10x8x125xi32, #tpu.memory_space<hbm>> -> memref<1x1x8x125xi32, #tpu.memory_space<hbm>>
        %dma_start3A_635 = tpu.memref_squeeze %dma_start3A_634 : memref<1x1x8x125xi32, #tpu.memory_space<hbm>> -> memref<8x125xi32, #tpu.memory_space<hbm>>
        %dma_start3A_636 = arith.constant 0 : i32
        %dma_start3A_637 = arith.constant 0 : i32
        %dma_start3A_638 = tpu.memref_slice %arg8[%dma_start3A_627, %dma_start3A_636, %dma_start3A_637] : memref<2x8x125xi32, #tpu.memory_space<vmem>> -> memref<1x8x125xi32, #tpu.memory_space<vmem>>
        %dma_start3A_639 = tpu.memref_squeeze %dma_start3A_638 : memref<1x8x125xi32, #tpu.memory_space<vmem>> -> memref<8x125xi32, #tpu.memory_space<vmem>>
        %dma_start3A_640 = arith.constant 0 : i32
        %dma_start3A_641 = arith.constant 0 : i32
        %dma_start3A_642 = tpu.memref_slice %arg4[%add3A, %add3A_626, %dma_start3A_640, %dma_start3A_641] : memref<32x10x8x125xi32, #tpu.memory_space<hbm>> -> memref<1x1x8x125xi32, #tpu.memory_space<hbm>>
        %dma_start3A_643 = tpu.memref_squeeze %dma_start3A_642 : memref<1x1x8x125xi32, #tpu.memory_space<hbm>> -> memref<8x125xi32, #tpu.memory_space<hbm>>
        tpu.enqueue_dma source(%dma_start3A_643 : memref<8x125xi32, #tpu.memory_space<hbm>>) target(%dma_start3A_639 : memref<8x125xi32, #tpu.memory_space<vmem>>) target_semaphore(%arg19 : memref<!tpu.dma_semaphore, #tpu.memory_space<semaphore_mem>>)
      } else {
      }
      %mul3A_80 = arith.constant 8 : i32
      %mul3A_81 = arith.muli %add3A_75, %mul3A_80 : i32
      %add3A_82 = arith.constant 0 : i32
      %add3A_83 = arith.addi %mul3A_81, %add3A_82 : i32
      %dma_wait3A_84 = arith.constant 0 : i32
      %dma_wait3A_85 = arith.constant 0 : i32
      %dma_wait3A_86 = arith.constant 0 : i32
      %dma_wait3A_87 = tpu.memref_slice %arg9[%dma_wait3A_84, %dma_wait3A_85, %dma_wait3A_86] : memref<2x125x128xf32, #tpu.memory_space<vmem>> -> memref<1x125x128xf32, #tpu.memory_space<vmem>>
      %dma_wait3A_88 = tpu.memref_squeeze %dma_wait3A_87 : memref<1x125x128xf32, #tpu.memory_space<vmem>> -> memref<125x128xf32, #tpu.memory_space<vmem>>
      %dma_wait3A_89 = arith.constant 0 : i32
      %dma_wait3A_90 = tpu.memref_slice %arg7[%add3A_83, %dma_wait3A_89] : memref<80x125xi32, #tpu.memory_space<vmem>> -> memref<1x125xi32, #tpu.memory_space<vmem>>
      %dma_wait3A_91 = tpu.memref_squeeze %dma_wait3A_90 : memref<1x125xi32, #tpu.memory_space<vmem>> -> memref<125xi32, #tpu.memory_space<vmem>>
      %dma_wait3A_92 = arith.constant 0 : i32
      %dma_wait3A_93 = arith.constant 0 : i32
      %dma_wait3A_94 = tpu.memref_slice %arg2[%dma_wait3A_92, %dma_wait3A_93] : memref<10240x128xf32, #tpu.memory_space<hbm>> -> memref<10240x128xf32, #tpu.memory_space<hbm>>
      tpu.wait_indirect_dma semaphore(%arg11 : memref<!tpu.dma_semaphore, #tpu.memory_space<semaphore_mem>>) src(%dma_wait3A_94 : memref<10240x128xf32, #tpu.memory_space<hbm>>) dst(%dma_wait3A_88 : memref<125x128xf32, #tpu.memory_space<vmem>>)
      %dma_start3A_95 = arith.constant 0 : i32
      %dma_start3A_96 = arith.constant 0 : i32
      %dma_start3A_97 = arith.constant 0 : i32
      %dma_start3A_98 = arith.constant 0 : i32
      %dma_start3A_99 = arith.constant 0 : i32
      %dma_start3A_100 = tpu.memref_slice %arg9[%dma_start3A_95, %dma_start3A_98, %dma_start3A_99] : memref<2x125x128xf32, #tpu.memory_space<vmem>> -> memref<1x125x128xf32, #tpu.memory_space<vmem>>
      %dma_start3A_101 = tpu.memref_squeeze %dma_start3A_100 : memref<1x125x128xf32, #tpu.memory_space<vmem>> -> memref<125x128xf32, #tpu.memory_space<vmem>>
      %dma_start3A_102 = arith.constant 0 : i32
      %dma_start3A_103 = tpu.memref_slice %arg8[%dma_start3A_96, %dma_start3A_97, %dma_start3A_102] : memref<2x8x125xi32, #tpu.memory_space<vmem>> -> memref<1x1x125xi32, #tpu.memory_space<vmem>>
      %dma_start3A_104 = tpu.memref_squeeze %dma_start3A_103 : memref<1x1x125xi32, #tpu.memory_space<vmem>> -> memref<125xi32, #tpu.memory_space<vmem>>
      %dma_start3A_105 = arith.constant 0 : i32
      %dma_start3A_106 = arith.constant 0 : i32
      %dma_start3A_107 = tpu.memref_slice %arg10[%dma_start3A_105, %dma_start3A_106] : memref<10240x128xf32, #tpu.memory_space<vmem_shared>> -> memref<10240x128xf32, #tpu.memory_space<vmem_shared>>
      tpu.enqueue_indirect_dma source(%dma_start3A_101 : memref<125x128xf32, #tpu.memory_space<vmem>>) target(%dma_start3A_107 : memref<10240x128xf32, #tpu.memory_space<vmem_shared>>) offsets(%dma_start3A_104 : memref<125xi32, #tpu.memory_space<vmem>>) semaphore(%arg15 : memref<!tpu.dma_semaphore, #tpu.memory_space<semaphore_mem>>) {add = true}
      %lt3A_108 = arith.constant 78 : i32
      %lt3A_109 = arith.cmpi slt, %add3A_83, %lt3A_108 : i32
      %convert_element_type3A_110 = arith.extui %lt3A_109 : i1 to i32
      %cond3A_111 = arith.constant 0 : i32
      %cond3A_112 = arith.cmpi ne, %convert_element_type3A_110, %cond3A_111 : i32
      scf.if %cond3A_112 {
        %dma_wait3A_625 = arith.constant 0 : i32
        %dma_wait3A_626 = arith.constant 0 : i32
        %dma_wait3A_627 = arith.constant 0 : i32
        %dma_wait3A_628 = tpu.memref_slice %arg9[%dma_wait3A_625, %dma_wait3A_626, %dma_wait3A_627] : memref<2x125x128xf32, #tpu.memory_space<vmem>> -> memref<1x125x128xf32, #tpu.memory_space<vmem>>
        %dma_wait3A_629 = tpu.memref_squeeze %dma_wait3A_628 : memref<1x125x128xf32, #tpu.memory_space<vmem>> -> memref<125x128xf32, #tpu.memory_space<vmem>>
        %dma_wait3A_630 = arith.constant 0 : i32
        %dma_wait3A_631 = arith.constant 0 : i32
        %dma_wait3A_632 = tpu.memref_slice %arg10[%dma_wait3A_630, %dma_wait3A_631] : memref<10240x128xf32, #tpu.memory_space<vmem_shared>> -> memref<125x128xf32, #tpu.memory_space<vmem_shared>>
        %dma_wait3A_633 = arith.constant 0 : i32
        %dma_wait3A_634 = arith.constant 0 : i32
        %dma_wait3A_635 = tpu.memref_slice %arg10[%dma_wait3A_633, %dma_wait3A_634] : memref<10240x128xf32, #tpu.memory_space<vmem_shared>> -> memref<125x128xf32, #tpu.memory_space<vmem_shared>>
        %dma_wait3A_636 = arith.constant 0 : i32
        %dma_wait3A_637 = arith.constant 0 : i32
        %dma_wait3A_638 = tpu.memref_slice %arg9[%dma_wait3A_625, %dma_wait3A_636, %dma_wait3A_637] : memref<2x125x128xf32, #tpu.memory_space<vmem>> -> memref<1x125x128xf32, #tpu.memory_space<vmem>>
        %dma_wait3A_639 = tpu.memref_squeeze %dma_wait3A_638 : memref<1x125x128xf32, #tpu.memory_space<vmem>> -> memref<125x128xf32, #tpu.memory_space<vmem>>
        tpu.wait_dma2 semaphore(%arg15 : memref<!tpu.dma_semaphore, #tpu.memory_space<semaphore_mem>>) src(%dma_wait3A_639 : memref<125x128xf32, #tpu.memory_space<vmem>>) dst(%dma_wait3A_635 : memref<125x128xf32, #tpu.memory_space<vmem_shared>>)
        %add3A_640 = arith.constant 2 : i32
        %add3A_641 = arith.addi %add3A_83, %add3A_640 : i32
        %dma_start3A_642 = arith.constant 0 : i32
        %dma_start3A_643 = arith.constant 0 : i32
        %dma_start3A_644 = arith.constant 0 : i32
        %dma_start3A_645 = tpu.memref_slice %arg9[%dma_start3A_642, %dma_start3A_643, %dma_start3A_644] : memref<2x125x128xf32, #tpu.memory_space<vmem>> -> memref<1x125x128xf32, #tpu.memory_space<vmem>>
        %dma_start3A_646 = tpu.memref_squeeze %dma_start3A_645 : memref<1x125x128xf32, #tpu.memory_space<vmem>> -> memref<125x128xf32, #tpu.memory_space<vmem>>
        %dma_start3A_647 = arith.constant 0 : i32
        %dma_start3A_648 = tpu.memref_slice %arg7[%add3A_641, %dma_start3A_647] : memref<80x125xi32, #tpu.memory_space<vmem>> -> memref<1x125xi32, #tpu.memory_space<vmem>>
        %dma_start3A_649 = tpu.memref_squeeze %dma_start3A_648 : memref<1x125xi32, #tpu.memory_space<vmem>> -> memref<125xi32, #tpu.memory_space<vmem>>
        %dma_start3A_650 = arith.constant 0 : i32
        %dma_start3A_651 = arith.constant 0 : i32
        %dma_start3A_652 = tpu.memref_slice %arg2[%dma_start3A_650, %dma_start3A_651] : memref<10240x128xf32, #tpu.memory_space<hbm>> -> memref<10240x128xf32, #tpu.memory_space<hbm>>
        tpu.enqueue_indirect_dma source(%dma_start3A_652 : memref<10240x128xf32, #tpu.memory_space<hbm>>) target(%dma_start3A_646 : memref<125x128xf32, #tpu.memory_space<vmem>>) offsets(%dma_start3A_649 : memref<125xi32, #tpu.memory_space<vmem>>) semaphore(%arg11 : memref<!tpu.dma_semaphore, #tpu.memory_space<semaphore_mem>>)
      } else {
      }
      %mul3A_113 = arith.constant 8 : i32
      %mul3A_114 = arith.muli %add3A_75, %mul3A_113 : i32
      %add3A_115 = arith.constant 1 : i32
      %add3A_116 = arith.addi %mul3A_114, %add3A_115 : i32
      %dma_wait3A_117 = arith.constant 1 : i32
      %dma_wait3A_118 = arith.constant 0 : i32
      %dma_wait3A_119 = arith.constant 0 : i32
      %dma_wait3A_120 = tpu.memref_slice %arg9[%dma_wait3A_117, %dma_wait3A_118, %dma_wait3A_119] : memref<2x125x128xf32, #tpu.memory_space<vmem>> -> memref<1x125x128xf32, #tpu.memory_space<vmem>>
      %dma_wait3A_121 = tpu.memref_squeeze %dma_wait3A_120 : memref<1x125x128xf32, #tpu.memory_space<vmem>> -> memref<125x128xf32, #tpu.memory_space<vmem>>
      %dma_wait3A_122 = arith.constant 0 : i32
      %dma_wait3A_123 = tpu.memref_slice %arg7[%add3A_116, %dma_wait3A_122] : memref<80x125xi32, #tpu.memory_space<vmem>> -> memref<1x125xi32, #tpu.memory_space<vmem>>
      %dma_wait3A_124 = tpu.memref_squeeze %dma_wait3A_123 : memref<1x125xi32, #tpu.memory_space<vmem>> -> memref<125xi32, #tpu.memory_space<vmem>>
      %dma_wait3A_125 = arith.constant 0 : i32
      %dma_wait3A_126 = arith.constant 0 : i32
      %dma_wait3A_127 = tpu.memref_slice %arg2[%dma_wait3A_125, %dma_wait3A_126] : memref<10240x128xf32, #tpu.memory_space<hbm>> -> memref<10240x128xf32, #tpu.memory_space<hbm>>
      tpu.wait_indirect_dma semaphore(%arg12 : memref<!tpu.dma_semaphore, #tpu.memory_space<semaphore_mem>>) src(%dma_wait3A_127 : memref<10240x128xf32, #tpu.memory_space<hbm>>) dst(%dma_wait3A_121 : memref<125x128xf32, #tpu.memory_space<vmem>>)
      %dma_start3A_128 = arith.constant 1 : i32
      %dma_start3A_129 = arith.constant 0 : i32
      %dma_start3A_130 = arith.constant 1 : i32
      %dma_start3A_131 = arith.constant 0 : i32
      %dma_start3A_132 = arith.constant 0 : i32
      %dma_start3A_133 = tpu.memref_slice %arg9[%dma_start3A_128, %dma_start3A_131, %dma_start3A_132] : memref<2x125x128xf32, #tpu.memory_space<vmem>> -> memref<1x125x128xf32, #tpu.memory_space<vmem>>
      %dma_start3A_134 = tpu.memref_squeeze %dma_start3A_133 : memref<1x125x128xf32, #tpu.memory_space<vmem>> -> memref<125x128xf32, #tpu.memory_space<vmem>>
      %dma_start3A_135 = arith.constant 0 : i32
      %dma_start3A_136 = tpu.memref_slice %arg8[%dma_start3A_129, %dma_start3A_130, %dma_start3A_135] : memref<2x8x125xi32, #tpu.memory_space<vmem>> -> memref<1x1x125xi32, #tpu.memory_space<vmem>>
      %dma_start3A_137 = tpu.memref_squeeze %dma_start3A_136 : memref<1x1x125xi32, #tpu.memory_space<vmem>> -> memref<125xi32, #tpu.memory_space<vmem>>
      %dma_start3A_138 = arith.constant 0 : i32
      %dma_start3A_139 = arith.constant 0 : i32
      %dma_start3A_140 = tpu.memref_slice %arg10[%dma_start3A_138, %dma_start3A_139] : memref<10240x128xf32, #tpu.memory_space<vmem_shared>> -> memref<10240x128xf32, #tpu.memory_space<vmem_shared>>
      tpu.enqueue_indirect_dma source(%dma_start3A_134 : memref<125x128xf32, #tpu.memory_space<vmem>>) target(%dma_start3A_140 : memref<10240x128xf32, #tpu.memory_space<vmem_shared>>) offsets(%dma_start3A_137 : memref<125xi32, #tpu.memory_space<vmem>>) semaphore(%arg16 : memref<!tpu.dma_semaphore, #tpu.memory_space<semaphore_mem>>) {add = true}
      %lt3A_141 = arith.constant 78 : i32
      %lt3A_142 = arith.cmpi slt, %add3A_116, %lt3A_141 : i32
      %convert_element_type3A_143 = arith.extui %lt3A_142 : i1 to i32
      %cond3A_144 = arith.constant 0 : i32
      %cond3A_145 = arith.cmpi ne, %convert_element_type3A_143, %cond3A_144 : i32
      scf.if %cond3A_145 {
        %dma_wait3A_625 = arith.constant 1 : i32
        %dma_wait3A_626 = arith.constant 0 : i32
        %dma_wait3A_627 = arith.constant 0 : i32
        %dma_wait3A_628 = tpu.memref_slice %arg9[%dma_wait3A_625, %dma_wait3A_626, %dma_wait3A_627] : memref<2x125x128xf32, #tpu.memory_space<vmem>> -> memref<1x125x128xf32, #tpu.memory_space<vmem>>
        %dma_wait3A_629 = tpu.memref_squeeze %dma_wait3A_628 : memref<1x125x128xf32, #tpu.memory_space<vmem>> -> memref<125x128xf32, #tpu.memory_space<vmem>>
        %dma_wait3A_630 = arith.constant 0 : i32
        %dma_wait3A_631 = arith.constant 0 : i32
        %dma_wait3A_632 = tpu.memref_slice %arg10[%dma_wait3A_630, %dma_wait3A_631] : memref<10240x128xf32, #tpu.memory_space<vmem_shared>> -> memref<125x128xf32, #tpu.memory_space<vmem_shared>>
        %dma_wait3A_633 = arith.constant 0 : i32
        %dma_wait3A_634 = arith.constant 0 : i32
        %dma_wait3A_635 = tpu.memref_slice %arg10[%dma_wait3A_633, %dma_wait3A_634] : memref<10240x128xf32, #tpu.memory_space<vmem_shared>> -> memref<125x128xf32, #tpu.memory_space<vmem_shared>>
        %dma_wait3A_636 = arith.constant 0 : i32
        %dma_wait3A_637 = arith.constant 0 : i32
        %dma_wait3A_638 = tpu.memref_slice %arg9[%dma_wait3A_625, %dma_wait3A_636, %dma_wait3A_637] : memref<2x125x128xf32, #tpu.memory_space<vmem>> -> memref<1x125x128xf32, #tpu.memory_space<vmem>>
        %dma_wait3A_639 = tpu.memref_squeeze %dma_wait3A_638 : memref<1x125x128xf32, #tpu.memory_space<vmem>> -> memref<125x128xf32, #tpu.memory_space<vmem>>
        tpu.wait_dma2 semaphore(%arg16 : memref<!tpu.dma_semaphore, #tpu.memory_space<semaphore_mem>>) src(%dma_wait3A_639 : memref<125x128xf32, #tpu.memory_space<vmem>>) dst(%dma_wait3A_635 : memref<125x128xf32, #tpu.memory_space<vmem_shared>>)
        %add3A_640 = arith.constant 2 : i32
        %add3A_641 = arith.addi %add3A_116, %add3A_640 : i32
        %dma_start3A_642 = arith.constant 1 : i32
        %dma_start3A_643 = arith.constant 0 : i32
        %dma_start3A_644 = arith.constant 0 : i32
        %dma_start3A_645 = tpu.memref_slice %arg9[%dma_start3A_642, %dma_start3A_643, %dma_start3A_644] : memref<2x125x128xf32, #tpu.memory_space<vmem>> -> memref<1x125x128xf32, #tpu.memory_space<vmem>>
        %dma_start3A_646 = tpu.memref_squeeze %dma_start3A_645 : memref<1x125x128xf32, #tpu.memory_space<vmem>> -> memref<125x128xf32, #tpu.memory_space<vmem>>
        %dma_start3A_647 = arith.constant 0 : i32
        %dma_start3A_648 = tpu.memref_slice %arg7[%add3A_641, %dma_start3A_647] : memref<80x125xi32, #tpu.memory_space<vmem>> -> memref<1x125xi32, #tpu.memory_space<vmem>>
        %dma_start3A_649 = tpu.memref_squeeze %dma_start3A_648 : memref<1x125xi32, #tpu.memory_space<vmem>> -> memref<125xi32, #tpu.memory_space<vmem>>
        %dma_start3A_650 = arith.constant 0 : i32
        %dma_start3A_651 = arith.constant 0 : i32
        %dma_start3A_652 = tpu.memref_slice %arg2[%dma_start3A_650, %dma_start3A_651] : memref<10240x128xf32, #tpu.memory_space<hbm>> -> memref<10240x128xf32, #tpu.memory_space<hbm>>
        tpu.enqueue_indirect_dma source(%dma_start3A_652 : memref<10240x128xf32, #tpu.memory_space<hbm>>) target(%dma_start3A_646 : memref<125x128xf32, #tpu.memory_space<vmem>>) offsets(%dma_start3A_649 : memref<125xi32, #tpu.memory_space<vmem>>) semaphore(%arg12 : memref<!tpu.dma_semaphore, #tpu.memory_space<semaphore_mem>>)
      } else {
      }
      %mul3A_146 = arith.constant 8 : i32
      %mul3A_147 = arith.muli %add3A_75, %mul3A_146 : i32
      %add3A_148 = arith.constant 2 : i32
      %add3A_149 = arith.addi %mul3A_147, %add3A_148 : i32
      %dma_wait3A_150 = arith.constant 0 : i32
      %dma_wait3A_151 = arith.constant 0 : i32
      %dma_wait3A_152 = arith.constant 0 : i32
      %dma_wait3A_153 = tpu.memref_slice %arg9[%dma_wait3A_150, %dma_wait3A_151, %dma_wait3A_152] : memref<2x125x128xf32, #tpu.memory_space<vmem>> -> memref<1x125x128xf32, #tpu.memory_space<vmem>>
      %dma_wait3A_154 = tpu.memref_squeeze %dma_wait3A_153 : memref<1x125x128xf32, #tpu.memory_space<vmem>> -> memref<125x128xf32, #tpu.memory_space<vmem>>
      %dma_wait3A_155 = arith.constant 0 : i32
      %dma_wait3A_156 = tpu.memref_slice %arg7[%add3A_149, %dma_wait3A_155] : memref<80x125xi32, #tpu.memory_space<vmem>> -> memref<1x125xi32, #tpu.memory_space<vmem>>
      %dma_wait3A_157 = tpu.memref_squeeze %dma_wait3A_156 : memref<1x125xi32, #tpu.memory_space<vmem>> -> memref<125xi32, #tpu.memory_space<vmem>>
      %dma_wait3A_158 = arith.constant 0 : i32
      %dma_wait3A_159 = arith.constant 0 : i32
      %dma_wait3A_160 = tpu.memref_slice %arg2[%dma_wait3A_158, %dma_wait3A_159] : memref<10240x128xf32, #tpu.memory_space<hbm>> -> memref<10240x128xf32, #tpu.memory_space<hbm>>
      tpu.wait_indirect_dma semaphore(%arg11 : memref<!tpu.dma_semaphore, #tpu.memory_space<semaphore_mem>>) src(%dma_wait3A_160 : memref<10240x128xf32, #tpu.memory_space<hbm>>) dst(%dma_wait3A_154 : memref<125x128xf32, #tpu.memory_space<vmem>>)
      %dma_start3A_161 = arith.constant 0 : i32
      %dma_start3A_162 = arith.constant 0 : i32
      %dma_start3A_163 = arith.constant 2 : i32
      %dma_start3A_164 = arith.constant 0 : i32
      %dma_start3A_165 = arith.constant 0 : i32
      %dma_start3A_166 = tpu.memref_slice %arg9[%dma_start3A_161, %dma_start3A_164, %dma_start3A_165] : memref<2x125x128xf32, #tpu.memory_space<vmem>> -> memref<1x125x128xf32, #tpu.memory_space<vmem>>
      %dma_start3A_167 = tpu.memref_squeeze %dma_start3A_166 : memref<1x125x128xf32, #tpu.memory_space<vmem>> -> memref<125x128xf32, #tpu.memory_space<vmem>>
      %dma_start3A_168 = arith.constant 0 : i32
      %dma_start3A_169 = tpu.memref_slice %arg8[%dma_start3A_162, %dma_start3A_163, %dma_start3A_168] : memref<2x8x125xi32, #tpu.memory_space<vmem>> -> memref<1x1x125xi32, #tpu.memory_space<vmem>>
      %dma_start3A_170 = tpu.memref_squeeze %dma_start3A_169 : memref<1x1x125xi32, #tpu.memory_space<vmem>> -> memref<125xi32, #tpu.memory_space<vmem>>
      %dma_start3A_171 = arith.constant 0 : i32
      %dma_start3A_172 = arith.constant 0 : i32
      %dma_start3A_173 = tpu.memref_slice %arg10[%dma_start3A_171, %dma_start3A_172] : memref<10240x128xf32, #tpu.memory_space<vmem_shared>> -> memref<10240x128xf32, #tpu.memory_space<vmem_shared>>
      tpu.enqueue_indirect_dma source(%dma_start3A_167 : memref<125x128xf32, #tpu.memory_space<vmem>>) target(%dma_start3A_173 : memref<10240x128xf32, #tpu.memory_space<vmem_shared>>) offsets(%dma_start3A_170 : memref<125xi32, #tpu.memory_space<vmem>>) semaphore(%arg15 : memref<!tpu.dma_semaphore, #tpu.memory_space<semaphore_mem>>) {add = true}
      %lt3A_174 = arith.constant 78 : i32
      %lt3A_175 = arith.cmpi slt, %add3A_149, %lt3A_174 : i32
      %convert_element_type3A_176 = arith.extui %lt3A_175 : i1 to i32
      %cond3A_177 = arith.constant 0 : i32
      %cond3A_178 = arith.cmpi ne, %convert_element_type3A_176, %cond3A_177 : i32
      scf.if %cond3A_178 {
        %dma_wait3A_625 = arith.constant 0 : i32
        %dma_wait3A_626 = arith.constant 0 : i32
        %dma_wait3A_627 = arith.constant 0 : i32
        %dma_wait3A_628 = tpu.memref_slice %arg9[%dma_wait3A_625, %dma_wait3A_626, %dma_wait3A_627] : memref<2x125x128xf32, #tpu.memory_space<vmem>> -> memref<1x125x128xf32, #tpu.memory_space<vmem>>
        %dma_wait3A_629 = tpu.memref_squeeze %dma_wait3A_628 : memref<1x125x128xf32, #tpu.memory_space<vmem>> -> memref<125x128xf32, #tpu.memory_space<vmem>>
        %dma_wait3A_630 = arith.constant 0 : i32
        %dma_wait3A_631 = arith.constant 0 : i32
        %dma_wait3A_632 = tpu.memref_slice %arg10[%dma_wait3A_630, %dma_wait3A_631] : memref<10240x128xf32, #tpu.memory_space<vmem_shared>> -> memref<125x128xf32, #tpu.memory_space<vmem_shared>>
        %dma_wait3A_633 = arith.constant 0 : i32
        %dma_wait3A_634 = arith.constant 0 : i32
        %dma_wait3A_635 = tpu.memref_slice %arg10[%dma_wait3A_633, %dma_wait3A_634] : memref<10240x128xf32, #tpu.memory_space<vmem_shared>> -> memref<125x128xf32, #tpu.memory_space<vmem_shared>>
        %dma_wait3A_636 = arith.constant 0 : i32
        %dma_wait3A_637 = arith.constant 0 : i32
        %dma_wait3A_638 = tpu.memref_slice %arg9[%dma_wait3A_625, %dma_wait3A_636, %dma_wait3A_637] : memref<2x125x128xf32, #tpu.memory_space<vmem>> -> memref<1x125x128xf32, #tpu.memory_space<vmem>>
        %dma_wait3A_639 = tpu.memref_squeeze %dma_wait3A_638 : memref<1x125x128xf32, #tpu.memory_space<vmem>> -> memref<125x128xf32, #tpu.memory_space<vmem>>
        tpu.wait_dma2 semaphore(%arg15 : memref<!tpu.dma_semaphore, #tpu.memory_space<semaphore_mem>>) src(%dma_wait3A_639 : memref<125x128xf32, #tpu.memory_space<vmem>>) dst(%dma_wait3A_635 : memref<125x128xf32, #tpu.memory_space<vmem_shared>>)
        %add3A_640 = arith.constant 2 : i32
        %add3A_641 = arith.addi %add3A_149, %add3A_640 : i32
        %dma_start3A_642 = arith.constant 0 : i32
        %dma_start3A_643 = arith.constant 0 : i32
        %dma_start3A_644 = arith.constant 0 : i32
        %dma_start3A_645 = tpu.memref_slice %arg9[%dma_start3A_642, %dma_start3A_643, %dma_start3A_644] : memref<2x125x128xf32, #tpu.memory_space<vmem>> -> memref<1x125x128xf32, #tpu.memory_space<vmem>>
        %dma_start3A_646 = tpu.memref_squeeze %dma_start3A_645 : memref<1x125x128xf32, #tpu.memory_space<vmem>> -> memref<125x128xf32, #tpu.memory_space<vmem>>
        %dma_start3A_647 = arith.constant 0 : i32
        %dma_start3A_648 = tpu.memref_slice %arg7[%add3A_641, %dma_start3A_647] : memref<80x125xi32, #tpu.memory_space<vmem>> -> memref<1x125xi32, #tpu.memory_space<vmem>>
        %dma_start3A_649 = tpu.memref_squeeze %dma_start3A_648 : memref<1x125xi32, #tpu.memory_space<vmem>> -> memref<125xi32, #tpu.memory_space<vmem>>
        %dma_start3A_650 = arith.constant 0 : i32
        %dma_start3A_651 = arith.constant 0 : i32
        %dma_start3A_652 = tpu.memref_slice %arg2[%dma_start3A_650, %dma_start3A_651] : memref<10240x128xf32, #tpu.memory_space<hbm>> -> memref<10240x128xf32, #tpu.memory_space<hbm>>
        tpu.enqueue_indirect_dma source(%dma_start3A_652 : memref<10240x128xf32, #tpu.memory_space<hbm>>) target(%dma_start3A_646 : memref<125x128xf32, #tpu.memory_space<vmem>>) offsets(%dma_start3A_649 : memref<125xi32, #tpu.memory_space<vmem>>) semaphore(%arg11 : memref<!tpu.dma_semaphore, #tpu.memory_space<semaphore_mem>>)
      } else {
      }
      %mul3A_179 = arith.constant 8 : i32
      %mul3A_180 = arith.muli %add3A_75, %mul3A_179 : i32
      %add3A_181 = arith.constant 3 : i32
      %add3A_182 = arith.addi %mul3A_180, %add3A_181 : i32
      %dma_wait3A_183 = arith.constant 1 : i32
      %dma_wait3A_184 = arith.constant 0 : i32
      %dma_wait3A_185 = arith.constant 0 : i32
      %dma_wait3A_186 = tpu.memref_slice %arg9[%dma_wait3A_183, %dma_wait3A_184, %dma_wait3A_185] : memref<2x125x128xf32, #tpu.memory_space<vmem>> -> memref<1x125x128xf32, #tpu.memory_space<vmem>>
      %dma_wait3A_187 = tpu.memref_squeeze %dma_wait3A_186 : memref<1x125x128xf32, #tpu.memory_space<vmem>> -> memref<125x128xf32, #tpu.memory_space<vmem>>
      %dma_wait3A_188 = arith.constant 0 : i32
      %dma_wait3A_189 = tpu.memref_slice %arg7[%add3A_182, %dma_wait3A_188] : memref<80x125xi32, #tpu.memory_space<vmem>> -> memref<1x125xi32, #tpu.memory_space<vmem>>
      %dma_wait3A_190 = tpu.memref_squeeze %dma_wait3A_189 : memref<1x125xi32, #tpu.memory_space<vmem>> -> memref<125xi32, #tpu.memory_space<vmem>>
      %dma_wait3A_191 = arith.constant 0 : i32
      %dma_wait3A_192 = arith.constant 0 : i32
      %dma_wait3A_193 = tpu.memref_slice %arg2[%dma_wait3A_191, %dma_wait3A_192] : memref<10240x128xf32, #tpu.memory_space<hbm>> -> memref<10240x128xf32, #tpu.memory_space<hbm>>
      tpu.wait_indirect_dma semaphore(%arg12 : memref<!tpu.dma_semaphore, #tpu.memory_space<semaphore_mem>>) src(%dma_wait3A_193 : memref<10240x128xf32, #tpu.memory_space<hbm>>) dst(%dma_wait3A_187 : memref<125x128xf32, #tpu.memory_space<vmem>>)
      %dma_start3A_194 = arith.constant 1 : i32
      %dma_start3A_195 = arith.constant 0 : i32
      %dma_start3A_196 = arith.constant 3 : i32
      %dma_start3A_197 = arith.constant 0 : i32
      %dma_start3A_198 = arith.constant 0 : i32
      %dma_start3A_199 = tpu.memref_slice %arg9[%dma_start3A_194, %dma_start3A_197, %dma_start3A_198] : memref<2x125x128xf32, #tpu.memory_space<vmem>> -> memref<1x125x128xf32, #tpu.memory_space<vmem>>
      %dma_start3A_200 = tpu.memref_squeeze %dma_start3A_199 : memref<1x125x128xf32, #tpu.memory_space<vmem>> -> memref<125x128xf32, #tpu.memory_space<vmem>>
      %dma_start3A_201 = arith.constant 0 : i32
      %dma_start3A_202 = tpu.memref_slice %arg8[%dma_start3A_195, %dma_start3A_196, %dma_start3A_201] : memref<2x8x125xi32, #tpu.memory_space<vmem>> -> memref<1x1x125xi32, #tpu.memory_space<vmem>>
      %dma_start3A_203 = tpu.memref_squeeze %dma_start3A_202 : memref<1x1x125xi32, #tpu.memory_space<vmem>> -> memref<125xi32, #tpu.memory_space<vmem>>
      %dma_start3A_204 = arith.constant 0 : i32
      %dma_start3A_205 = arith.constant 0 : i32
      %dma_start3A_206 = tpu.memref_slice %arg10[%dma_start3A_204, %dma_start3A_205] : memref<10240x128xf32, #tpu.memory_space<vmem_shared>> -> memref<10240x128xf32, #tpu.memory_space<vmem_shared>>
      tpu.enqueue_indirect_dma source(%dma_start3A_200 : memref<125x128xf32, #tpu.memory_space<vmem>>) target(%dma_start3A_206 : memref<10240x128xf32, #tpu.memory_space<vmem_shared>>) offsets(%dma_start3A_203 : memref<125xi32, #tpu.memory_space<vmem>>) semaphore(%arg16 : memref<!tpu.dma_semaphore, #tpu.memory_space<semaphore_mem>>) {add = true}
      %lt3A_207 = arith.constant 78 : i32
      %lt3A_208 = arith.cmpi slt, %add3A_182, %lt3A_207 : i32
      %convert_element_type3A_209 = arith.extui %lt3A_208 : i1 to i32
      %cond3A_210 = arith.constant 0 : i32
      %cond3A_211 = arith.cmpi ne, %convert_element_type3A_209, %cond3A_210 : i32
      scf.if %cond3A_211 {
        %dma_wait3A_625 = arith.constant 1 : i32
        %dma_wait3A_626 = arith.constant 0 : i32
        %dma_wait3A_627 = arith.constant 0 : i32
        %dma_wait3A_628 = tpu.memref_slice %arg9[%dma_wait3A_625, %dma_wait3A_626, %dma_wait3A_627] : memref<2x125x128xf32, #tpu.memory_space<vmem>> -> memref<1x125x128xf32, #tpu.memory_space<vmem>>
        %dma_wait3A_629 = tpu.memref_squeeze %dma_wait3A_628 : memref<1x125x128xf32, #tpu.memory_space<vmem>> -> memref<125x128xf32, #tpu.memory_space<vmem>>
        %dma_wait3A_630 = arith.constant 0 : i32
        %dma_wait3A_631 = arith.constant 0 : i32
        %dma_wait3A_632 = tpu.memref_slice %arg10[%dma_wait3A_630, %dma_wait3A_631] : memref<10240x128xf32, #tpu.memory_space<vmem_shared>> -> memref<125x128xf32, #tpu.memory_space<vmem_shared>>
        %dma_wait3A_633 = arith.constant 0 : i32
        %dma_wait3A_634 = arith.constant 0 : i32
        %dma_wait3A_635 = tpu.memref_slice %arg10[%dma_wait3A_633, %dma_wait3A_634] : memref<10240x128xf32, #tpu.memory_space<vmem_shared>> -> memref<125x128xf32, #tpu.memory_space<vmem_shared>>
        %dma_wait3A_636 = arith.constant 0 : i32
        %dma_wait3A_637 = arith.constant 0 : i32
        %dma_wait3A_638 = tpu.memref_slice %arg9[%dma_wait3A_625, %dma_wait3A_636, %dma_wait3A_637] : memref<2x125x128xf32, #tpu.memory_space<vmem>> -> memref<1x125x128xf32, #tpu.memory_space<vmem>>
        %dma_wait3A_639 = tpu.memref_squeeze %dma_wait3A_638 : memref<1x125x128xf32, #tpu.memory_space<vmem>> -> memref<125x128xf32, #tpu.memory_space<vmem>>
        tpu.wait_dma2 semaphore(%arg16 : memref<!tpu.dma_semaphore, #tpu.memory_space<semaphore_mem>>) src(%dma_wait3A_639 : memref<125x128xf32, #tpu.memory_space<vmem>>) dst(%dma_wait3A_635 : memref<125x128xf32, #tpu.memory_space<vmem_shared>>)
        %add3A_640 = arith.constant 2 : i32
        %add3A_641 = arith.addi %add3A_182, %add3A_640 : i32
        %dma_start3A_642 = arith.constant 1 : i32
        %dma_start3A_643 = arith.constant 0 : i32
        %dma_start3A_644 = arith.constant 0 : i32
        %dma_start3A_645 = tpu.memref_slice %arg9[%dma_start3A_642, %dma_start3A_643, %dma_start3A_644] : memref<2x125x128xf32, #tpu.memory_space<vmem>> -> memref<1x125x128xf32, #tpu.memory_space<vmem>>
        %dma_start3A_646 = tpu.memref_squeeze %dma_start3A_645 : memref<1x125x128xf32, #tpu.memory_space<vmem>> -> memref<125x128xf32, #tpu.memory_space<vmem>>
        %dma_start3A_647 = arith.constant 0 : i32
        %dma_start3A_648 = tpu.memref_slice %arg7[%add3A_641, %dma_start3A_647] : memref<80x125xi32, #tpu.memory_space<vmem>> -> memref<1x125xi32, #tpu.memory_space<vmem>>
        %dma_start3A_649 = tpu.memref_squeeze %dma_start3A_648 : memref<1x125xi32, #tpu.memory_space<vmem>> -> memref<125xi32, #tpu.memory_space<vmem>>
        %dma_start3A_650 = arith.constant 0 : i32
        %dma_start3A_651 = arith.constant 0 : i32
        %dma_start3A_652 = tpu.memref_slice %arg2[%dma_start3A_650, %dma_start3A_651] : memref<10240x128xf32, #tpu.memory_space<hbm>> -> memref<10240x128xf32, #tpu.memory_space<hbm>>
        tpu.enqueue_indirect_dma source(%dma_start3A_652 : memref<10240x128xf32, #tpu.memory_space<hbm>>) target(%dma_start3A_646 : memref<125x128xf32, #tpu.memory_space<vmem>>) offsets(%dma_start3A_649 : memref<125xi32, #tpu.memory_space<vmem>>) semaphore(%arg12 : memref<!tpu.dma_semaphore, #tpu.memory_space<semaphore_mem>>)
      } else {
      }
      %mul3A_212 = arith.constant 8 : i32
      %mul3A_213 = arith.muli %add3A_75, %mul3A_212 : i32
      %add3A_214 = arith.constant 4 : i32
      %add3A_215 = arith.addi %mul3A_213, %add3A_214 : i32
      %dma_wait3A_216 = arith.constant 0 : i32
      %dma_wait3A_217 = arith.constant 0 : i32
      %dma_wait3A_218 = arith.constant 0 : i32
      %dma_wait3A_219 = tpu.memref_slice %arg9[%dma_wait3A_216, %dma_wait3A_217, %dma_wait3A_218] : memref<2x125x128xf32, #tpu.memory_space<vmem>> -> memref<1x125x128xf32, #tpu.memory_space<vmem>>
      %dma_wait3A_220 = tpu.memref_squeeze %dma_wait3A_219 : memref<1x125x128xf32, #tpu.memory_space<vmem>> -> memref<125x128xf32, #tpu.memory_space<vmem>>
      %dma_wait3A_221 = arith.constant 0 : i32
      %dma_wait3A_222 = tpu.memref_slice %arg7[%add3A_215, %dma_wait3A_221] : memref<80x125xi32, #tpu.memory_space<vmem>> -> memref<1x125xi32, #tpu.memory_space<vmem>>
      %dma_wait3A_223 = tpu.memref_squeeze %dma_wait3A_222 : memref<1x125xi32, #tpu.memory_space<vmem>> -> memref<125xi32, #tpu.memory_space<vmem>>
      %dma_wait3A_224 = arith.constant 0 : i32
      %dma_wait3A_225 = arith.constant 0 : i32
      %dma_wait3A_226 = tpu.memref_slice %arg2[%dma_wait3A_224, %dma_wait3A_225] : memref<10240x128xf32, #tpu.memory_space<hbm>> -> memref<10240x128xf32, #tpu.memory_space<hbm>>
      tpu.wait_indirect_dma semaphore(%arg11 : memref<!tpu.dma_semaphore, #tpu.memory_space<semaphore_mem>>) src(%dma_wait3A_226 : memref<10240x128xf32, #tpu.memory_space<hbm>>) dst(%dma_wait3A_220 : memref<125x128xf32, #tpu.memory_space<vmem>>)
      %dma_start3A_227 = arith.constant 0 : i32
      %dma_start3A_228 = arith.constant 0 : i32
      %dma_start3A_229 = arith.constant 4 : i32
      %dma_start3A_230 = arith.constant 0 : i32
      %dma_start3A_231 = arith.constant 0 : i32
      %dma_start3A_232 = tpu.memref_slice %arg9[%dma_start3A_227, %dma_start3A_230, %dma_start3A_231] : memref<2x125x128xf32, #tpu.memory_space<vmem>> -> memref<1x125x128xf32, #tpu.memory_space<vmem>>
      %dma_start3A_233 = tpu.memref_squeeze %dma_start3A_232 : memref<1x125x128xf32, #tpu.memory_space<vmem>> -> memref<125x128xf32, #tpu.memory_space<vmem>>
      %dma_start3A_234 = arith.constant 0 : i32
      %dma_start3A_235 = tpu.memref_slice %arg8[%dma_start3A_228, %dma_start3A_229, %dma_start3A_234] : memref<2x8x125xi32, #tpu.memory_space<vmem>> -> memref<1x1x125xi32, #tpu.memory_space<vmem>>
      %dma_start3A_236 = tpu.memref_squeeze %dma_start3A_235 : memref<1x1x125xi32, #tpu.memory_space<vmem>> -> memref<125xi32, #tpu.memory_space<vmem>>
      %dma_start3A_237 = arith.constant 0 : i32
      %dma_start3A_238 = arith.constant 0 : i32
      %dma_start3A_239 = tpu.memref_slice %arg10[%dma_start3A_237, %dma_start3A_238] : memref<10240x128xf32, #tpu.memory_space<vmem_shared>> -> memref<10240x128xf32, #tpu.memory_space<vmem_shared>>
      tpu.enqueue_indirect_dma source(%dma_start3A_233 : memref<125x128xf32, #tpu.memory_space<vmem>>) target(%dma_start3A_239 : memref<10240x128xf32, #tpu.memory_space<vmem_shared>>) offsets(%dma_start3A_236 : memref<125xi32, #tpu.memory_space<vmem>>) semaphore(%arg15 : memref<!tpu.dma_semaphore, #tpu.memory_space<semaphore_mem>>) {add = true}
      %lt3A_240 = arith.constant 78 : i32
      %lt3A_241 = arith.cmpi slt, %add3A_215, %lt3A_240 : i32
      %convert_element_type3A_242 = arith.extui %lt3A_241 : i1 to i32
      %cond3A_243 = arith.constant 0 : i32
      %cond3A_244 = arith.cmpi ne, %convert_element_type3A_242, %cond3A_243 : i32
      scf.if %cond3A_244 {
        %dma_wait3A_625 = arith.constant 0 : i32
        %dma_wait3A_626 = arith.constant 0 : i32
        %dma_wait3A_627 = arith.constant 0 : i32
        %dma_wait3A_628 = tpu.memref_slice %arg9[%dma_wait3A_625, %dma_wait3A_626, %dma_wait3A_627] : memref<2x125x128xf32, #tpu.memory_space<vmem>> -> memref<1x125x128xf32, #tpu.memory_space<vmem>>
        %dma_wait3A_629 = tpu.memref_squeeze %dma_wait3A_628 : memref<1x125x128xf32, #tpu.memory_space<vmem>> -> memref<125x128xf32, #tpu.memory_space<vmem>>
        %dma_wait3A_630 = arith.constant 0 : i32
        %dma_wait3A_631 = arith.constant 0 : i32
        %dma_wait3A_632 = tpu.memref_slice %arg10[%dma_wait3A_630, %dma_wait3A_631] : memref<10240x128xf32, #tpu.memory_space<vmem_shared>> -> memref<125x128xf32, #tpu.memory_space<vmem_shared>>
        %dma_wait3A_633 = arith.constant 0 : i32
        %dma_wait3A_634 = arith.constant 0 : i32
        %dma_wait3A_635 = tpu.memref_slice %arg10[%dma_wait3A_633, %dma_wait3A_634] : memref<10240x128xf32, #tpu.memory_space<vmem_shared>> -> memref<125x128xf32, #tpu.memory_space<vmem_shared>>
        %dma_wait3A_636 = arith.constant 0 : i32
        %dma_wait3A_637 = arith.constant 0 : i32
        %dma_wait3A_638 = tpu.memref_slice %arg9[%dma_wait3A_625, %dma_wait3A_636, %dma_wait3A_637] : memref<2x125x128xf32, #tpu.memory_space<vmem>> -> memref<1x125x128xf32, #tpu.memory_space<vmem>>
        %dma_wait3A_639 = tpu.memref_squeeze %dma_wait3A_638 : memref<1x125x128xf32, #tpu.memory_space<vmem>> -> memref<125x128xf32, #tpu.memory_space<vmem>>
        tpu.wait_dma2 semaphore(%arg15 : memref<!tpu.dma_semaphore, #tpu.memory_space<semaphore_mem>>) src(%dma_wait3A_639 : memref<125x128xf32, #tpu.memory_space<vmem>>) dst(%dma_wait3A_635 : memref<125x128xf32, #tpu.memory_space<vmem_shared>>)
        %add3A_640 = arith.constant 2 : i32
        %add3A_641 = arith.addi %add3A_215, %add3A_640 : i32
        %dma_start3A_642 = arith.constant 0 : i32
        %dma_start3A_643 = arith.constant 0 : i32
        %dma_start3A_644 = arith.constant 0 : i32
        %dma_start3A_645 = tpu.memref_slice %arg9[%dma_start3A_642, %dma_start3A_643, %dma_start3A_644] : memref<2x125x128xf32, #tpu.memory_space<vmem>> -> memref<1x125x128xf32, #tpu.memory_space<vmem>>
        %dma_start3A_646 = tpu.memref_squeeze %dma_start3A_645 : memref<1x125x128xf32, #tpu.memory_space<vmem>> -> memref<125x128xf32, #tpu.memory_space<vmem>>
        %dma_start3A_647 = arith.constant 0 : i32
        %dma_start3A_648 = tpu.memref_slice %arg7[%add3A_641, %dma_start3A_647] : memref<80x125xi32, #tpu.memory_space<vmem>> -> memref<1x125xi32, #tpu.memory_space<vmem>>
        %dma_start3A_649 = tpu.memref_squeeze %dma_start3A_648 : memref<1x125xi32, #tpu.memory_space<vmem>> -> memref<125xi32, #tpu.memory_space<vmem>>
        %dma_start3A_650 = arith.constant 0 : i32
        %dma_start3A_651 = arith.constant 0 : i32
        %dma_start3A_652 = tpu.memref_slice %arg2[%dma_start3A_650, %dma_start3A_651] : memref<10240x128xf32, #tpu.memory_space<hbm>> -> memref<10240x128xf32, #tpu.memory_space<hbm>>
        tpu.enqueue_indirect_dma source(%dma_start3A_652 : memref<10240x128xf32, #tpu.memory_space<hbm>>) target(%dma_start3A_646 : memref<125x128xf32, #tpu.memory_space<vmem>>) offsets(%dma_start3A_649 : memref<125xi32, #tpu.memory_space<vmem>>) semaphore(%arg11 : memref<!tpu.dma_semaphore, #tpu.memory_space<semaphore_mem>>)
      } else {
      }
      %mul3A_245 = arith.constant 8 : i32
      %mul3A_246 = arith.muli %add3A_75, %mul3A_245 : i32
      %add3A_247 = arith.constant 5 : i32
      %add3A_248 = arith.addi %mul3A_246, %add3A_247 : i32
      %dma_wait3A_249 = arith.constant 1 : i32
      %dma_wait3A_250 = arith.constant 0 : i32
      %dma_wait3A_251 = arith.constant 0 : i32
      %dma_wait3A_252 = tpu.memref_slice %arg9[%dma_wait3A_249, %dma_wait3A_250, %dma_wait3A_251] : memref<2x125x128xf32, #tpu.memory_space<vmem>> -> memref<1x125x128xf32, #tpu.memory_space<vmem>>
      %dma_wait3A_253 = tpu.memref_squeeze %dma_wait3A_252 : memref<1x125x128xf32, #tpu.memory_space<vmem>> -> memref<125x128xf32, #tpu.memory_space<vmem>>
      %dma_wait3A_254 = arith.constant 0 : i32
      %dma_wait3A_255 = tpu.memref_slice %arg7[%add3A_248, %dma_wait3A_254] : memref<80x125xi32, #tpu.memory_space<vmem>> -> memref<1x125xi32, #tpu.memory_space<vmem>>
      %dma_wait3A_256 = tpu.memref_squeeze %dma_wait3A_255 : memref<1x125xi32, #tpu.memory_space<vmem>> -> memref<125xi32, #tpu.memory_space<vmem>>
      %dma_wait3A_257 = arith.constant 0 : i32
      %dma_wait3A_258 = arith.constant 0 : i32
      %dma_wait3A_259 = tpu.memref_slice %arg2[%dma_wait3A_257, %dma_wait3A_258] : memref<10240x128xf32, #tpu.memory_space<hbm>> -> memref<10240x128xf32, #tpu.memory_space<hbm>>
      tpu.wait_indirect_dma semaphore(%arg12 : memref<!tpu.dma_semaphore, #tpu.memory_space<semaphore_mem>>) src(%dma_wait3A_259 : memref<10240x128xf32, #tpu.memory_space<hbm>>) dst(%dma_wait3A_253 : memref<125x128xf32, #tpu.memory_space<vmem>>)
      %dma_start3A_260 = arith.constant 1 : i32
      %dma_start3A_261 = arith.constant 0 : i32
      %dma_start3A_262 = arith.constant 5 : i32
      %dma_start3A_263 = arith.constant 0 : i32
      %dma_start3A_264 = arith.constant 0 : i32
      %dma_start3A_265 = tpu.memref_slice %arg9[%dma_start3A_260, %dma_start3A_263, %dma_start3A_264] : memref<2x125x128xf32, #tpu.memory_space<vmem>> -> memref<1x125x128xf32, #tpu.memory_space<vmem>>
      %dma_start3A_266 = tpu.memref_squeeze %dma_start3A_265 : memref<1x125x128xf32, #tpu.memory_space<vmem>> -> memref<125x128xf32, #tpu.memory_space<vmem>>
      %dma_start3A_267 = arith.constant 0 : i32
      %dma_start3A_268 = tpu.memref_slice %arg8[%dma_start3A_261, %dma_start3A_262, %dma_start3A_267] : memref<2x8x125xi32, #tpu.memory_space<vmem>> -> memref<1x1x125xi32, #tpu.memory_space<vmem>>
      %dma_start3A_269 = tpu.memref_squeeze %dma_start3A_268 : memref<1x1x125xi32, #tpu.memory_space<vmem>> -> memref<125xi32, #tpu.memory_space<vmem>>
      %dma_start3A_270 = arith.constant 0 : i32
      %dma_start3A_271 = arith.constant 0 : i32
      %dma_start3A_272 = tpu.memref_slice %arg10[%dma_start3A_270, %dma_start3A_271] : memref<10240x128xf32, #tpu.memory_space<vmem_shared>> -> memref<10240x128xf32, #tpu.memory_space<vmem_shared>>
      tpu.enqueue_indirect_dma source(%dma_start3A_266 : memref<125x128xf32, #tpu.memory_space<vmem>>) target(%dma_start3A_272 : memref<10240x128xf32, #tpu.memory_space<vmem_shared>>) offsets(%dma_start3A_269 : memref<125xi32, #tpu.memory_space<vmem>>) semaphore(%arg16 : memref<!tpu.dma_semaphore, #tpu.memory_space<semaphore_mem>>) {add = true}
      %lt3A_273 = arith.constant 78 : i32
      %lt3A_274 = arith.cmpi slt, %add3A_248, %lt3A_273 : i32
      %convert_element_type3A_275 = arith.extui %lt3A_274 : i1 to i32
      %cond3A_276 = arith.constant 0 : i32
      %cond3A_277 = arith.cmpi ne, %convert_element_type3A_275, %cond3A_276 : i32
      scf.if %cond3A_277 {
        %dma_wait3A_625 = arith.constant 1 : i32
        %dma_wait3A_626 = arith.constant 0 : i32
        %dma_wait3A_627 = arith.constant 0 : i32
        %dma_wait3A_628 = tpu.memref_slice %arg9[%dma_wait3A_625, %dma_wait3A_626, %dma_wait3A_627] : memref<2x125x128xf32, #tpu.memory_space<vmem>> -> memref<1x125x128xf32, #tpu.memory_space<vmem>>
        %dma_wait3A_629 = tpu.memref_squeeze %dma_wait3A_628 : memref<1x125x128xf32, #tpu.memory_space<vmem>> -> memref<125x128xf32, #tpu.memory_space<vmem>>
        %dma_wait3A_630 = arith.constant 0 : i32
        %dma_wait3A_631 = arith.constant 0 : i32
        %dma_wait3A_632 = tpu.memref_slice %arg10[%dma_wait3A_630, %dma_wait3A_631] : memref<10240x128xf32, #tpu.memory_space<vmem_shared>> -> memref<125x128xf32, #tpu.memory_space<vmem_shared>>
        %dma_wait3A_633 = arith.constant 0 : i32
        %dma_wait3A_634 = arith.constant 0 : i32
        %dma_wait3A_635 = tpu.memref_slice %arg10[%dma_wait3A_633, %dma_wait3A_634] : memref<10240x128xf32, #tpu.memory_space<vmem_shared>> -> memref<125x128xf32, #tpu.memory_space<vmem_shared>>
        %dma_wait3A_636 = arith.constant 0 : i32
        %dma_wait3A_637 = arith.constant 0 : i32
        %dma_wait3A_638 = tpu.memref_slice %arg9[%dma_wait3A_625, %dma_wait3A_636, %dma_wait3A_637] : memref<2x125x128xf32, #tpu.memory_space<vmem>> -> memref<1x125x128xf32, #tpu.memory_space<vmem>>
        %dma_wait3A_639 = tpu.memref_squeeze %dma_wait3A_638 : memref<1x125x128xf32, #tpu.memory_space<vmem>> -> memref<125x128xf32, #tpu.memory_space<vmem>>
        tpu.wait_dma2 semaphore(%arg16 : memref<!tpu.dma_semaphore, #tpu.memory_space<semaphore_mem>>) src(%dma_wait3A_639 : memref<125x128xf32, #tpu.memory_space<vmem>>) dst(%dma_wait3A_635 : memref<125x128xf32, #tpu.memory_space<vmem_shared>>)
        %add3A_640 = arith.constant 2 : i32
        %add3A_641 = arith.addi %add3A_248, %add3A_640 : i32
        %dma_start3A_642 = arith.constant 1 : i32
        %dma_start3A_643 = arith.constant 0 : i32
        %dma_start3A_644 = arith.constant 0 : i32
        %dma_start3A_645 = tpu.memref_slice %arg9[%dma_start3A_642, %dma_start3A_643, %dma_start3A_644] : memref<2x125x128xf32, #tpu.memory_space<vmem>> -> memref<1x125x128xf32, #tpu.memory_space<vmem>>
        %dma_start3A_646 = tpu.memref_squeeze %dma_start3A_645 : memref<1x125x128xf32, #tpu.memory_space<vmem>> -> memref<125x128xf32, #tpu.memory_space<vmem>>
        %dma_start3A_647 = arith.constant 0 : i32
        %dma_start3A_648 = tpu.memref_slice %arg7[%add3A_641, %dma_start3A_647] : memref<80x125xi32, #tpu.memory_space<vmem>> -> memref<1x125xi32, #tpu.memory_space<vmem>>
        %dma_start3A_649 = tpu.memref_squeeze %dma_start3A_648 : memref<1x125xi32, #tpu.memory_space<vmem>> -> memref<125xi32, #tpu.memory_space<vmem>>
        %dma_start3A_650 = arith.constant 0 : i32
        %dma_start3A_651 = arith.constant 0 : i32
        %dma_start3A_652 = tpu.memref_slice %arg2[%dma_start3A_650, %dma_start3A_651] : memref<10240x128xf32, #tpu.memory_space<hbm>> -> memref<10240x128xf32, #tpu.memory_space<hbm>>
        tpu.enqueue_indirect_dma source(%dma_start3A_652 : memref<10240x128xf32, #tpu.memory_space<hbm>>) target(%dma_start3A_646 : memref<125x128xf32, #tpu.memory_space<vmem>>) offsets(%dma_start3A_649 : memref<125xi32, #tpu.memory_space<vmem>>) semaphore(%arg12 : memref<!tpu.dma_semaphore, #tpu.memory_space<semaphore_mem>>)
      } else {
      }
      %mul3A_278 = arith.constant 8 : i32
      %mul3A_279 = arith.muli %add3A_75, %mul3A_278 : i32
      %add3A_280 = arith.constant 6 : i32
      %add3A_281 = arith.addi %mul3A_279, %add3A_280 : i32
      %dma_wait3A_282 = arith.constant 0 : i32
      %dma_wait3A_283 = arith.constant 0 : i32
      %dma_wait3A_284 = arith.constant 0 : i32
      %dma_wait3A_285 = tpu.memref_slice %arg9[%dma_wait3A_282, %dma_wait3A_283, %dma_wait3A_284] : memref<2x125x128xf32, #tpu.memory_space<vmem>> -> memref<1x125x128xf32, #tpu.memory_space<vmem>>
      %dma_wait3A_286 = tpu.memref_squeeze %dma_wait3A_285 : memref<1x125x128xf32, #tpu.memory_space<vmem>> -> memref<125x128xf32, #tpu.memory_space<vmem>>
      %dma_wait3A_287 = arith.constant 0 : i32
      %dma_wait3A_288 = tpu.memref_slice %arg7[%add3A_281, %dma_wait3A_287] : memref<80x125xi32, #tpu.memory_space<vmem>> -> memref<1x125xi32, #tpu.memory_space<vmem>>
      %dma_wait3A_289 = tpu.memref_squeeze %dma_wait3A_288 : memref<1x125xi32, #tpu.memory_space<vmem>> -> memref<125xi32, #tpu.memory_space<vmem>>
      %dma_wait3A_290 = arith.constant 0 : i32
      %dma_wait3A_291 = arith.constant 0 : i32
      %dma_wait3A_292 = tpu.memref_slice %arg2[%dma_wait3A_290, %dma_wait3A_291] : memref<10240x128xf32, #tpu.memory_space<hbm>> -> memref<10240x128xf32, #tpu.memory_space<hbm>>
      tpu.wait_indirect_dma semaphore(%arg11 : memref<!tpu.dma_semaphore, #tpu.memory_space<semaphore_mem>>) src(%dma_wait3A_292 : memref<10240x128xf32, #tpu.memory_space<hbm>>) dst(%dma_wait3A_286 : memref<125x128xf32, #tpu.memory_space<vmem>>)
      %dma_start3A_293 = arith.constant 0 : i32
      %dma_start3A_294 = arith.constant 0 : i32
      %dma_start3A_295 = arith.constant 6 : i32
      %dma_start3A_296 = arith.constant 0 : i32
      %dma_start3A_297 = arith.constant 0 : i32
      %dma_start3A_298 = tpu.memref_slice %arg9[%dma_start3A_293, %dma_start3A_296, %dma_start3A_297] : memref<2x125x128xf32, #tpu.memory_space<vmem>> -> memref<1x125x128xf32, #tpu.memory_space<vmem>>
      %dma_start3A_299 = tpu.memref_squeeze %dma_start3A_298 : memref<1x125x128xf32, #tpu.memory_space<vmem>> -> memref<125x128xf32, #tpu.memory_space<vmem>>
      %dma_start3A_300 = arith.constant 0 : i32
      %dma_start3A_301 = tpu.memref_slice %arg8[%dma_start3A_294, %dma_start3A_295, %dma_start3A_300] : memref<2x8x125xi32, #tpu.memory_space<vmem>> -> memref<1x1x125xi32, #tpu.memory_space<vmem>>
      %dma_start3A_302 = tpu.memref_squeeze %dma_start3A_301 : memref<1x1x125xi32, #tpu.memory_space<vmem>> -> memref<125xi32, #tpu.memory_space<vmem>>
      %dma_start3A_303 = arith.constant 0 : i32
      %dma_start3A_304 = arith.constant 0 : i32
      %dma_start3A_305 = tpu.memref_slice %arg10[%dma_start3A_303, %dma_start3A_304] : memref<10240x128xf32, #tpu.memory_space<vmem_shared>> -> memref<10240x128xf32, #tpu.memory_space<vmem_shared>>
      tpu.enqueue_indirect_dma source(%dma_start3A_299 : memref<125x128xf32, #tpu.memory_space<vmem>>) target(%dma_start3A_305 : memref<10240x128xf32, #tpu.memory_space<vmem_shared>>) offsets(%dma_start3A_302 : memref<125xi32, #tpu.memory_space<vmem>>) semaphore(%arg15 : memref<!tpu.dma_semaphore, #tpu.memory_space<semaphore_mem>>) {add = true}
      %lt3A_306 = arith.constant 78 : i32
      %lt3A_307 = arith.cmpi slt, %add3A_281, %lt3A_306 : i32
      %convert_element_type3A_308 = arith.extui %lt3A_307 : i1 to i32
      %cond3A_309 = arith.constant 0 : i32
      %cond3A_310 = arith.cmpi ne, %convert_element_type3A_308, %cond3A_309 : i32
      scf.if %cond3A_310 {
        %dma_wait3A_625 = arith.constant 0 : i32
        %dma_wait3A_626 = arith.constant 0 : i32
        %dma_wait3A_627 = arith.constant 0 : i32
        %dma_wait3A_628 = tpu.memref_slice %arg9[%dma_wait3A_625, %dma_wait3A_626, %dma_wait3A_627] : memref<2x125x128xf32, #tpu.memory_space<vmem>> -> memref<1x125x128xf32, #tpu.memory_space<vmem>>
        %dma_wait3A_629 = tpu.memref_squeeze %dma_wait3A_628 : memref<1x125x128xf32, #tpu.memory_space<vmem>> -> memref<125x128xf32, #tpu.memory_space<vmem>>
        %dma_wait3A_630 = arith.constant 0 : i32
        %dma_wait3A_631 = arith.constant 0 : i32
        %dma_wait3A_632 = tpu.memref_slice %arg10[%dma_wait3A_630, %dma_wait3A_631] : memref<10240x128xf32, #tpu.memory_space<vmem_shared>> -> memref<125x128xf32, #tpu.memory_space<vmem_shared>>
        %dma_wait3A_633 = arith.constant 0 : i32
        %dma_wait3A_634 = arith.constant 0 : i32
        %dma_wait3A_635 = tpu.memref_slice %arg10[%dma_wait3A_633, %dma_wait3A_634] : memref<10240x128xf32, #tpu.memory_space<vmem_shared>> -> memref<125x128xf32, #tpu.memory_space<vmem_shared>>
        %dma_wait3A_636 = arith.constant 0 : i32
        %dma_wait3A_637 = arith.constant 0 : i32
        %dma_wait3A_638 = tpu.memref_slice %arg9[%dma_wait3A_625, %dma_wait3A_636, %dma_wait3A_637] : memref<2x125x128xf32, #tpu.memory_space<vmem>> -> memref<1x125x128xf32, #tpu.memory_space<vmem>>
        %dma_wait3A_639 = tpu.memref_squeeze %dma_wait3A_638 : memref<1x125x128xf32, #tpu.memory_space<vmem>> -> memref<125x128xf32, #tpu.memory_space<vmem>>
        tpu.wait_dma2 semaphore(%arg15 : memref<!tpu.dma_semaphore, #tpu.memory_space<semaphore_mem>>) src(%dma_wait3A_639 : memref<125x128xf32, #tpu.memory_space<vmem>>) dst(%dma_wait3A_635 : memref<125x128xf32, #tpu.memory_space<vmem_shared>>)
        %add3A_640 = arith.constant 2 : i32
        %add3A_641 = arith.addi %add3A_281, %add3A_640 : i32
        %dma_start3A_642 = arith.constant 0 : i32
        %dma_start3A_643 = arith.constant 0 : i32
        %dma_start3A_644 = arith.constant 0 : i32
        %dma_start3A_645 = tpu.memref_slice %arg9[%dma_start3A_642, %dma_start3A_643, %dma_start3A_644] : memref<2x125x128xf32, #tpu.memory_space<vmem>> -> memref<1x125x128xf32, #tpu.memory_space<vmem>>
        %dma_start3A_646 = tpu.memref_squeeze %dma_start3A_645 : memref<1x125x128xf32, #tpu.memory_space<vmem>> -> memref<125x128xf32, #tpu.memory_space<vmem>>
        %dma_start3A_647 = arith.constant 0 : i32
        %dma_start3A_648 = tpu.memref_slice %arg7[%add3A_641, %dma_start3A_647] : memref<80x125xi32, #tpu.memory_space<vmem>> -> memref<1x125xi32, #tpu.memory_space<vmem>>
        %dma_start3A_649 = tpu.memref_squeeze %dma_start3A_648 : memref<1x125xi32, #tpu.memory_space<vmem>> -> memref<125xi32, #tpu.memory_space<vmem>>
        %dma_start3A_650 = arith.constant 0 : i32
        %dma_start3A_651 = arith.constant 0 : i32
        %dma_start3A_652 = tpu.memref_slice %arg2[%dma_start3A_650, %dma_start3A_651] : memref<10240x128xf32, #tpu.memory_space<hbm>> -> memref<10240x128xf32, #tpu.memory_space<hbm>>
        tpu.enqueue_indirect_dma source(%dma_start3A_652 : memref<10240x128xf32, #tpu.memory_space<hbm>>) target(%dma_start3A_646 : memref<125x128xf32, #tpu.memory_space<vmem>>) offsets(%dma_start3A_649 : memref<125xi32, #tpu.memory_space<vmem>>) semaphore(%arg11 : memref<!tpu.dma_semaphore, #tpu.memory_space<semaphore_mem>>)
      } else {
      }
      %mul3A_311 = arith.constant 8 : i32
      %mul3A_312 = arith.muli %add3A_75, %mul3A_311 : i32
      %add3A_313 = arith.constant 7 : i32
      %add3A_314 = arith.addi %mul3A_312, %add3A_313 : i32
      %dma_wait3A_315 = arith.constant 1 : i32
      %dma_wait3A_316 = arith.constant 0 : i32
      %dma_wait3A_317 = arith.constant 0 : i32
      %dma_wait3A_318 = tpu.memref_slice %arg9[%dma_wait3A_315, %dma_wait3A_316, %dma_wait3A_317] : memref<2x125x128xf32, #tpu.memory_space<vmem>> -> memref<1x125x128xf32, #tpu.memory_space<vmem>>
      %dma_wait3A_319 = tpu.memref_squeeze %dma_wait3A_318 : memref<1x125x128xf32, #tpu.memory_space<vmem>> -> memref<125x128xf32, #tpu.memory_space<vmem>>
      %dma_wait3A_320 = arith.constant 0 : i32
      %dma_wait3A_321 = tpu.memref_slice %arg7[%add3A_314, %dma_wait3A_320] : memref<80x125xi32, #tpu.memory_space<vmem>> -> memref<1x125xi32, #tpu.memory_space<vmem>>
      %dma_wait3A_322 = tpu.memref_squeeze %dma_wait3A_321 : memref<1x125xi32, #tpu.memory_space<vmem>> -> memref<125xi32, #tpu.memory_space<vmem>>
      %dma_wait3A_323 = arith.constant 0 : i32
      %dma_wait3A_324 = arith.constant 0 : i32
      %dma_wait3A_325 = tpu.memref_slice %arg2[%dma_wait3A_323, %dma_wait3A_324] : memref<10240x128xf32, #tpu.memory_space<hbm>> -> memref<10240x128xf32, #tpu.memory_space<hbm>>
      tpu.wait_indirect_dma semaphore(%arg12 : memref<!tpu.dma_semaphore, #tpu.memory_space<semaphore_mem>>) src(%dma_wait3A_325 : memref<10240x128xf32, #tpu.memory_space<hbm>>) dst(%dma_wait3A_319 : memref<125x128xf32, #tpu.memory_space<vmem>>)
      %dma_start3A_326 = arith.constant 1 : i32
      %dma_start3A_327 = arith.constant 0 : i32
      %dma_start3A_328 = arith.constant 7 : i32
      %dma_start3A_329 = arith.constant 0 : i32
      %dma_start3A_330 = arith.constant 0 : i32
      %dma_start3A_331 = tpu.memref_slice %arg9[%dma_start3A_326, %dma_start3A_329, %dma_start3A_330] : memref<2x125x128xf32, #tpu.memory_space<vmem>> -> memref<1x125x128xf32, #tpu.memory_space<vmem>>
      %dma_start3A_332 = tpu.memref_squeeze %dma_start3A_331 : memref<1x125x128xf32, #tpu.memory_space<vmem>> -> memref<125x128xf32, #tpu.memory_space<vmem>>
      %dma_start3A_333 = arith.constant 0 : i32
      %dma_start3A_334 = tpu.memref_slice %arg8[%dma_start3A_327, %dma_start3A_328, %dma_start3A_333] : memref<2x8x125xi32, #tpu.memory_space<vmem>> -> memref<1x1x125xi32, #tpu.memory_space<vmem>>
      %dma_start3A_335 = tpu.memref_squeeze %dma_start3A_334 : memref<1x1x125xi32, #tpu.memory_space<vmem>> -> memref<125xi32, #tpu.memory_space<vmem>>
      %dma_start3A_336 = arith.constant 0 : i32
      %dma_start3A_337 = arith.constant 0 : i32
      %dma_start3A_338 = tpu.memref_slice %arg10[%dma_start3A_336, %dma_start3A_337] : memref<10240x128xf32, #tpu.memory_space<vmem_shared>> -> memref<10240x128xf32, #tpu.memory_space<vmem_shared>>
      tpu.enqueue_indirect_dma source(%dma_start3A_332 : memref<125x128xf32, #tpu.memory_space<vmem>>) target(%dma_start3A_338 : memref<10240x128xf32, #tpu.memory_space<vmem_shared>>) offsets(%dma_start3A_335 : memref<125xi32, #tpu.memory_space<vmem>>) semaphore(%arg16 : memref<!tpu.dma_semaphore, #tpu.memory_space<semaphore_mem>>) {add = true}
      %lt3A_339 = arith.constant 78 : i32
      %lt3A_340 = arith.cmpi slt, %add3A_314, %lt3A_339 : i32
      %convert_element_type3A_341 = arith.extui %lt3A_340 : i1 to i32
      %cond3A_342 = arith.constant 0 : i32
      %cond3A_343 = arith.cmpi ne, %convert_element_type3A_341, %cond3A_342 : i32
      scf.if %cond3A_343 {
        %dma_wait3A_625 = arith.constant 1 : i32
        %dma_wait3A_626 = arith.constant 0 : i32
        %dma_wait3A_627 = arith.constant 0 : i32
        %dma_wait3A_628 = tpu.memref_slice %arg9[%dma_wait3A_625, %dma_wait3A_626, %dma_wait3A_627] : memref<2x125x128xf32, #tpu.memory_space<vmem>> -> memref<1x125x128xf32, #tpu.memory_space<vmem>>
        %dma_wait3A_629 = tpu.memref_squeeze %dma_wait3A_628 : memref<1x125x128xf32, #tpu.memory_space<vmem>> -> memref<125x128xf32, #tpu.memory_space<vmem>>
        %dma_wait3A_630 = arith.constant 0 : i32
        %dma_wait3A_631 = arith.constant 0 : i32
        %dma_wait3A_632 = tpu.memref_slice %arg10[%dma_wait3A_630, %dma_wait3A_631] : memref<10240x128xf32, #tpu.memory_space<vmem_shared>> -> memref<125x128xf32, #tpu.memory_space<vmem_shared>>
        %dma_wait3A_633 = arith.constant 0 : i32
        %dma_wait3A_634 = arith.constant 0 : i32
        %dma_wait3A_635 = tpu.memref_slice %arg10[%dma_wait3A_633, %dma_wait3A_634] : memref<10240x128xf32, #tpu.memory_space<vmem_shared>> -> memref<125x128xf32, #tpu.memory_space<vmem_shared>>
        %dma_wait3A_636 = arith.constant 0 : i32
        %dma_wait3A_637 = arith.constant 0 : i32
        %dma_wait3A_638 = tpu.memref_slice %arg9[%dma_wait3A_625, %dma_wait3A_636, %dma_wait3A_637] : memref<2x125x128xf32, #tpu.memory_space<vmem>> -> memref<1x125x128xf32, #tpu.memory_space<vmem>>
        %dma_wait3A_639 = tpu.memref_squeeze %dma_wait3A_638 : memref<1x125x128xf32, #tpu.memory_space<vmem>> -> memref<125x128xf32, #tpu.memory_space<vmem>>
        tpu.wait_dma2 semaphore(%arg16 : memref<!tpu.dma_semaphore, #tpu.memory_space<semaphore_mem>>) src(%dma_wait3A_639 : memref<125x128xf32, #tpu.memory_space<vmem>>) dst(%dma_wait3A_635 : memref<125x128xf32, #tpu.memory_space<vmem_shared>>)
        %add3A_640 = arith.constant 2 : i32
        %add3A_641 = arith.addi %add3A_314, %add3A_640 : i32
        %dma_start3A_642 = arith.constant 1 : i32
        %dma_start3A_643 = arith.constant 0 : i32
        %dma_start3A_644 = arith.constant 0 : i32
        %dma_start3A_645 = tpu.memref_slice %arg9[%dma_start3A_642, %dma_start3A_643, %dma_start3A_644] : memref<2x125x128xf32, #tpu.memory_space<vmem>> -> memref<1x125x128xf32, #tpu.memory_space<vmem>>
        %dma_start3A_646 = tpu.memref_squeeze %dma_start3A_645 : memref<1x125x128xf32, #tpu.memory_space<vmem>> -> memref<125x128xf32, #tpu.memory_space<vmem>>
        %dma_start3A_647 = arith.constant 0 : i32
        %dma_start3A_648 = tpu.memref_slice %arg7[%add3A_641, %dma_start3A_647] : memref<80x125xi32, #tpu.memory_space<vmem>> -> memref<1x125xi32, #tpu.memory_space<vmem>>
        %dma_start3A_649 = tpu.memref_squeeze %dma_start3A_648 : memref<1x125xi32, #tpu.memory_space<vmem>> -> memref<125xi32, #tpu.memory_space<vmem>>
        %dma_start3A_650 = arith.constant 0 : i32
        %dma_start3A_651 = arith.constant 0 : i32
        %dma_start3A_652 = tpu.memref_slice %arg2[%dma_start3A_650, %dma_start3A_651] : memref<10240x128xf32, #tpu.memory_space<hbm>> -> memref<10240x128xf32, #tpu.memory_space<hbm>>
        tpu.enqueue_indirect_dma source(%dma_start3A_652 : memref<10240x128xf32, #tpu.memory_space<hbm>>) target(%dma_start3A_646 : memref<125x128xf32, #tpu.memory_space<vmem>>) offsets(%dma_start3A_649 : memref<125xi32, #tpu.memory_space<vmem>>) semaphore(%arg12 : memref<!tpu.dma_semaphore, #tpu.memory_space<semaphore_mem>>)
      } else {
      }
      %lt3A_344 = arith.constant 9 : i32
      %lt3A_345 = arith.cmpi slt, %add3A_75, %lt3A_344 : i32
      %convert_element_type3A_346 = arith.extui %lt3A_345 : i1 to i32
      %cond3A_347 = arith.constant 0 : i32
      %cond3A_348 = arith.cmpi ne, %convert_element_type3A_346, %cond3A_347 : i32
      scf.if %cond3A_348 {
        %dma_wait3A_625 = arith.constant 0 : i32
        %dma_wait3A_626 = arith.constant 1 : i32
        %dma_wait3A_627 = arith.constant 0 : i32
        %dma_wait3A_628 = arith.constant 0 : i32
        %dma_wait3A_629 = tpu.memref_slice %arg8[%dma_wait3A_626, %dma_wait3A_627, %dma_wait3A_628] : memref<2x8x125xi32, #tpu.memory_space<vmem>> -> memref<1x8x125xi32, #tpu.memory_space<vmem>>
        %dma_wait3A_630 = tpu.memref_squeeze %dma_wait3A_629 : memref<1x8x125xi32, #tpu.memory_space<vmem>> -> memref<8x125xi32, #tpu.memory_space<vmem>>
        %dma_wait3A_631 = arith.constant 0 : i32
        %dma_wait3A_632 = arith.constant 0 : i32
        %dma_wait3A_633 = tpu.memref_slice %arg4[%add3A, %dma_wait3A_625, %dma_wait3A_631, %dma_wait3A_632] : memref<32x10x8x125xi32, #tpu.memory_space<hbm>> -> memref<1x1x8x125xi32, #tpu.memory_space<hbm>>
        %dma_wait3A_634 = tpu.memref_squeeze %dma_wait3A_633 : memref<1x1x8x125xi32, #tpu.memory_space<hbm>> -> memref<8x125xi32, #tpu.memory_space<hbm>>
        %dma_wait3A_635 = arith.constant 0 : i32
        %dma_wait3A_636 = arith.constant 0 : i32
        %dma_wait3A_637 = tpu.memref_slice %arg8[%dma_wait3A_626, %dma_wait3A_635, %dma_wait3A_636] : memref<2x8x125xi32, #tpu.memory_space<vmem>> -> memref<1x8x125xi32, #tpu.memory_space<vmem>>
        %dma_wait3A_638 = tpu.memref_squeeze %dma_wait3A_637 : memref<1x8x125xi32, #tpu.memory_space<vmem>> -> memref<8x125xi32, #tpu.memory_space<vmem>>
        %dma_wait3A_639 = arith.constant 0 : i32
        %dma_wait3A_640 = arith.constant 0 : i32
        %dma_wait3A_641 = tpu.memref_slice %arg4[%add3A, %dma_wait3A_625, %dma_wait3A_639, %dma_wait3A_640] : memref<32x10x8x125xi32, #tpu.memory_space<hbm>> -> memref<1x1x8x125xi32, #tpu.memory_space<hbm>>
        %dma_wait3A_642 = tpu.memref_squeeze %dma_wait3A_641 : memref<1x1x8x125xi32, #tpu.memory_space<hbm>> -> memref<8x125xi32, #tpu.memory_space<hbm>>
        tpu.wait_dma2 semaphore(%arg19 : memref<!tpu.dma_semaphore, #tpu.memory_space<semaphore_mem>>) src(%dma_wait3A_642 : memref<8x125xi32, #tpu.memory_space<hbm>>) dst(%dma_wait3A_638 : memref<8x125xi32, #tpu.memory_space<vmem>>)
      } else {
      }
      %add3A_349 = arith.constant 1 : i32
      %add3A_350 = arith.addi %add3A_73, %add3A_349 : i32
      %lt3A_351 = arith.constant 9 : i32
      %lt3A_352 = arith.cmpi slt, %add3A_350, %lt3A_351 : i32
      %convert_element_type3A_353 = arith.extui %lt3A_352 : i1 to i32
      %cond3A_354 = arith.constant 0 : i32
      %cond3A_355 = arith.cmpi ne, %convert_element_type3A_353, %cond3A_354 : i32
      scf.if %cond3A_355 {
        %add3A_625 = arith.constant 1 : i32
        %add3A_626 = arith.addi %add3A_350, %add3A_625 : i32
        %dma_start3A_627 = arith.constant 0 : i32
        %dma_start3A_628 = arith.constant 0 : i32
        %dma_start3A_629 = arith.constant 0 : i32
        %dma_start3A_630 = tpu.memref_slice %arg8[%dma_start3A_627, %dma_start3A_628, %dma_start3A_629] : memref<2x8x125xi32, #tpu.memory_space<vmem>> -> memref<1x8x125xi32, #tpu.memory_space<vmem>>
        %dma_start3A_631 = tpu.memref_squeeze %dma_start3A_630 : memref<1x8x125xi32, #tpu.memory_space<vmem>> -> memref<8x125xi32, #tpu.memory_space<vmem>>
        %dma_start3A_632 = arith.constant 0 : i32
        %dma_start3A_633 = arith.constant 0 : i32
        %dma_start3A_634 = tpu.memref_slice %arg4[%add3A, %add3A_626, %dma_start3A_632, %dma_start3A_633] : memref<32x10x8x125xi32, #tpu.memory_space<hbm>> -> memref<1x1x8x125xi32, #tpu.memory_space<hbm>>
        %dma_start3A_635 = tpu.memref_squeeze %dma_start3A_634 : memref<1x1x8x125xi32, #tpu.memory_space<hbm>> -> memref<8x125xi32, #tpu.memory_space<hbm>>
        %dma_start3A_636 = arith.constant 0 : i32
        %dma_start3A_637 = arith.constant 0 : i32
        %dma_start3A_638 = tpu.memref_slice %arg8[%dma_start3A_627, %dma_start3A_636, %dma_start3A_637] : memref<2x8x125xi32, #tpu.memory_space<vmem>> -> memref<1x8x125xi32, #tpu.memory_space<vmem>>
        %dma_start3A_639 = tpu.memref_squeeze %dma_start3A_638 : memref<1x8x125xi32, #tpu.memory_space<vmem>> -> memref<8x125xi32, #tpu.memory_space<vmem>>
        %dma_start3A_640 = arith.constant 0 : i32
        %dma_start3A_641 = arith.constant 0 : i32
        %dma_start3A_642 = tpu.memref_slice %arg4[%add3A, %add3A_626, %dma_start3A_640, %dma_start3A_641] : memref<32x10x8x125xi32, #tpu.memory_space<hbm>> -> memref<1x1x8x125xi32, #tpu.memory_space<hbm>>
        %dma_start3A_643 = tpu.memref_squeeze %dma_start3A_642 : memref<1x1x8x125xi32, #tpu.memory_space<hbm>> -> memref<8x125xi32, #tpu.memory_space<hbm>>
        tpu.enqueue_dma source(%dma_start3A_643 : memref<8x125xi32, #tpu.memory_space<hbm>>) target(%dma_start3A_639 : memref<8x125xi32, #tpu.memory_space<vmem>>) target_semaphore(%arg19 : memref<!tpu.dma_semaphore, #tpu.memory_space<semaphore_mem>>)
      } else {
      }
      %mul3A_356 = arith.constant 8 : i32
      %mul3A_357 = arith.muli %add3A_350, %mul3A_356 : i32
      %add3A_358 = arith.constant 0 : i32
      %add3A_359 = arith.addi %mul3A_357, %add3A_358 : i32
      %dma_wait3A_360 = arith.constant 0 : i32
      %dma_wait3A_361 = arith.constant 0 : i32
      %dma_wait3A_362 = arith.constant 0 : i32
      %dma_wait3A_363 = tpu.memref_slice %arg9[%dma_wait3A_360, %dma_wait3A_361, %dma_wait3A_362] : memref<2x125x128xf32, #tpu.memory_space<vmem>> -> memref<1x125x128xf32, #tpu.memory_space<vmem>>
      %dma_wait3A_364 = tpu.memref_squeeze %dma_wait3A_363 : memref<1x125x128xf32, #tpu.memory_space<vmem>> -> memref<125x128xf32, #tpu.memory_space<vmem>>
      %dma_wait3A_365 = arith.constant 0 : i32
      %dma_wait3A_366 = tpu.memref_slice %arg7[%add3A_359, %dma_wait3A_365] : memref<80x125xi32, #tpu.memory_space<vmem>> -> memref<1x125xi32, #tpu.memory_space<vmem>>
      %dma_wait3A_367 = tpu.memref_squeeze %dma_wait3A_366 : memref<1x125xi32, #tpu.memory_space<vmem>> -> memref<125xi32, #tpu.memory_space<vmem>>
      %dma_wait3A_368 = arith.constant 0 : i32
      %dma_wait3A_369 = arith.constant 0 : i32
      %dma_wait3A_370 = tpu.memref_slice %arg2[%dma_wait3A_368, %dma_wait3A_369] : memref<10240x128xf32, #tpu.memory_space<hbm>> -> memref<10240x128xf32, #tpu.memory_space<hbm>>
      tpu.wait_indirect_dma semaphore(%arg11 : memref<!tpu.dma_semaphore, #tpu.memory_space<semaphore_mem>>) src(%dma_wait3A_370 : memref<10240x128xf32, #tpu.memory_space<hbm>>) dst(%dma_wait3A_364 : memref<125x128xf32, #tpu.memory_space<vmem>>)
      %dma_start3A_371 = arith.constant 0 : i32
      %dma_start3A_372 = arith.constant 1 : i32
      %dma_start3A_373 = arith.constant 0 : i32
      %dma_start3A_374 = arith.constant 0 : i32
      %dma_start3A_375 = arith.constant 0 : i32
      %dma_start3A_376 = tpu.memref_slice %arg9[%dma_start3A_371, %dma_start3A_374, %dma_start3A_375] : memref<2x125x128xf32, #tpu.memory_space<vmem>> -> memref<1x125x128xf32, #tpu.memory_space<vmem>>
      %dma_start3A_377 = tpu.memref_squeeze %dma_start3A_376 : memref<1x125x128xf32, #tpu.memory_space<vmem>> -> memref<125x128xf32, #tpu.memory_space<vmem>>
      %dma_start3A_378 = arith.constant 0 : i32
      %dma_start3A_379 = tpu.memref_slice %arg8[%dma_start3A_372, %dma_start3A_373, %dma_start3A_378] : memref<2x8x125xi32, #tpu.memory_space<vmem>> -> memref<1x1x125xi32, #tpu.memory_space<vmem>>
      %dma_start3A_380 = tpu.memref_squeeze %dma_start3A_379 : memref<1x1x125xi32, #tpu.memory_space<vmem>> -> memref<125xi32, #tpu.memory_space<vmem>>
      %dma_start3A_381 = arith.constant 0 : i32
      %dma_start3A_382 = arith.constant 0 : i32
      %dma_start3A_383 = tpu.memref_slice %arg10[%dma_start3A_381, %dma_start3A_382] : memref<10240x128xf32, #tpu.memory_space<vmem_shared>> -> memref<10240x128xf32, #tpu.memory_space<vmem_shared>>
      tpu.enqueue_indirect_dma source(%dma_start3A_377 : memref<125x128xf32, #tpu.memory_space<vmem>>) target(%dma_start3A_383 : memref<10240x128xf32, #tpu.memory_space<vmem_shared>>) offsets(%dma_start3A_380 : memref<125xi32, #tpu.memory_space<vmem>>) semaphore(%arg15 : memref<!tpu.dma_semaphore, #tpu.memory_space<semaphore_mem>>) {add = true}
      %lt3A_384 = arith.constant 78 : i32
      %lt3A_385 = arith.cmpi slt, %add3A_359, %lt3A_384 : i32
      %convert_element_type3A_386 = arith.extui %lt3A_385 : i1 to i32
      %cond3A_387 = arith.constant 0 : i32
      %cond3A_388 = arith.cmpi ne, %convert_element_type3A_386, %cond3A_387 : i32
      scf.if %cond3A_388 {
        %dma_wait3A_625 = arith.constant 0 : i32
        %dma_wait3A_626 = arith.constant 0 : i32
        %dma_wait3A_627 = arith.constant 0 : i32
        %dma_wait3A_628 = tpu.memref_slice %arg9[%dma_wait3A_625, %dma_wait3A_626, %dma_wait3A_627] : memref<2x125x128xf32, #tpu.memory_space<vmem>> -> memref<1x125x128xf32, #tpu.memory_space<vmem>>
        %dma_wait3A_629 = tpu.memref_squeeze %dma_wait3A_628 : memref<1x125x128xf32, #tpu.memory_space<vmem>> -> memref<125x128xf32, #tpu.memory_space<vmem>>
        %dma_wait3A_630 = arith.constant 0 : i32
        %dma_wait3A_631 = arith.constant 0 : i32
        %dma_wait3A_632 = tpu.memref_slice %arg10[%dma_wait3A_630, %dma_wait3A_631] : memref<10240x128xf32, #tpu.memory_space<vmem_shared>> -> memref<125x128xf32, #tpu.memory_space<vmem_shared>>
        %dma_wait3A_633 = arith.constant 0 : i32
        %dma_wait3A_634 = arith.constant 0 : i32
        %dma_wait3A_635 = tpu.memref_slice %arg10[%dma_wait3A_633, %dma_wait3A_634] : memref<10240x128xf32, #tpu.memory_space<vmem_shared>> -> memref<125x128xf32, #tpu.memory_space<vmem_shared>>
        %dma_wait3A_636 = arith.constant 0 : i32
        %dma_wait3A_637 = arith.constant 0 : i32
        %dma_wait3A_638 = tpu.memref_slice %arg9[%dma_wait3A_625, %dma_wait3A_636, %dma_wait3A_637] : memref<2x125x128xf32, #tpu.memory_space<vmem>> -> memref<1x125x128xf32, #tpu.memory_space<vmem>>
        %dma_wait3A_639 = tpu.memref_squeeze %dma_wait3A_638 : memref<1x125x128xf32, #tpu.memory_space<vmem>> -> memref<125x128xf32, #tpu.memory_space<vmem>>
        tpu.wait_dma2 semaphore(%arg15 : memref<!tpu.dma_semaphore, #tpu.memory_space<semaphore_mem>>) src(%dma_wait3A_639 : memref<125x128xf32, #tpu.memory_space<vmem>>) dst(%dma_wait3A_635 : memref<125x128xf32, #tpu.memory_space<vmem_shared>>)
        %add3A_640 = arith.constant 2 : i32
        %add3A_641 = arith.addi %add3A_359, %add3A_640 : i32
        %dma_start3A_642 = arith.constant 0 : i32
        %dma_start3A_643 = arith.constant 0 : i32
        %dma_start3A_644 = arith.constant 0 : i32
        %dma_start3A_645 = tpu.memref_slice %arg9[%dma_start3A_642, %dma_start3A_643, %dma_start3A_644] : memref<2x125x128xf32, #tpu.memory_space<vmem>> -> memref<1x125x128xf32, #tpu.memory_space<vmem>>
        %dma_start3A_646 = tpu.memref_squeeze %dma_start3A_645 : memref<1x125x128xf32, #tpu.memory_space<vmem>> -> memref<125x128xf32, #tpu.memory_space<vmem>>
        %dma_start3A_647 = arith.constant 0 : i32
        %dma_start3A_648 = tpu.memref_slice %arg7[%add3A_641, %dma_start3A_647] : memref<80x125xi32, #tpu.memory_space<vmem>> -> memref<1x125xi32, #tpu.memory_space<vmem>>
        %dma_start3A_649 = tpu.memref_squeeze %dma_start3A_648 : memref<1x125xi32, #tpu.memory_space<vmem>> -> memref<125xi32, #tpu.memory_space<vmem>>
        %dma_start3A_650 = arith.constant 0 : i32
        %dma_start3A_651 = arith.constant 0 : i32
        %dma_start3A_652 = tpu.memref_slice %arg2[%dma_start3A_650, %dma_start3A_651] : memref<10240x128xf32, #tpu.memory_space<hbm>> -> memref<10240x128xf32, #tpu.memory_space<hbm>>
        tpu.enqueue_indirect_dma source(%dma_start3A_652 : memref<10240x128xf32, #tpu.memory_space<hbm>>) target(%dma_start3A_646 : memref<125x128xf32, #tpu.memory_space<vmem>>) offsets(%dma_start3A_649 : memref<125xi32, #tpu.memory_space<vmem>>) semaphore(%arg11 : memref<!tpu.dma_semaphore, #tpu.memory_space<semaphore_mem>>)
      } else {
      }
      %mul3A_389 = arith.constant 8 : i32
      %mul3A_390 = arith.muli %add3A_350, %mul3A_389 : i32
      %add3A_391 = arith.constant 1 : i32
      %add3A_392 = arith.addi %mul3A_390, %add3A_391 : i32
      %dma_wait3A_393 = arith.constant 1 : i32
      %dma_wait3A_394 = arith.constant 0 : i32
      %dma_wait3A_395 = arith.constant 0 : i32
      %dma_wait3A_396 = tpu.memref_slice %arg9[%dma_wait3A_393, %dma_wait3A_394, %dma_wait3A_395] : memref<2x125x128xf32, #tpu.memory_space<vmem>> -> memref<1x125x128xf32, #tpu.memory_space<vmem>>
      %dma_wait3A_397 = tpu.memref_squeeze %dma_wait3A_396 : memref<1x125x128xf32, #tpu.memory_space<vmem>> -> memref<125x128xf32, #tpu.memory_space<vmem>>
      %dma_wait3A_398 = arith.constant 0 : i32
      %dma_wait3A_399 = tpu.memref_slice %arg7[%add3A_392, %dma_wait3A_398] : memref<80x125xi32, #tpu.memory_space<vmem>> -> memref<1x125xi32, #tpu.memory_space<vmem>>
      %dma_wait3A_400 = tpu.memref_squeeze %dma_wait3A_399 : memref<1x125xi32, #tpu.memory_space<vmem>> -> memref<125xi32, #tpu.memory_space<vmem>>
      %dma_wait3A_401 = arith.constant 0 : i32
      %dma_wait3A_402 = arith.constant 0 : i32
      %dma_wait3A_403 = tpu.memref_slice %arg2[%dma_wait3A_401, %dma_wait3A_402] : memref<10240x128xf32, #tpu.memory_space<hbm>> -> memref<10240x128xf32, #tpu.memory_space<hbm>>
      tpu.wait_indirect_dma semaphore(%arg12 : memref<!tpu.dma_semaphore, #tpu.memory_space<semaphore_mem>>) src(%dma_wait3A_403 : memref<10240x128xf32, #tpu.memory_space<hbm>>) dst(%dma_wait3A_397 : memref<125x128xf32, #tpu.memory_space<vmem>>)
      %dma_start3A_404 = arith.constant 1 : i32
      %dma_start3A_405 = arith.constant 1 : i32
      %dma_start3A_406 = arith.constant 1 : i32
      %dma_start3A_407 = arith.constant 0 : i32
      %dma_start3A_408 = arith.constant 0 : i32
      %dma_start3A_409 = tpu.memref_slice %arg9[%dma_start3A_404, %dma_start3A_407, %dma_start3A_408] : memref<2x125x128xf32, #tpu.memory_space<vmem>> -> memref<1x125x128xf32, #tpu.memory_space<vmem>>
      %dma_start3A_410 = tpu.memref_squeeze %dma_start3A_409 : memref<1x125x128xf32, #tpu.memory_space<vmem>> -> memref<125x128xf32, #tpu.memory_space<vmem>>
      %dma_start3A_411 = arith.constant 0 : i32
      %dma_start3A_412 = tpu.memref_slice %arg8[%dma_start3A_405, %dma_start3A_406, %dma_start3A_411] : memref<2x8x125xi32, #tpu.memory_space<vmem>> -> memref<1x1x125xi32, #tpu.memory_space<vmem>>
      %dma_start3A_413 = tpu.memref_squeeze %dma_start3A_412 : memref<1x1x125xi32, #tpu.memory_space<vmem>> -> memref<125xi32, #tpu.memory_space<vmem>>
      %dma_start3A_414 = arith.constant 0 : i32
      %dma_start3A_415 = arith.constant 0 : i32
      %dma_start3A_416 = tpu.memref_slice %arg10[%dma_start3A_414, %dma_start3A_415] : memref<10240x128xf32, #tpu.memory_space<vmem_shared>> -> memref<10240x128xf32, #tpu.memory_space<vmem_shared>>
      tpu.enqueue_indirect_dma source(%dma_start3A_410 : memref<125x128xf32, #tpu.memory_space<vmem>>) target(%dma_start3A_416 : memref<10240x128xf32, #tpu.memory_space<vmem_shared>>) offsets(%dma_start3A_413 : memref<125xi32, #tpu.memory_space<vmem>>) semaphore(%arg16 : memref<!tpu.dma_semaphore, #tpu.memory_space<semaphore_mem>>) {add = true}
      %lt3A_417 = arith.constant 78 : i32
      %lt3A_418 = arith.cmpi slt, %add3A_392, %lt3A_417 : i32
      %convert_element_type3A_419 = arith.extui %lt3A_418 : i1 to i32
      %cond3A_420 = arith.constant 0 : i32
      %cond3A_421 = arith.cmpi ne, %convert_element_type3A_419, %cond3A_420 : i32
      scf.if %cond3A_421 {
        %dma_wait3A_625 = arith.constant 1 : i32
        %dma_wait3A_626 = arith.constant 0 : i32
        %dma_wait3A_627 = arith.constant 0 : i32
        %dma_wait3A_628 = tpu.memref_slice %arg9[%dma_wait3A_625, %dma_wait3A_626, %dma_wait3A_627] : memref<2x125x128xf32, #tpu.memory_space<vmem>> -> memref<1x125x128xf32, #tpu.memory_space<vmem>>
        %dma_wait3A_629 = tpu.memref_squeeze %dma_wait3A_628 : memref<1x125x128xf32, #tpu.memory_space<vmem>> -> memref<125x128xf32, #tpu.memory_space<vmem>>
        %dma_wait3A_630 = arith.constant 0 : i32
        %dma_wait3A_631 = arith.constant 0 : i32
        %dma_wait3A_632 = tpu.memref_slice %arg10[%dma_wait3A_630, %dma_wait3A_631] : memref<10240x128xf32, #tpu.memory_space<vmem_shared>> -> memref<125x128xf32, #tpu.memory_space<vmem_shared>>
        %dma_wait3A_633 = arith.constant 0 : i32
        %dma_wait3A_634 = arith.constant 0 : i32
        %dma_wait3A_635 = tpu.memref_slice %arg10[%dma_wait3A_633, %dma_wait3A_634] : memref<10240x128xf32, #tpu.memory_space<vmem_shared>> -> memref<125x128xf32, #tpu.memory_space<vmem_shared>>
        %dma_wait3A_636 = arith.constant 0 : i32
        %dma_wait3A_637 = arith.constant 0 : i32
        %dma_wait3A_638 = tpu.memref_slice %arg9[%dma_wait3A_625, %dma_wait3A_636, %dma_wait3A_637] : memref<2x125x128xf32, #tpu.memory_space<vmem>> -> memref<1x125x128xf32, #tpu.memory_space<vmem>>
        %dma_wait3A_639 = tpu.memref_squeeze %dma_wait3A_638 : memref<1x125x128xf32, #tpu.memory_space<vmem>> -> memref<125x128xf32, #tpu.memory_space<vmem>>
        tpu.wait_dma2 semaphore(%arg16 : memref<!tpu.dma_semaphore, #tpu.memory_space<semaphore_mem>>) src(%dma_wait3A_639 : memref<125x128xf32, #tpu.memory_space<vmem>>) dst(%dma_wait3A_635 : memref<125x128xf32, #tpu.memory_space<vmem_shared>>)
        %add3A_640 = arith.constant 2 : i32
        %add3A_641 = arith.addi %add3A_392, %add3A_640 : i32
        %dma_start3A_642 = arith.constant 1 : i32
        %dma_start3A_643 = arith.constant 0 : i32
        %dma_start3A_644 = arith.constant 0 : i32
        %dma_start3A_645 = tpu.memref_slice %arg9[%dma_start3A_642, %dma_start3A_643, %dma_start3A_644] : memref<2x125x128xf32, #tpu.memory_space<vmem>> -> memref<1x125x128xf32, #tpu.memory_space<vmem>>
        %dma_start3A_646 = tpu.memref_squeeze %dma_start3A_645 : memref<1x125x128xf32, #tpu.memory_space<vmem>> -> memref<125x128xf32, #tpu.memory_space<vmem>>
        %dma_start3A_647 = arith.constant 0 : i32
        %dma_start3A_648 = tpu.memref_slice %arg7[%add3A_641, %dma_start3A_647] : memref<80x125xi32, #tpu.memory_space<vmem>> -> memref<1x125xi32, #tpu.memory_space<vmem>>
        %dma_start3A_649 = tpu.memref_squeeze %dma_start3A_648 : memref<1x125xi32, #tpu.memory_space<vmem>> -> memref<125xi32, #tpu.memory_space<vmem>>
        %dma_start3A_650 = arith.constant 0 : i32
        %dma_start3A_651 = arith.constant 0 : i32
        %dma_start3A_652 = tpu.memref_slice %arg2[%dma_start3A_650, %dma_start3A_651] : memref<10240x128xf32, #tpu.memory_space<hbm>> -> memref<10240x128xf32, #tpu.memory_space<hbm>>
        tpu.enqueue_indirect_dma source(%dma_start3A_652 : memref<10240x128xf32, #tpu.memory_space<hbm>>) target(%dma_start3A_646 : memref<125x128xf32, #tpu.memory_space<vmem>>) offsets(%dma_start3A_649 : memref<125xi32, #tpu.memory_space<vmem>>) semaphore(%arg12 : memref<!tpu.dma_semaphore, #tpu.memory_space<semaphore_mem>>)
      } else {
      }
      %mul3A_422 = arith.constant 8 : i32
      %mul3A_423 = arith.muli %add3A_350, %mul3A_422 : i32
      %add3A_424 = arith.constant 2 : i32
      %add3A_425 = arith.addi %mul3A_423, %add3A_424 : i32
      %dma_wait3A_426 = arith.constant 0 : i32
      %dma_wait3A_427 = arith.constant 0 : i32
      %dma_wait3A_428 = arith.constant 0 : i32
      %dma_wait3A_429 = tpu.memref_slice %arg9[%dma_wait3A_426, %dma_wait3A_427, %dma_wait3A_428] : memref<2x125x128xf32, #tpu.memory_space<vmem>> -> memref<1x125x128xf32, #tpu.memory_space<vmem>>
      %dma_wait3A_430 = tpu.memref_squeeze %dma_wait3A_429 : memref<1x125x128xf32, #tpu.memory_space<vmem>> -> memref<125x128xf32, #tpu.memory_space<vmem>>
      %dma_wait3A_431 = arith.constant 0 : i32
      %dma_wait3A_432 = tpu.memref_slice %arg7[%add3A_425, %dma_wait3A_431] : memref<80x125xi32, #tpu.memory_space<vmem>> -> memref<1x125xi32, #tpu.memory_space<vmem>>
      %dma_wait3A_433 = tpu.memref_squeeze %dma_wait3A_432 : memref<1x125xi32, #tpu.memory_space<vmem>> -> memref<125xi32, #tpu.memory_space<vmem>>
      %dma_wait3A_434 = arith.constant 0 : i32
      %dma_wait3A_435 = arith.constant 0 : i32
      %dma_wait3A_436 = tpu.memref_slice %arg2[%dma_wait3A_434, %dma_wait3A_435] : memref<10240x128xf32, #tpu.memory_space<hbm>> -> memref<10240x128xf32, #tpu.memory_space<hbm>>
      tpu.wait_indirect_dma semaphore(%arg11 : memref<!tpu.dma_semaphore, #tpu.memory_space<semaphore_mem>>) src(%dma_wait3A_436 : memref<10240x128xf32, #tpu.memory_space<hbm>>) dst(%dma_wait3A_430 : memref<125x128xf32, #tpu.memory_space<vmem>>)
      %dma_start3A_437 = arith.constant 0 : i32
      %dma_start3A_438 = arith.constant 1 : i32
      %dma_start3A_439 = arith.constant 2 : i32
      %dma_start3A_440 = arith.constant 0 : i32
      %dma_start3A_441 = arith.constant 0 : i32
      %dma_start3A_442 = tpu.memref_slice %arg9[%dma_start3A_437, %dma_start3A_440, %dma_start3A_441] : memref<2x125x128xf32, #tpu.memory_space<vmem>> -> memref<1x125x128xf32, #tpu.memory_space<vmem>>
      %dma_start3A_443 = tpu.memref_squeeze %dma_start3A_442 : memref<1x125x128xf32, #tpu.memory_space<vmem>> -> memref<125x128xf32, #tpu.memory_space<vmem>>
      %dma_start3A_444 = arith.constant 0 : i32
      %dma_start3A_445 = tpu.memref_slice %arg8[%dma_start3A_438, %dma_start3A_439, %dma_start3A_444] : memref<2x8x125xi32, #tpu.memory_space<vmem>> -> memref<1x1x125xi32, #tpu.memory_space<vmem>>
      %dma_start3A_446 = tpu.memref_squeeze %dma_start3A_445 : memref<1x1x125xi32, #tpu.memory_space<vmem>> -> memref<125xi32, #tpu.memory_space<vmem>>
      %dma_start3A_447 = arith.constant 0 : i32
      %dma_start3A_448 = arith.constant 0 : i32
      %dma_start3A_449 = tpu.memref_slice %arg10[%dma_start3A_447, %dma_start3A_448] : memref<10240x128xf32, #tpu.memory_space<vmem_shared>> -> memref<10240x128xf32, #tpu.memory_space<vmem_shared>>
      tpu.enqueue_indirect_dma source(%dma_start3A_443 : memref<125x128xf32, #tpu.memory_space<vmem>>) target(%dma_start3A_449 : memref<10240x128xf32, #tpu.memory_space<vmem_shared>>) offsets(%dma_start3A_446 : memref<125xi32, #tpu.memory_space<vmem>>) semaphore(%arg15 : memref<!tpu.dma_semaphore, #tpu.memory_space<semaphore_mem>>) {add = true}
      %lt3A_450 = arith.constant 78 : i32
      %lt3A_451 = arith.cmpi slt, %add3A_425, %lt3A_450 : i32
      %convert_element_type3A_452 = arith.extui %lt3A_451 : i1 to i32
      %cond3A_453 = arith.constant 0 : i32
      %cond3A_454 = arith.cmpi ne, %convert_element_type3A_452, %cond3A_453 : i32
      scf.if %cond3A_454 {
        %dma_wait3A_625 = arith.constant 0 : i32
        %dma_wait3A_626 = arith.constant 0 : i32
        %dma_wait3A_627 = arith.constant 0 : i32
        %dma_wait3A_628 = tpu.memref_slice %arg9[%dma_wait3A_625, %dma_wait3A_626, %dma_wait3A_627] : memref<2x125x128xf32, #tpu.memory_space<vmem>> -> memref<1x125x128xf32, #tpu.memory_space<vmem>>
        %dma_wait3A_629 = tpu.memref_squeeze %dma_wait3A_628 : memref<1x125x128xf32, #tpu.memory_space<vmem>> -> memref<125x128xf32, #tpu.memory_space<vmem>>
        %dma_wait3A_630 = arith.constant 0 : i32
        %dma_wait3A_631 = arith.constant 0 : i32
        %dma_wait3A_632 = tpu.memref_slice %arg10[%dma_wait3A_630, %dma_wait3A_631] : memref<10240x128xf32, #tpu.memory_space<vmem_shared>> -> memref<125x128xf32, #tpu.memory_space<vmem_shared>>
        %dma_wait3A_633 = arith.constant 0 : i32
        %dma_wait3A_634 = arith.constant 0 : i32
        %dma_wait3A_635 = tpu.memref_slice %arg10[%dma_wait3A_633, %dma_wait3A_634] : memref<10240x128xf32, #tpu.memory_space<vmem_shared>> -> memref<125x128xf32, #tpu.memory_space<vmem_shared>>
        %dma_wait3A_636 = arith.constant 0 : i32
        %dma_wait3A_637 = arith.constant 0 : i32
        %dma_wait3A_638 = tpu.memref_slice %arg9[%dma_wait3A_625, %dma_wait3A_636, %dma_wait3A_637] : memref<2x125x128xf32, #tpu.memory_space<vmem>> -> memref<1x125x128xf32, #tpu.memory_space<vmem>>
        %dma_wait3A_639 = tpu.memref_squeeze %dma_wait3A_638 : memref<1x125x128xf32, #tpu.memory_space<vmem>> -> memref<125x128xf32, #tpu.memory_space<vmem>>
        tpu.wait_dma2 semaphore(%arg15 : memref<!tpu.dma_semaphore, #tpu.memory_space<semaphore_mem>>) src(%dma_wait3A_639 : memref<125x128xf32, #tpu.memory_space<vmem>>) dst(%dma_wait3A_635 : memref<125x128xf32, #tpu.memory_space<vmem_shared>>)
        %add3A_640 = arith.constant 2 : i32
        %add3A_641 = arith.addi %add3A_425, %add3A_640 : i32
        %dma_start3A_642 = arith.constant 0 : i32
        %dma_start3A_643 = arith.constant 0 : i32
        %dma_start3A_644 = arith.constant 0 : i32
        %dma_start3A_645 = tpu.memref_slice %arg9[%dma_start3A_642, %dma_start3A_643, %dma_start3A_644] : memref<2x125x128xf32, #tpu.memory_space<vmem>> -> memref<1x125x128xf32, #tpu.memory_space<vmem>>
        %dma_start3A_646 = tpu.memref_squeeze %dma_start3A_645 : memref<1x125x128xf32, #tpu.memory_space<vmem>> -> memref<125x128xf32, #tpu.memory_space<vmem>>
        %dma_start3A_647 = arith.constant 0 : i32
        %dma_start3A_648 = tpu.memref_slice %arg7[%add3A_641, %dma_start3A_647] : memref<80x125xi32, #tpu.memory_space<vmem>> -> memref<1x125xi32, #tpu.memory_space<vmem>>
        %dma_start3A_649 = tpu.memref_squeeze %dma_start3A_648 : memref<1x125xi32, #tpu.memory_space<vmem>> -> memref<125xi32, #tpu.memory_space<vmem>>
        %dma_start3A_650 = arith.constant 0 : i32
        %dma_start3A_651 = arith.constant 0 : i32
        %dma_start3A_652 = tpu.memref_slice %arg2[%dma_start3A_650, %dma_start3A_651] : memref<10240x128xf32, #tpu.memory_space<hbm>> -> memref<10240x128xf32, #tpu.memory_space<hbm>>
        tpu.enqueue_indirect_dma source(%dma_start3A_652 : memref<10240x128xf32, #tpu.memory_space<hbm>>) target(%dma_start3A_646 : memref<125x128xf32, #tpu.memory_space<vmem>>) offsets(%dma_start3A_649 : memref<125xi32, #tpu.memory_space<vmem>>) semaphore(%arg11 : memref<!tpu.dma_semaphore, #tpu.memory_space<semaphore_mem>>)
      } else {
      }
      %mul3A_455 = arith.constant 8 : i32
      %mul3A_456 = arith.muli %add3A_350, %mul3A_455 : i32
      %add3A_457 = arith.constant 3 : i32
      %add3A_458 = arith.addi %mul3A_456, %add3A_457 : i32
      %dma_wait3A_459 = arith.constant 1 : i32
      %dma_wait3A_460 = arith.constant 0 : i32
      %dma_wait3A_461 = arith.constant 0 : i32
      %dma_wait3A_462 = tpu.memref_slice %arg9[%dma_wait3A_459, %dma_wait3A_460, %dma_wait3A_461] : memref<2x125x128xf32, #tpu.memory_space<vmem>> -> memref<1x125x128xf32, #tpu.memory_space<vmem>>
      %dma_wait3A_463 = tpu.memref_squeeze %dma_wait3A_462 : memref<1x125x128xf32, #tpu.memory_space<vmem>> -> memref<125x128xf32, #tpu.memory_space<vmem>>
      %dma_wait3A_464 = arith.constant 0 : i32
      %dma_wait3A_465 = tpu.memref_slice %arg7[%add3A_458, %dma_wait3A_464] : memref<80x125xi32, #tpu.memory_space<vmem>> -> memref<1x125xi32, #tpu.memory_space<vmem>>
      %dma_wait3A_466 = tpu.memref_squeeze %dma_wait3A_465 : memref<1x125xi32, #tpu.memory_space<vmem>> -> memref<125xi32, #tpu.memory_space<vmem>>
      %dma_wait3A_467 = arith.constant 0 : i32
      %dma_wait3A_468 = arith.constant 0 : i32
      %dma_wait3A_469 = tpu.memref_slice %arg2[%dma_wait3A_467, %dma_wait3A_468] : memref<10240x128xf32, #tpu.memory_space<hbm>> -> memref<10240x128xf32, #tpu.memory_space<hbm>>
      tpu.wait_indirect_dma semaphore(%arg12 : memref<!tpu.dma_semaphore, #tpu.memory_space<semaphore_mem>>) src(%dma_wait3A_469 : memref<10240x128xf32, #tpu.memory_space<hbm>>) dst(%dma_wait3A_463 : memref<125x128xf32, #tpu.memory_space<vmem>>)
      %dma_start3A_470 = arith.constant 1 : i32
      %dma_start3A_471 = arith.constant 1 : i32
      %dma_start3A_472 = arith.constant 3 : i32
      %dma_start3A_473 = arith.constant 0 : i32
      %dma_start3A_474 = arith.constant 0 : i32
      %dma_start3A_475 = tpu.memref_slice %arg9[%dma_start3A_470, %dma_start3A_473, %dma_start3A_474] : memref<2x125x128xf32, #tpu.memory_space<vmem>> -> memref<1x125x128xf32, #tpu.memory_space<vmem>>
      %dma_start3A_476 = tpu.memref_squeeze %dma_start3A_475 : memref<1x125x128xf32, #tpu.memory_space<vmem>> -> memref<125x128xf32, #tpu.memory_space<vmem>>
      %dma_start3A_477 = arith.constant 0 : i32
      %dma_start3A_478 = tpu.memref_slice %arg8[%dma_start3A_471, %dma_start3A_472, %dma_start3A_477] : memref<2x8x125xi32, #tpu.memory_space<vmem>> -> memref<1x1x125xi32, #tpu.memory_space<vmem>>
      %dma_start3A_479 = tpu.memref_squeeze %dma_start3A_478 : memref<1x1x125xi32, #tpu.memory_space<vmem>> -> memref<125xi32, #tpu.memory_space<vmem>>
      %dma_start3A_480 = arith.constant 0 : i32
      %dma_start3A_481 = arith.constant 0 : i32
      %dma_start3A_482 = tpu.memref_slice %arg10[%dma_start3A_480, %dma_start3A_481] : memref<10240x128xf32, #tpu.memory_space<vmem_shared>> -> memref<10240x128xf32, #tpu.memory_space<vmem_shared>>
      tpu.enqueue_indirect_dma source(%dma_start3A_476 : memref<125x128xf32, #tpu.memory_space<vmem>>) target(%dma_start3A_482 : memref<10240x128xf32, #tpu.memory_space<vmem_shared>>) offsets(%dma_start3A_479 : memref<125xi32, #tpu.memory_space<vmem>>) semaphore(%arg16 : memref<!tpu.dma_semaphore, #tpu.memory_space<semaphore_mem>>) {add = true}
      %lt3A_483 = arith.constant 78 : i32
      %lt3A_484 = arith.cmpi slt, %add3A_458, %lt3A_483 : i32
      %convert_element_type3A_485 = arith.extui %lt3A_484 : i1 to i32
      %cond3A_486 = arith.constant 0 : i32
      %cond3A_487 = arith.cmpi ne, %convert_element_type3A_485, %cond3A_486 : i32
      scf.if %cond3A_487 {
        %dma_wait3A_625 = arith.constant 1 : i32
        %dma_wait3A_626 = arith.constant 0 : i32
        %dma_wait3A_627 = arith.constant 0 : i32
        %dma_wait3A_628 = tpu.memref_slice %arg9[%dma_wait3A_625, %dma_wait3A_626, %dma_wait3A_627] : memref<2x125x128xf32, #tpu.memory_space<vmem>> -> memref<1x125x128xf32, #tpu.memory_space<vmem>>
        %dma_wait3A_629 = tpu.memref_squeeze %dma_wait3A_628 : memref<1x125x128xf32, #tpu.memory_space<vmem>> -> memref<125x128xf32, #tpu.memory_space<vmem>>
        %dma_wait3A_630 = arith.constant 0 : i32
        %dma_wait3A_631 = arith.constant 0 : i32
        %dma_wait3A_632 = tpu.memref_slice %arg10[%dma_wait3A_630, %dma_wait3A_631] : memref<10240x128xf32, #tpu.memory_space<vmem_shared>> -> memref<125x128xf32, #tpu.memory_space<vmem_shared>>
        %dma_wait3A_633 = arith.constant 0 : i32
        %dma_wait3A_634 = arith.constant 0 : i32
        %dma_wait3A_635 = tpu.memref_slice %arg10[%dma_wait3A_633, %dma_wait3A_634] : memref<10240x128xf32, #tpu.memory_space<vmem_shared>> -> memref<125x128xf32, #tpu.memory_space<vmem_shared>>
        %dma_wait3A_636 = arith.constant 0 : i32
        %dma_wait3A_637 = arith.constant 0 : i32
        %dma_wait3A_638 = tpu.memref_slice %arg9[%dma_wait3A_625, %dma_wait3A_636, %dma_wait3A_637] : memref<2x125x128xf32, #tpu.memory_space<vmem>> -> memref<1x125x128xf32, #tpu.memory_space<vmem>>
        %dma_wait3A_639 = tpu.memref_squeeze %dma_wait3A_638 : memref<1x125x128xf32, #tpu.memory_space<vmem>> -> memref<125x128xf32, #tpu.memory_space<vmem>>
        tpu.wait_dma2 semaphore(%arg16 : memref<!tpu.dma_semaphore, #tpu.memory_space<semaphore_mem>>) src(%dma_wait3A_639 : memref<125x128xf32, #tpu.memory_space<vmem>>) dst(%dma_wait3A_635 : memref<125x128xf32, #tpu.memory_space<vmem_shared>>)
        %add3A_640 = arith.constant 2 : i32
        %add3A_641 = arith.addi %add3A_458, %add3A_640 : i32
        %dma_start3A_642 = arith.constant 1 : i32
        %dma_start3A_643 = arith.constant 0 : i32
        %dma_start3A_644 = arith.constant 0 : i32
        %dma_start3A_645 = tpu.memref_slice %arg9[%dma_start3A_642, %dma_start3A_643, %dma_start3A_644] : memref<2x125x128xf32, #tpu.memory_space<vmem>> -> memref<1x125x128xf32, #tpu.memory_space<vmem>>
        %dma_start3A_646 = tpu.memref_squeeze %dma_start3A_645 : memref<1x125x128xf32, #tpu.memory_space<vmem>> -> memref<125x128xf32, #tpu.memory_space<vmem>>
        %dma_start3A_647 = arith.constant 0 : i32
        %dma_start3A_648 = tpu.memref_slice %arg7[%add3A_641, %dma_start3A_647] : memref<80x125xi32, #tpu.memory_space<vmem>> -> memref<1x125xi32, #tpu.memory_space<vmem>>
        %dma_start3A_649 = tpu.memref_squeeze %dma_start3A_648 : memref<1x125xi32, #tpu.memory_space<vmem>> -> memref<125xi32, #tpu.memory_space<vmem>>
        %dma_start3A_650 = arith.constant 0 : i32
        %dma_start3A_651 = arith.constant 0 : i32
        %dma_start3A_652 = tpu.memref_slice %arg2[%dma_start3A_650, %dma_start3A_651] : memref<10240x128xf32, #tpu.memory_space<hbm>> -> memref<10240x128xf32, #tpu.memory_space<hbm>>
        tpu.enqueue_indirect_dma source(%dma_start3A_652 : memref<10240x128xf32, #tpu.memory_space<hbm>>) target(%dma_start3A_646 : memref<125x128xf32, #tpu.memory_space<vmem>>) offsets(%dma_start3A_649 : memref<125xi32, #tpu.memory_space<vmem>>) semaphore(%arg12 : memref<!tpu.dma_semaphore, #tpu.memory_space<semaphore_mem>>)
      } else {
      }
      %mul3A_488 = arith.constant 8 : i32
      %mul3A_489 = arith.muli %add3A_350, %mul3A_488 : i32
      %add3A_490 = arith.constant 4 : i32
      %add3A_491 = arith.addi %mul3A_489, %add3A_490 : i32
      %dma_wait3A_492 = arith.constant 0 : i32
      %dma_wait3A_493 = arith.constant 0 : i32
      %dma_wait3A_494 = arith.constant 0 : i32
      %dma_wait3A_495 = tpu.memref_slice %arg9[%dma_wait3A_492, %dma_wait3A_493, %dma_wait3A_494] : memref<2x125x128xf32, #tpu.memory_space<vmem>> -> memref<1x125x128xf32, #tpu.memory_space<vmem>>
      %dma_wait3A_496 = tpu.memref_squeeze %dma_wait3A_495 : memref<1x125x128xf32, #tpu.memory_space<vmem>> -> memref<125x128xf32, #tpu.memory_space<vmem>>
      %dma_wait3A_497 = arith.constant 0 : i32
      %dma_wait3A_498 = tpu.memref_slice %arg7[%add3A_491, %dma_wait3A_497] : memref<80x125xi32, #tpu.memory_space<vmem>> -> memref<1x125xi32, #tpu.memory_space<vmem>>
      %dma_wait3A_499 = tpu.memref_squeeze %dma_wait3A_498 : memref<1x125xi32, #tpu.memory_space<vmem>> -> memref<125xi32, #tpu.memory_space<vmem>>
      %dma_wait3A_500 = arith.constant 0 : i32
      %dma_wait3A_501 = arith.constant 0 : i32
      %dma_wait3A_502 = tpu.memref_slice %arg2[%dma_wait3A_500, %dma_wait3A_501] : memref<10240x128xf32, #tpu.memory_space<hbm>> -> memref<10240x128xf32, #tpu.memory_space<hbm>>
      tpu.wait_indirect_dma semaphore(%arg11 : memref<!tpu.dma_semaphore, #tpu.memory_space<semaphore_mem>>) src(%dma_wait3A_502 : memref<10240x128xf32, #tpu.memory_space<hbm>>) dst(%dma_wait3A_496 : memref<125x128xf32, #tpu.memory_space<vmem>>)
      %dma_start3A_503 = arith.constant 0 : i32
      %dma_start3A_504 = arith.constant 1 : i32
      %dma_start3A_505 = arith.constant 4 : i32
      %dma_start3A_506 = arith.constant 0 : i32
      %dma_start3A_507 = arith.constant 0 : i32
      %dma_start3A_508 = tpu.memref_slice %arg9[%dma_start3A_503, %dma_start3A_506, %dma_start3A_507] : memref<2x125x128xf32, #tpu.memory_space<vmem>> -> memref<1x125x128xf32, #tpu.memory_space<vmem>>
      %dma_start3A_509 = tpu.memref_squeeze %dma_start3A_508 : memref<1x125x128xf32, #tpu.memory_space<vmem>> -> memref<125x128xf32, #tpu.memory_space<vmem>>
      %dma_start3A_510 = arith.constant 0 : i32
      %dma_start3A_511 = tpu.memref_slice %arg8[%dma_start3A_504, %dma_start3A_505, %dma_start3A_510] : memref<2x8x125xi32, #tpu.memory_space<vmem>> -> memref<1x1x125xi32, #tpu.memory_space<vmem>>
      %dma_start3A_512 = tpu.memref_squeeze %dma_start3A_511 : memref<1x1x125xi32, #tpu.memory_space<vmem>> -> memref<125xi32, #tpu.memory_space<vmem>>
      %dma_start3A_513 = arith.constant 0 : i32
      %dma_start3A_514 = arith.constant 0 : i32
      %dma_start3A_515 = tpu.memref_slice %arg10[%dma_start3A_513, %dma_start3A_514] : memref<10240x128xf32, #tpu.memory_space<vmem_shared>> -> memref<10240x128xf32, #tpu.memory_space<vmem_shared>>
      tpu.enqueue_indirect_dma source(%dma_start3A_509 : memref<125x128xf32, #tpu.memory_space<vmem>>) target(%dma_start3A_515 : memref<10240x128xf32, #tpu.memory_space<vmem_shared>>) offsets(%dma_start3A_512 : memref<125xi32, #tpu.memory_space<vmem>>) semaphore(%arg15 : memref<!tpu.dma_semaphore, #tpu.memory_space<semaphore_mem>>) {add = true}
      %lt3A_516 = arith.constant 78 : i32
      %lt3A_517 = arith.cmpi slt, %add3A_491, %lt3A_516 : i32
      %convert_element_type3A_518 = arith.extui %lt3A_517 : i1 to i32
      %cond3A_519 = arith.constant 0 : i32
      %cond3A_520 = arith.cmpi ne, %convert_element_type3A_518, %cond3A_519 : i32
      scf.if %cond3A_520 {
        %dma_wait3A_625 = arith.constant 0 : i32
        %dma_wait3A_626 = arith.constant 0 : i32
        %dma_wait3A_627 = arith.constant 0 : i32
        %dma_wait3A_628 = tpu.memref_slice %arg9[%dma_wait3A_625, %dma_wait3A_626, %dma_wait3A_627] : memref<2x125x128xf32, #tpu.memory_space<vmem>> -> memref<1x125x128xf32, #tpu.memory_space<vmem>>
        %dma_wait3A_629 = tpu.memref_squeeze %dma_wait3A_628 : memref<1x125x128xf32, #tpu.memory_space<vmem>> -> memref<125x128xf32, #tpu.memory_space<vmem>>
        %dma_wait3A_630 = arith.constant 0 : i32
        %dma_wait3A_631 = arith.constant 0 : i32
        %dma_wait3A_632 = tpu.memref_slice %arg10[%dma_wait3A_630, %dma_wait3A_631] : memref<10240x128xf32, #tpu.memory_space<vmem_shared>> -> memref<125x128xf32, #tpu.memory_space<vmem_shared>>
        %dma_wait3A_633 = arith.constant 0 : i32
        %dma_wait3A_634 = arith.constant 0 : i32
        %dma_wait3A_635 = tpu.memref_slice %arg10[%dma_wait3A_633, %dma_wait3A_634] : memref<10240x128xf32, #tpu.memory_space<vmem_shared>> -> memref<125x128xf32, #tpu.memory_space<vmem_shared>>
        %dma_wait3A_636 = arith.constant 0 : i32
        %dma_wait3A_637 = arith.constant 0 : i32
        %dma_wait3A_638 = tpu.memref_slice %arg9[%dma_wait3A_625, %dma_wait3A_636, %dma_wait3A_637] : memref<2x125x128xf32, #tpu.memory_space<vmem>> -> memref<1x125x128xf32, #tpu.memory_space<vmem>>
        %dma_wait3A_639 = tpu.memref_squeeze %dma_wait3A_638 : memref<1x125x128xf32, #tpu.memory_space<vmem>> -> memref<125x128xf32, #tpu.memory_space<vmem>>
        tpu.wait_dma2 semaphore(%arg15 : memref<!tpu.dma_semaphore, #tpu.memory_space<semaphore_mem>>) src(%dma_wait3A_639 : memref<125x128xf32, #tpu.memory_space<vmem>>) dst(%dma_wait3A_635 : memref<125x128xf32, #tpu.memory_space<vmem_shared>>)
        %add3A_640 = arith.constant 2 : i32
        %add3A_641 = arith.addi %add3A_491, %add3A_640 : i32
        %dma_start3A_642 = arith.constant 0 : i32
        %dma_start3A_643 = arith.constant 0 : i32
        %dma_start3A_644 = arith.constant 0 : i32
        %dma_start3A_645 = tpu.memref_slice %arg9[%dma_start3A_642, %dma_start3A_643, %dma_start3A_644] : memref<2x125x128xf32, #tpu.memory_space<vmem>> -> memref<1x125x128xf32, #tpu.memory_space<vmem>>
        %dma_start3A_646 = tpu.memref_squeeze %dma_start3A_645 : memref<1x125x128xf32, #tpu.memory_space<vmem>> -> memref<125x128xf32, #tpu.memory_space<vmem>>
        %dma_start3A_647 = arith.constant 0 : i32
        %dma_start3A_648 = tpu.memref_slice %arg7[%add3A_641, %dma_start3A_647] : memref<80x125xi32, #tpu.memory_space<vmem>> -> memref<1x125xi32, #tpu.memory_space<vmem>>
        %dma_start3A_649 = tpu.memref_squeeze %dma_start3A_648 : memref<1x125xi32, #tpu.memory_space<vmem>> -> memref<125xi32, #tpu.memory_space<vmem>>
        %dma_start3A_650 = arith.constant 0 : i32
        %dma_start3A_651 = arith.constant 0 : i32
        %dma_start3A_652 = tpu.memref_slice %arg2[%dma_start3A_650, %dma_start3A_651] : memref<10240x128xf32, #tpu.memory_space<hbm>> -> memref<10240x128xf32, #tpu.memory_space<hbm>>
        tpu.enqueue_indirect_dma source(%dma_start3A_652 : memref<10240x128xf32, #tpu.memory_space<hbm>>) target(%dma_start3A_646 : memref<125x128xf32, #tpu.memory_space<vmem>>) offsets(%dma_start3A_649 : memref<125xi32, #tpu.memory_space<vmem>>) semaphore(%arg11 : memref<!tpu.dma_semaphore, #tpu.memory_space<semaphore_mem>>)
      } else {
      }
      %mul3A_521 = arith.constant 8 : i32
      %mul3A_522 = arith.muli %add3A_350, %mul3A_521 : i32
      %add3A_523 = arith.constant 5 : i32
      %add3A_524 = arith.addi %mul3A_522, %add3A_523 : i32
      %dma_wait3A_525 = arith.constant 1 : i32
      %dma_wait3A_526 = arith.constant 0 : i32
      %dma_wait3A_527 = arith.constant 0 : i32
      %dma_wait3A_528 = tpu.memref_slice %arg9[%dma_wait3A_525, %dma_wait3A_526, %dma_wait3A_527] : memref<2x125x128xf32, #tpu.memory_space<vmem>> -> memref<1x125x128xf32, #tpu.memory_space<vmem>>
      %dma_wait3A_529 = tpu.memref_squeeze %dma_wait3A_528 : memref<1x125x128xf32, #tpu.memory_space<vmem>> -> memref<125x128xf32, #tpu.memory_space<vmem>>
      %dma_wait3A_530 = arith.constant 0 : i32
      %dma_wait3A_531 = tpu.memref_slice %arg7[%add3A_524, %dma_wait3A_530] : memref<80x125xi32, #tpu.memory_space<vmem>> -> memref<1x125xi32, #tpu.memory_space<vmem>>
      %dma_wait3A_532 = tpu.memref_squeeze %dma_wait3A_531 : memref<1x125xi32, #tpu.memory_space<vmem>> -> memref<125xi32, #tpu.memory_space<vmem>>
      %dma_wait3A_533 = arith.constant 0 : i32
      %dma_wait3A_534 = arith.constant 0 : i32
      %dma_wait3A_535 = tpu.memref_slice %arg2[%dma_wait3A_533, %dma_wait3A_534] : memref<10240x128xf32, #tpu.memory_space<hbm>> -> memref<10240x128xf32, #tpu.memory_space<hbm>>
      tpu.wait_indirect_dma semaphore(%arg12 : memref<!tpu.dma_semaphore, #tpu.memory_space<semaphore_mem>>) src(%dma_wait3A_535 : memref<10240x128xf32, #tpu.memory_space<hbm>>) dst(%dma_wait3A_529 : memref<125x128xf32, #tpu.memory_space<vmem>>)
      %dma_start3A_536 = arith.constant 1 : i32
      %dma_start3A_537 = arith.constant 1 : i32
      %dma_start3A_538 = arith.constant 5 : i32
      %dma_start3A_539 = arith.constant 0 : i32
      %dma_start3A_540 = arith.constant 0 : i32
      %dma_start3A_541 = tpu.memref_slice %arg9[%dma_start3A_536, %dma_start3A_539, %dma_start3A_540] : memref<2x125x128xf32, #tpu.memory_space<vmem>> -> memref<1x125x128xf32, #tpu.memory_space<vmem>>
      %dma_start3A_542 = tpu.memref_squeeze %dma_start3A_541 : memref<1x125x128xf32, #tpu.memory_space<vmem>> -> memref<125x128xf32, #tpu.memory_space<vmem>>
      %dma_start3A_543 = arith.constant 0 : i32
      %dma_start3A_544 = tpu.memref_slice %arg8[%dma_start3A_537, %dma_start3A_538, %dma_start3A_543] : memref<2x8x125xi32, #tpu.memory_space<vmem>> -> memref<1x1x125xi32, #tpu.memory_space<vmem>>
      %dma_start3A_545 = tpu.memref_squeeze %dma_start3A_544 : memref<1x1x125xi32, #tpu.memory_space<vmem>> -> memref<125xi32, #tpu.memory_space<vmem>>
      %dma_start3A_546 = arith.constant 0 : i32
      %dma_start3A_547 = arith.constant 0 : i32
      %dma_start3A_548 = tpu.memref_slice %arg10[%dma_start3A_546, %dma_start3A_547] : memref<10240x128xf32, #tpu.memory_space<vmem_shared>> -> memref<10240x128xf32, #tpu.memory_space<vmem_shared>>
      tpu.enqueue_indirect_dma source(%dma_start3A_542 : memref<125x128xf32, #tpu.memory_space<vmem>>) target(%dma_start3A_548 : memref<10240x128xf32, #tpu.memory_space<vmem_shared>>) offsets(%dma_start3A_545 : memref<125xi32, #tpu.memory_space<vmem>>) semaphore(%arg16 : memref<!tpu.dma_semaphore, #tpu.memory_space<semaphore_mem>>) {add = true}
      %lt3A_549 = arith.constant 78 : i32
      %lt3A_550 = arith.cmpi slt, %add3A_524, %lt3A_549 : i32
      %convert_element_type3A_551 = arith.extui %lt3A_550 : i1 to i32
      %cond3A_552 = arith.constant 0 : i32
      %cond3A_553 = arith.cmpi ne, %convert_element_type3A_551, %cond3A_552 : i32
      scf.if %cond3A_553 {
        %dma_wait3A_625 = arith.constant 1 : i32
        %dma_wait3A_626 = arith.constant 0 : i32
        %dma_wait3A_627 = arith.constant 0 : i32
        %dma_wait3A_628 = tpu.memref_slice %arg9[%dma_wait3A_625, %dma_wait3A_626, %dma_wait3A_627] : memref<2x125x128xf32, #tpu.memory_space<vmem>> -> memref<1x125x128xf32, #tpu.memory_space<vmem>>
        %dma_wait3A_629 = tpu.memref_squeeze %dma_wait3A_628 : memref<1x125x128xf32, #tpu.memory_space<vmem>> -> memref<125x128xf32, #tpu.memory_space<vmem>>
        %dma_wait3A_630 = arith.constant 0 : i32
        %dma_wait3A_631 = arith.constant 0 : i32
        %dma_wait3A_632 = tpu.memref_slice %arg10[%dma_wait3A_630, %dma_wait3A_631] : memref<10240x128xf32, #tpu.memory_space<vmem_shared>> -> memref<125x128xf32, #tpu.memory_space<vmem_shared>>
        %dma_wait3A_633 = arith.constant 0 : i32
        %dma_wait3A_634 = arith.constant 0 : i32
        %dma_wait3A_635 = tpu.memref_slice %arg10[%dma_wait3A_633, %dma_wait3A_634] : memref<10240x128xf32, #tpu.memory_space<vmem_shared>> -> memref<125x128xf32, #tpu.memory_space<vmem_shared>>
        %dma_wait3A_636 = arith.constant 0 : i32
        %dma_wait3A_637 = arith.constant 0 : i32
        %dma_wait3A_638 = tpu.memref_slice %arg9[%dma_wait3A_625, %dma_wait3A_636, %dma_wait3A_637] : memref<2x125x128xf32, #tpu.memory_space<vmem>> -> memref<1x125x128xf32, #tpu.memory_space<vmem>>
        %dma_wait3A_639 = tpu.memref_squeeze %dma_wait3A_638 : memref<1x125x128xf32, #tpu.memory_space<vmem>> -> memref<125x128xf32, #tpu.memory_space<vmem>>
        tpu.wait_dma2 semaphore(%arg16 : memref<!tpu.dma_semaphore, #tpu.memory_space<semaphore_mem>>) src(%dma_wait3A_639 : memref<125x128xf32, #tpu.memory_space<vmem>>) dst(%dma_wait3A_635 : memref<125x128xf32, #tpu.memory_space<vmem_shared>>)
        %add3A_640 = arith.constant 2 : i32
        %add3A_641 = arith.addi %add3A_524, %add3A_640 : i32
        %dma_start3A_642 = arith.constant 1 : i32
        %dma_start3A_643 = arith.constant 0 : i32
        %dma_start3A_644 = arith.constant 0 : i32
        %dma_start3A_645 = tpu.memref_slice %arg9[%dma_start3A_642, %dma_start3A_643, %dma_start3A_644] : memref<2x125x128xf32, #tpu.memory_space<vmem>> -> memref<1x125x128xf32, #tpu.memory_space<vmem>>
        %dma_start3A_646 = tpu.memref_squeeze %dma_start3A_645 : memref<1x125x128xf32, #tpu.memory_space<vmem>> -> memref<125x128xf32, #tpu.memory_space<vmem>>
        %dma_start3A_647 = arith.constant 0 : i32
        %dma_start3A_648 = tpu.memref_slice %arg7[%add3A_641, %dma_start3A_647] : memref<80x125xi32, #tpu.memory_space<vmem>> -> memref<1x125xi32, #tpu.memory_space<vmem>>
        %dma_start3A_649 = tpu.memref_squeeze %dma_start3A_648 : memref<1x125xi32, #tpu.memory_space<vmem>> -> memref<125xi32, #tpu.memory_space<vmem>>
        %dma_start3A_650 = arith.constant 0 : i32
        %dma_start3A_651 = arith.constant 0 : i32
        %dma_start3A_652 = tpu.memref_slice %arg2[%dma_start3A_650, %dma_start3A_651] : memref<10240x128xf32, #tpu.memory_space<hbm>> -> memref<10240x128xf32, #tpu.memory_space<hbm>>
        tpu.enqueue_indirect_dma source(%dma_start3A_652 : memref<10240x128xf32, #tpu.memory_space<hbm>>) target(%dma_start3A_646 : memref<125x128xf32, #tpu.memory_space<vmem>>) offsets(%dma_start3A_649 : memref<125xi32, #tpu.memory_space<vmem>>) semaphore(%arg12 : memref<!tpu.dma_semaphore, #tpu.memory_space<semaphore_mem>>)
      } else {
      }
      %mul3A_554 = arith.constant 8 : i32
      %mul3A_555 = arith.muli %add3A_350, %mul3A_554 : i32
      %add3A_556 = arith.constant 6 : i32
      %add3A_557 = arith.addi %mul3A_555, %add3A_556 : i32
      %dma_wait3A_558 = arith.constant 0 : i32
      %dma_wait3A_559 = arith.constant 0 : i32
      %dma_wait3A_560 = arith.constant 0 : i32
      %dma_wait3A_561 = tpu.memref_slice %arg9[%dma_wait3A_558, %dma_wait3A_559, %dma_wait3A_560] : memref<2x125x128xf32, #tpu.memory_space<vmem>> -> memref<1x125x128xf32, #tpu.memory_space<vmem>>
      %dma_wait3A_562 = tpu.memref_squeeze %dma_wait3A_561 : memref<1x125x128xf32, #tpu.memory_space<vmem>> -> memref<125x128xf32, #tpu.memory_space<vmem>>
      %dma_wait3A_563 = arith.constant 0 : i32
      %dma_wait3A_564 = tpu.memref_slice %arg7[%add3A_557, %dma_wait3A_563] : memref<80x125xi32, #tpu.memory_space<vmem>> -> memref<1x125xi32, #tpu.memory_space<vmem>>
      %dma_wait3A_565 = tpu.memref_squeeze %dma_wait3A_564 : memref<1x125xi32, #tpu.memory_space<vmem>> -> memref<125xi32, #tpu.memory_space<vmem>>
      %dma_wait3A_566 = arith.constant 0 : i32
      %dma_wait3A_567 = arith.constant 0 : i32
      %dma_wait3A_568 = tpu.memref_slice %arg2[%dma_wait3A_566, %dma_wait3A_567] : memref<10240x128xf32, #tpu.memory_space<hbm>> -> memref<10240x128xf32, #tpu.memory_space<hbm>>
      tpu.wait_indirect_dma semaphore(%arg11 : memref<!tpu.dma_semaphore, #tpu.memory_space<semaphore_mem>>) src(%dma_wait3A_568 : memref<10240x128xf32, #tpu.memory_space<hbm>>) dst(%dma_wait3A_562 : memref<125x128xf32, #tpu.memory_space<vmem>>)
      %dma_start3A_569 = arith.constant 0 : i32
      %dma_start3A_570 = arith.constant 1 : i32
      %dma_start3A_571 = arith.constant 6 : i32
      %dma_start3A_572 = arith.constant 0 : i32
      %dma_start3A_573 = arith.constant 0 : i32
      %dma_start3A_574 = tpu.memref_slice %arg9[%dma_start3A_569, %dma_start3A_572, %dma_start3A_573] : memref<2x125x128xf32, #tpu.memory_space<vmem>> -> memref<1x125x128xf32, #tpu.memory_space<vmem>>
      %dma_start3A_575 = tpu.memref_squeeze %dma_start3A_574 : memref<1x125x128xf32, #tpu.memory_space<vmem>> -> memref<125x128xf32, #tpu.memory_space<vmem>>
      %dma_start3A_576 = arith.constant 0 : i32
      %dma_start3A_577 = tpu.memref_slice %arg8[%dma_start3A_570, %dma_start3A_571, %dma_start3A_576] : memref<2x8x125xi32, #tpu.memory_space<vmem>> -> memref<1x1x125xi32, #tpu.memory_space<vmem>>
      %dma_start3A_578 = tpu.memref_squeeze %dma_start3A_577 : memref<1x1x125xi32, #tpu.memory_space<vmem>> -> memref<125xi32, #tpu.memory_space<vmem>>
      %dma_start3A_579 = arith.constant 0 : i32
      %dma_start3A_580 = arith.constant 0 : i32
      %dma_start3A_581 = tpu.memref_slice %arg10[%dma_start3A_579, %dma_start3A_580] : memref<10240x128xf32, #tpu.memory_space<vmem_shared>> -> memref<10240x128xf32, #tpu.memory_space<vmem_shared>>
      tpu.enqueue_indirect_dma source(%dma_start3A_575 : memref<125x128xf32, #tpu.memory_space<vmem>>) target(%dma_start3A_581 : memref<10240x128xf32, #tpu.memory_space<vmem_shared>>) offsets(%dma_start3A_578 : memref<125xi32, #tpu.memory_space<vmem>>) semaphore(%arg15 : memref<!tpu.dma_semaphore, #tpu.memory_space<semaphore_mem>>) {add = true}
      %lt3A_582 = arith.constant 78 : i32
      %lt3A_583 = arith.cmpi slt, %add3A_557, %lt3A_582 : i32
      %convert_element_type3A_584 = arith.extui %lt3A_583 : i1 to i32
      %cond3A_585 = arith.constant 0 : i32
      %cond3A_586 = arith.cmpi ne, %convert_element_type3A_584, %cond3A_585 : i32
      scf.if %cond3A_586 {
        %dma_wait3A_625 = arith.constant 0 : i32
        %dma_wait3A_626 = arith.constant 0 : i32
        %dma_wait3A_627 = arith.constant 0 : i32
        %dma_wait3A_628 = tpu.memref_slice %arg9[%dma_wait3A_625, %dma_wait3A_626, %dma_wait3A_627] : memref<2x125x128xf32, #tpu.memory_space<vmem>> -> memref<1x125x128xf32, #tpu.memory_space<vmem>>
        %dma_wait3A_629 = tpu.memref_squeeze %dma_wait3A_628 : memref<1x125x128xf32, #tpu.memory_space<vmem>> -> memref<125x128xf32, #tpu.memory_space<vmem>>
        %dma_wait3A_630 = arith.constant 0 : i32
        %dma_wait3A_631 = arith.constant 0 : i32
        %dma_wait3A_632 = tpu.memref_slice %arg10[%dma_wait3A_630, %dma_wait3A_631] : memref<10240x128xf32, #tpu.memory_space<vmem_shared>> -> memref<125x128xf32, #tpu.memory_space<vmem_shared>>
        %dma_wait3A_633 = arith.constant 0 : i32
        %dma_wait3A_634 = arith.constant 0 : i32
        %dma_wait3A_635 = tpu.memref_slice %arg10[%dma_wait3A_633, %dma_wait3A_634] : memref<10240x128xf32, #tpu.memory_space<vmem_shared>> -> memref<125x128xf32, #tpu.memory_space<vmem_shared>>
        %dma_wait3A_636 = arith.constant 0 : i32
        %dma_wait3A_637 = arith.constant 0 : i32
        %dma_wait3A_638 = tpu.memref_slice %arg9[%dma_wait3A_625, %dma_wait3A_636, %dma_wait3A_637] : memref<2x125x128xf32, #tpu.memory_space<vmem>> -> memref<1x125x128xf32, #tpu.memory_space<vmem>>
        %dma_wait3A_639 = tpu.memref_squeeze %dma_wait3A_638 : memref<1x125x128xf32, #tpu.memory_space<vmem>> -> memref<125x128xf32, #tpu.memory_space<vmem>>
        tpu.wait_dma2 semaphore(%arg15 : memref<!tpu.dma_semaphore, #tpu.memory_space<semaphore_mem>>) src(%dma_wait3A_639 : memref<125x128xf32, #tpu.memory_space<vmem>>) dst(%dma_wait3A_635 : memref<125x128xf32, #tpu.memory_space<vmem_shared>>)
        %add3A_640 = arith.constant 2 : i32
        %add3A_641 = arith.addi %add3A_557, %add3A_640 : i32
        %dma_start3A_642 = arith.constant 0 : i32
        %dma_start3A_643 = arith.constant 0 : i32
        %dma_start3A_644 = arith.constant 0 : i32
        %dma_start3A_645 = tpu.memref_slice %arg9[%dma_start3A_642, %dma_start3A_643, %dma_start3A_644] : memref<2x125x128xf32, #tpu.memory_space<vmem>> -> memref<1x125x128xf32, #tpu.memory_space<vmem>>
        %dma_start3A_646 = tpu.memref_squeeze %dma_start3A_645 : memref<1x125x128xf32, #tpu.memory_space<vmem>> -> memref<125x128xf32, #tpu.memory_space<vmem>>
        %dma_start3A_647 = arith.constant 0 : i32
        %dma_start3A_648 = tpu.memref_slice %arg7[%add3A_641, %dma_start3A_647] : memref<80x125xi32, #tpu.memory_space<vmem>> -> memref<1x125xi32, #tpu.memory_space<vmem>>
        %dma_start3A_649 = tpu.memref_squeeze %dma_start3A_648 : memref<1x125xi32, #tpu.memory_space<vmem>> -> memref<125xi32, #tpu.memory_space<vmem>>
        %dma_start3A_650 = arith.constant 0 : i32
        %dma_start3A_651 = arith.constant 0 : i32
        %dma_start3A_652 = tpu.memref_slice %arg2[%dma_start3A_650, %dma_start3A_651] : memref<10240x128xf32, #tpu.memory_space<hbm>> -> memref<10240x128xf32, #tpu.memory_space<hbm>>
        tpu.enqueue_indirect_dma source(%dma_start3A_652 : memref<10240x128xf32, #tpu.memory_space<hbm>>) target(%dma_start3A_646 : memref<125x128xf32, #tpu.memory_space<vmem>>) offsets(%dma_start3A_649 : memref<125xi32, #tpu.memory_space<vmem>>) semaphore(%arg11 : memref<!tpu.dma_semaphore, #tpu.memory_space<semaphore_mem>>)
      } else {
      }
      %mul3A_587 = arith.constant 8 : i32
      %mul3A_588 = arith.muli %add3A_350, %mul3A_587 : i32
      %add3A_589 = arith.constant 7 : i32
      %add3A_590 = arith.addi %mul3A_588, %add3A_589 : i32
      %dma_wait3A_591 = arith.constant 1 : i32
      %dma_wait3A_592 = arith.constant 0 : i32
      %dma_wait3A_593 = arith.constant 0 : i32
      %dma_wait3A_594 = tpu.memref_slice %arg9[%dma_wait3A_591, %dma_wait3A_592, %dma_wait3A_593] : memref<2x125x128xf32, #tpu.memory_space<vmem>> -> memref<1x125x128xf32, #tpu.memory_space<vmem>>
      %dma_wait3A_595 = tpu.memref_squeeze %dma_wait3A_594 : memref<1x125x128xf32, #tpu.memory_space<vmem>> -> memref<125x128xf32, #tpu.memory_space<vmem>>
      %dma_wait3A_596 = arith.constant 0 : i32
      %dma_wait3A_597 = tpu.memref_slice %arg7[%add3A_590, %dma_wait3A_596] : memref<80x125xi32, #tpu.memory_space<vmem>> -> memref<1x125xi32, #tpu.memory_space<vmem>>
      %dma_wait3A_598 = tpu.memref_squeeze %dma_wait3A_597 : memref<1x125xi32, #tpu.memory_space<vmem>> -> memref<125xi32, #tpu.memory_space<vmem>>
      %dma_wait3A_599 = arith.constant 0 : i32
      %dma_wait3A_600 = arith.constant 0 : i32
      %dma_wait3A_601 = tpu.memref_slice %arg2[%dma_wait3A_599, %dma_wait3A_600] : memref<10240x128xf32, #tpu.memory_space<hbm>> -> memref<10240x128xf32, #tpu.memory_space<hbm>>
      tpu.wait_indirect_dma semaphore(%arg12 : memref<!tpu.dma_semaphore, #tpu.memory_space<semaphore_mem>>) src(%dma_wait3A_601 : memref<10240x128xf32, #tpu.memory_space<hbm>>) dst(%dma_wait3A_595 : memref<125x128xf32, #tpu.memory_space<vmem>>)
      %dma_start3A_602 = arith.constant 1 : i32
      %dma_start3A_603 = arith.constant 1 : i32
      %dma_start3A_604 = arith.constant 7 : i32
      %dma_start3A_605 = arith.constant 0 : i32
      %dma_start3A_606 = arith.constant 0 : i32
      %dma_start3A_607 = tpu.memref_slice %arg9[%dma_start3A_602, %dma_start3A_605, %dma_start3A_606] : memref<2x125x128xf32, #tpu.memory_space<vmem>> -> memref<1x125x128xf32, #tpu.memory_space<vmem>>
      %dma_start3A_608 = tpu.memref_squeeze %dma_start3A_607 : memref<1x125x128xf32, #tpu.memory_space<vmem>> -> memref<125x128xf32, #tpu.memory_space<vmem>>
      %dma_start3A_609 = arith.constant 0 : i32
      %dma_start3A_610 = tpu.memref_slice %arg8[%dma_start3A_603, %dma_start3A_604, %dma_start3A_609] : memref<2x8x125xi32, #tpu.memory_space<vmem>> -> memref<1x1x125xi32, #tpu.memory_space<vmem>>
      %dma_start3A_611 = tpu.memref_squeeze %dma_start3A_610 : memref<1x1x125xi32, #tpu.memory_space<vmem>> -> memref<125xi32, #tpu.memory_space<vmem>>
      %dma_start3A_612 = arith.constant 0 : i32
      %dma_start3A_613 = arith.constant 0 : i32
      %dma_start3A_614 = tpu.memref_slice %arg10[%dma_start3A_612, %dma_start3A_613] : memref<10240x128xf32, #tpu.memory_space<vmem_shared>> -> memref<10240x128xf32, #tpu.memory_space<vmem_shared>>
      tpu.enqueue_indirect_dma source(%dma_start3A_608 : memref<125x128xf32, #tpu.memory_space<vmem>>) target(%dma_start3A_614 : memref<10240x128xf32, #tpu.memory_space<vmem_shared>>) offsets(%dma_start3A_611 : memref<125xi32, #tpu.memory_space<vmem>>) semaphore(%arg16 : memref<!tpu.dma_semaphore, #tpu.memory_space<semaphore_mem>>) {add = true}
      %lt3A_615 = arith.constant 78 : i32
      %lt3A_616 = arith.cmpi slt, %add3A_590, %lt3A_615 : i32
      %convert_element_type3A_617 = arith.extui %lt3A_616 : i1 to i32
      %cond3A_618 = arith.constant 0 : i32
      %cond3A_619 = arith.cmpi ne, %convert_element_type3A_617, %cond3A_618 : i32
      scf.if %cond3A_619 {
        %dma_wait3A_625 = arith.constant 1 : i32
        %dma_wait3A_626 = arith.constant 0 : i32
        %dma_wait3A_627 = arith.constant 0 : i32
        %dma_wait3A_628 = tpu.memref_slice %arg9[%dma_wait3A_625, %dma_wait3A_626, %dma_wait3A_627] : memref<2x125x128xf32, #tpu.memory_space<vmem>> -> memref<1x125x128xf32, #tpu.memory_space<vmem>>
        %dma_wait3A_629 = tpu.memref_squeeze %dma_wait3A_628 : memref<1x125x128xf32, #tpu.memory_space<vmem>> -> memref<125x128xf32, #tpu.memory_space<vmem>>
        %dma_wait3A_630 = arith.constant 0 : i32
        %dma_wait3A_631 = arith.constant 0 : i32
        %dma_wait3A_632 = tpu.memref_slice %arg10[%dma_wait3A_630, %dma_wait3A_631] : memref<10240x128xf32, #tpu.memory_space<vmem_shared>> -> memref<125x128xf32, #tpu.memory_space<vmem_shared>>
        %dma_wait3A_633 = arith.constant 0 : i32
        %dma_wait3A_634 = arith.constant 0 : i32
        %dma_wait3A_635 = tpu.memref_slice %arg10[%dma_wait3A_633, %dma_wait3A_634] : memref<10240x128xf32, #tpu.memory_space<vmem_shared>> -> memref<125x128xf32, #tpu.memory_space<vmem_shared>>
        %dma_wait3A_636 = arith.constant 0 : i32
        %dma_wait3A_637 = arith.constant 0 : i32
        %dma_wait3A_638 = tpu.memref_slice %arg9[%dma_wait3A_625, %dma_wait3A_636, %dma_wait3A_637] : memref<2x125x128xf32, #tpu.memory_space<vmem>> -> memref<1x125x128xf32, #tpu.memory_space<vmem>>
        %dma_wait3A_639 = tpu.memref_squeeze %dma_wait3A_638 : memref<1x125x128xf32, #tpu.memory_space<vmem>> -> memref<125x128xf32, #tpu.memory_space<vmem>>
        tpu.wait_dma2 semaphore(%arg16 : memref<!tpu.dma_semaphore, #tpu.memory_space<semaphore_mem>>) src(%dma_wait3A_639 : memref<125x128xf32, #tpu.memory_space<vmem>>) dst(%dma_wait3A_635 : memref<125x128xf32, #tpu.memory_space<vmem_shared>>)
        %add3A_640 = arith.constant 2 : i32
        %add3A_641 = arith.addi %add3A_590, %add3A_640 : i32
        %dma_start3A_642 = arith.constant 1 : i32
        %dma_start3A_643 = arith.constant 0 : i32
        %dma_start3A_644 = arith.constant 0 : i32
        %dma_start3A_645 = tpu.memref_slice %arg9[%dma_start3A_642, %dma_start3A_643, %dma_start3A_644] : memref<2x125x128xf32, #tpu.memory_space<vmem>> -> memref<1x125x128xf32, #tpu.memory_space<vmem>>
        %dma_start3A_646 = tpu.memref_squeeze %dma_start3A_645 : memref<1x125x128xf32, #tpu.memory_space<vmem>> -> memref<125x128xf32, #tpu.memory_space<vmem>>
        %dma_start3A_647 = arith.constant 0 : i32
        %dma_start3A_648 = tpu.memref_slice %arg7[%add3A_641, %dma_start3A_647] : memref<80x125xi32, #tpu.memory_space<vmem>> -> memref<1x125xi32, #tpu.memory_space<vmem>>
        %dma_start3A_649 = tpu.memref_squeeze %dma_start3A_648 : memref<1x125xi32, #tpu.memory_space<vmem>> -> memref<125xi32, #tpu.memory_space<vmem>>
        %dma_start3A_650 = arith.constant 0 : i32
        %dma_start3A_651 = arith.constant 0 : i32
        %dma_start3A_652 = tpu.memref_slice %arg2[%dma_start3A_650, %dma_start3A_651] : memref<10240x128xf32, #tpu.memory_space<hbm>> -> memref<10240x128xf32, #tpu.memory_space<hbm>>
        tpu.enqueue_indirect_dma source(%dma_start3A_652 : memref<10240x128xf32, #tpu.memory_space<hbm>>) target(%dma_start3A_646 : memref<125x128xf32, #tpu.memory_space<vmem>>) offsets(%dma_start3A_649 : memref<125xi32, #tpu.memory_space<vmem>>) semaphore(%arg12 : memref<!tpu.dma_semaphore, #tpu.memory_space<semaphore_mem>>)
      } else {
      }
      %lt3A_620 = arith.constant 9 : i32
      %lt3A_621 = arith.cmpi slt, %add3A_350, %lt3A_620 : i32
      %convert_element_type3A_622 = arith.extui %lt3A_621 : i1 to i32
      %cond3A_623 = arith.constant 0 : i32
      %cond3A_624 = arith.cmpi ne, %convert_element_type3A_622, %cond3A_623 : i32
      scf.if %cond3A_624 {
        %dma_wait3A_625 = arith.constant 0 : i32
        %dma_wait3A_626 = arith.constant 0 : i32
        %dma_wait3A_627 = arith.constant 0 : i32
        %dma_wait3A_628 = arith.constant 0 : i32
        %dma_wait3A_629 = tpu.memref_slice %arg8[%dma_wait3A_626, %dma_wait3A_627, %dma_wait3A_628] : memref<2x8x125xi32, #tpu.memory_space<vmem>> -> memref<1x8x125xi32, #tpu.memory_space<vmem>>
        %dma_wait3A_630 = tpu.memref_squeeze %dma_wait3A_629 : memref<1x8x125xi32, #tpu.memory_space<vmem>> -> memref<8x125xi32, #tpu.memory_space<vmem>>
        %dma_wait3A_631 = arith.constant 0 : i32
        %dma_wait3A_632 = arith.constant 0 : i32
        %dma_wait3A_633 = tpu.memref_slice %arg4[%add3A, %dma_wait3A_625, %dma_wait3A_631, %dma_wait3A_632] : memref<32x10x8x125xi32, #tpu.memory_space<hbm>> -> memref<1x1x8x125xi32, #tpu.memory_space<hbm>>
        %dma_wait3A_634 = tpu.memref_squeeze %dma_wait3A_633 : memref<1x1x8x125xi32, #tpu.memory_space<hbm>> -> memref<8x125xi32, #tpu.memory_space<hbm>>
        %dma_wait3A_635 = arith.constant 0 : i32
        %dma_wait3A_636 = arith.constant 0 : i32
        %dma_wait3A_637 = tpu.memref_slice %arg8[%dma_wait3A_626, %dma_wait3A_635, %dma_wait3A_636] : memref<2x8x125xi32, #tpu.memory_space<vmem>> -> memref<1x8x125xi32, #tpu.memory_space<vmem>>
        %dma_wait3A_638 = tpu.memref_squeeze %dma_wait3A_637 : memref<1x8x125xi32, #tpu.memory_space<vmem>> -> memref<8x125xi32, #tpu.memory_space<vmem>>
        %dma_wait3A_639 = arith.constant 0 : i32
        %dma_wait3A_640 = arith.constant 0 : i32
        %dma_wait3A_641 = tpu.memref_slice %arg4[%add3A, %dma_wait3A_625, %dma_wait3A_639, %dma_wait3A_640] : memref<32x10x8x125xi32, #tpu.memory_space<hbm>> -> memref<1x1x8x125xi32, #tpu.memory_space<hbm>>
        %dma_wait3A_642 = tpu.memref_squeeze %dma_wait3A_641 : memref<1x1x8x125xi32, #tpu.memory_space<hbm>> -> memref<8x125xi32, #tpu.memory_space<hbm>>
        tpu.wait_dma2 semaphore(%arg19 : memref<!tpu.dma_semaphore, #tpu.memory_space<semaphore_mem>>) src(%dma_wait3A_642 : memref<8x125xi32, #tpu.memory_space<hbm>>) dst(%dma_wait3A_638 : memref<8x125xi32, #tpu.memory_space<vmem>>)
      } else {
      }
    }
    %scan3A_34 = arith.constant 5 : i32
    %dma_wait3A = arith.constant 0 : i32
    %dma_wait3A_35 = arith.constant 0 : i32
    %dma_wait3A_36 = arith.constant 0 : i32
    %dma_wait3A_37 = tpu.memref_slice %arg9[%dma_wait3A, %dma_wait3A_35, %dma_wait3A_36] : memref<2x125x128xf32, #tpu.memory_space<vmem>> -> memref<1x125x128xf32, #tpu.memory_space<vmem>>
    %dma_wait3A_38 = tpu.memref_squeeze %dma_wait3A_37 : memref<1x125x128xf32, #tpu.memory_space<vmem>> -> memref<125x128xf32, #tpu.memory_space<vmem>>
    %dma_wait3A_39 = arith.constant 0 : i32
    %dma_wait3A_40 = arith.constant 0 : i32
    %dma_wait3A_41 = tpu.memref_slice %arg10[%dma_wait3A_39, %dma_wait3A_40] : memref<10240x128xf32, #tpu.memory_space<vmem_shared>> -> memref<125x128xf32, #tpu.memory_space<vmem_shared>>
    %dma_wait3A_42 = arith.constant 0 : i32
    %dma_wait3A_43 = arith.constant 0 : i32
    %dma_wait3A_44 = tpu.memref_slice %arg10[%dma_wait3A_42, %dma_wait3A_43] : memref<10240x128xf32, #tpu.memory_space<vmem_shared>> -> memref<125x128xf32, #tpu.memory_space<vmem_shared>>
    %dma_wait3A_45 = arith.constant 0 : i32
    %dma_wait3A_46 = arith.constant 0 : i32
    %dma_wait3A_47 = tpu.memref_slice %arg9[%dma_wait3A, %dma_wait3A_45, %dma_wait3A_46] : memref<2x125x128xf32, #tpu.memory_space<vmem>> -> memref<1x125x128xf32, #tpu.memory_space<vmem>>
    %dma_wait3A_48 = tpu.memref_squeeze %dma_wait3A_47 : memref<1x125x128xf32, #tpu.memory_space<vmem>> -> memref<125x128xf32, #tpu.memory_space<vmem>>
    tpu.wait_dma2 semaphore(%arg15 : memref<!tpu.dma_semaphore, #tpu.memory_space<semaphore_mem>>) src(%dma_wait3A_48 : memref<125x128xf32, #tpu.memory_space<vmem>>) dst(%dma_wait3A_44 : memref<125x128xf32, #tpu.memory_space<vmem_shared>>)
    %dma_wait3A_49 = arith.constant 1 : i32
    %dma_wait3A_50 = arith.constant 0 : i32
    %dma_wait3A_51 = arith.constant 0 : i32
    %dma_wait3A_52 = tpu.memref_slice %arg9[%dma_wait3A_49, %dma_wait3A_50, %dma_wait3A_51] : memref<2x125x128xf32, #tpu.memory_space<vmem>> -> memref<1x125x128xf32, #tpu.memory_space<vmem>>
    %dma_wait3A_53 = tpu.memref_squeeze %dma_wait3A_52 : memref<1x125x128xf32, #tpu.memory_space<vmem>> -> memref<125x128xf32, #tpu.memory_space<vmem>>
    %dma_wait3A_54 = arith.constant 0 : i32
    %dma_wait3A_55 = arith.constant 0 : i32
    %dma_wait3A_56 = tpu.memref_slice %arg10[%dma_wait3A_54, %dma_wait3A_55] : memref<10240x128xf32, #tpu.memory_space<vmem_shared>> -> memref<125x128xf32, #tpu.memory_space<vmem_shared>>
    %dma_wait3A_57 = arith.constant 0 : i32
    %dma_wait3A_58 = arith.constant 0 : i32
    %dma_wait3A_59 = tpu.memref_slice %arg10[%dma_wait3A_57, %dma_wait3A_58] : memref<10240x128xf32, #tpu.memory_space<vmem_shared>> -> memref<125x128xf32, #tpu.memory_space<vmem_shared>>
    %dma_wait3A_60 = arith.constant 0 : i32
    %dma_wait3A_61 = arith.constant 0 : i32
    %dma_wait3A_62 = tpu.memref_slice %arg9[%dma_wait3A_49, %dma_wait3A_60, %dma_wait3A_61] : memref<2x125x128xf32, #tpu.memory_space<vmem>> -> memref<1x125x128xf32, #tpu.memory_space<vmem>>
    %dma_wait3A_63 = tpu.memref_squeeze %dma_wait3A_62 : memref<1x125x128xf32, #tpu.memory_space<vmem>> -> memref<125x128xf32, #tpu.memory_space<vmem>>
    tpu.wait_dma2 semaphore(%arg16 : memref<!tpu.dma_semaphore, #tpu.memory_space<semaphore_mem>>) src(%dma_wait3A_63 : memref<125x128xf32, #tpu.memory_space<vmem>>) dst(%dma_wait3A_59 : memref<125x128xf32, #tpu.memory_space<vmem_shared>>)
    %barrier3A_64 = arith.constant 0 : index
    tpu.barrier barrier_id(%barrier3A_64)
    %mul3A_65 = arith.constant 640 : i32
    %mul3A_66 = arith.muli %arg1, %mul3A_65 : i32
    %mul3A_67 = arith.constant 640 : i32
    %mul3A_68 = arith.muli %arg1, %mul3A_67 : i32
    "tpu.region"() ({
      %run_scoped3A_69 = tpu.sem_alloc : memref<!tpu.dma_semaphore, #tpu.memory_space<semaphore_mem>>
      %dma_start3A_70 = arith.constant 0 : i32
      %dma_start3A_71 = tpu.memref_slice %arg6[%arg0, %mul3A_68, %dma_start3A_70] : memref<2x10240x128xf32, #tpu.memory_space<hbm>> -> memref<1x640x128xf32, #tpu.memory_space<hbm>>
      %dma_start3A_72 = tpu.memref_squeeze %dma_start3A_71 : memref<1x640x128xf32, #tpu.memory_space<hbm>> -> memref<640x128xf32, #tpu.memory_space<hbm>>
      %dma_start3A_73 = arith.constant 0 : i32
      %dma_start3A_74 = tpu.memref_slice %arg10[%mul3A_66, %dma_start3A_73] : memref<10240x128xf32, #tpu.memory_space<vmem_shared>> -> memref<640x128xf32, #tpu.memory_space<vmem_shared>>
      tpu.enqueue_dma source(%dma_start3A_74 : memref<640x128xf32, #tpu.memory_space<vmem_shared>>) target(%dma_start3A_72 : memref<640x128xf32, #tpu.memory_space<hbm>>) target_semaphore(%run_scoped3A_69 : memref<!tpu.dma_semaphore, #tpu.memory_space<semaphore_mem>>)
      %dma_wait3A_75 = arith.constant 0 : i32
      %dma_wait3A_76 = tpu.memref_slice %arg6[%arg0, %mul3A_68, %dma_wait3A_75] : memref<2x10240x128xf32, #tpu.memory_space<hbm>> -> memref<1x640x128xf32, #tpu.memory_space<hbm>>
      %dma_wait3A_77 = tpu.memref_squeeze %dma_wait3A_76 : memref<1x640x128xf32, #tpu.memory_space<hbm>> -> memref<640x128xf32, #tpu.memory_space<hbm>>
      %dma_wait3A_78 = arith.constant 0 : i32
      %dma_wait3A_79 = tpu.memref_slice %arg10[%mul3A_66, %dma_wait3A_78] : memref<10240x128xf32, #tpu.memory_space<vmem_shared>> -> memref<640x128xf32, #tpu.memory_space<vmem_shared>>
      tpu.wait_dma2 semaphore(%run_scoped3A_69 : memref<!tpu.dma_semaphore, #tpu.memory_space<semaphore_mem>>) src(%dma_wait3A_79 : memref<640x128xf32, #tpu.memory_space<vmem_shared>>) dst(%dma_wait3A_77 : memref<640x128xf32, #tpu.memory_space<hbm>>)
      tpu.yield
    }) : () -> ()
    return
  }
}

module attributes {stable_mosaic.version = 14 : i64} {
  func.func @_mm_body(%arg0: i32, %arg1: memref<1024x128xf32, #tpu.memory_space<vmem>>, %arg2: memref<128x128xf32, #tpu.memory_space<vmem>>, %arg3: memref<1024x128xf32, #tpu.memory_space<vmem>>) attributes {dimension_semantics = [#tpu.dimension_semantics<arbitrary>], iteration_bounds = array<i64: 10>, scalar_prefetch = 0 : i64, scratch_operands = 0 : i64, tpu.core_type = #tpu.core_type<tc>, window_params = [{transform_indices = @transform_0, window_bounds = array<i64: 1024, 128>}, {pipeline_mode = #tpu.pipeline_mode<synchronous>, transform_indices = @transform_1, window_bounds = array<i64: 128, 128>}, {transform_indices = @transform_2, window_bounds = array<i64: 1024, 128>}]} {
    %get3A = arith.constant 0 : index
    %get3A_0 = arith.constant 0 : index
    %get3A_1 = vector.load %arg1[%get3A, %get3A_0] : memref<1024x128xf32, #tpu.memory_space<vmem>>, vector<1024x128xf32>
    %get3A_2 = arith.constant 0 : index
    %get3A_3 = arith.constant 0 : index
    %get3A_4 = vector.load %arg2[%get3A_2, %get3A_3] : memref<128x128xf32, #tpu.memory_space<vmem>>, vector<128x128xf32>
    %dot_general3A = arith.constant dense<0.000000e+00> : vector<1024x128xf32>
    %dot_general3A_5 = tpu.matmul %get3A_1, %get3A_4, %dot_general3A {dimension_numbers = #tpu.dot_dimension_numbers<[1], [0], [0], [1], [0, 0, 1, 1], [], []>, precision = #tpu.contract_precision<fp32>, transpose_lhs_hint = false} : vector<1024x128xf32>, vector<128x128xf32>, vector<1024x128xf32> -> vector<1024x128xf32>
    %swap3A = arith.constant 0 : index
    %swap3A_6 = arith.constant 0 : index
    %swap3A_7 = vector.load %arg3[%swap3A, %swap3A_6] : memref<1024x128xf32, #tpu.memory_space<vmem>>, vector<1024x128xf32>
    tpu.vector_store %arg3[%swap3A, %swap3A_6], %dot_general3A_5 {strides = array<i32>} : memref<1024x128xf32, #tpu.memory_space<vmem>>, vector<1024x128xf32>,
    return
  }
  func.func @transform_0(%arg0: i32) -> (i32, i32) {
    %c0_i32 = arith.constant 0 : i32
    %c0_i32_0 = arith.constant 0 : i32
    return %arg0, %c0_i32 : i32, i32
  }
  func.func @transform_1(%arg0: i32) -> (i32, i32) {
    %c0_i32 = arith.constant 0 : i32
    %c0_i32_0 = arith.constant 0 : i32
    %c0_i32_1 = arith.constant 0 : i32
    return %c0_i32, %c0_i32_0 : i32, i32
  }
  func.func @transform_2(%arg0: i32) -> (i32, i32) {
    %c0_i32 = arith.constant 0 : i32
    %c0_i32_0 = arith.constant 0 : i32
    return %arg0, %c0_i32 : i32, i32
  }
}

module attributes {stable_mosaic.version = 14 : i64} {
  func.func @_tc1_body(%arg0: i32, %arg1: memref<2x1024x128xf32, #tpu.memory_space<vmem>>, %arg2: memref<1024x128xf32, #tpu.memory_space<vmem>>, %arg3: memref<1024x128xf32, #tpu.memory_space<vmem>>, %arg4: memref<1024x1xf32, #tpu.memory_space<vmem>>) attributes {dimension_semantics = [#tpu.dimension_semantics<arbitrary>], iteration_bounds = array<i64: 10>, scalar_prefetch = 0 : i64, scratch_operands = 0 : i64, tpu.core_type = #tpu.core_type<tc>, window_params = [{transform_indices = @transform_0, window_bounds = array<i64: 2, 1024, 128>}, {transform_indices = @transform_1, window_bounds = array<i64: 1024, 128>}, {transform_indices = @transform_2, window_bounds = array<i64: 1024, 128>}, {transform_indices = @transform_3, window_bounds = array<i64: 1024, 1>}]} {
    %get3A = arith.constant 0 : index
    %get3A_0 = arith.constant 0 : index
    %get3A_1 = arith.constant 0 : index
    %get3A_2 = vector.load %arg1[%get3A, %get3A_0, %get3A_1] : memref<2x1024x128xf32, #tpu.memory_space<vmem>>, vector<1x1024x1xf32>
    %get3A_3 = vector.shape_cast %get3A_2 : vector<1x1024x1xf32> to vector<1024x1xf32>
    %get3A_4 = arith.constant 1 : index
    %get3A_5 = arith.constant 0 : index
    %get3A_6 = arith.constant 0 : index
    %get3A_7 = vector.load %arg1[%get3A_4, %get3A_5, %get3A_6] : memref<2x1024x128xf32, #tpu.memory_space<vmem>>, vector<1x1024x1xf32>
    %get3A_8 = vector.shape_cast %get3A_7 : vector<1x1024x1xf32> to vector<1024x1xf32>
    %add3A = arith.addf %get3A_3, %get3A_8 : vector<1024x1xf32>
    %add3A_9 = arith.constant 1.000000e+00 : f32
    %add3A_10 = vector.broadcast %add3A_9 : f32 to vector<1024x1xf32>
    %add3A_11 = arith.addf %add3A, %add3A_10 : vector<1024x1xf32>
    %rsqrt3A = math.rsqrt %add3A_11 : vector<1024x1xf32>
    %get3A_12 = arith.constant 0 : index
    %get3A_13 = arith.constant 0 : index
    %get3A_14 = vector.load %arg2[%get3A_12, %get3A_13] : memref<1024x128xf32, #tpu.memory_space<vmem>>, vector<1024x128xf32>
    %mul3A = vector.broadcast %rsqrt3A : vector<1024x1xf32> to vector<1024x128xf32>
    %mul3A_15 = arith.mulf %mul3A, %get3A_14 : vector<1024x128xf32>
    %swap3A = arith.constant 0 : index
    %swap3A_16 = arith.constant 0 : index
    %swap3A_17 = vector.load %arg3[%swap3A, %swap3A_16] : memref<1024x128xf32, #tpu.memory_space<vmem>>, vector<1024x128xf32>
    tpu.vector_store %arg3[%swap3A, %swap3A_16], %mul3A_15 {strides = array<i32>} : memref<1024x128xf32, #tpu.memory_space<vmem>>, vector<1024x128xf32>,
    %swap3A_18 = arith.constant 0 : index
    %swap3A_19 = arith.constant 0 : index
    %swap3A_20 = vector.load %arg4[%swap3A_18, %swap3A_19] : memref<1024x1xf32, #tpu.memory_space<vmem>>, vector<1024x1xf32>
    tpu.vector_store %arg4[%swap3A_18, %swap3A_19], %rsqrt3A {strides = array<i32>} : memref<1024x1xf32, #tpu.memory_space<vmem>>, vector<1024x1xf32>,
    return
  }
  func.func @transform_0(%arg0: i32) -> (i32, i32, i32) {
    %c0_i32 = arith.constant 0 : i32
    %c0_i32_0 = arith.constant 0 : i32
    %c0_i32_1 = arith.constant 0 : i32
    return %c0_i32, %arg0, %c0_i32_0 : i32, i32, i32
  }
  func.func @transform_1(%arg0: i32) -> (i32, i32) {
    %c0_i32 = arith.constant 0 : i32
    %c0_i32_0 = arith.constant 0 : i32
    return %arg0, %c0_i32 : i32, i32
  }
  func.func @transform_2(%arg0: i32) -> (i32, i32) {
    %c0_i32 = arith.constant 0 : i32
    %c0_i32_0 = arith.constant 0 : i32
    return %arg0, %c0_i32 : i32, i32
  }
  func.func @transform_3(%arg0: i32) -> (i32, i32) {
    %c0_i32 = arith.constant 0 : i32
    %c0_i32_0 = arith.constant 0 : i32
    return %arg0, %c0_i32 : i32, i32
  }
}

module attributes {stable_mosaic.version = 14 : i64} {
  func.func @_tc2_body(%arg0: i32, %arg1: memref<2x1024x128xf32, #tpu.memory_space<vmem>>, %arg2: memref<1024x1xf32, #tpu.memory_space<vmem>>, %arg3: memref<128xf32, #tpu.memory_space<vmem>>, %arg4: memref<128x128xf32, #tpu.memory_space<vmem>>, %arg5: memref<1024x128xf32, #tpu.memory_space<vmem>>) attributes {dimension_semantics = [#tpu.dimension_semantics<arbitrary>], iteration_bounds = array<i64: 10>, scalar_prefetch = 0 : i64, scratch_operands = 0 : i64, tpu.core_type = #tpu.core_type<tc>, window_params = [{transform_indices = @transform_0, window_bounds = array<i64: 2, 1024, 128>}, {transform_indices = @transform_1, window_bounds = array<i64: 1024, 1>}, {pipeline_mode = #tpu.pipeline_mode<synchronous>, transform_indices = @transform_2, window_bounds = array<i64: 128>}, {pipeline_mode = #tpu.pipeline_mode<synchronous>, transform_indices = @transform_3, window_bounds = array<i64: 128, 128>}, {transform_indices = @transform_4, window_bounds = array<i64: 1024, 128>}]} {
    %get3A = arith.constant 0 : index
    %get3A_0 = arith.constant 0 : index
    %get3A_1 = arith.constant 0 : index
    %get3A_2 = vector.load %arg1[%get3A, %get3A_0, %get3A_1] : memref<2x1024x128xf32, #tpu.memory_space<vmem>>, vector<1x1024x128xf32>
    %get3A_3 = vector.shape_cast %get3A_2 : vector<1x1024x128xf32> to vector<1024x128xf32>
    %get3A_4 = arith.constant 1 : index
    %get3A_5 = arith.constant 0 : index
    %get3A_6 = arith.constant 0 : index
    %get3A_7 = vector.load %arg1[%get3A_4, %get3A_5, %get3A_6] : memref<2x1024x128xf32, #tpu.memory_space<vmem>>, vector<1x1024x128xf32>
    %get3A_8 = vector.shape_cast %get3A_7 : vector<1x1024x128xf32> to vector<1024x128xf32>
    %add3A = arith.addf %get3A_3, %get3A_8 : vector<1024x128xf32>
    %get3A_9 = arith.constant 0 : index
    %get3A_10 = arith.constant 0 : index
    %get3A_11 = vector.load %arg2[%get3A_9, %get3A_10] : memref<1024x1xf32, #tpu.memory_space<vmem>>, vector<1024x1xf32>
    %mul3A = vector.broadcast %get3A_11 : vector<1024x1xf32> to vector<1024x128xf32>
    %mul3A_12 = arith.mulf %mul3A, %add3A : vector<1024x128xf32>
    %get3A_13 = arith.constant 0 : index
    %get3A_14 = vector.load %arg3[%get3A_13] : memref<128xf32, #tpu.memory_space<vmem>>, vector<128xf32>
    %broadcast_in_dim3A = vector.shape_cast %get3A_14 : vector<128xf32> to vector<1x128xf32>
    %add3A_15 = vector.broadcast %broadcast_in_dim3A : vector<1x128xf32> to vector<1024x128xf32>
    %add3A_16 = arith.addf %mul3A_12, %add3A_15 : vector<1024x128xf32>
    %max3A = arith.constant 0.000000e+00 : f32
    %max3A_17 = vector.broadcast %max3A : f32 to vector<1024x128xf32>
    %max3A_18 = arith.maximumf %add3A_16, %max3A_17 : vector<1024x128xf32>
    %get3A_19 = arith.constant 0 : index
    %get3A_20 = arith.constant 0 : index
    %get3A_21 = vector.load %arg4[%get3A_19, %get3A_20] : memref<128x128xf32, #tpu.memory_space<vmem>>, vector<128x128xf32>
    %dot_general3A = arith.constant dense<0.000000e+00> : vector<1024x128xf32>
    %dot_general3A_22 = tpu.matmul %max3A_18, %get3A_21, %dot_general3A {dimension_numbers = #tpu.dot_dimension_numbers<[1], [0], [0], [1], [0, 0, 1, 1], [], []>, precision = #tpu.contract_precision<fp32>, transpose_lhs_hint = false} : vector<1024x128xf32>, vector<128x128xf32>, vector<1024x128xf32> -> vector<1024x128xf32>
    %get3A_23 = arith.constant 0 : index
    %get3A_24 = arith.constant 0 : index
    %get3A_25 = vector.load %arg2[%get3A_23, %get3A_24] : memref<1024x1xf32, #tpu.memory_space<vmem>>, vector<1024x1xf32>
    %mul3A_26 = vector.broadcast %get3A_25 : vector<1024x1xf32> to vector<1024x128xf32>
    %mul3A_27 = arith.mulf %mul3A_26, %dot_general3A_22 : vector<1024x128xf32>
    %swap3A = arith.constant 0 : index
    %swap3A_28 = arith.constant 0 : index
    %swap3A_29 = vector.load %arg5[%swap3A, %swap3A_28] : memref<1024x128xf32, #tpu.memory_space<vmem>>, vector<1024x128xf32>
    tpu.vector_store %arg5[%swap3A, %swap3A_28], %mul3A_27 {strides = array<i32>} : memref<1024x128xf32, #tpu.memory_space<vmem>>, vector<1024x128xf32>,
    return
  }
  func.func @transform_0(%arg0: i32) -> (i32, i32, i32) {
    %c0_i32 = arith.constant 0 : i32
    %c0_i32_0 = arith.constant 0 : i32
    %c0_i32_1 = arith.constant 0 : i32
    return %c0_i32, %arg0, %c0_i32_0 : i32, i32, i32
  }
  func.func @transform_1(%arg0: i32) -> (i32, i32) {
    %c0_i32 = arith.constant 0 : i32
    %c0_i32_0 = arith.constant 0 : i32
    return %arg0, %c0_i32 : i32, i32
  }
  func.func @transform_2(%arg0: i32) -> i32 {
    %c0_i32 = arith.constant 0 : i32
    %c0_i32_0 = arith.constant 0 : i32
    return %c0_i32 : i32
  }
  func.func @transform_3(%arg0: i32) -> (i32, i32) {
    %c0_i32 = arith.constant 0 : i32
    %c0_i32_0 = arith.constant 0 : i32
    %c0_i32_1 = arith.constant 0 : i32
    return %c0_i32, %c0_i32_0 : i32, i32
  }
  func.func @transform_4(%arg0: i32) -> (i32, i32) {
    %c0_i32 = arith.constant 0 : i32
    %c0_i32_0 = arith.constant 0 : i32
    return %arg0, %c0_i32 : i32, i32
  }
}

module attributes {stable_mosaic.version = 14 : i64} {
  func.func @_tc3_body(%arg0: i32, %arg1: memref<2x1024x128xf32, #tpu.memory_space<vmem>>, %arg2: memref<1024x1xf32, #tpu.memory_space<vmem>>, %arg3: memref<128xf32, #tpu.memory_space<vmem>>, %arg4: memref<1024x128xf32, #tpu.memory_space<vmem>>) attributes {dimension_semantics = [#tpu.dimension_semantics<arbitrary>], iteration_bounds = array<i64: 10>, scalar_prefetch = 0 : i64, scratch_operands = 0 : i64, tpu.core_type = #tpu.core_type<tc>, window_params = [{transform_indices = @transform_0, window_bounds = array<i64: 2, 1024, 128>}, {transform_indices = @transform_1, window_bounds = array<i64: 1024, 1>}, {pipeline_mode = #tpu.pipeline_mode<synchronous>, transform_indices = @transform_2, window_bounds = array<i64: 128>}, {transform_indices = @transform_3, window_bounds = array<i64: 1024, 128>}]} {
    %get3A = arith.constant 0 : index
    %get3A_0 = arith.constant 0 : index
    %get3A_1 = vector.load %arg2[%get3A, %get3A_0] : memref<1024x1xf32, #tpu.memory_space<vmem>>, vector<1024x1xf32>
    %get3A_2 = arith.constant 0 : index
    %get3A_3 = arith.constant 0 : index
    %get3A_4 = arith.constant 0 : index
    %get3A_5 = vector.load %arg1[%get3A_2, %get3A_3, %get3A_4] : memref<2x1024x128xf32, #tpu.memory_space<vmem>>, vector<1x1024x128xf32>
    %get3A_6 = vector.shape_cast %get3A_5 : vector<1x1024x128xf32> to vector<1024x128xf32>
    %get3A_7 = arith.constant 1 : index
    %get3A_8 = arith.constant 0 : index
    %get3A_9 = arith.constant 0 : index
    %get3A_10 = vector.load %arg1[%get3A_7, %get3A_8, %get3A_9] : memref<2x1024x128xf32, #tpu.memory_space<vmem>>, vector<1x1024x128xf32>
    %get3A_11 = vector.shape_cast %get3A_10 : vector<1x1024x128xf32> to vector<1024x128xf32>
    %add3A = arith.addf %get3A_6, %get3A_11 : vector<1024x128xf32>
    %mul3A = vector.broadcast %get3A_1 : vector<1024x1xf32> to vector<1024x128xf32>
    %mul3A_12 = arith.mulf %mul3A, %add3A : vector<1024x128xf32>
    %get3A_13 = arith.constant 0 : index
    %get3A_14 = vector.load %arg3[%get3A_13] : memref<128xf32, #tpu.memory_space<vmem>>, vector<128xf32>
    %broadcast_in_dim3A = vector.shape_cast %get3A_14 : vector<128xf32> to vector<1x128xf32>
    %add3A_15 = vector.broadcast %broadcast_in_dim3A : vector<1x128xf32> to vector<1024x128xf32>
    %add3A_16 = arith.addf %mul3A_12, %add3A_15 : vector<1024x128xf32>
    %swap3A = arith.constant 0 : index
    %swap3A_17 = arith.constant 0 : index
    %swap3A_18 = vector.load %arg4[%swap3A, %swap3A_17] : memref<1024x128xf32, #tpu.memory_space<vmem>>, vector<1024x128xf32>
    tpu.vector_store %arg4[%swap3A, %swap3A_17], %add3A_16 {strides = array<i32>} : memref<1024x128xf32, #tpu.memory_space<vmem>>, vector<1024x128xf32>,
    return
  }
  func.func @transform_0(%arg0: i32) -> (i32, i32, i32) {
    %c0_i32 = arith.constant 0 : i32
    %c0_i32_0 = arith.constant 0 : i32
    %c0_i32_1 = arith.constant 0 : i32
    return %c0_i32, %arg0, %c0_i32_0 : i32, i32, i32
  }
  func.func @transform_1(%arg0: i32) -> (i32, i32) {
    %c0_i32 = arith.constant 0 : i32
    %c0_i32_0 = arith.constant 0 : i32
    return %arg0, %c0_i32 : i32, i32
  }
  func.func @transform_2(%arg0: i32) -> i32 {
    %c0_i32 = arith.constant 0 : i32
    %c0_i32_0 = arith.constant 0 : i32
    return %c0_i32 : i32
  }
  func.func @transform_3(%arg0: i32) -> (i32, i32) {
    %c0_i32 = arith.constant 0 : i32
    %c0_i32_0 = arith.constant 0 : i32
    return %arg0, %c0_i32 : i32, i32
  }
}

</mosaic_0001>

<sc_bundles>
// kernel: kernel.12.cloned.1.call-start
scs
__scs_entry_jumppad:
0x0: {  	(pc) =	sbr.rel $0x88, $3  }
0x1: {  	(tag) =	ssettag $0x0;
	lr =	simm.s32 $0x1  }
0x2: {  	[smem:$0x3F9B] =	sst lr;
	_ =	strace $0xD0000000  }
0x3: {  	_ = 	snop  }
0x4: {  	_ = 	snop  }
0x5: {  	_ = 	snop  }
0x6: {  	_ = 	snop  }
0x7: {  	_ = 	snop  }
__scs_overlays_trampoline_lowered:
0x8: {  	[smem:$0x3FAA] =	sst s0  }
0x9: {  	[smem:$0x3FAB] =	sst s1  }
0xa: {  	[smem:$0x3FAC] =	sst s2  }
0xb: {  	[smem:$0x3FAD] =	sst s3  }
0xc: {  	[smem:$0x3FAE] =	sst s4  }
0xd: {  	[smem:$0x3FAF] =	sst s5  }
0xe: {  	[smem:$0x3FB0] =	sst s6  }
0xf: {  	[smem:$0x3FB1] =	sst s7  }
0x10: {  	[smem:$0x3FB2] =	sst s8  }
0x11: {  	[smem:$0x3FB3] =	sst s9;
	s0 =	simm.s32 @!p0 $0x0  }
0x12: {  	s1 =	sld [smem:$0x3F99];
	s0 =	simm.s32 @p0 $0x1  }
0x13: {  	[smem:$0x3FB4] =	sst s0;
	s0 =	simm.s32 @!p1 $0x0  }
0x14: {  	s2 =	sld [smem:$0x3F98];
	s0 =	simm.s32 @p1 $0x1  }
0x15: {  	[smem:$0x3FB5] =	sst s0;
	s0 =	simm.s32 @!p2 $0x0  }
0x16: {  	s3 =	sld [smem:$0x3FDB];
	s0 =	simm.s32 @p2 $0x1  }
0x17: {  	s4 =	simm.s32 $0x1BF5;
	[smem:$0x3FB7] =	sst s0  }
0x18: {  	s0 =	sld [smem:$0x3F9A];
	_ =	swait.ge [sflag:s4], $0x0  }
0x19: {  	s7 =	sld [smem:$0x3F9B]  }
0x1a: {  	s8 =	sadd.s32 $0xFFFFE003, lr  }
0x1b: {  	s9 =	sadd.s32 $0xFFFFFEF7, lr;
	s5 =	simm.s32 $0xFFFFFFFF;
	p2 =	slt.u32 s8, $0xFFFFF086  }
0x1c: {  	p1 =	slt.u32 s9, $0xF7A;
	s5 =	simm.s32 @!p2 $0x0  }
0x1d: {  	s5 =	simm.s32 @p1 $0x1;
	p0 =	seq.s32 s7, s2  }
0x1e: {  	s7 =	smul.u32 @!p0 $0xF7A, s2;
	p2 =	seq.s32 @!p0 s5, $0x0  }
0x1f: {  	s9 =	smul.u32 $0xF7A, s1;
	s8 =	simm.s32 @!p0 $0x1BF5;
	p2 =	por !p2, p0  }
0x20: {  	[sflag:s8] =	ssyncset.s32 @!p0 $0xFFFFF086;
	s6 =	sadd.s32 @!p0 s3, s7;
	s7 =	simm.s32 @!p0 $0x108  }
0x21: {  	s3 =	sadd.s32 s3, s9;
	s6 =	sadd.s32 @!p0 $0x88, s6;
	s7 =	simm.s32 @p2 $0x1082  }
0x22: {  	[simem:s7], [sflag:s8] =	dma.local @!p0 [hbm:s6], $0xF7A  }
0x23: {  	s9 =	sor.u32 $0xD0000000, s2;
	s6 =	simm.s32 $0x108;
	_ =	swait.ge @!p0 [sflag:s8], $0x0  }
0x24: {  	s3 =	sadd.s32 $0x88, s3;
	s6 =	simm.s32 @!p1 $0x1082;
	[sflag:s4] =	ssyncset.s32 $0xFFFFF086  }
0x25: {  	[simem:s6], [sflag:s4] =	dma.local [hbm:s3], $0xF7A  }
0x26: {  	[smem:$0x3F9B] =	sst s1;
	(tag) =	ssettag s2;
	_ =	strace s9  }
0x27: {  	s1 =	sld [smem:$0x3FAB]  }
0x28: {  	s2 =	sld [smem:$0x3FAC]  }
0x29: {  	s4 =	sld [smem:$0x3FAE]  }
0x2a: {  	p0 =	seq.s32 s5, $0x0;
	s5 =	sld [smem:$0x3FAF]  }
0x2b: {  	s6 =	sld [smem:$0x3FB0]  }
0x2c: {  	s7 =	sld [smem:$0x3FB1]  }
0x2d: {  	s3 =	simm.s32 $0x108;
	s8 =	sld [smem:$0x3FB2]  }
0x2e: {  	s3 =	simm.s32 @!p0 $0x1082;
	s9 =	sld [smem:$0x3FB3]  }
0x2f: {  	lr =	sadd.s32 s0, s3;
	s0 =	sld [smem:$0x3FAA]  }
0x30: {  	s3 =	sld [smem:$0x3FAD]  }
0x31: {  	[smem:$0x3FB6] =	sst s10  }
0x32: {  	s10 =	sld [smem:$0x3FB4];
	_ =	sdelay $0x3  }
0x33: {  	p0 =	seq.s32 s10, $0x1;
	s10 =	sld [smem:$0x3FB6];
	_ =	sdelay $0x3  }
0x34: {  	[smem:$0x3FB6] =	sst s10  }
0x35: {  	s10 =	sld [smem:$0x3FB5];
	_ =	sdelay $0x3  }
0x36: {  	p1 =	seq.s32 s10, $0x1;
	s10 =	sld [smem:$0x3FB6];
	_ =	sdelay $0x3  }
0x37: {  	[smem:$0x3FB6] =	sst s10  }
0x38: {  	s10 =	sld [smem:$0x3FB7]  }
0x39: {  	_ = 	snop;
	(pc) =	sbr.ind lr, $3  }
0x3a: {  	_ = 	snop  }
0x3b: {  	_ = 	snop  }
0x3c: {  	p2 =	seq.s32 s10, $0x1;
	s10 =	sld [smem:$0x3FB6]  }
0x3d: {  	_ =	shalt  }
0x3e: {  	_ =	shalt  }
0x3f: {  	_ =	shalt  }
0x40: {  	_ =	shalt  }
0x41: {  	_ =	shalt  }
0x42: {  	_ =	shalt  }
0x43: {  	_ =	shalt  }
0x44: {  	_ =	shalt  }
0x45: {  	_ =	shalt  }
0x46: {  	_ =	shalt  }
0x47: {  	_ =	shalt  }
0x48: {  	_ =	shalt  }
0x49: {  	_ =	shalt  }
0x4a: {  	_ =	shalt  }
0x4b: {  	_ =	shalt  }
0x4c: {  	_ =	shalt  }
0x4d: {  	_ =	shalt  }
0x4e: {  	_ =	shalt  }
0x4f: {  	_ =	shalt  }
0x50: {  	_ =	shalt  }
0x51: {  	_ =	shalt  }
0x52: {  	_ =	shalt  }
0x53: {  	_ =	shalt  }
0x54: {  	_ =	shalt  }
0x55: {  	_ =	shalt  }
0x56: {  	_ =	shalt  }
0x57: {  	_ =	shalt  }
0x58: {  	_ =	shalt  }
0x59: {  	_ =	shalt  }
0x5a: {  	_ =	shalt  }
0x5b: {  	_ =	shalt  }
0x5c: {  	_ =	shalt  }
0x5d: {  	_ =	shalt  }
0x5e: {  	_ =	shalt  }
0x5f: {  	_ =	shalt  }
0x60: {  	_ =	shalt  }
0x61: {  	_ =	shalt  }
0x62: {  	_ =	shalt  }
0x63: {  	_ =	shalt  }
0x64: {  	_ =	shalt  }
0x65: {  	_ =	shalt  }
0x66: {  	_ =	shalt  }
0x67: {  	_ =	shalt  }
0x68: {  	_ =	shalt  }
0x69: {  	_ =	shalt  }
0x6a: {  	_ =	shalt  }
0x6b: {  	_ =	shalt  }
0x6c: {  	_ =	shalt  }
0x6d: {  	_ =	shalt  }
0x6e: {  	_ =	shalt  }
0x6f: {  	_ =	shalt  }
0x70: {  	_ =	shalt  }
0x71: {  	_ =	shalt  }
0x72: {  	_ =	shalt  }
0x73: {  	_ =	shalt  }
0x74: {  	_ =	shalt  }
0x75: {  	_ =	shalt  }
0x76: {  	_ =	shalt  }
0x77: {  	_ =	shalt  }
0x78: {  	_ =	shalt  }
0x79: {  	_ =	shalt  }
0x7a: {  	_ =	shalt  }
0x7b: {  	_ =	shalt  }
0x7c: {  	_ =	shalt  }
0x7d: {  	_ =	shalt  }
0x7e: {  	_ =	shalt  }
0x7f: {  	_ =	shalt  }
0x80: {  	_ =	shalt  }
0x81: {  	_ =	shalt  }
0x82: {  	_ =	shalt  }
0x83: {  	_ =	shalt  }
0x84: {  	_ =	shalt  }
0x85: {  	_ =	shalt  }
0x86: {  	_ =	shalt  }
0x87: {  	_ =	shalt  }
.Lfunc_end0:
.L_simem_size_0:
called_computation.1_lowered:
.L_overlay_start_0:
0x88: {  	s2 =	sld [smem:$0x3FD9]  }
0x89: {  	s3 =	sld [smem:$0x3FFE];
	_ =	sdelay $0x1  }
0x8a: {  	s1 =	srdreg.scid  }
0x8b: {  	s0 =	sand.u32 $0x1, s1  }
0x8c: {  	s16 =	sshll.u32 s0, $0xA;
	s2 =	sadd.s32 s3, s2  }
0x8d: {  	s2 =	sadd.s32 s2, s16  }
0x8e: {  	[smem:$0x3FC2] =	sst s2  }
0x8f: {  	_ = 	snop  }
0x90: {  	(tm) =	ssettm $0x1  }
0x91: {  	s17 =	sld [smem:$0x3FFB];
	_ =	sdelay $0x3  }
0x92: {  	_ =	strace s17  }
0x93: {  	s2 =	sld [smem:$0x3FFC];
	_ =	sdelay $0x3  }
0x94: {  	_ =	strace s2  }
0x95: {  	s2 =	sld [smem:$0x3FFD];
	_ =	sdelay $0x3  }
0x96: {  	_ =	strace s2  }
0x97: {  	_ =	strace $0x8FFFFFFF  }
0x98: {  	s18 =	sld [smem:$0x3FDB];
	_ =	sdelay $0x1  }
0x99: {  	s19 =	simm.s32 $_scs_section_size  }
0x9a: {  	s4 =	simm.s32 $_size__tile_overlayer_lowered;
	s5 =	simm.s32 $_tile_overlayer_lowered  }
0x9b: {  	s22 =	simm.s32 $0x1BFF;
	s21 =	sshll.u32 s5, $0x1;
	s2 =	sadd.s32 s19, s18  }
0x9c: {  	s6 =	simm.s32 $0x0;
	s20 =	sshll.u32 s4, $0x1;
	s4 =	sadd.s32 s21, s2  }
0x9d: {  	[timem:s6], [sflag:s22] =	dma.local [hbm:s4], s20  }
0x9e: {  	_ =	swait.ge [sflag:s22], s20  }
0x9f: {  	s3 =	ssub.s32 $0x0, s20;
	[sflag:s22] =	ssyncset.done $0x0  }
0xa0: {  	[sflag:s22] =	ssyncadd.s32 s3;
	_ =	sdelay $0x1  }
0xa1: {  	s23 =	simm.s32 $0x1B8B  }
0xa2: {  	_ =	swait.ge [sflag:s23], $0x1  }
0xa3: {  	[sflag:s23] =	ssyncset.done $0x0  }
0xa4: {  	s25 =	simm.s32 $0x1B8E;
	s24 =	sld [smem:$0x3FFE];
	[sflag:s23] =	ssyncadd.s32 $0xFFFFFFFF  }
0xa5: {  	s26 =	simm.s32 $execute0_lowered;
	[smem:$0x3FD2] =	sst s25  }
0xa6: {  	s4 =	sshll.u32 s26, $0x1;
	_ =	strace $0x80000049;
	[dreg:$0x1] =	wrdreg $0xFFFFFFFF  }
0xa7: {  	s28 =	simm.s32 $_size_execute0_lowered;
	s2 =	sadd.s32 s2, s4;
	[dreg:$0x0] =	wrdreg $0x0  }
0xa8: {  	s4 =	sshll.u32 s28, $0x1;
	[dreg:$0x2] =	wrdreg s2  }
0xa9: {  	[dreg:$0x3] =	wrdreg s4  }
0xaa: {  	[dreg:$0x4] =	wrdreg $0xC0  }
0xab: {  	_ =	task [dreg:s6], $0x5FFFF  }
0xac: {  	[dreg:$0x1] =	wrdreg $0xFFFFFFFF  }
0xad: {  	[dreg:$0x0] =	wrdreg $0x60  }
0xae: {  	[dreg:$0x2] =	wrdreg s24  }
0xaf: {  	[dreg:$0x3] =	wrdreg $0xB0000  }
0xb0: {  	[dreg:$0x4] =	wrdreg $0x9  }
0xb1: {  	_ =	task.clear_ibuf [dreg:s6], $0x5FFFF;
	_ =	strace $0x90000049  }
0xb2: {  	s29 =	simm.s32 $0x9;
	_ =	strace $0x8000004B  }
0xb3: {  	_ =	swait.ge [sflag:s29], $0x1  }
0xb4: {  	[sflag:s29] =	ssyncadd.s32 $0xFFFFFFFF  }
0xb5: {  	_ =	strace $0x9000004B  }
0xb6: {  	_ =	sfence  }
0xb7: {  	s30 =	sld [smem:$0x0];
	_ =	sdelay $0x2  }
0xb8: {  	s31 =	sshll.u32 s1, $0xD;
	s1 =	sshrl.u32 s1, $0x2  }
0xb9: {  	s3 =	sand.u32 $0x4000, s31;
	s1 =	sadd.s32 s1, s30  }
0xba: {  	s0 =	sor.u32 s3, s0;
	s1 =	sshll.u32 s1, $0x11  }
0xbb: {  	s0 =	sor.u32 s1, s0  }
0xbc: {  	s0 =	sadd.s32 $0x8F2B, s0  }
0xbd: {  	[sflag:s0] =	ssyncadd.remote.s32 $0x1  }
0xbe: {  	_ =	sfence.sel $0xFFFF  }
0xbf: {  	[dreg:$0x0] =	wrdreg $0xFFFFFFFF;
	(pc) =	sbr.abs _section_cstart, $3  }
0xc0: {  	[dreg:$0x1] =	wrdreg $0xFFFFFFFF  }
0xc1: {  	_ =	task.clear_ibuf [dreg:s6], $0x2FFFF;
	_ =	strace $0x9FFFFFFF  }
0xc2: {  	(tm) =	ssettm $0x7FFFFFFF  }
0xc3: {  	_ =	shalt  }
tec
execute0_lowered:
.L_overlay_start_1:
0x0: {  	(tag) =	ssettag $0x1  }
0x1: {  	s0 =	srdreg.scid;
	s1 =	rddreg [dreg:$0x0]  }
0x2: {  	s14 =	stileid.u32;
	s2 =	rddreg [dreg:$0x1]  }
0x3: {  	s17 =	simm.s32 $0x2880;
	s18 =	simm.s32 $0x2900;
	s19 =	simm.s32 $0x2980  }
0x4: {  	s20 =	simm.s32 $0x2A00;
	s21 =	simm.s32 $0x2A80;
	s22 =	simm.s32 $0x2B00  }
0x5: {  	s23 =	simm.s32 $0x2B80;
	s24 =	simm.s32 $0x2C80;
	s25 =	simm.s32 $0x2D00  }
0x6: {  	s28 =	simm.s32 $0x0;
	s0 =	sand.u32 $0x1, s0;
	s8 =	smul.u32 $0x14000, s14  }
0x7: {  	s5 =	sadd.s32 $0x7A000, s1;
	s10 =	smul.u32 $0x50000, s14;
	s3 =	sshll.u32 s0, $0x4  }
0x8: {  	s11 =	sadd.s32 $0x2000, s1;
	s4 =	sor.u32 s14, s3;
	s3 =	simm.s32 $0x0  }
0x9: {  	s13 =	smul.u32 $0x2800, s14;
	s16 =	sshll.u32 s14, $0x6;
	[smem:$0x7FF] =	sst s3  }
0xa: {  	s6 =	smul.u32 $0x140000, s0;
	_ =	strace $0x8000004A;
	[dreg:$0x3] =	wrdreg s17  }
0xb: {  	s26 =	ssub.s32 $0x2, s0;
	p0 =	seq.s32 s0, $0x0;
	[dreg:$0x4] =	wrdreg s18  }
0xc: {  	s0 =	smul.u32 $0x28000, s0;
	s12 =	sshrl.u32 s26, $0x1;
	[dreg:$0x5] =	wrdreg s19  }
0xd: {  	s30 =	sshrl.u32 s10, $0x2;
	s4 =	smul.u32 $0x2800, s4;
	[dreg:$0x6] =	wrdreg s20  }
0xe: {  	s6 =	sadd.s32 s8, s6;
	s29 =	ssub.s32 s26, s12;
	[dreg:$0x7] =	wrdreg s21  }
0xf: {  	s31 =	sadd.s32 s30, s2;
	s0 =	sadd.s32 s13, s0;
	[dreg:$0x8] =	wrdreg s22  }
0x10: {  	s26 =	simm.s32 $0x2D80;
	s30 =	simm.s32 $0x2E80;
	[dreg:$0x9] =	wrdreg s23  }
0x11: {  	s6 =	sshrl.u32 s6, $0x3;
	s14 =	sshrl.u32 s31, $0x3;
	[dreg:$0xa] =	wrdreg s24  }
0x12: {  	s17 =	simm.s32 $0x7D;
	s18 =	simm.s32 $0x3000;
	[dreg:$0xb] =	wrdreg s25  }
0x13: {  	s20 =	simm.s32 $0x7000;
	[dreg:$0xc] =	wrdreg s26;
	s21 =	simm.s32 $0x2C00  }
0x14: {  	s22 =	simm.s32 $0x1;
	[dreg:$0xe] =	wrdreg s30;
	s31 =	simm.s32 $0x2F00  }
0x15: {  	s23 =	simm.s32 $0x3;
	s24 =	simm.s32 $0x2;
	s25 =	simm.s32 $0x4  }
0x16: {  	s26 =	simm.s32 $0x5;
	s7 =	sshrl.u32 s4, $0x3;
	s4 =	sadd.s32 $0x2A000, s1  }
0x17: {  	[dreg:$0xf] =	wrdreg s31;
	s9 =	sadd.s32 s7, s1;
	s1 =	sadd.s32 s6, s1  }
0x18: {  	s7 =	sadd.s32 s5, s7;
	s11 =	smov.u32 @p0 s4;
	s15 =	sadd.s32 $0x84000, s9  }
0x19: {  	[dreg:$0x11] =	wrdreg s7;
	s1 =	sadd.s32 $0x8E000, s1;
	s9 =	smax.u32 s29, $0x1  }
0x1a: {  	s10 =	sadd.s32 s11, s13;
	s11 =	sor.u32 $0x1C06, s16;
	s16 =	simm.s32 $0x2800  }
0x1b: {  	[dreg:$0x12] =	wrdreg s1;
	s1 =	sadd.s32 $0x800, s0;
	s0 =	sor.u32 $0x400, s0  }
0x1c: {  	s29 =	simm.s32 $0x2E00;
	[dreg:$0x10] =	wrdreg s15;
	s0 =	sshrl.u32 s0, $0x3  }
0x1d: {  	s15 =	simm.s32 $0x6;
	[dreg:$0xd] =	wrdreg s29;
	s13 =	sadd.s32 s0, s5  }
.LBB2_1:
0x1e: {  	[spmem:s14], [sflag:s11] =	dma.local [hbm:s10], $0x2800  }
0x1f: {  	_ =	swait.ge [sflag:s15], $0x2800  }
0x20: {  	[sflag:s15] =	ssyncset.done $0x0  }
0x21: {  	s0 =	rddreg [dreg:$0x10];
	[sflag:s15] =	ssyncadd.s32 $0xFFFFD800  }
0x22: {  	[tilespmem:s3], [sflag:$0x6] =	stream.linear.gather [hbm4b:s0+s3], $0x2800, $0x38;
	[tilespmem:$0x1F000] =	vst v63  }
0x23: {  	_ =	swait.ge [sflag:s15], $0x2800  }
0x24: {  	[sflag:s15] =	ssyncset.done $0x0  }
0x25: {  	s7 =	rddreg [dreg:$0x11];
	[sflag:s15] =	ssyncadd.s32 $0xFFFFD800  }
0x26: {  	[tilespmem:s16], [sflag:$0x6] =	stream.linear.gather [hbm4b:s7+s3], $0x400, $0x38;
	[tilespmem:$0x1F000] =	vst v63  }
0x27: {  	_ =	swait.ge [sflag:s15], $0x400  }
0x28: {  	[sflag:s15] =	ssyncset.done $0x0  }
0x29: {  	[sflag:s15] =	ssyncadd.s32 $0xFFFFFC00  }
0x2a: {  	[bflag:$0x0] =	sbarrier.arrive $0xFFFF  }
0x2b: {  	[tilespmem:s18], [sflag:$0x1] =	stream.indirect.gather [hbm4b:s4+s17], $0x80, s3, s17, $0xb8;
	[tilespmem:$0x1F000] =	vst v63  }
0x2c: {  	s8 =	simm.s32 $0x80  }
0x2d: {  	[tilespmem:s20], [sflag:$0x2] =	stream.indirect.gather [hbm4b:s4+s17], $0x80, s8, s17, $0xb8;
	[tilespmem:$0x1F000] =	vst v63  }
0x2e: {  	_ = 	snop  }
0x2f: {  	[tilespmem:s21], [sflag:$0x5] =	stream.linear.gather [hbm4b:s13+s3], $0x400, $0x38;
	[tilespmem:$0x1F000] =	vst v63  }
0x30: {  	_ =	swait.ge [sflag:s22], $0x3E80  }
0x31: {  	[sflag:s22] =	ssyncset.done $0x0  }
0x32: {  	[sflag:s22] =	ssyncadd.s32 $0xFFFFC180  }
0x33: {  	[spmem:s2] =	stream.indirect.scatter.add.f32 [tilespmem:s18], [sflag:$0x3], $0x80, s16, s17, $0xb8;
	[tilespmem:$0x1F000] =	vst v63  }
0x34: {  	_ =	swait.ge [sflag:s23], $0x3E80  }
0x35: {  	[sflag:s23] =	ssyncset.done $0x0  }
0x36: {  	s12 =	simm.s32 $0x100;
	[sflag:s23] =	ssyncadd.s32 $0xFFFFC180  }
0x37: {  	[tilespmem:s18], [sflag:$0x1] =	stream.indirect.gather [hbm4b:s4+s17], $0x80, s12, s17, $0xb8;
	[tilespmem:$0x1F000] =	vst v63  }
0x38: {  	_ =	swait.ge [sflag:s24], $0x3E80  }
0x39: {  	[sflag:s24] =	ssyncset.done $0x0  }
0x3a: {  	s19 =	rddreg [dreg:$0x3];
	[sflag:s24] =	ssyncadd.s32 $0xFFFFC180  }
0x3b: {  	[spmem:s2] =	stream.indirect.scatter.add.f32 [tilespmem:s20], [sflag:$0x4], $0x80, s19, s17, $0xb8;
	[tilespmem:$0x1F000] =	vst v63  }
0x3c: {  	_ =	swait.ge [sflag:s25], $0x3E80  }
0x3d: {  	[sflag:s25] =	ssyncset.done $0x0  }
0x3e: {  	s6 =	simm.s32 $0x180;
	[sflag:s25] =	ssyncadd.s32 $0xFFFFC180  }
0x3f: {  	[tilespmem:s20], [sflag:$0x2] =	stream.indirect.gather [hbm4b:s4+s17], $0x80, s6, s17, $0xb8;
	[tilespmem:$0x1F000] =	vst v63  }
0x40: {  	_ =	swait.ge [sflag:s22], $0x3E80  }
0x41: {  	[sflag:s22] =	ssyncset.done $0x0  }
0x42: {  	s7 =	rddreg [dreg:$0x4];
	[sflag:s22] =	ssyncadd.s32 $0xFFFFC180  }
0x43: {  	[spmem:s2] =	stream.indirect.scatter.add.f32 [tilespmem:s18], [sflag:$0x3], $0x80, s7, s17, $0xb8;
	[tilespmem:$0x1F000] =	vst v63  }
0x44: {  	_ =	swait.ge [sflag:s23], $0x3E80  }
0x45: {  	[sflag:s23] =	ssyncset.done $0x0  }
0x46: {  	s8 =	simm.s32 $0x200;
	[sflag:s23] =	ssyncadd.s32 $0xFFFFC180  }
0x47: {  	[tilespmem:s18], [sflag:$0x1] =	stream.indirect.gather [hbm4b:s4+s17], $0x80, s8, s17, $0xb8;
	[tilespmem:$0x1F000] =	vst v63  }
0x48: {  	_ =	swait.ge [sflag:s24], $0x3E80  }
0x49: {  	[sflag:s24] =	ssyncset.done $0x0  }
0x4a: {  	s12 =	rddreg [dreg:$0x5];
	[sflag:s24] =	ssyncadd.s32 $0xFFFFC180  }
0x4b: {  	[spmem:s2] =	stream.indirect.scatter.add.f32 [tilespmem:s20], [sflag:$0x4], $0x80, s12, s17, $0xb8;
	[tilespmem:$0x1F000] =	vst v63  }
0x4c: {  	_ =	swait.ge [sflag:s25], $0x3E80  }
0x4d: {  	[sflag:s25] =	ssyncset.done $0x0  }
0x4e: {  	s19 =	simm.s32 $0x280;
	[sflag:s25] =	ssyncadd.s32 $0xFFFFC180  }
0x4f: {  	[tilespmem:s20], [sflag:$0x2] =	stream.indirect.gather [hbm4b:s4+s17], $0x80, s19, s17, $0xb8;
	[tilespmem:$0x1F000] =	vst v63  }
0x50: {  	_ =	swait.ge [sflag:s22], $0x3E80  }
0x51: {  	[sflag:s22] =	ssyncset.done $0x0  }
0x52: {  	s6 =	rddreg [dreg:$0x6];
	[sflag:s22] =	ssyncadd.s32 $0xFFFFC180  }
0x53: {  	[spmem:s2] =	stream.indirect.scatter.add.f32 [tilespmem:s18], [sflag:$0x3], $0x80, s6, s17, $0xb8;
	[tilespmem:$0x1F000] =	vst v63  }
0x54: {  	_ =	swait.ge [sflag:s23], $0x3E80  }
0x55: {  	[sflag:s23] =	ssyncset.done $0x0  }
0x56: {  	s7 =	simm.s32 $0x300;
	[sflag:s23] =	ssyncadd.s32 $0xFFFFC180  }
0x57: {  	[tilespmem:s18], [sflag:$0x1] =	stream.indirect.gather [hbm4b:s4+s17], $0x80, s7, s17, $0xb8;
	[tilespmem:$0x1F000] =	vst v63  }
0x58: {  	_ =	swait.ge [sflag:s24], $0x3E80  }
0x59: {  	[sflag:s24] =	ssyncset.done $0x0  }
0x5a: {  	s8 =	rddreg [dreg:$0x7];
	[sflag:s24] =	ssyncadd.s32 $0xFFFFC180  }
0x5b: {  	[spmem:s2] =	stream.indirect.scatter.add.f32 [tilespmem:s20], [sflag:$0x4], $0x80, s8, s17, $0xb8;
	[tilespmem:$0x1F000] =	vst v63  }
0x5c: {  	_ =	swait.ge [sflag:s25], $0x3E80  }
0x5d: {  	[sflag:s25] =	ssyncset.done $0x0  }
0x5e: {  	s12 =	simm.s32 $0x380;
	[sflag:s25] =	ssyncadd.s32 $0xFFFFC180  }
0x5f: {  	[tilespmem:s20], [sflag:$0x2] =	stream.indirect.gather [hbm4b:s4+s17], $0x80, s12, s17, $0xb8;
	[tilespmem:$0x1F000] =	vst v63  }
0x60: {  	_ =	swait.ge [sflag:s22], $0x3E80  }
0x61: {  	[sflag:s22] =	ssyncset.done $0x0  }
0x62: {  	s19 =	rddreg [dreg:$0x8];
	[sflag:s22] =	ssyncadd.s32 $0xFFFFC180  }
0x63: {  	[spmem:s2] =	stream.indirect.scatter.add.f32 [tilespmem:s18], [sflag:$0x3], $0x80, s19, s17, $0xb8;
	[tilespmem:$0x1F000] =	vst v63  }
0x64: {  	_ =	swait.ge [sflag:s23], $0x3E80  }
0x65: {  	[sflag:s23] =	ssyncset.done $0x0  }
0x66: {  	s6 =	simm.s32 $0x400;
	[sflag:s23] =	ssyncadd.s32 $0xFFFFC180  }
0x67: {  	[tilespmem:s18], [sflag:$0x1] =	stream.indirect.gather [hbm4b:s4+s17], $0x80, s6, s17, $0xb8;
	[tilespmem:$0x1F000] =	vst v63  }
0x68: {  	_ =	swait.ge [sflag:s24], $0x3E80  }
0x69: {  	[sflag:s24] =	ssyncset.done $0x0  }
0x6a: {  	s7 =	rddreg [dreg:$0x9];
	[sflag:s24] =	ssyncadd.s32 $0xFFFFC180  }
0x6b: {  	[spmem:s2] =	stream.indirect.scatter.add.f32 [tilespmem:s20], [sflag:$0x4], $0x80, s7, s17, $0xb8;
	[tilespmem:$0x1F000] =	vst v63  }
0x6c: {  	_ =	swait.ge [sflag:s25], $0x3E80  }
0x6d: {  	[sflag:s25] =	ssyncset.done $0x0  }
0x6e: {  	p0 =	por $0x0, $0x0;
	s8 =	simm.s32 $0x480;
	[sflag:s25] =	ssyncadd.s32 $0xFFFFC180  }
0x6f: {  	[tilespmem:s20], [sflag:$0x2] =	stream.indirect.gather [hbm4b:s4+s17], $0x80, s8, s17, $0xb8;
	[tilespmem:$0x1F000] =	vst v63  }
0x70: {  	s0 =	sshrl.u32 @!p0 s1, $0x3;
	_ =	swait.ge [sflag:s26], $0x400  }
0x71: {  	s0 =	sadd.s32 @!p0 s5, s0;
	[sflag:s26] =	ssyncset.done $0x0  }
0x72: {  	s6 =	simm.s32 @!p0 $0x2800;
	s7 =	simm.s32 @!p0 $0x0;
	[sflag:s26] =	ssyncadd.s32 $0xFFFFFC00  }
0x73: {  	[tilespmem:s6], [sflag:$0x5] =	stream.linear.gather @!p0 [hbm4b:s0+s7], $0x400, $0x38;
	[tilespmem:$0x1F000] =	vst v63  }
0x74: {  	_ =	swait.ge [sflag:s22], $0x3E80  }
0x75: {  	[sflag:s22] =	ssyncset.done $0x0  }
0x76: {  	[sflag:s22] =	ssyncadd.s32 $0xFFFFC180  }
0x77: {  	[spmem:s2] =	stream.indirect.scatter.add.f32 [tilespmem:s18], [sflag:$0x3], $0x80, s21, s17, $0xb8;
	[tilespmem:$0x1F000] =	vst v63  }
0x78: {  	_ =	swait.ge [sflag:s23], $0x3E80  }
0x79: {  	[sflag:s23] =	ssyncset.done $0x0  }
0x7a: {  	s12 =	simm.s32 $0x500;
	[sflag:s23] =	ssyncadd.s32 $0xFFFFC180  }
0x7b: {  	[tilespmem:s18], [sflag:$0x1] =	stream.indirect.gather [hbm4b:s4+s17], $0x80, s12, s17, $0xb8;
	[tilespmem:$0x1F000] =	vst v63  }
0x7c: {  	_ =	swait.ge [sflag:s24], $0x3E80  }
0x7d: {  	[sflag:s24] =	ssyncset.done $0x0  }
0x7e: {  	s19 =	rddreg [dreg:$0xa];
	[sflag:s24] =	ssyncadd.s32 $0xFFFFC180  }
0x7f: {  	[spmem:s2] =	stream.indirect.scatter.add.f32 [tilespmem:s20], [sflag:$0x4], $0x80, s19, s17, $0xb8;
	[tilespmem:$0x1F000] =	vst v63  }
0x80: {  	_ =	swait.ge [sflag:s25], $0x3E80  }
0x81: {  	[sflag:s25] =	ssyncset.done $0x0  }
0x82: {  	s6 =	simm.s32 $0x580;
	[sflag:s25] =	ssyncadd.s32 $0xFFFFC180  }
0x83: {  	[tilespmem:s20], [sflag:$0x2] =	stream.indirect.gather [hbm4b:s4+s17], $0x80, s6, s17, $0xb8;
	[tilespmem:$0x1F000] =	vst v63  }
0x84: {  	_ =	swait.ge [sflag:s22], $0x3E80  }
0x85: {  	[sflag:s22] =	ssyncset.done $0x0  }
0x86: {  	s7 =	rddreg [dreg:$0xb];
	[sflag:s22] =	ssyncadd.s32 $0xFFFFC180  }
0x87: {  	[spmem:s2] =	stream.indirect.scatter.add.f32 [tilespmem:s18], [sflag:$0x3], $0x80, s7, s17, $0xb8;
	[tilespmem:$0x1F000] =	vst v63  }
0x88: {  	_ =	swait.ge [sflag:s23], $0x3E80  }
0x89: {  	[sflag:s23] =	ssyncset.done $0x0  }
0x8a: {  	s8 =	simm.s32 $0x600;
	[sflag:s23] =	ssyncadd.s32 $0xFFFFC180  }
0x8b: {  	[tilespmem:s18], [sflag:$0x1] =	stream.indirect.gather [hbm4b:s4+s17], $0x80, s8, s17, $0xb8;
	[tilespmem:$0x1F000] =	vst v63  }
0x8c: {  	_ =	swait.ge [sflag:s24], $0x3E80  }
0x8d: {  	[sflag:s24] =	ssyncset.done $0x0  }
0x8e: {  	s12 =	rddreg [dreg:$0xc];
	[sflag:s24] =	ssyncadd.s32 $0xFFFFC180  }
0x8f: {  	[spmem:s2] =	stream.indirect.scatter.add.f32 [tilespmem:s20], [sflag:$0x4], $0x80, s12, s17, $0xb8;
	[tilespmem:$0x1F000] =	vst v63  }
0x90: {  	_ =	swait.ge [sflag:s25], $0x3E80  }
0x91: {  	[sflag:s25] =	ssyncset.done $0x0  }
0x92: {  	s19 =	simm.s32 $0x680;
	[sflag:s25] =	ssyncadd.s32 $0xFFFFC180  }
0x93: {  	[tilespmem:s20], [sflag:$0x2] =	stream.indirect.gather [hbm4b:s4+s17], $0x80, s19, s17, $0xb8;
	[tilespmem:$0x1F000] =	vst v63  }
0x94: {  	_ =	swait.ge [sflag:s22], $0x3E80  }
0x95: {  	[sflag:s22] =	ssyncset.done $0x0  }
0x96: {  	s6 =	rddreg [dreg:$0xd];
	[sflag:s22] =	ssyncadd.s32 $0xFFFFC180  }
0x97: {  	[spmem:s2] =	stream.indirect.scatter.add.f32 [tilespmem:s18], [sflag:$0x3], $0x80, s6, s17, $0xb8;
	[tilespmem:$0x1F000] =	vst v63  }
0x98: {  	_ =	swait.ge [sflag:s23], $0x3E80  }
0x99: {  	[sflag:s23] =	ssyncset.done $0x0  }
0x9a: {  	s7 =	simm.s32 $0x700;
	[sflag:s23] =	ssyncadd.s32 $0xFFFFC180  }
0x9b: {  	[tilespmem:s18], [sflag:$0x1] =	stream.indirect.gather [hbm4b:s4+s17], $0x80, s7, s17, $0xb8;
	[tilespmem:$0x1F000] =	vst v63  }
0x9c: {  	_ =	swait.ge [sflag:s24], $0x3E80  }
0x9d: {  	[sflag:s24] =	ssyncset.done $0x0  }
0x9e: {  	s8 =	rddreg [dreg:$0xe];
	[sflag:s24] =	ssyncadd.s32 $0xFFFFC180  }
0x9f: {  	[spmem:s2] =	stream.indirect.scatter.add.f32 [tilespmem:s20], [sflag:$0x4], $0x80, s8, s17, $0xb8;
	[tilespmem:$0x1F000] =	vst v63  }
0xa0: {  	_ =	swait.ge [sflag:s25], $0x3E80  }
0xa1: {  	[sflag:s25] =	ssyncset.done $0x0  }
0xa2: {  	s12 =	simm.s32 $0x780;
	[sflag:s25] =	ssyncadd.s32 $0xFFFFC180  }
0xa3: {  	[tilespmem:s20], [sflag:$0x2] =	stream.indirect.gather [hbm4b:s4+s17], $0x80, s12, s17, $0xb8;
	[tilespmem:$0x1F000] =	vst v63  }
0xa4: {  	_ =	swait.ge [sflag:s22], $0x3E80  }
0xa5: {  	p1 =	por $0x1, $0x1;
	[sflag:s22] =	ssyncset.done $0x0  }
0xa6: {  	s6 =	simm.s32 @p1 $0x3;
	s19 =	rddreg [dreg:$0xf];
	[sflag:s22] =	ssyncadd.s32 $0xFFFFC180  }
0xa7: {  	[spmem:s2] =	stream.indirect.scatter.add.f32 [tilespmem:s18], [sflag:$0x3], $0x80, s19, s17, $0xb8;
	[tilespmem:$0x1F000] =	vst v63  }
0xa8: {  	_ =	swait.ge @p1 [sflag:s6], $0x3E80  }
0xa9: {  	s0 =	simm.s32 @p1 $0x800;
	s7 =	simm.s32 @p1 $0x7D;
	[sflag:s6] =	ssyncset.done @p1 $0x0  }
0xaa: {  	s12 =	simm.s32 @p1 $0x3000;
	[sflag:s6] =	ssyncadd.s32 @p1 $0xFFFFC180;
	s6 =	simm.s32 @p1 $0x2  }
0xab: {  	[tilespmem:s12], [sflag:$0x1] =	stream.indirect.gather @p1 [hbm4b:s4+s7], $0x80, s0, s7, $0xb8;
	[tilespmem:$0x1F000] =	vst v63  }
0xac: {  	_ =	swait.ge @p1 [sflag:s6], $0x3E80  }
0xad: {  	s0 =	simm.s32 @p1 $0x2F80;
	[sflag:s6] =	ssyncset.done @p1 $0x0  }
0xae: {  	s12 =	simm.s32 @p1 $0x7000;
	[sflag:s6] =	ssyncadd.s32 @p1 $0xFFFFC180;
	s6 =	simm.s32 @p1 $0x4  }
0xaf: {  	[spmem:s2] =	stream.indirect.scatter.add.f32 @p1 [tilespmem:s12], [sflag:$0x4], $0x80, s0, s7, $0xb8;
	[tilespmem:$0x1F000] =	vst v63  }
0xb0: {  	_ =	swait.ge @p1 [sflag:s6], $0x3E80  }
0xb1: {  	[sflag:s6] =	ssyncset.done @p1 $0x0  }
0xb2: {  	s0 =	simm.s32 @p1 $0x880;
	[sflag:s6] =	ssyncadd.s32 @p1 $0xFFFFC180;
	s6 =	simm.s32 @p1 $0x5  }
0xb3: {  	[tilespmem:s12], [sflag:$0x2] =	stream.indirect.gather @p1 [hbm4b:s4+s7], $0x80, s0, s7, $0xb8;
	[tilespmem:$0x1F000] =	vst v63  }
0xb4: {  	_ =	swait.ge @p1 [sflag:s6], $0x400  }
0xb5: {  	s29 =	simm.s32 $0x2000;
	s30 =	simm.s32 $0x3;
	[sflag:s6] =	ssyncset.done @p1 $0x0  }
0xb6: {  	s31 =	sadd.s32 $0x100, s13;
	s0 =	simm.s32 @!p1 $0x2;
	[sflag:s6] =	ssyncadd.s32 @p1 $0xFFFFFC00  }
0xb7: {  	s19 =	simm.s32 @!p1 $0x7000;
	s7 =	simm.s32 @!p1 $0x2F80;
	_ =	swait.ge @!p1 [sflag:s0], $0x3E80  }
0xb8: {  	s12 =	smov.u32 s1;
	s6 =	simm.s32 @!p1 $0x7D;
	[sflag:s0] =	ssyncset.done @!p1 $0x0  }
.LBB2_2:
0xb9: {  	[sflag:s0] =	ssyncadd.s32 @!p1 $0xFFFFC180  }
0xba: {  	[spmem:s2] =	stream.indirect.scatter.add.f32 @!p1 [tilespmem:s19], [sflag:$0x4], $0x80, s7, s6, $0xb8;
	[tilespmem:$0x1F000] =	vst v63  }
0xbb: {  	_ = 	snop  }
0xbc: {  	[tilespmem:s21], [sflag:$0x5] =	stream.linear.gather [hbm4b:s31+s3], $0x400, $0x38;
	[tilespmem:$0x1F000] =	vst v63  }
0xbd: {  	_ =	swait.ge [sflag:s22], $0x3E80  }
0xbe: {  	[sflag:s22] =	ssyncset.done $0x0  }
0xbf: {  	[sflag:s22] =	ssyncadd.s32 $0xFFFFC180  }
0xc0: {  	[spmem:s2] =	stream.indirect.scatter.add.f32 [tilespmem:s18], [sflag:$0x3], $0x80, s16, s17, $0xb8;
	[tilespmem:$0x1F000] =	vst v63  }
0xc1: {  	s0 =	smov.u32 s29;
	_ =	swait.ge [sflag:s23], $0x3E80  }
0xc2: {  	s19 =	sshra.s32 s0, $0x2;
	[sflag:s23] =	ssyncset.done $0x0  }
0xc3: {  	s7 =	sadd.s32 $0x100, s19;
	[sflag:s23] =	ssyncadd.s32 $0xFFFFC180  }
0xc4: {  	[tilespmem:s18], [sflag:$0x1] =	stream.indirect.gather [hbm4b:s4+s17], $0x80, s7, s17, $0xb8;
	[tilespmem:$0x1F000] =	vst v63  }
0xc5: {  	_ =	swait.ge [sflag:s24], $0x3E80  }
0xc6: {  	[sflag:s24] =	ssyncset.done $0x0  }
0xc7: {  	s8 =	rddreg [dreg:$0x3];
	[sflag:s24] =	ssyncadd.s32 $0xFFFFC180  }
0xc8: {  	[spmem:s2] =	stream.indirect.scatter.add.f32 [tilespmem:s20], [sflag:$0x4], $0x80, s8, s17, $0xb8;
	[tilespmem:$0x1F000] =	vst v63  }
0xc9: {  	_ =	swait.ge [sflag:s25], $0x3E80  }
0xca: {  	[sflag:s25] =	ssyncset.done $0x0  }
0xcb: {  	s7 =	sadd.s32 $0x180, s19;
	[sflag:s25] =	ssyncadd.s32 $0xFFFFC180  }
0xcc: {  	[tilespmem:s20], [sflag:$0x2] =	stream.indirect.gather [hbm4b:s4+s17], $0x80, s7, s17, $0xb8;
	[tilespmem:$0x1F000] =	vst v63  }
0xcd: {  	_ =	swait.ge [sflag:s22], $0x3E80  }
0xce: {  	[sflag:s22] =	ssyncset.done $0x0  }
0xcf: {  	s8 =	rddreg [dreg:$0x4];
	[sflag:s22] =	ssyncadd.s32 $0xFFFFC180  }
0xd0: {  	[spmem:s2] =	stream.indirect.scatter.add.f32 [tilespmem:s18], [sflag:$0x3], $0x80, s8, s17, $0xb8;
	[tilespmem:$0x1F000] =	vst v63  }
0xd1: {  	_ =	swait.ge [sflag:s23], $0x3E80  }
0xd2: {  	[sflag:s23] =	ssyncset.done $0x0  }
0xd3: {  	s7 =	sadd.s32 $0x200, s19;
	[sflag:s23] =	ssyncadd.s32 $0xFFFFC180  }
0xd4: {  	[tilespmem:s18], [sflag:$0x1] =	stream.indirect.gather [hbm4b:s4+s17], $0x80, s7, s17, $0xb8;
	[tilespmem:$0x1F000] =	vst v63  }
0xd5: {  	_ =	swait.ge [sflag:s24], $0x3E80  }
0xd6: {  	[sflag:s24] =	ssyncset.done $0x0  }
0xd7: {  	s8 =	rddreg [dreg:$0x5];
	[sflag:s24] =	ssyncadd.s32 $0xFFFFC180  }
0xd8: {  	[spmem:s2] =	stream.indirect.scatter.add.f32 [tilespmem:s20], [sflag:$0x4], $0x80, s8, s17, $0xb8;
	[tilespmem:$0x1F000] =	vst v63  }
0xd9: {  	_ =	swait.ge [sflag:s25], $0x3E80  }
0xda: {  	[sflag:s25] =	ssyncset.done $0x0  }
0xdb: {  	s7 =	sadd.s32 $0x280, s19;
	[sflag:s25] =	ssyncadd.s32 $0xFFFFC180  }
0xdc: {  	[tilespmem:s20], [sflag:$0x2] =	stream.indirect.gather [hbm4b:s4+s17], $0x80, s7, s17, $0xb8;
	[tilespmem:$0x1F000] =	vst v63  }
0xdd: {  	_ =	swait.ge [sflag:s22], $0x3E80  }
0xde: {  	[sflag:s22] =	ssyncset.done $0x0  }
0xdf: {  	s8 =	rddreg [dreg:$0x6];
	[sflag:s22] =	ssyncadd.s32 $0xFFFFC180  }
0xe0: {  	[spmem:s2] =	stream.indirect.scatter.add.f32 [tilespmem:s18], [sflag:$0x3], $0x80, s8, s17, $0xb8;
	[tilespmem:$0x1F000] =	vst v63  }
0xe1: {  	_ =	swait.ge [sflag:s23], $0x3E80  }
0xe2: {  	[sflag:s23] =	ssyncset.done $0x0  }
0xe3: {  	s7 =	sadd.s32 $0x300, s19;
	[sflag:s23] =	ssyncadd.s32 $0xFFFFC180  }
0xe4: {  	[tilespmem:s18], [sflag:$0x1] =	stream.indirect.gather [hbm4b:s4+s17], $0x80, s7, s17, $0xb8;
	[tilespmem:$0x1F000] =	vst v63  }
0xe5: {  	_ =	swait.ge [sflag:s24], $0x3E80  }
0xe6: {  	[sflag:s24] =	ssyncset.done $0x0  }
0xe7: {  	s8 =	rddreg [dreg:$0x7];
	[sflag:s24] =	ssyncadd.s32 $0xFFFFC180  }
0xe8: {  	[spmem:s2] =	stream.indirect.scatter.add.f32 [tilespmem:s20], [sflag:$0x4], $0x80, s8, s17, $0xb8;
	[tilespmem:$0x1F000] =	vst v63  }
0xe9: {  	_ =	swait.ge [sflag:s25], $0x3E80  }
0xea: {  	[sflag:s25] =	ssyncset.done $0x0  }
0xeb: {  	s7 =	sadd.s32 $0x380, s19;
	[sflag:s25] =	ssyncadd.s32 $0xFFFFC180  }
0xec: {  	[tilespmem:s20], [sflag:$0x2] =	stream.indirect.gather [hbm4b:s4+s17], $0x80, s7, s17, $0xb8;
	[tilespmem:$0x1F000] =	vst v63  }
0xed: {  	_ =	swait.ge [sflag:s22], $0x3E80  }
0xee: {  	[sflag:s22] =	ssyncset.done $0x0  }
0xef: {  	s8 =	rddreg [dreg:$0x8];
	[sflag:s22] =	ssyncadd.s32 $0xFFFFC180  }
0xf0: {  	[spmem:s2] =	stream.indirect.scatter.add.f32 [tilespmem:s18], [sflag:$0x3], $0x80, s8, s17, $0xb8;
	[tilespmem:$0x1F000] =	vst v63  }
0xf1: {  	_ =	swait.ge [sflag:s23], $0x3E80  }
0xf2: {  	[sflag:s23] =	ssyncset.done $0x0  }
0xf3: {  	s7 =	sadd.s32 $0x400, s19;
	[sflag:s23] =	ssyncadd.s32 $0xFFFFC180  }
0xf4: {  	[tilespmem:s18], [sflag:$0x1] =	stream.indirect.gather [hbm4b:s4+s17], $0x80, s7, s17, $0xb8;
	[tilespmem:$0x1F000] =	vst v63  }
0xf5: {  	_ =	swait.ge [sflag:s24], $0x3E80  }
0xf6: {  	[sflag:s24] =	ssyncset.done $0x0  }
0xf7: {  	s8 =	rddreg [dreg:$0x9];
	[sflag:s24] =	ssyncadd.s32 $0xFFFFC180  }
0xf8: {  	[spmem:s2] =	stream.indirect.scatter.add.f32 [tilespmem:s20], [sflag:$0x4], $0x80, s8, s17, $0xb8;
	[tilespmem:$0x1F000] =	vst v63  }
0xf9: {  	_ =	swait.ge [sflag:s25], $0x3E80  }
0xfa: {  	s12 =	sadd.s32 $0x800, s12;
	[sflag:s25] =	ssyncset.done $0x0  }
0xfb: {  	p1 =	sgt.u32 s30, $0x8;
	s7 =	sadd.s32 $0x480, s19;
	[sflag:s25] =	ssyncadd.s32 $0xFFFFC180  }
0xfc: {  	[tilespmem:s20], [sflag:$0x2] =	stream.indirect.gather [hbm4b:s4+s17], $0x80, s7, s17, $0xb8;
	[tilespmem:$0x1F000] =	vst v63  }
0xfd: {  	s6 =	sshrl.u32 @!p1 s12, $0x3;
	_ =	swait.ge [sflag:s26], $0x400  }
0xfe: {  	s6 =	sadd.s32 @!p1 s5, s6;
	[sflag:s26] =	ssyncset.done $0x0  }
0xff: {  	s8 =	simm.s32 @!p1 $0x0;
	s7 =	simm.s32 @!p1 $0x2800;
	[sflag:s26] =	ssyncadd.s32 $0xFFFFFC00  }
0x100: {  	[tilespmem:s7], [sflag:$0x5] =	stream.linear.gather @!p1 [hbm4b:s6+s8], $0x400, $0x38;
	[tilespmem:$0x1F000] =	vst v63  }
0x101: {  	_ =	swait.ge [sflag:s22], $0x3E80  }
0x102: {  	[sflag:s22] =	ssyncset.done $0x0  }
0x103: {  	[sflag:s22] =	ssyncadd.s32 $0xFFFFC180  }
0x104: {  	[spmem:s2] =	stream.indirect.scatter.add.f32 [tilespmem:s18], [sflag:$0x3], $0x80, s21, s17, $0xb8;
	[tilespmem:$0x1F000] =	vst v63  }
0x105: {  	_ =	swait.ge [sflag:s23], $0x3E80  }
0x106: {  	[sflag:s23] =	ssyncset.done $0x0  }
0x107: {  	s8 =	sadd.s32 $0x500, s19;
	[sflag:s23] =	ssyncadd.s32 $0xFFFFC180  }
0x108: {  	[tilespmem:s18], [sflag:$0x1] =	stream.indirect.gather [hbm4b:s4+s17], $0x80, s8, s17, $0xb8;
	[tilespmem:$0x1F000] =	vst v63  }
0x109: {  	_ =	swait.ge [sflag:s24], $0x3E80  }
0x10a: {  	[sflag:s24] =	ssyncset.done $0x0  }
0x10b: {  	s7 =	rddreg [dreg:$0xa];
	[sflag:s24] =	ssyncadd.s32 $0xFFFFC180  }
0x10c: {  	[spmem:s2] =	stream.indirect.scatter.add.f32 [tilespmem:s20], [sflag:$0x4], $0x80, s7, s17, $0xb8;
	[tilespmem:$0x1F000] =	vst v63  }
0x10d: {  	_ =	swait.ge [sflag:s25], $0x3E80  }
0x10e: {  	[sflag:s25] =	ssyncset.done $0x0  }
0x10f: {  	s8 =	sadd.s32 $0x580, s19;
	[sflag:s25] =	ssyncadd.s32 $0xFFFFC180  }
0x110: {  	[tilespmem:s20], [sflag:$0x2] =	stream.indirect.gather [hbm4b:s4+s17], $0x80, s8, s17, $0xb8;
	[tilespmem:$0x1F000] =	vst v63  }
0x111: {  	_ =	swait.ge [sflag:s22], $0x3E80  }
0x112: {  	[sflag:s22] =	ssyncset.done $0x0  }
0x113: {  	s7 =	rddreg [dreg:$0xb];
	[sflag:s22] =	ssyncadd.s32 $0xFFFFC180  }
0x114: {  	[spmem:s2] =	stream.indirect.scatter.add.f32 [tilespmem:s18], [sflag:$0x3], $0x80, s7, s17, $0xb8;
	[tilespmem:$0x1F000] =	vst v63  }
0x115: {  	_ =	swait.ge [sflag:s23], $0x3E80  }
0x116: {  	[sflag:s23] =	ssyncset.done $0x0  }
0x117: {  	s8 =	sadd.s32 $0x600, s19;
	[sflag:s23] =	ssyncadd.s32 $0xFFFFC180  }
0x118: {  	[tilespmem:s18], [sflag:$0x1] =	stream.indirect.gather [hbm4b:s4+s17], $0x80, s8, s17, $0xb8;
	[tilespmem:$0x1F000] =	vst v63  }
0x119: {  	_ =	swait.ge [sflag:s24], $0x3E80  }
0x11a: {  	[sflag:s24] =	ssyncset.done $0x0  }
0x11b: {  	s7 =	rddreg [dreg:$0xc];
	[sflag:s24] =	ssyncadd.s32 $0xFFFFC180  }
0x11c: {  	[spmem:s2] =	stream.indirect.scatter.add.f32 [tilespmem:s20], [sflag:$0x4], $0x80, s7, s17, $0xb8;
	[tilespmem:$0x1F000] =	vst v63  }
0x11d: {  	_ =	swait.ge [sflag:s25], $0x3E80  }
0x11e: {  	[sflag:s25] =	ssyncset.done $0x0  }
0x11f: {  	s8 =	sadd.s32 $0x680, s19;
	[sflag:s25] =	ssyncadd.s32 $0xFFFFC180  }
0x120: {  	[tilespmem:s20], [sflag:$0x2] =	stream.indirect.gather [hbm4b:s4+s17], $0x80, s8, s17, $0xb8;
	[tilespmem:$0x1F000] =	vst v63  }
0x121: {  	_ =	swait.ge [sflag:s22], $0x3E80  }
0x122: {  	[sflag:s22] =	ssyncset.done $0x0  }
0x123: {  	s7 =	rddreg [dreg:$0xd];
	[sflag:s22] =	ssyncadd.s32 $0xFFFFC180  }
0x124: {  	[spmem:s2] =	stream.indirect.scatter.add.f32 [tilespmem:s18], [sflag:$0x3], $0x80, s7, s17, $0xb8;
	[tilespmem:$0x1F000] =	vst v63  }
0x125: {  	_ =	swait.ge [sflag:s23], $0x3E80  }
0x126: {  	[sflag:s23] =	ssyncset.done $0x0  }
0x127: {  	s8 =	sadd.s32 $0x700, s19;
	[sflag:s23] =	ssyncadd.s32 $0xFFFFC180  }
0x128: {  	[tilespmem:s18], [sflag:$0x1] =	stream.indirect.gather [hbm4b:s4+s17], $0x80, s8, s17, $0xb8;
	[tilespmem:$0x1F000] =	vst v63  }
0x129: {  	_ =	swait.ge [sflag:s24], $0x3E80  }
0x12a: {  	[sflag:s24] =	ssyncset.done $0x0  }
0x12b: {  	s7 =	rddreg [dreg:$0xe];
	[sflag:s24] =	ssyncadd.s32 $0xFFFFC180  }
0x12c: {  	[spmem:s2] =	stream.indirect.scatter.add.f32 [tilespmem:s20], [sflag:$0x4], $0x80, s7, s17, $0xb8;
	[tilespmem:$0x1F000] =	vst v63  }
0x12d: {  	_ =	swait.ge [sflag:s25], $0x3E80  }
0x12e: {  	[sflag:s25] =	ssyncset.done $0x0  }
0x12f: {  	s8 =	sadd.s32 $0x780, s19;
	[sflag:s25] =	ssyncadd.s32 $0xFFFFC180  }
0x130: {  	[tilespmem:s20], [sflag:$0x2] =	stream.indirect.gather [hbm4b:s4+s17], $0x80, s8, s17, $0xb8;
	[tilespmem:$0x1F000] =	vst v63  }
0x131: {  	_ =	swait.ge [sflag:s22], $0x3E80  }
0x132: {  	p1 =	slt.u32 s30, $0x9;
	[sflag:s22] =	ssyncset.done $0x0  }
0x133: {  	s7 =	simm.s32 @p1 $0x3;
	s19 =	rddreg [dreg:$0xf];
	[sflag:s22] =	ssyncadd.s32 $0xFFFFC180  }
0x134: {  	[spmem:s2] =	stream.indirect.scatter.add.f32 [tilespmem:s18], [sflag:$0x3], $0x80, s19, s17, $0xb8;
	[tilespmem:$0x1F000] =	vst v63  }
0x135: {  	s0 =	sshra.s32 @p1 s0, $0x2;
	_ =	swait.ge @p1 [sflag:s7], $0x3E80  }
0x136: {  	s6 =	sadd.s32 @p1 $0x800, s0;
	s8 =	simm.s32 @p1 $0x7D;
	[sflag:s7] =	ssyncset.done @p1 $0x0  }
0x137: {  	s19 =	simm.s32 @p1 $0x3000;
	[sflag:s7] =	ssyncadd.s32 @p1 $0xFFFFC180;
	s7 =	simm.s32 @p1 $0x2  }
0x138: {  	[tilespmem:s19], [sflag:$0x1] =	stream.indirect.gather @p1 [hbm4b:s4+s8], $0x80, s6, s8, $0xb8;
	[tilespmem:$0x1F000] =	vst v63  }
0x139: {  	_ =	swait.ge @p1 [sflag:s7], $0x3E80  }
0x13a: {  	s6 =	simm.s32 @p1 $0x2F80;
	[sflag:s7] =	ssyncset.done @p1 $0x0  }
0x13b: {  	s19 =	simm.s32 @p1 $0x7000;
	[sflag:s7] =	ssyncadd.s32 @p1 $0xFFFFC180;
	s7 =	simm.s32 @p1 $0x4  }
0x13c: {  	[spmem:s2] =	stream.indirect.scatter.add.f32 @p1 [tilespmem:s19], [sflag:$0x4], $0x80, s6, s8, $0xb8;
	[tilespmem:$0x1F000] =	vst v63  }
0x13d: {  	s29 =	sadd.s32 $0x2000, s29;
	_ =	swait.ge @p1 [sflag:s7], $0x3E80  }
0x13e: {  	p0 =	sne.s32 s29, $0xA000;
	[sflag:s7] =	ssyncset.done @p1 $0x0  }
0x13f: {  	s0 =	sadd.s32 @p1 $0x880, s0;
	s6 =	simm.s32 @p1 $0x5;
	[sflag:s7] =	ssyncadd.s32 @p1 $0xFFFFC180  }
0x140: {  	[tilespmem:s19], [sflag:$0x2] =	stream.indirect.gather @p1 [hbm4b:s4+s8], $0x80, s0, s8, $0xb8;
	[tilespmem:$0x1F000] =	vst v63  }
.Ltmp0:
0x141: {  	_ =	swait.ge @p1 [sflag:s6], $0x400;
	(pc) =	sbr.rel @p0 .LBB2_2-.Ltmp0, $4  }
0x142: {  	[sflag:s6] =	ssyncset.done @p1 $0x0  }
0x143: {  	s31 =	sadd.s32 $0x100, s31;
	s0 =	simm.s32 @!p1 $0x2;
	[sflag:s6] =	ssyncadd.s32 @p1 $0xFFFFFC00  }
0x144: {  	s30 =	sadd.s32 $0x2, s30;
	s7 =	simm.s32 @!p1 $0x2F80;
	_ =	swait.ge @!p1 [sflag:s0], $0x3E80  }
0x145: {  	s19 =	simm.s32 @!p1 $0x7000;
	s6 =	simm.s32 @!p1 $0x7D;
	[sflag:s0] =	ssyncset.done @!p1 $0x0  }
0x146: {  	[sflag:s0] =	ssyncadd.s32 @!p1 $0xFFFFC180  }
0x147: {  	[spmem:s2] =	stream.indirect.scatter.add.f32 @!p1 [tilespmem:s19], [sflag:$0x4], $0x80, s7, s6, $0xb8;
	[tilespmem:$0x1F000] =	vst v63  }
0x148: {  	_ =	swait.ge [sflag:s23], $0x3E80  }
0x149: {  	[sflag:s23] =	ssyncset.done $0x0  }
0x14a: {  	[sflag:s23] =	ssyncadd.s32 $0xFFFFC180  }
0x14b: {  	_ =	swait.ge [sflag:s25], $0x3E80  }
0x14c: {  	[sflag:s25] =	ssyncset.done $0x0  }
0x14d: {  	s28 =	sadd.s32 $0x1, s28;
	[sflag:s25] =	ssyncadd.s32 $0xFFFFC180  }
0x14e: {  	p0 =	sne.s32 s28, s9;
	[bflag:$0x0] =	sbarrier.arrive $0xFFFF  }
.Ltmp1:
0x14f: {  	s31 =	rddreg [dreg:$0x12];
	(pc) =	sbr.rel @p0 .LBB2_1-.Ltmp1, $4  }
0x150: {  	[hbm:s31], [sflag:s11] =	dma.local [spmem:s14], $0x2800  }
0x151: {  	_ =	swait.ge [sflag:s15], $0x2800  }
0x152: {  	[sflag:s15] =	ssyncset.done $0x0  }
0x153: {  	[sflag:s15] =	ssyncadd.s32 $0xFFFFD800  }
0x154: {  	_ =	sfence.sel $0x180000  }
0x155: {  	[bflag:$0x0] =	sbarrier.arrive $0xFFFF  }
0x156: {  	_ =	strace $0x9000004A  }
0x157: {  	s0 =	stileid.u32;
	[bflag:$0x2] =	sbarrier.arrive $0xFFFF  }
0x158: {  	p0 =	sne.s32 s0, $0x0;
	s0 =	rddreg [dreg:$0x2]  }
0x159: {  	s0 =	sadd.s32 @!p0 $0x100000, s0  }
0x15a: {  	[sflag:s0] =	ssyncadd.tile.s32 @!p0 $0x1;
	_ =	shalt  }
.Lfunc_end2:
_tile_overlayer_lowered:
.L_overlay_start_2:
0x15b: {  	(tag) =	ssettag $0x2  }
0x15c: {  	s0 =	rddreg [dreg:$0x0];
	s2 =	stileid.u32  }
0x15d: {  	s1 =	rddreg [dreg:$0x1];
	p0 =	sne.s32 s2, $0x0  }
0x15e: {  	s3 =	rddreg [dreg:$0x2];
	[bflag:$0x3] =	sbarrier.arrive $0xFFFF;
	s2 =	simm.s32 @!p0 $0x1C06  }
0x15f: {  	[timem:s3], [sflag:s2] =	dma.local @!p0 [hbm:s0], s1  }
0x160: {  	s0 =	simm.s32 @!p0 $0x6  }
0x161: {  	_ =	swait.ge @!p0 [sflag:s0], s1  }
0x162: {  	s1 =	ssub.s32 @!p0 $0x0, s1;
	[sflag:s0] =	ssyncset.done @!p0 $0x0  }
0x163: {  	[sflag:s0] =	ssyncadd.s32 @!p0 s1  }
0x164: {  	[bflag:$0x3] =	sbarrier.arrive $0xFFFF  }
0x165: {  	_ =	shalt  }

// kernel: kernel.15.cloned.1.call-start
scs
__scs_entry_jumppad:
0x0: {  	(pc) =	sbr.rel $0x88, $3  }
0x1: {  	(tag) =	ssettag $0x0;
	lr =	simm.s32 $0x1  }
0x2: {  	[smem:$0x3F9B] =	sst lr;
	_ =	strace $0xD0000000  }
0x3: {  	_ = 	snop  }
0x4: {  	_ = 	snop  }
0x5: {  	_ = 	snop  }
0x6: {  	_ = 	snop  }
0x7: {  	_ = 	snop  }
__scs_overlays_trampoline_lowered:
0x8: {  	[smem:$0x3FAA] =	sst s0  }
0x9: {  	[smem:$0x3FAB] =	sst s1  }
0xa: {  	[smem:$0x3FAC] =	sst s2  }
0xb: {  	[smem:$0x3FAD] =	sst s3  }
0xc: {  	[smem:$0x3FAE] =	sst s4  }
0xd: {  	[smem:$0x3FAF] =	sst s5  }
0xe: {  	[smem:$0x3FB0] =	sst s6  }
0xf: {  	[smem:$0x3FB1] =	sst s7  }
0x10: {  	[smem:$0x3FB2] =	sst s8  }
0x11: {  	[smem:$0x3FB3] =	sst s9;
	s0 =	simm.s32 @!p0 $0x0  }
0x12: {  	s1 =	sld [smem:$0x3F99];
	s0 =	simm.s32 @p0 $0x1  }
0x13: {  	[smem:$0x3FB4] =	sst s0;
	s0 =	simm.s32 @!p1 $0x0  }
0x14: {  	s2 =	sld [smem:$0x3F98];
	s0 =	simm.s32 @p1 $0x1  }
0x15: {  	[smem:$0x3FB5] =	sst s0;
	s0 =	simm.s32 @!p2 $0x0  }
0x16: {  	s3 =	sld [smem:$0x3FDB];
	s0 =	simm.s32 @p2 $0x1  }
0x17: {  	s4 =	simm.s32 $0x1BF5;
	[smem:$0x3FB7] =	sst s0  }
0x18: {  	s0 =	sld [smem:$0x3F9A];
	_ =	swait.ge [sflag:s4], $0x0  }
0x19: {  	s7 =	sld [smem:$0x3F9B]  }
0x1a: {  	s8 =	sadd.s32 $0xFFFFE003, lr  }
0x1b: {  	s9 =	sadd.s32 $0xFFFFFEF7, lr;
	s5 =	simm.s32 $0xFFFFFFFF;
	p2 =	slt.u32 s8, $0xFFFFF086  }
0x1c: {  	p1 =	slt.u32 s9, $0xF7A;
	s5 =	simm.s32 @!p2 $0x0  }
0x1d: {  	s5 =	simm.s32 @p1 $0x1;
	p0 =	seq.s32 s7, s2  }
0x1e: {  	s7 =	smul.u32 @!p0 $0xF7A, s2;
	p2 =	seq.s32 @!p0 s5, $0x0  }
0x1f: {  	s9 =	smul.u32 $0xF7A, s1;
	s8 =	simm.s32 @!p0 $0x1BF5;
	p2 =	por !p2, p0  }
0x20: {  	[sflag:s8] =	ssyncset.s32 @!p0 $0xFFFFF086;
	s6 =	sadd.s32 @!p0 s3, s7;
	s7 =	simm.s32 @!p0 $0x108  }
0x21: {  	s3 =	sadd.s32 s3, s9;
	s6 =	sadd.s32 @!p0 $0x88, s6;
	s7 =	simm.s32 @p2 $0x1082  }
0x22: {  	[simem:s7], [sflag:s8] =	dma.local @!p0 [hbm:s6], $0xF7A  }
0x23: {  	s9 =	sor.u32 $0xD0000000, s2;
	s6 =	simm.s32 $0x108;
	_ =	swait.ge @!p0 [sflag:s8], $0x0  }
0x24: {  	s3 =	sadd.s32 $0x88, s3;
	s6 =	simm.s32 @!p1 $0x1082;
	[sflag:s4] =	ssyncset.s32 $0xFFFFF086  }
0x25: {  	[simem:s6], [sflag:s4] =	dma.local [hbm:s3], $0xF7A  }
0x26: {  	[smem:$0x3F9B] =	sst s1;
	(tag) =	ssettag s2;
	_ =	strace s9  }
0x27: {  	s1 =	sld [smem:$0x3FAB]  }
0x28: {  	s2 =	sld [smem:$0x3FAC]  }
0x29: {  	s4 =	sld [smem:$0x3FAE]  }
0x2a: {  	p0 =	seq.s32 s5, $0x0;
	s5 =	sld [smem:$0x3FAF]  }
0x2b: {  	s6 =	sld [smem:$0x3FB0]  }
0x2c: {  	s7 =	sld [smem:$0x3FB1]  }
0x2d: {  	s3 =	simm.s32 $0x108;
	s8 =	sld [smem:$0x3FB2]  }
0x2e: {  	s3 =	simm.s32 @!p0 $0x1082;
	s9 =	sld [smem:$0x3FB3]  }
0x2f: {  	lr =	sadd.s32 s0, s3;
	s0 =	sld [smem:$0x3FAA]  }
0x30: {  	s3 =	sld [smem:$0x3FAD]  }
0x31: {  	[smem:$0x3FB6] =	sst s10  }
0x32: {  	s10 =	sld [smem:$0x3FB4];
	_ =	sdelay $0x3  }
0x33: {  	p0 =	seq.s32 s10, $0x1;
	s10 =	sld [smem:$0x3FB6];
	_ =	sdelay $0x3  }
0x34: {  	[smem:$0x3FB6] =	sst s10  }
0x35: {  	s10 =	sld [smem:$0x3FB5];
	_ =	sdelay $0x3  }
0x36: {  	p1 =	seq.s32 s10, $0x1;
	s10 =	sld [smem:$0x3FB6];
	_ =	sdelay $0x3  }
0x37: {  	[smem:$0x3FB6] =	sst s10  }
0x38: {  	s10 =	sld [smem:$0x3FB7]  }
0x39: {  	_ = 	snop;
	(pc) =	sbr.ind lr, $3  }
0x3a: {  	_ = 	snop  }
0x3b: {  	_ = 	snop  }
0x3c: {  	p2 =	seq.s32 s10, $0x1;
	s10 =	sld [smem:$0x3FB6]  }
0x3d: {  	_ =	shalt  }
0x3e: {  	_ =	shalt  }
0x3f: {  	_ =	shalt  }
0x40: {  	_ =	shalt  }
0x41: {  	_ =	shalt  }
0x42: {  	_ =	shalt  }
0x43: {  	_ =	shalt  }
0x44: {  	_ =	shalt  }
0x45: {  	_ =	shalt  }
0x46: {  	_ =	shalt  }
0x47: {  	_ =	shalt  }
0x48: {  	_ =	shalt  }
0x49: {  	_ =	shalt  }
0x4a: {  	_ =	shalt  }
0x4b: {  	_ =	shalt  }
0x4c: {  	_ =	shalt  }
0x4d: {  	_ =	shalt  }
0x4e: {  	_ =	shalt  }
0x4f: {  	_ =	shalt  }
0x50: {  	_ =	shalt  }
0x51: {  	_ =	shalt  }
0x52: {  	_ =	shalt  }
0x53: {  	_ =	shalt  }
0x54: {  	_ =	shalt  }
0x55: {  	_ =	shalt  }
0x56: {  	_ =	shalt  }
0x57: {  	_ =	shalt  }
0x58: {  	_ =	shalt  }
0x59: {  	_ =	shalt  }
0x5a: {  	_ =	shalt  }
0x5b: {  	_ =	shalt  }
0x5c: {  	_ =	shalt  }
0x5d: {  	_ =	shalt  }
0x5e: {  	_ =	shalt  }
0x5f: {  	_ =	shalt  }
0x60: {  	_ =	shalt  }
0x61: {  	_ =	shalt  }
0x62: {  	_ =	shalt  }
0x63: {  	_ =	shalt  }
0x64: {  	_ =	shalt  }
0x65: {  	_ =	shalt  }
0x66: {  	_ =	shalt  }
0x67: {  	_ =	shalt  }
0x68: {  	_ =	shalt  }
0x69: {  	_ =	shalt  }
0x6a: {  	_ =	shalt  }
0x6b: {  	_ =	shalt  }
0x6c: {  	_ =	shalt  }
0x6d: {  	_ =	shalt  }
0x6e: {  	_ =	shalt  }
0x6f: {  	_ =	shalt  }
0x70: {  	_ =	shalt  }
0x71: {  	_ =	shalt  }
0x72: {  	_ =	shalt  }
0x73: {  	_ =	shalt  }
0x74: {  	_ =	shalt  }
0x75: {  	_ =	shalt  }
0x76: {  	_ =	shalt  }
0x77: {  	_ =	shalt  }
0x78: {  	_ =	shalt  }
0x79: {  	_ =	shalt  }
0x7a: {  	_ =	shalt  }
0x7b: {  	_ =	shalt  }
0x7c: {  	_ =	shalt  }
0x7d: {  	_ =	shalt  }
0x7e: {  	_ =	shalt  }
0x7f: {  	_ =	shalt  }
0x80: {  	_ =	shalt  }
0x81: {  	_ =	shalt  }
0x82: {  	_ =	shalt  }
0x83: {  	_ =	shalt  }
0x84: {  	_ =	shalt  }
0x85: {  	_ =	shalt  }
0x86: {  	_ =	shalt  }
0x87: {  	_ =	shalt  }
.Lfunc_end0:
.L_simem_size_0:
called_computation.2_lowered:
.L_overlay_start_0:
0x88: {  	s2 =	sld [smem:$0x3FD9]  }
0x89: {  	s3 =	sld [smem:$0x3FFE];
	_ =	sdelay $0x1  }
0x8a: {  	s1 =	srdreg.scid  }
0x8b: {  	s0 =	sand.u32 $0x1, s1  }
0x8c: {  	s16 =	sshll.u32 s0, $0xA;
	s2 =	sadd.s32 s3, s2  }
0x8d: {  	s2 =	sadd.s32 s2, s16  }
0x8e: {  	[smem:$0x3FC2] =	sst s2  }
0x8f: {  	_ = 	snop  }
0x90: {  	(tm) =	ssettm $0x1  }
0x91: {  	s17 =	sld [smem:$0x3FFB];
	_ =	sdelay $0x3  }
0x92: {  	_ =	strace s17  }
0x93: {  	s2 =	sld [smem:$0x3FFC];
	_ =	sdelay $0x3  }
0x94: {  	_ =	strace s2  }
0x95: {  	s2 =	sld [smem:$0x3FFD];
	_ =	sdelay $0x3  }
0x96: {  	_ =	strace s2  }
0x97: {  	_ =	strace $0x8FFFFFFF  }
0x98: {  	s18 =	sld [smem:$0x3FDB];
	_ =	sdelay $0x1  }
0x99: {  	s19 =	simm.s32 $_scs_section_size  }
0x9a: {  	s4 =	simm.s32 $_size__tile_overlayer_lowered;
	s5 =	simm.s32 $_tile_overlayer_lowered  }
0x9b: {  	s22 =	simm.s32 $0x1BFF;
	s21 =	sshll.u32 s5, $0x1;
	s2 =	sadd.s32 s19, s18  }
0x9c: {  	s6 =	simm.s32 $0x0;
	s20 =	sshll.u32 s4, $0x1;
	s4 =	sadd.s32 s21, s2  }
0x9d: {  	[timem:s6], [sflag:s22] =	dma.local [hbm:s4], s20  }
0x9e: {  	_ =	swait.ge [sflag:s22], s20  }
0x9f: {  	s3 =	ssub.s32 $0x0, s20;
	[sflag:s22] =	ssyncset.done $0x0  }
0xa0: {  	[sflag:s22] =	ssyncadd.s32 s3;
	_ =	sdelay $0x1  }
0xa1: {  	s23 =	simm.s32 $0x1B8B  }
0xa2: {  	_ =	swait.ge [sflag:s23], $0x1  }
0xa3: {  	[sflag:s23] =	ssyncset.done $0x0  }
0xa4: {  	s25 =	simm.s32 $0x1B8E;
	s24 =	sld [smem:$0x3FFE];
	[sflag:s23] =	ssyncadd.s32 $0xFFFFFFFF  }
0xa5: {  	s26 =	simm.s32 $execute0_lowered;
	[smem:$0x3FD2] =	sst s25  }
0xa6: {  	s4 =	sshll.u32 s26, $0x1;
	_ =	strace $0x8000004C;
	[dreg:$0x1] =	wrdreg $0xFFFFFFFF  }
0xa7: {  	s28 =	simm.s32 $_size_execute0_lowered;
	s2 =	sadd.s32 s2, s4;
	[dreg:$0x0] =	wrdreg $0x0  }
0xa8: {  	s4 =	sshll.u32 s28, $0x1;
	[dreg:$0x2] =	wrdreg s2  }
0xa9: {  	[dreg:$0x3] =	wrdreg s4  }
0xaa: {  	[dreg:$0x4] =	wrdreg $0xC0  }
0xab: {  	_ =	task [dreg:s6], $0x5FFFF  }
0xac: {  	[dreg:$0x1] =	wrdreg $0xFFFFFFFF  }
0xad: {  	[dreg:$0x0] =	wrdreg $0x60  }
0xae: {  	[dreg:$0x2] =	wrdreg s24  }
0xaf: {  	[dreg:$0x3] =	wrdreg $0xB0000  }
0xb0: {  	[dreg:$0x4] =	wrdreg $0x9  }
0xb1: {  	_ =	task.clear_ibuf [dreg:s6], $0x5FFFF;
	_ =	strace $0x9000004C  }
0xb2: {  	s29 =	simm.s32 $0x9;
	_ =	strace $0x8000004E  }
0xb3: {  	_ =	swait.ge [sflag:s29], $0x1  }
0xb4: {  	[sflag:s29] =	ssyncadd.s32 $0xFFFFFFFF  }
0xb5: {  	_ =	strace $0x9000004E  }
0xb6: {  	_ =	sfence  }
0xb7: {  	s30 =	sld [smem:$0x0];
	_ =	sdelay $0x2  }
0xb8: {  	s31 =	sshll.u32 s1, $0xD;
	s1 =	sshrl.u32 s1, $0x2  }
0xb9: {  	s3 =	sand.u32 $0x4000, s31;
	s1 =	sadd.s32 s1, s30  }
0xba: {  	s0 =	sor.u32 s3, s0;
	s1 =	sshll.u32 s1, $0x11  }
0xbb: {  	s0 =	sor.u32 s1, s0  }
0xbc: {  	s0 =	sadd.s32 $0x8F2B, s0  }
0xbd: {  	[sflag:s0] =	ssyncadd.remote.s32 $0x1  }
0xbe: {  	_ =	sfence.sel $0xFFFF  }
0xbf: {  	[dreg:$0x0] =	wrdreg $0xFFFFFFFF;
	(pc) =	sbr.abs _section_cstart, $3  }
0xc0: {  	[dreg:$0x1] =	wrdreg $0xFFFFFFFF  }
0xc1: {  	_ =	task.clear_ibuf [dreg:s6], $0x2FFFF;
	_ =	strace $0x9FFFFFFF  }
0xc2: {  	(tm) =	ssettm $0x7FFFFFFF  }
0xc3: {  	_ =	shalt  }
tec
execute0_lowered:
.L_overlay_start_1:
0x0: {  	(tag) =	ssettag $0x1  }
0x1: {  	s0 =	srdreg.scid;
	s1 =	rddreg [dreg:$0x0]  }
0x2: {  	s14 =	stileid.u32;
	s2 =	rddreg [dreg:$0x1]  }
0x3: {  	s17 =	simm.s32 $0x2880;
	s18 =	simm.s32 $0x2900;
	s19 =	simm.s32 $0x2980  }
0x4: {  	s20 =	simm.s32 $0x2A00;
	s21 =	simm.s32 $0x2A80;
	s22 =	simm.s32 $0x2B00  }
0x5: {  	s23 =	simm.s32 $0x2B80;
	s24 =	simm.s32 $0x2C80;
	s25 =	simm.s32 $0x2D00  }
0x6: {  	s28 =	simm.s32 $0x0;
	s0 =	sand.u32 $0x1, s0;
	s8 =	smul.u32 $0x14000, s14  }
0x7: {  	s5 =	sadd.s32 $0x7A000, s1;
	s10 =	smul.u32 $0x50000, s14;
	s3 =	sshll.u32 s0, $0x4  }
0x8: {  	s11 =	sadd.s32 $0x2000, s1;
	s4 =	sor.u32 s14, s3;
	s3 =	simm.s32 $0x0  }
0x9: {  	s13 =	smul.u32 $0x2800, s14;
	s16 =	sshll.u32 s14, $0x6;
	[smem:$0x7FF] =	sst s3  }
0xa: {  	s6 =	smul.u32 $0x140000, s0;
	_ =	strace $0x8000004D;
	[dreg:$0x3] =	wrdreg s17  }
0xb: {  	s26 =	ssub.s32 $0x2, s0;
	p0 =	seq.s32 s0, $0x0;
	[dreg:$0x4] =	wrdreg s18  }
0xc: {  	s0 =	smul.u32 $0x28000, s0;
	s12 =	sshrl.u32 s26, $0x1;
	[dreg:$0x5] =	wrdreg s19  }
0xd: {  	s30 =	sshrl.u32 s10, $0x2;
	s4 =	smul.u32 $0x2800, s4;
	[dreg:$0x6] =	wrdreg s20  }
0xe: {  	s6 =	sadd.s32 s8, s6;
	s29 =	ssub.s32 s26, s12;
	[dreg:$0x7] =	wrdreg s21  }
0xf: {  	s31 =	sadd.s32 s30, s2;
	s0 =	sadd.s32 s13, s0;
	[dreg:$0x8] =	wrdreg s22  }
0x10: {  	s26 =	simm.s32 $0x2D80;
	s30 =	simm.s32 $0x2E80;
	[dreg:$0x9] =	wrdreg s23  }
0x11: {  	s6 =	sshrl.u32 s6, $0x3;
	s14 =	sshrl.u32 s31, $0x3;
	[dreg:$0xa] =	wrdreg s24  }
0x12: {  	s17 =	simm.s32 $0x7D;
	s18 =	simm.s32 $0x3000;
	[dreg:$0xb] =	wrdreg s25  }
0x13: {  	s20 =	simm.s32 $0x7000;
	[dreg:$0xc] =	wrdreg s26;
	s21 =	simm.s32 $0x2C00  }
0x14: {  	s22 =	simm.s32 $0x1;
	[dreg:$0xe] =	wrdreg s30;
	s31 =	simm.s32 $0x2F00  }
0x15: {  	s23 =	simm.s32 $0x3;
	s24 =	simm.s32 $0x2;
	s25 =	simm.s32 $0x4  }
0x16: {  	s26 =	simm.s32 $0x5;
	s7 =	sshrl.u32 s4, $0x3;
	s4 =	sadd.s32 $0x2A000, s1  }
0x17: {  	[dreg:$0xf] =	wrdreg s31;
	s9 =	sadd.s32 s7, s1;
	s1 =	sadd.s32 s6, s1  }
0x18: {  	s7 =	sadd.s32 s5, s7;
	s11 =	smov.u32 @p0 s4;
	s15 =	sadd.s32 $0x84000, s9  }
0x19: {  	[dreg:$0x11] =	wrdreg s7;
	s1 =	sadd.s32 $0x8E000, s1;
	s9 =	smax.u32 s29, $0x1  }
0x1a: {  	s10 =	sadd.s32 s11, s13;
	s11 =	sor.u32 $0x1C06, s16;
	s16 =	simm.s32 $0x2800  }
0x1b: {  	[dreg:$0x12] =	wrdreg s1;
	s1 =	sadd.s32 $0x800, s0;
	s0 =	sor.u32 $0x400, s0  }
0x1c: {  	s29 =	simm.s32 $0x2E00;
	[dreg:$0x10] =	wrdreg s15;
	s0 =	sshrl.u32 s0, $0x3  }
0x1d: {  	s15 =	simm.s32 $0x6;
	[dreg:$0xd] =	wrdreg s29;
	s13 =	sadd.s32 s0, s5  }
.LBB2_1:
0x1e: {  	[spmem:s14], [sflag:s11] =	dma.local [hbm:s10], $0x2800  }
0x1f: {  	_ =	swait.ge [sflag:s15], $0x2800  }
0x20: {  	[sflag:s15] =	ssyncset.done $0x0  }
0x21: {  	s0 =	rddreg [dreg:$0x10];
	[sflag:s15] =	ssyncadd.s32 $0xFFFFD800  }
0x22: {  	[tilespmem:s3], [sflag:$0x6] =	stream.linear.gather [hbm4b:s0+s3], $0x2800, $0x38;
	[tilespmem:$0x1F000] =	vst v63  }
0x23: {  	_ =	swait.ge [sflag:s15], $0x2800  }
0x24: {  	[sflag:s15] =	ssyncset.done $0x0  }
0x25: {  	s7 =	rddreg [dreg:$0x11];
	[sflag:s15] =	ssyncadd.s32 $0xFFFFD800  }
0x26: {  	[tilespmem:s16], [sflag:$0x6] =	stream.linear.gather [hbm4b:s7+s3], $0x400, $0x38;
	[tilespmem:$0x1F000] =	vst v63  }
0x27: {  	_ =	swait.ge [sflag:s15], $0x400  }
0x28: {  	[sflag:s15] =	ssyncset.done $0x0  }
0x29: {  	[sflag:s15] =	ssyncadd.s32 $0xFFFFFC00  }
0x2a: {  	[bflag:$0x0] =	sbarrier.arrive $0xFFFF  }
0x2b: {  	[tilespmem:s18], [sflag:$0x1] =	stream.indirect.gather [hbm4b:s4+s17], $0x80, s3, s17, $0xb8;
	[tilespmem:$0x1F000] =	vst v63  }
0x2c: {  	s8 =	simm.s32 $0x80  }
0x2d: {  	[tilespmem:s20], [sflag:$0x2] =	stream.indirect.gather [hbm4b:s4+s17], $0x80, s8, s17, $0xb8;
	[tilespmem:$0x1F000] =	vst v63  }
0x2e: {  	_ = 	snop  }
0x2f: {  	[tilespmem:s21], [sflag:$0x5] =	stream.linear.gather [hbm4b:s13+s3], $0x400, $0x38;
	[tilespmem:$0x1F000] =	vst v63  }
0x30: {  	_ =	swait.ge [sflag:s22], $0x3E80  }
0x31: {  	[sflag:s22] =	ssyncset.done $0x0  }
0x32: {  	[sflag:s22] =	ssyncadd.s32 $0xFFFFC180  }
0x33: {  	[spmem:s2] =	stream.indirect.scatter.add.f32 [tilespmem:s18], [sflag:$0x3], $0x80, s16, s17, $0xb8;
	[tilespmem:$0x1F000] =	vst v63  }
0x34: {  	_ =	swait.ge [sflag:s23], $0x3E80  }
0x35: {  	[sflag:s23] =	ssyncset.done $0x0  }
0x36: {  	s12 =	simm.s32 $0x100;
	[sflag:s23] =	ssyncadd.s32 $0xFFFFC180  }
0x37: {  	[tilespmem:s18], [sflag:$0x1] =	stream.indirect.gather [hbm4b:s4+s17], $0x80, s12, s17, $0xb8;
	[tilespmem:$0x1F000] =	vst v63  }
0x38: {  	_ =	swait.ge [sflag:s24], $0x3E80  }
0x39: {  	[sflag:s24] =	ssyncset.done $0x0  }
0x3a: {  	s19 =	rddreg [dreg:$0x3];
	[sflag:s24] =	ssyncadd.s32 $0xFFFFC180  }
0x3b: {  	[spmem:s2] =	stream.indirect.scatter.add.f32 [tilespmem:s20], [sflag:$0x4], $0x80, s19, s17, $0xb8;
	[tilespmem:$0x1F000] =	vst v63  }
0x3c: {  	_ =	swait.ge [sflag:s25], $0x3E80  }
0x3d: {  	[sflag:s25] =	ssyncset.done $0x0  }
0x3e: {  	s6 =	simm.s32 $0x180;
	[sflag:s25] =	ssyncadd.s32 $0xFFFFC180  }
0x3f: {  	[tilespmem:s20], [sflag:$0x2] =	stream.indirect.gather [hbm4b:s4+s17], $0x80, s6, s17, $0xb8;
	[tilespmem:$0x1F000] =	vst v63  }
0x40: {  	_ =	swait.ge [sflag:s22], $0x3E80  }
0x41: {  	[sflag:s22] =	ssyncset.done $0x0  }
0x42: {  	s7 =	rddreg [dreg:$0x4];
	[sflag:s22] =	ssyncadd.s32 $0xFFFFC180  }
0x43: {  	[spmem:s2] =	stream.indirect.scatter.add.f32 [tilespmem:s18], [sflag:$0x3], $0x80, s7, s17, $0xb8;
	[tilespmem:$0x1F000] =	vst v63  }
0x44: {  	_ =	swait.ge [sflag:s23], $0x3E80  }
0x45: {  	[sflag:s23] =	ssyncset.done $0x0  }
0x46: {  	s8 =	simm.s32 $0x200;
	[sflag:s23] =	ssyncadd.s32 $0xFFFFC180  }
0x47: {  	[tilespmem:s18], [sflag:$0x1] =	stream.indirect.gather [hbm4b:s4+s17], $0x80, s8, s17, $0xb8;
	[tilespmem:$0x1F000] =	vst v63  }
0x48: {  	_ =	swait.ge [sflag:s24], $0x3E80  }
0x49: {  	[sflag:s24] =	ssyncset.done $0x0  }
0x4a: {  	s12 =	rddreg [dreg:$0x5];
	[sflag:s24] =	ssyncadd.s32 $0xFFFFC180  }
0x4b: {  	[spmem:s2] =	stream.indirect.scatter.add.f32 [tilespmem:s20], [sflag:$0x4], $0x80, s12, s17, $0xb8;
	[tilespmem:$0x1F000] =	vst v63  }
0x4c: {  	_ =	swait.ge [sflag:s25], $0x3E80  }
0x4d: {  	[sflag:s25] =	ssyncset.done $0x0  }
0x4e: {  	s19 =	simm.s32 $0x280;
	[sflag:s25] =	ssyncadd.s32 $0xFFFFC180  }
0x4f: {  	[tilespmem:s20], [sflag:$0x2] =	stream.indirect.gather [hbm4b:s4+s17], $0x80, s19, s17, $0xb8;
	[tilespmem:$0x1F000] =	vst v63  }
0x50: {  	_ =	swait.ge [sflag:s22], $0x3E80  }
0x51: {  	[sflag:s22] =	ssyncset.done $0x0  }
0x52: {  	s6 =	rddreg [dreg:$0x6];
	[sflag:s22] =	ssyncadd.s32 $0xFFFFC180  }
0x53: {  	[spmem:s2] =	stream.indirect.scatter.add.f32 [tilespmem:s18], [sflag:$0x3], $0x80, s6, s17, $0xb8;
	[tilespmem:$0x1F000] =	vst v63  }
0x54: {  	_ =	swait.ge [sflag:s23], $0x3E80  }
0x55: {  	[sflag:s23] =	ssyncset.done $0x0  }
0x56: {  	s7 =	simm.s32 $0x300;
	[sflag:s23] =	ssyncadd.s32 $0xFFFFC180  }
0x57: {  	[tilespmem:s18], [sflag:$0x1] =	stream.indirect.gather [hbm4b:s4+s17], $0x80, s7, s17, $0xb8;
	[tilespmem:$0x1F000] =	vst v63  }
0x58: {  	_ =	swait.ge [sflag:s24], $0x3E80  }
0x59: {  	[sflag:s24] =	ssyncset.done $0x0  }
0x5a: {  	s8 =	rddreg [dreg:$0x7];
	[sflag:s24] =	ssyncadd.s32 $0xFFFFC180  }
0x5b: {  	[spmem:s2] =	stream.indirect.scatter.add.f32 [tilespmem:s20], [sflag:$0x4], $0x80, s8, s17, $0xb8;
	[tilespmem:$0x1F000] =	vst v63  }
0x5c: {  	_ =	swait.ge [sflag:s25], $0x3E80  }
0x5d: {  	[sflag:s25] =	ssyncset.done $0x0  }
0x5e: {  	s12 =	simm.s32 $0x380;
	[sflag:s25] =	ssyncadd.s32 $0xFFFFC180  }
0x5f: {  	[tilespmem:s20], [sflag:$0x2] =	stream.indirect.gather [hbm4b:s4+s17], $0x80, s12, s17, $0xb8;
	[tilespmem:$0x1F000] =	vst v63  }
0x60: {  	_ =	swait.ge [sflag:s22], $0x3E80  }
0x61: {  	[sflag:s22] =	ssyncset.done $0x0  }
0x62: {  	s19 =	rddreg [dreg:$0x8];
	[sflag:s22] =	ssyncadd.s32 $0xFFFFC180  }
0x63: {  	[spmem:s2] =	stream.indirect.scatter.add.f32 [tilespmem:s18], [sflag:$0x3], $0x80, s19, s17, $0xb8;
	[tilespmem:$0x1F000] =	vst v63  }
0x64: {  	_ =	swait.ge [sflag:s23], $0x3E80  }
0x65: {  	[sflag:s23] =	ssyncset.done $0x0  }
0x66: {  	s6 =	simm.s32 $0x400;
	[sflag:s23] =	ssyncadd.s32 $0xFFFFC180  }
0x67: {  	[tilespmem:s18], [sflag:$0x1] =	stream.indirect.gather [hbm4b:s4+s17], $0x80, s6, s17, $0xb8;
	[tilespmem:$0x1F000] =	vst v63  }
0x68: {  	_ =	swait.ge [sflag:s24], $0x3E80  }
0x69: {  	[sflag:s24] =	ssyncset.done $0x0  }
0x6a: {  	s7 =	rddreg [dreg:$0x9];
	[sflag:s24] =	ssyncadd.s32 $0xFFFFC180  }
0x6b: {  	[spmem:s2] =	stream.indirect.scatter.add.f32 [tilespmem:s20], [sflag:$0x4], $0x80, s7, s17, $0xb8;
	[tilespmem:$0x1F000] =	vst v63  }
0x6c: {  	_ =	swait.ge [sflag:s25], $0x3E80  }
0x6d: {  	[sflag:s25] =	ssyncset.done $0x0  }
0x6e: {  	p0 =	por $0x0, $0x0;
	s8 =	simm.s32 $0x480;
	[sflag:s25] =	ssyncadd.s32 $0xFFFFC180  }
0x6f: {  	[tilespmem:s20], [sflag:$0x2] =	stream.indirect.gather [hbm4b:s4+s17], $0x80, s8, s17, $0xb8;
	[tilespmem:$0x1F000] =	vst v63  }
0x70: {  	s0 =	sshrl.u32 @!p0 s1, $0x3;
	_ =	swait.ge [sflag:s26], $0x400  }
0x71: {  	s0 =	sadd.s32 @!p0 s5, s0;
	[sflag:s26] =	ssyncset.done $0x0  }
0x72: {  	s6 =	simm.s32 @!p0 $0x2800;
	s7 =	simm.s32 @!p0 $0x0;
	[sflag:s26] =	ssyncadd.s32 $0xFFFFFC00  }
0x73: {  	[tilespmem:s6], [sflag:$0x5] =	stream.linear.gather @!p0 [hbm4b:s0+s7], $0x400, $0x38;
	[tilespmem:$0x1F000] =	vst v63  }
0x74: {  	_ =	swait.ge [sflag:s22], $0x3E80  }
0x75: {  	[sflag:s22] =	ssyncset.done $0x0  }
0x76: {  	[sflag:s22] =	ssyncadd.s32 $0xFFFFC180  }
0x77: {  	[spmem:s2] =	stream.indirect.scatter.add.f32 [tilespmem:s18], [sflag:$0x3], $0x80, s21, s17, $0xb8;
	[tilespmem:$0x1F000] =	vst v63  }
0x78: {  	_ =	swait.ge [sflag:s23], $0x3E80  }
0x79: {  	[sflag:s23] =	ssyncset.done $0x0  }
0x7a: {  	s12 =	simm.s32 $0x500;
	[sflag:s23] =	ssyncadd.s32 $0xFFFFC180  }
0x7b: {  	[tilespmem:s18], [sflag:$0x1] =	stream.indirect.gather [hbm4b:s4+s17], $0x80, s12, s17, $0xb8;
	[tilespmem:$0x1F000] =	vst v63  }
0x7c: {  	_ =	swait.ge [sflag:s24], $0x3E80  }
0x7d: {  	[sflag:s24] =	ssyncset.done $0x0  }
0x7e: {  	s19 =	rddreg [dreg:$0xa];
	[sflag:s24] =	ssyncadd.s32 $0xFFFFC180  }
0x7f: {  	[spmem:s2] =	stream.indirect.scatter.add.f32 [tilespmem:s20], [sflag:$0x4], $0x80, s19, s17, $0xb8;
	[tilespmem:$0x1F000] =	vst v63  }
0x80: {  	_ =	swait.ge [sflag:s25], $0x3E80  }
0x81: {  	[sflag:s25] =	ssyncset.done $0x0  }
0x82: {  	s6 =	simm.s32 $0x580;
	[sflag:s25] =	ssyncadd.s32 $0xFFFFC180  }
0x83: {  	[tilespmem:s20], [sflag:$0x2] =	stream.indirect.gather [hbm4b:s4+s17], $0x80, s6, s17, $0xb8;
	[tilespmem:$0x1F000] =	vst v63  }
0x84: {  	_ =	swait.ge [sflag:s22], $0x3E80  }
0x85: {  	[sflag:s22] =	ssyncset.done $0x0  }
0x86: {  	s7 =	rddreg [dreg:$0xb];
	[sflag:s22] =	ssyncadd.s32 $0xFFFFC180  }
0x87: {  	[spmem:s2] =	stream.indirect.scatter.add.f32 [tilespmem:s18], [sflag:$0x3], $0x80, s7, s17, $0xb8;
	[tilespmem:$0x1F000] =	vst v63  }
0x88: {  	_ =	swait.ge [sflag:s23], $0x3E80  }
0x89: {  	[sflag:s23] =	ssyncset.done $0x0  }
0x8a: {  	s8 =	simm.s32 $0x600;
	[sflag:s23] =	ssyncadd.s32 $0xFFFFC180  }
0x8b: {  	[tilespmem:s18], [sflag:$0x1] =	stream.indirect.gather [hbm4b:s4+s17], $0x80, s8, s17, $0xb8;
	[tilespmem:$0x1F000] =	vst v63  }
0x8c: {  	_ =	swait.ge [sflag:s24], $0x3E80  }
0x8d: {  	[sflag:s24] =	ssyncset.done $0x0  }
0x8e: {  	s12 =	rddreg [dreg:$0xc];
	[sflag:s24] =	ssyncadd.s32 $0xFFFFC180  }
0x8f: {  	[spmem:s2] =	stream.indirect.scatter.add.f32 [tilespmem:s20], [sflag:$0x4], $0x80, s12, s17, $0xb8;
	[tilespmem:$0x1F000] =	vst v63  }
0x90: {  	_ =	swait.ge [sflag:s25], $0x3E80  }
0x91: {  	[sflag:s25] =	ssyncset.done $0x0  }
0x92: {  	s19 =	simm.s32 $0x680;
	[sflag:s25] =	ssyncadd.s32 $0xFFFFC180  }
0x93: {  	[tilespmem:s20], [sflag:$0x2] =	stream.indirect.gather [hbm4b:s4+s17], $0x80, s19, s17, $0xb8;
	[tilespmem:$0x1F000] =	vst v63  }
0x94: {  	_ =	swait.ge [sflag:s22], $0x3E80  }
0x95: {  	[sflag:s22] =	ssyncset.done $0x0  }
0x96: {  	s6 =	rddreg [dreg:$0xd];
	[sflag:s22] =	ssyncadd.s32 $0xFFFFC180  }
0x97: {  	[spmem:s2] =	stream.indirect.scatter.add.f32 [tilespmem:s18], [sflag:$0x3], $0x80, s6, s17, $0xb8;
	[tilespmem:$0x1F000] =	vst v63  }
0x98: {  	_ =	swait.ge [sflag:s23], $0x3E80  }
0x99: {  	[sflag:s23] =	ssyncset.done $0x0  }
0x9a: {  	s7 =	simm.s32 $0x700;
	[sflag:s23] =	ssyncadd.s32 $0xFFFFC180  }
0x9b: {  	[tilespmem:s18], [sflag:$0x1] =	stream.indirect.gather [hbm4b:s4+s17], $0x80, s7, s17, $0xb8;
	[tilespmem:$0x1F000] =	vst v63  }
0x9c: {  	_ =	swait.ge [sflag:s24], $0x3E80  }
0x9d: {  	[sflag:s24] =	ssyncset.done $0x0  }
0x9e: {  	s8 =	rddreg [dreg:$0xe];
	[sflag:s24] =	ssyncadd.s32 $0xFFFFC180  }
0x9f: {  	[spmem:s2] =	stream.indirect.scatter.add.f32 [tilespmem:s20], [sflag:$0x4], $0x80, s8, s17, $0xb8;
	[tilespmem:$0x1F000] =	vst v63  }
0xa0: {  	_ =	swait.ge [sflag:s25], $0x3E80  }
0xa1: {  	[sflag:s25] =	ssyncset.done $0x0  }
0xa2: {  	s12 =	simm.s32 $0x780;
	[sflag:s25] =	ssyncadd.s32 $0xFFFFC180  }
0xa3: {  	[tilespmem:s20], [sflag:$0x2] =	stream.indirect.gather [hbm4b:s4+s17], $0x80, s12, s17, $0xb8;
	[tilespmem:$0x1F000] =	vst v63  }
0xa4: {  	_ =	swait.ge [sflag:s22], $0x3E80  }
0xa5: {  	p1 =	por $0x1, $0x1;
	[sflag:s22] =	ssyncset.done $0x0  }
0xa6: {  	s6 =	simm.s32 @p1 $0x3;
	s19 =	rddreg [dreg:$0xf];
	[sflag:s22] =	ssyncadd.s32 $0xFFFFC180  }
0xa7: {  	[spmem:s2] =	stream.indirect.scatter.add.f32 [tilespmem:s18], [sflag:$0x3], $0x80, s19, s17, $0xb8;
	[tilespmem:$0x1F000] =	vst v63  }
0xa8: {  	_ =	swait.ge @p1 [sflag:s6], $0x3E80  }
0xa9: {  	s0 =	simm.s32 @p1 $0x800;
	s7 =	simm.s32 @p1 $0x7D;
	[sflag:s6] =	ssyncset.done @p1 $0x0  }
0xaa: {  	s12 =	simm.s32 @p1 $0x3000;
	[sflag:s6] =	ssyncadd.s32 @p1 $0xFFFFC180;
	s6 =	simm.s32 @p1 $0x2  }
0xab: {  	[tilespmem:s12], [sflag:$0x1] =	stream.indirect.gather @p1 [hbm4b:s4+s7], $0x80, s0, s7, $0xb8;
	[tilespmem:$0x1F000] =	vst v63  }
0xac: {  	_ =	swait.ge @p1 [sflag:s6], $0x3E80  }
0xad: {  	s0 =	simm.s32 @p1 $0x2F80;
	[sflag:s6] =	ssyncset.done @p1 $0x0  }
0xae: {  	s12 =	simm.s32 @p1 $0x7000;
	[sflag:s6] =	ssyncadd.s32 @p1 $0xFFFFC180;
	s6 =	simm.s32 @p1 $0x4  }
0xaf: {  	[spmem:s2] =	stream.indirect.scatter.add.f32 @p1 [tilespmem:s12], [sflag:$0x4], $0x80, s0, s7, $0xb8;
	[tilespmem:$0x1F000] =	vst v63  }
0xb0: {  	_ =	swait.ge @p1 [sflag:s6], $0x3E80  }
0xb1: {  	[sflag:s6] =	ssyncset.done @p1 $0x0  }
0xb2: {  	s0 =	simm.s32 @p1 $0x880;
	[sflag:s6] =	ssyncadd.s32 @p1 $0xFFFFC180;
	s6 =	simm.s32 @p1 $0x5  }
0xb3: {  	[tilespmem:s12], [sflag:$0x2] =	stream.indirect.gather @p1 [hbm4b:s4+s7], $0x80, s0, s7, $0xb8;
	[tilespmem:$0x1F000] =	vst v63  }
0xb4: {  	_ =	swait.ge @p1 [sflag:s6], $0x400  }
0xb5: {  	s29 =	simm.s32 $0x2000;
	s30 =	simm.s32 $0x3;
	[sflag:s6] =	ssyncset.done @p1 $0x0  }
0xb6: {  	s31 =	sadd.s32 $0x100, s13;
	s0 =	simm.s32 @!p1 $0x2;
	[sflag:s6] =	ssyncadd.s32 @p1 $0xFFFFFC00  }
0xb7: {  	s19 =	simm.s32 @!p1 $0x7000;
	s7 =	simm.s32 @!p1 $0x2F80;
	_ =	swait.ge @!p1 [sflag:s0], $0x3E80  }
0xb8: {  	s12 =	smov.u32 s1;
	s6 =	simm.s32 @!p1 $0x7D;
	[sflag:s0] =	ssyncset.done @!p1 $0x0  }
.LBB2_2:
0xb9: {  	[sflag:s0] =	ssyncadd.s32 @!p1 $0xFFFFC180  }
0xba: {  	[spmem:s2] =	stream.indirect.scatter.add.f32 @!p1 [tilespmem:s19], [sflag:$0x4], $0x80, s7, s6, $0xb8;
	[tilespmem:$0x1F000] =	vst v63  }
0xbb: {  	_ = 	snop  }
0xbc: {  	[tilespmem:s21], [sflag:$0x5] =	stream.linear.gather [hbm4b:s31+s3], $0x400, $0x38;
	[tilespmem:$0x1F000] =	vst v63  }
0xbd: {  	_ =	swait.ge [sflag:s22], $0x3E80  }
0xbe: {  	[sflag:s22] =	ssyncset.done $0x0  }
0xbf: {  	[sflag:s22] =	ssyncadd.s32 $0xFFFFC180  }
0xc0: {  	[spmem:s2] =	stream.indirect.scatter.add.f32 [tilespmem:s18], [sflag:$0x3], $0x80, s16, s17, $0xb8;
	[tilespmem:$0x1F000] =	vst v63  }
0xc1: {  	s0 =	smov.u32 s29;
	_ =	swait.ge [sflag:s23], $0x3E80  }
0xc2: {  	s19 =	sshra.s32 s0, $0x2;
	[sflag:s23] =	ssyncset.done $0x0  }
0xc3: {  	s7 =	sadd.s32 $0x100, s19;
	[sflag:s23] =	ssyncadd.s32 $0xFFFFC180  }
0xc4: {  	[tilespmem:s18], [sflag:$0x1] =	stream.indirect.gather [hbm4b:s4+s17], $0x80, s7, s17, $0xb8;
	[tilespmem:$0x1F000] =	vst v63  }
0xc5: {  	_ =	swait.ge [sflag:s24], $0x3E80  }
0xc6: {  	[sflag:s24] =	ssyncset.done $0x0  }
0xc7: {  	s8 =	rddreg [dreg:$0x3];
	[sflag:s24] =	ssyncadd.s32 $0xFFFFC180  }
0xc8: {  	[spmem:s2] =	stream.indirect.scatter.add.f32 [tilespmem:s20], [sflag:$0x4], $0x80, s8, s17, $0xb8;
	[tilespmem:$0x1F000] =	vst v63  }
0xc9: {  	_ =	swait.ge [sflag:s25], $0x3E80  }
0xca: {  	[sflag:s25] =	ssyncset.done $0x0  }
0xcb: {  	s7 =	sadd.s32 $0x180, s19;
	[sflag:s25] =	ssyncadd.s32 $0xFFFFC180  }
0xcc: {  	[tilespmem:s20], [sflag:$0x2] =	stream.indirect.gather [hbm4b:s4+s17], $0x80, s7, s17, $0xb8;
	[tilespmem:$0x1F000] =	vst v63  }
0xcd: {  	_ =	swait.ge [sflag:s22], $0x3E80  }
0xce: {  	[sflag:s22] =	ssyncset.done $0x0  }
0xcf: {  	s8 =	rddreg [dreg:$0x4];
	[sflag:s22] =	ssyncadd.s32 $0xFFFFC180  }
0xd0: {  	[spmem:s2] =	stream.indirect.scatter.add.f32 [tilespmem:s18], [sflag:$0x3], $0x80, s8, s17, $0xb8;
	[tilespmem:$0x1F000] =	vst v63  }
0xd1: {  	_ =	swait.ge [sflag:s23], $0x3E80  }
0xd2: {  	[sflag:s23] =	ssyncset.done $0x0  }
0xd3: {  	s7 =	sadd.s32 $0x200, s19;
	[sflag:s23] =	ssyncadd.s32 $0xFFFFC180  }
0xd4: {  	[tilespmem:s18], [sflag:$0x1] =	stream.indirect.gather [hbm4b:s4+s17], $0x80, s7, s17, $0xb8;
	[tilespmem:$0x1F000] =	vst v63  }
0xd5: {  	_ =	swait.ge [sflag:s24], $0x3E80  }
0xd6: {  	[sflag:s24] =	ssyncset.done $0x0  }
0xd7: {  	s8 =	rddreg [dreg:$0x5];
	[sflag:s24] =	ssyncadd.s32 $0xFFFFC180  }
0xd8: {  	[spmem:s2] =	stream.indirect.scatter.add.f32 [tilespmem:s20], [sflag:$0x4], $0x80, s8, s17, $0xb8;
	[tilespmem:$0x1F000] =	vst v63  }
0xd9: {  	_ =	swait.ge [sflag:s25], $0x3E80  }
0xda: {  	[sflag:s25] =	ssyncset.done $0x0  }
0xdb: {  	s7 =	sadd.s32 $0x280, s19;
	[sflag:s25] =	ssyncadd.s32 $0xFFFFC180  }
0xdc: {  	[tilespmem:s20], [sflag:$0x2] =	stream.indirect.gather [hbm4b:s4+s17], $0x80, s7, s17, $0xb8;
	[tilespmem:$0x1F000] =	vst v63  }
0xdd: {  	_ =	swait.ge [sflag:s22], $0x3E80  }
0xde: {  	[sflag:s22] =	ssyncset.done $0x0  }
0xdf: {  	s8 =	rddreg [dreg:$0x6];
	[sflag:s22] =	ssyncadd.s32 $0xFFFFC180  }
0xe0: {  	[spmem:s2] =	stream.indirect.scatter.add.f32 [tilespmem:s18], [sflag:$0x3], $0x80, s8, s17, $0xb8;
	[tilespmem:$0x1F000] =	vst v63  }
0xe1: {  	_ =	swait.ge [sflag:s23], $0x3E80  }
0xe2: {  	[sflag:s23] =	ssyncset.done $0x0  }
0xe3: {  	s7 =	sadd.s32 $0x300, s19;
	[sflag:s23] =	ssyncadd.s32 $0xFFFFC180  }
0xe4: {  	[tilespmem:s18], [sflag:$0x1] =	stream.indirect.gather [hbm4b:s4+s17], $0x80, s7, s17, $0xb8;
	[tilespmem:$0x1F000] =	vst v63  }
0xe5: {  	_ =	swait.ge [sflag:s24], $0x3E80  }
0xe6: {  	[sflag:s24] =	ssyncset.done $0x0  }
0xe7: {  	s8 =	rddreg [dreg:$0x7];
	[sflag:s24] =	ssyncadd.s32 $0xFFFFC180  }
0xe8: {  	[spmem:s2] =	stream.indirect.scatter.add.f32 [tilespmem:s20], [sflag:$0x4], $0x80, s8, s17, $0xb8;
	[tilespmem:$0x1F000] =	vst v63  }
0xe9: {  	_ =	swait.ge [sflag:s25], $0x3E80  }
0xea: {  	[sflag:s25] =	ssyncset.done $0x0  }
0xeb: {  	s7 =	sadd.s32 $0x380, s19;
	[sflag:s25] =	ssyncadd.s32 $0xFFFFC180  }
0xec: {  	[tilespmem:s20], [sflag:$0x2] =	stream.indirect.gather [hbm4b:s4+s17], $0x80, s7, s17, $0xb8;
	[tilespmem:$0x1F000] =	vst v63  }
0xed: {  	_ =	swait.ge [sflag:s22], $0x3E80  }
0xee: {  	[sflag:s22] =	ssyncset.done $0x0  }
0xef: {  	s8 =	rddreg [dreg:$0x8];
	[sflag:s22] =	ssyncadd.s32 $0xFFFFC180  }
0xf0: {  	[spmem:s2] =	stream.indirect.scatter.add.f32 [tilespmem:s18], [sflag:$0x3], $0x80, s8, s17, $0xb8;
	[tilespmem:$0x1F000] =	vst v63  }
0xf1: {  	_ =	swait.ge [sflag:s23], $0x3E80  }
0xf2: {  	[sflag:s23] =	ssyncset.done $0x0  }
0xf3: {  	s7 =	sadd.s32 $0x400, s19;
	[sflag:s23] =	ssyncadd.s32 $0xFFFFC180  }
0xf4: {  	[tilespmem:s18], [sflag:$0x1] =	stream.indirect.gather [hbm4b:s4+s17], $0x80, s7, s17, $0xb8;
	[tilespmem:$0x1F000] =	vst v63  }
0xf5: {  	_ =	swait.ge [sflag:s24], $0x3E80  }
0xf6: {  	[sflag:s24] =	ssyncset.done $0x0  }
0xf7: {  	s8 =	rddreg [dreg:$0x9];
	[sflag:s24] =	ssyncadd.s32 $0xFFFFC180  }
0xf8: {  	[spmem:s2] =	stream.indirect.scatter.add.f32 [tilespmem:s20], [sflag:$0x4], $0x80, s8, s17, $0xb8;
	[tilespmem:$0x1F000] =	vst v63  }
0xf9: {  	_ =	swait.ge [sflag:s25], $0x3E80  }
0xfa: {  	s12 =	sadd.s32 $0x800, s12;
	[sflag:s25] =	ssyncset.done $0x0  }
0xfb: {  	p1 =	sgt.u32 s30, $0x8;
	s7 =	sadd.s32 $0x480, s19;
	[sflag:s25] =	ssyncadd.s32 $0xFFFFC180  }
0xfc: {  	[tilespmem:s20], [sflag:$0x2] =	stream.indirect.gather [hbm4b:s4+s17], $0x80, s7, s17, $0xb8;
	[tilespmem:$0x1F000] =	vst v63  }
0xfd: {  	s6 =	sshrl.u32 @!p1 s12, $0x3;
	_ =	swait.ge [sflag:s26], $0x400  }
0xfe: {  	s6 =	sadd.s32 @!p1 s5, s6;
	[sflag:s26] =	ssyncset.done $0x0  }
0xff: {  	s8 =	simm.s32 @!p1 $0x0;
	s7 =	simm.s32 @!p1 $0x2800;
	[sflag:s26] =	ssyncadd.s32 $0xFFFFFC00  }
0x100: {  	[tilespmem:s7], [sflag:$0x5] =	stream.linear.gather @!p1 [hbm4b:s6+s8], $0x400, $0x38;
	[tilespmem:$0x1F000] =	vst v63  }
0x101: {  	_ =	swait.ge [sflag:s22], $0x3E80  }
0x102: {  	[sflag:s22] =	ssyncset.done $0x0  }
0x103: {  	[sflag:s22] =	ssyncadd.s32 $0xFFFFC180  }
0x104: {  	[spmem:s2] =	stream.indirect.scatter.add.f32 [tilespmem:s18], [sflag:$0x3], $0x80, s21, s17, $0xb8;
	[tilespmem:$0x1F000] =	vst v63  }
0x105: {  	_ =	swait.ge [sflag:s23], $0x3E80  }
0x106: {  	[sflag:s23] =	ssyncset.done $0x0  }
0x107: {  	s8 =	sadd.s32 $0x500, s19;
	[sflag:s23] =	ssyncadd.s32 $0xFFFFC180  }
0x108: {  	[tilespmem:s18], [sflag:$0x1] =	stream.indirect.gather [hbm4b:s4+s17], $0x80, s8, s17, $0xb8;
	[tilespmem:$0x1F000] =	vst v63  }
0x109: {  	_ =	swait.ge [sflag:s24], $0x3E80  }
0x10a: {  	[sflag:s24] =	ssyncset.done $0x0  }
0x10b: {  	s7 =	rddreg [dreg:$0xa];
	[sflag:s24] =	ssyncadd.s32 $0xFFFFC180  }
0x10c: {  	[spmem:s2] =	stream.indirect.scatter.add.f32 [tilespmem:s20], [sflag:$0x4], $0x80, s7, s17, $0xb8;
	[tilespmem:$0x1F000] =	vst v63  }
0x10d: {  	_ =	swait.ge [sflag:s25], $0x3E80  }
0x10e: {  	[sflag:s25] =	ssyncset.done $0x0  }
0x10f: {  	s8 =	sadd.s32 $0x580, s19;
	[sflag:s25] =	ssyncadd.s32 $0xFFFFC180  }
0x110: {  	[tilespmem:s20], [sflag:$0x2] =	stream.indirect.gather [hbm4b:s4+s17], $0x80, s8, s17, $0xb8;
	[tilespmem:$0x1F000] =	vst v63  }
0x111: {  	_ =	swait.ge [sflag:s22], $0x3E80  }
0x112: {  	[sflag:s22] =	ssyncset.done $0x0  }
0x113: {  	s7 =	rddreg [dreg:$0xb];
	[sflag:s22] =	ssyncadd.s32 $0xFFFFC180  }
0x114: {  	[spmem:s2] =	stream.indirect.scatter.add.f32 [tilespmem:s18], [sflag:$0x3], $0x80, s7, s17, $0xb8;
	[tilespmem:$0x1F000] =	vst v63  }
0x115: {  	_ =	swait.ge [sflag:s23], $0x3E80  }
0x116: {  	[sflag:s23] =	ssyncset.done $0x0  }
0x117: {  	s8 =	sadd.s32 $0x600, s19;
	[sflag:s23] =	ssyncadd.s32 $0xFFFFC180  }
0x118: {  	[tilespmem:s18], [sflag:$0x1] =	stream.indirect.gather [hbm4b:s4+s17], $0x80, s8, s17, $0xb8;
	[tilespmem:$0x1F000] =	vst v63  }
0x119: {  	_ =	swait.ge [sflag:s24], $0x3E80  }
0x11a: {  	[sflag:s24] =	ssyncset.done $0x0  }
0x11b: {  	s7 =	rddreg [dreg:$0xc];
	[sflag:s24] =	ssyncadd.s32 $0xFFFFC180  }
0x11c: {  	[spmem:s2] =	stream.indirect.scatter.add.f32 [tilespmem:s20], [sflag:$0x4], $0x80, s7, s17, $0xb8;
	[tilespmem:$0x1F000] =	vst v63  }
0x11d: {  	_ =	swait.ge [sflag:s25], $0x3E80  }
0x11e: {  	[sflag:s25] =	ssyncset.done $0x0  }
0x11f: {  	s8 =	sadd.s32 $0x680, s19;
	[sflag:s25] =	ssyncadd.s32 $0xFFFFC180  }
0x120: {  	[tilespmem:s20], [sflag:$0x2] =	stream.indirect.gather [hbm4b:s4+s17], $0x80, s8, s17, $0xb8;
	[tilespmem:$0x1F000] =	vst v63  }
0x121: {  	_ =	swait.ge [sflag:s22], $0x3E80  }
0x122: {  	[sflag:s22] =	ssyncset.done $0x0  }
0x123: {  	s7 =	rddreg [dreg:$0xd];
	[sflag:s22] =	ssyncadd.s32 $0xFFFFC180  }
0x124: {  	[spmem:s2] =	stream.indirect.scatter.add.f32 [tilespmem:s18], [sflag:$0x3], $0x80, s7, s17, $0xb8;
	[tilespmem:$0x1F000] =	vst v63  }
0x125: {  	_ =	swait.ge [sflag:s23], $0x3E80  }
0x126: {  	[sflag:s23] =	ssyncset.done $0x0  }
0x127: {  	s8 =	sadd.s32 $0x700, s19;
	[sflag:s23] =	ssyncadd.s32 $0xFFFFC180  }
0x128: {  	[tilespmem:s18], [sflag:$0x1] =	stream.indirect.gather [hbm4b:s4+s17], $0x80, s8, s17, $0xb8;
	[tilespmem:$0x1F000] =	vst v63  }
0x129: {  	_ =	swait.ge [sflag:s24], $0x3E80  }
0x12a: {  	[sflag:s24] =	ssyncset.done $0x0  }
0x12b: {  	s7 =	rddreg [dreg:$0xe];
	[sflag:s24] =	ssyncadd.s32 $0xFFFFC180  }
0x12c: {  	[spmem:s2] =	stream.indirect.scatter.add.f32 [tilespmem:s20], [sflag:$0x4], $0x80, s7, s17, $0xb8;
	[tilespmem:$0x1F000] =	vst v63  }
0x12d: {  	_ =	swait.ge [sflag:s25], $0x3E80  }
0x12e: {  	[sflag:s25] =	ssyncset.done $0x0  }
0x12f: {  	s8 =	sadd.s32 $0x780, s19;
	[sflag:s25] =	ssyncadd.s32 $0xFFFFC180  }
0x130: {  	[tilespmem:s20], [sflag:$0x2] =	stream.indirect.gather [hbm4b:s4+s17], $0x80, s8, s17, $0xb8;
	[tilespmem:$0x1F000] =	vst v63  }
0x131: {  	_ =	swait.ge [sflag:s22], $0x3E80  }
0x132: {  	p1 =	slt.u32 s30, $0x9;
	[sflag:s22] =	ssyncset.done $0x0  }
0x133: {  	s7 =	simm.s32 @p1 $0x3;
	s19 =	rddreg [dreg:$0xf];
	[sflag:s22] =	ssyncadd.s32 $0xFFFFC180  }
0x134: {  	[spmem:s2] =	stream.indirect.scatter.add.f32 [tilespmem:s18], [sflag:$0x3], $0x80, s19, s17, $0xb8;
	[tilespmem:$0x1F000] =	vst v63  }
0x135: {  	s0 =	sshra.s32 @p1 s0, $0x2;
	_ =	swait.ge @p1 [sflag:s7], $0x3E80  }
0x136: {  	s6 =	sadd.s32 @p1 $0x800, s0;
	s8 =	simm.s32 @p1 $0x7D;
	[sflag:s7] =	ssyncset.done @p1 $0x0  }
0x137: {  	s19 =	simm.s32 @p1 $0x3000;
	[sflag:s7] =	ssyncadd.s32 @p1 $0xFFFFC180;
	s7 =	simm.s32 @p1 $0x2  }
0x138: {  	[tilespmem:s19], [sflag:$0x1] =	stream.indirect.gather @p1 [hbm4b:s4+s8], $0x80, s6, s8, $0xb8;
	[tilespmem:$0x1F000] =	vst v63  }
0x139: {  	_ =	swait.ge @p1 [sflag:s7], $0x3E80  }
0x13a: {  	s6 =	simm.s32 @p1 $0x2F80;
	[sflag:s7] =	ssyncset.done @p1 $0x0  }
0x13b: {  	s19 =	simm.s32 @p1 $0x7000;
	[sflag:s7] =	ssyncadd.s32 @p1 $0xFFFFC180;
	s7 =	simm.s32 @p1 $0x4  }
0x13c: {  	[spmem:s2] =	stream.indirect.scatter.add.f32 @p1 [tilespmem:s19], [sflag:$0x4], $0x80, s6, s8, $0xb8;
	[tilespmem:$0x1F000] =	vst v63  }
0x13d: {  	s29 =	sadd.s32 $0x2000, s29;
	_ =	swait.ge @p1 [sflag:s7], $0x3E80  }
0x13e: {  	p0 =	sne.s32 s29, $0xA000;
	[sflag:s7] =	ssyncset.done @p1 $0x0  }
0x13f: {  	s0 =	sadd.s32 @p1 $0x880, s0;
	s6 =	simm.s32 @p1 $0x5;
	[sflag:s7] =	ssyncadd.s32 @p1 $0xFFFFC180  }
0x140: {  	[tilespmem:s19], [sflag:$0x2] =	stream.indirect.gather @p1 [hbm4b:s4+s8], $0x80, s0, s8, $0xb8;
	[tilespmem:$0x1F000] =	vst v63  }
.Ltmp0:
0x141: {  	_ =	swait.ge @p1 [sflag:s6], $0x400;
	(pc) =	sbr.rel @p0 .LBB2_2-.Ltmp0, $4  }
0x142: {  	[sflag:s6] =	ssyncset.done @p1 $0x0  }
0x143: {  	s31 =	sadd.s32 $0x100, s31;
	s0 =	simm.s32 @!p1 $0x2;
	[sflag:s6] =	ssyncadd.s32 @p1 $0xFFFFFC00  }
0x144: {  	s30 =	sadd.s32 $0x2, s30;
	s7 =	simm.s32 @!p1 $0x2F80;
	_ =	swait.ge @!p1 [sflag:s0], $0x3E80  }
0x145: {  	s19 =	simm.s32 @!p1 $0x7000;
	s6 =	simm.s32 @!p1 $0x7D;
	[sflag:s0] =	ssyncset.done @!p1 $0x0  }
0x146: {  	[sflag:s0] =	ssyncadd.s32 @!p1 $0xFFFFC180  }
0x147: {  	[spmem:s2] =	stream.indirect.scatter.add.f32 @!p1 [tilespmem:s19], [sflag:$0x4], $0x80, s7, s6, $0xb8;
	[tilespmem:$0x1F000] =	vst v63  }
0x148: {  	_ =	swait.ge [sflag:s23], $0x3E80  }
0x149: {  	[sflag:s23] =	ssyncset.done $0x0  }
0x14a: {  	[sflag:s23] =	ssyncadd.s32 $0xFFFFC180  }
0x14b: {  	_ =	swait.ge [sflag:s25], $0x3E80  }
0x14c: {  	[sflag:s25] =	ssyncset.done $0x0  }
0x14d: {  	s28 =	sadd.s32 $0x1, s28;
	[sflag:s25] =	ssyncadd.s32 $0xFFFFC180  }
0x14e: {  	p0 =	sne.s32 s28, s9;
	[bflag:$0x0] =	sbarrier.arrive $0xFFFF  }
.Ltmp1:
0x14f: {  	s31 =	rddreg [dreg:$0x12];
	(pc) =	sbr.rel @p0 .LBB2_1-.Ltmp1, $4  }
0x150: {  	[hbm:s31], [sflag:s11] =	dma.local [spmem:s14], $0x2800  }
0x151: {  	_ =	swait.ge [sflag:s15], $0x2800  }
0x152: {  	[sflag:s15] =	ssyncset.done $0x0  }
0x153: {  	[sflag:s15] =	ssyncadd.s32 $0xFFFFD800  }
0x154: {  	_ =	sfence.sel $0x180000  }
0x155: {  	[bflag:$0x0] =	sbarrier.arrive $0xFFFF  }
0x156: {  	_ =	strace $0x9000004D  }
0x157: {  	s0 =	stileid.u32;
	[bflag:$0x2] =	sbarrier.arrive $0xFFFF  }
0x158: {  	p0 =	sne.s32 s0, $0x0;
	s0 =	rddreg [dreg:$0x2]  }
0x159: {  	s0 =	sadd.s32 @!p0 $0x100000, s0  }
0x15a: {  	[sflag:s0] =	ssyncadd.tile.s32 @!p0 $0x1;
	_ =	shalt  }
.Lfunc_end2:
_tile_overlayer_lowered:
.L_overlay_start_2:
0x15b: {  	(tag) =	ssettag $0x2  }
0x15c: {  	s0 =	rddreg [dreg:$0x0];
	s2 =	stileid.u32  }
0x15d: {  	s1 =	rddreg [dreg:$0x1];
	p0 =	sne.s32 s2, $0x0  }
0x15e: {  	s3 =	rddreg [dreg:$0x2];
	[bflag:$0x3] =	sbarrier.arrive $0xFFFF;
	s2 =	simm.s32 @!p0 $0x1C06  }
0x15f: {  	[timem:s3], [sflag:s2] =	dma.local @!p0 [hbm:s0], s1  }
0x160: {  	s0 =	simm.s32 @!p0 $0x6  }
0x161: {  	_ =	swait.ge @!p0 [sflag:s0], s1  }
0x162: {  	s1 =	ssub.s32 @!p0 $0x0, s1;
	[sflag:s0] =	ssyncset.done @!p0 $0x0  }
0x163: {  	[sflag:s0] =	ssyncadd.s32 @!p0 s1  }
0x164: {  	[bflag:$0x3] =	sbarrier.arrive $0xFFFF  }
0x165: {  	_ =	shalt  }

// kernel: kernel.9.cloned.1.call-start
scs
__scs_entry_jumppad:
0x0: {  	(pc) =	sbr.rel $0x88, $3  }
0x1: {  	(tag) =	ssettag $0x0;
	lr =	simm.s32 $0x1  }
0x2: {  	[smem:$0x3F9B] =	sst lr;
	_ =	strace $0xD0000000  }
0x3: {  	_ = 	snop  }
0x4: {  	_ = 	snop  }
0x5: {  	_ = 	snop  }
0x6: {  	_ = 	snop  }
0x7: {  	_ = 	snop  }
__scs_overlays_trampoline_lowered:
0x8: {  	[smem:$0x3FAA] =	sst s0  }
0x9: {  	[smem:$0x3FAB] =	sst s1  }
0xa: {  	[smem:$0x3FAC] =	sst s2  }
0xb: {  	[smem:$0x3FAD] =	sst s3  }
0xc: {  	[smem:$0x3FAE] =	sst s4  }
0xd: {  	[smem:$0x3FAF] =	sst s5  }
0xe: {  	[smem:$0x3FB0] =	sst s6  }
0xf: {  	[smem:$0x3FB1] =	sst s7  }
0x10: {  	[smem:$0x3FB2] =	sst s8  }
0x11: {  	[smem:$0x3FB3] =	sst s9;
	s0 =	simm.s32 @!p0 $0x0  }
0x12: {  	s1 =	sld [smem:$0x3F99];
	s0 =	simm.s32 @p0 $0x1  }
0x13: {  	[smem:$0x3FB4] =	sst s0;
	s0 =	simm.s32 @!p1 $0x0  }
0x14: {  	s2 =	sld [smem:$0x3F98];
	s0 =	simm.s32 @p1 $0x1  }
0x15: {  	[smem:$0x3FB5] =	sst s0;
	s0 =	simm.s32 @!p2 $0x0  }
0x16: {  	s3 =	sld [smem:$0x3FDB];
	s0 =	simm.s32 @p2 $0x1  }
0x17: {  	s4 =	simm.s32 $0x1BF5;
	[smem:$0x3FB7] =	sst s0  }
0x18: {  	s0 =	sld [smem:$0x3F9A];
	_ =	swait.ge [sflag:s4], $0x0  }
0x19: {  	s7 =	sld [smem:$0x3F9B]  }
0x1a: {  	s8 =	sadd.s32 $0xFFFFE003, lr  }
0x1b: {  	s9 =	sadd.s32 $0xFFFFFEF7, lr;
	s5 =	simm.s32 $0xFFFFFFFF;
	p2 =	slt.u32 s8, $0xFFFFF086  }
0x1c: {  	p1 =	slt.u32 s9, $0xF7A;
	s5 =	simm.s32 @!p2 $0x0  }
0x1d: {  	s5 =	simm.s32 @p1 $0x1;
	p0 =	seq.s32 s7, s2  }
0x1e: {  	s7 =	smul.u32 @!p0 $0xF7A, s2;
	p2 =	seq.s32 @!p0 s5, $0x0  }
0x1f: {  	s9 =	smul.u32 $0xF7A, s1;
	s8 =	simm.s32 @!p0 $0x1BF5;
	p2 =	por !p2, p0  }
0x20: {  	[sflag:s8] =	ssyncset.s32 @!p0 $0xFFFFF086;
	s6 =	sadd.s32 @!p0 s3, s7;
	s7 =	simm.s32 @!p0 $0x108  }
0x21: {  	s3 =	sadd.s32 s3, s9;
	s6 =	sadd.s32 @!p0 $0x88, s6;
	s7 =	simm.s32 @p2 $0x1082  }
0x22: {  	[simem:s7], [sflag:s8] =	dma.local @!p0 [hbm:s6], $0xF7A  }
0x23: {  	s9 =	sor.u32 $0xD0000000, s2;
	s6 =	simm.s32 $0x108;
	_ =	swait.ge @!p0 [sflag:s8], $0x0  }
0x24: {  	s3 =	sadd.s32 $0x88, s3;
	s6 =	simm.s32 @!p1 $0x1082;
	[sflag:s4] =	ssyncset.s32 $0xFFFFF086  }
0x25: {  	[simem:s6], [sflag:s4] =	dma.local [hbm:s3], $0xF7A  }
0x26: {  	[smem:$0x3F9B] =	sst s1;
	(tag) =	ssettag s2;
	_ =	strace s9  }
0x27: {  	s1 =	sld [smem:$0x3FAB]  }
0x28: {  	s2 =	sld [smem:$0x3FAC]  }
0x29: {  	s4 =	sld [smem:$0x3FAE]  }
0x2a: {  	p0 =	seq.s32 s5, $0x0;
	s5 =	sld [smem:$0x3FAF]  }
0x2b: {  	s6 =	sld [smem:$0x3FB0]  }
0x2c: {  	s7 =	sld [smem:$0x3FB1]  }
0x2d: {  	s3 =	simm.s32 $0x108;
	s8 =	sld [smem:$0x3FB2]  }
0x2e: {  	s3 =	simm.s32 @!p0 $0x1082;
	s9 =	sld [smem:$0x3FB3]  }
0x2f: {  	lr =	sadd.s32 s0, s3;
	s0 =	sld [smem:$0x3FAA]  }
0x30: {  	s3 =	sld [smem:$0x3FAD]  }
0x31: {  	[smem:$0x3FB6] =	sst s10  }
0x32: {  	s10 =	sld [smem:$0x3FB4];
	_ =	sdelay $0x3  }
0x33: {  	p0 =	seq.s32 s10, $0x1;
	s10 =	sld [smem:$0x3FB6];
	_ =	sdelay $0x3  }
0x34: {  	[smem:$0x3FB6] =	sst s10  }
0x35: {  	s10 =	sld [smem:$0x3FB5];
	_ =	sdelay $0x3  }
0x36: {  	p1 =	seq.s32 s10, $0x1;
	s10 =	sld [smem:$0x3FB6];
	_ =	sdelay $0x3  }
0x37: {  	[smem:$0x3FB6] =	sst s10  }
0x38: {  	s10 =	sld [smem:$0x3FB7]  }
0x39: {  	_ = 	snop;
	(pc) =	sbr.ind lr, $3  }
0x3a: {  	_ = 	snop  }
0x3b: {  	_ = 	snop  }
0x3c: {  	p2 =	seq.s32 s10, $0x1;
	s10 =	sld [smem:$0x3FB6]  }
0x3d: {  	_ =	shalt  }
0x3e: {  	_ =	shalt  }
0x3f: {  	_ =	shalt  }
0x40: {  	_ =	shalt  }
0x41: {  	_ =	shalt  }
0x42: {  	_ =	shalt  }
0x43: {  	_ =	shalt  }
0x44: {  	_ =	shalt  }
0x45: {  	_ =	shalt  }
0x46: {  	_ =	shalt  }
0x47: {  	_ =	shalt  }
0x48: {  	_ =	shalt  }
0x49: {  	_ =	shalt  }
0x4a: {  	_ =	shalt  }
0x4b: {  	_ =	shalt  }
0x4c: {  	_ =	shalt  }
0x4d: {  	_ =	shalt  }
0x4e: {  	_ =	shalt  }
0x4f: {  	_ =	shalt  }
0x50: {  	_ =	shalt  }
0x51: {  	_ =	shalt  }
0x52: {  	_ =	shalt  }
0x53: {  	_ =	shalt  }
0x54: {  	_ =	shalt  }
0x55: {  	_ =	shalt  }
0x56: {  	_ =	shalt  }
0x57: {  	_ =	shalt  }
0x58: {  	_ =	shalt  }
0x59: {  	_ =	shalt  }
0x5a: {  	_ =	shalt  }
0x5b: {  	_ =	shalt  }
0x5c: {  	_ =	shalt  }
0x5d: {  	_ =	shalt  }
0x5e: {  	_ =	shalt  }
0x5f: {  	_ =	shalt  }
0x60: {  	_ =	shalt  }
0x61: {  	_ =	shalt  }
0x62: {  	_ =	shalt  }
0x63: {  	_ =	shalt  }
0x64: {  	_ =	shalt  }
0x65: {  	_ =	shalt  }
0x66: {  	_ =	shalt  }
0x67: {  	_ =	shalt  }
0x68: {  	_ =	shalt  }
0x69: {  	_ =	shalt  }
0x6a: {  	_ =	shalt  }
0x6b: {  	_ =	shalt  }
0x6c: {  	_ =	shalt  }
0x6d: {  	_ =	shalt  }
0x6e: {  	_ =	shalt  }
0x6f: {  	_ =	shalt  }
0x70: {  	_ =	shalt  }
0x71: {  	_ =	shalt  }
0x72: {  	_ =	shalt  }
0x73: {  	_ =	shalt  }
0x74: {  	_ =	shalt  }
0x75: {  	_ =	shalt  }
0x76: {  	_ =	shalt  }
0x77: {  	_ =	shalt  }
0x78: {  	_ =	shalt  }
0x79: {  	_ =	shalt  }
0x7a: {  	_ =	shalt  }
0x7b: {  	_ =	shalt  }
0x7c: {  	_ =	shalt  }
0x7d: {  	_ =	shalt  }
0x7e: {  	_ =	shalt  }
0x7f: {  	_ =	shalt  }
0x80: {  	_ =	shalt  }
0x81: {  	_ =	shalt  }
0x82: {  	_ =	shalt  }
0x83: {  	_ =	shalt  }
0x84: {  	_ =	shalt  }
0x85: {  	_ =	shalt  }
0x86: {  	_ =	shalt  }
0x87: {  	_ =	shalt  }
.Lfunc_end0:
.L_simem_size_0:
called_computation_lowered:
.L_overlay_start_0:
0x88: {  	s2 =	sld [smem:$0x3FD9]  }
0x89: {  	s3 =	sld [smem:$0x3FFE];
	_ =	sdelay $0x1  }
0x8a: {  	s1 =	srdreg.scid  }
0x8b: {  	s0 =	sand.u32 $0x1, s1  }
0x8c: {  	s17 =	sshll.u32 s0, $0xA;
	s2 =	sadd.s32 s3, s2  }
0x8d: {  	s2 =	sadd.s32 s2, s17  }
0x8e: {  	[smem:$0x3FC2] =	sst s2  }
0x8f: {  	_ = 	snop  }
0x90: {  	s2 =	sld [smem:$0x3FD0];
	(tm) =	ssettm $0x1  }
0x91: {  	s18 =	sld [smem:$0x3FFB];
	_ =	sdelay $0x3  }
0x92: {  	_ =	strace s18  }
0x93: {  	s3 =	sld [smem:$0x3FFC];
	_ =	sdelay $0x3  }
0x94: {  	_ =	strace s3  }
0x95: {  	s3 =	sld [smem:$0x3FFD];
	_ =	sdelay $0x3  }
0x96: {  	_ =	strace s3  }
0x97: {  	_ =	strace $0x8FFFFFFF  }
0x98: {  	s19 =	sld [smem:$0x3FDB];
	_ =	sdelay $0x1  }
0x99: {  	s4 =	simm.s32 $_scs_section_size  }
0x9a: {  	s5 =	simm.s32 $_size__tile_overlayer_lowered;
	s6 =	simm.s32 $_tile_overlayer_lowered  }
0x9b: {  	s22 =	simm.s32 $0x1BFF;
	s21 =	sshll.u32 s6, $0x1;
	s3 =	sadd.s32 s4, s19  }
0x9c: {  	s7 =	simm.s32 $0x0;
	s20 =	sshll.u32 s5, $0x1;
	s5 =	sadd.s32 s21, s3  }
0x9d: {  	[timem:s7], [sflag:s22] =	dma.local [hbm:s5], s20  }
0x9e: {  	_ =	swait.ge [sflag:s22], s20  }
0x9f: {  	s4 =	ssub.s32 $0x0, s20;
	[sflag:s22] =	ssyncset.done $0x0  }
0xa0: {  	[sflag:s22] =	ssyncadd.s32 s4;
	_ =	sdelay $0x1  }
0xa1: {  	s23 =	simm.s32 $0x1B8B  }
0xa2: {  	_ =	swait.ge [sflag:s23], $0x1  }
0xa3: {  	[sflag:s23] =	ssyncset.done $0x0  }
0xa4: {  	s25 =	simm.s32 $0x1B8E;
	s24 =	sld [smem:$0x3FFE];
	[sflag:s23] =	ssyncadd.s32 $0xFFFFFFFF  }
0xa5: {  	s26 =	simm.s32 $execute0_lowered;
	[smem:$0x3FD2] =	sst s25  }
0xa6: {  	s5 =	sshll.u32 s26, $0x1;
	_ =	strace $0x80000046;
	[dreg:$0x1] =	wrdreg $0xFFFFFFFF  }
0xa7: {  	s28 =	simm.s32 $_size_execute0_lowered;
	s3 =	sadd.s32 s3, s5;
	[dreg:$0x0] =	wrdreg $0x0  }
0xa8: {  	s5 =	sshll.u32 s28, $0x1;
	[dreg:$0x2] =	wrdreg s3  }
0xa9: {  	[dreg:$0x3] =	wrdreg s5  }
0xaa: {  	[dreg:$0x4] =	wrdreg $0xC0  }
0xab: {  	_ =	task [dreg:s7], $0x5FFFF  }
0xac: {  	[dreg:$0x1] =	wrdreg $0xFFFFFFFF  }
0xad: {  	[dreg:$0x0] =	wrdreg $0x60  }
0xae: {  	[dreg:$0x2] =	wrdreg s2  }
0xaf: {  	[dreg:$0x3] =	wrdreg s24  }
0xb0: {  	[dreg:$0x4] =	wrdreg $0x68000  }
0xb1: {  	[dreg:$0x5] =	wrdreg $0x9  }
0xb2: {  	_ =	task.clear_ibuf [dreg:s7], $0x6FFFF;
	_ =	strace $0x90000046  }
0xb3: {  	s29 =	simm.s32 $0x9;
	_ =	strace $0x80000048  }
0xb4: {  	_ =	swait.ge [sflag:s29], $0x1  }
0xb5: {  	[sflag:s29] =	ssyncadd.s32 $0xFFFFFFFF  }
0xb6: {  	_ =	strace $0x90000048  }
0xb7: {  	_ =	sfence  }
0xb8: {  	s30 =	sld [smem:$0x0];
	_ =	sdelay $0x2  }
0xb9: {  	s31 =	sshll.u32 s1, $0xD;
	s1 =	sshrl.u32 s1, $0x2  }
0xba: {  	s3 =	sand.u32 $0x4000, s31;
	s1 =	sadd.s32 s1, s30  }
0xbb: {  	s0 =	sor.u32 s3, s0;
	s1 =	sshll.u32 s1, $0x11  }
0xbc: {  	s0 =	sor.u32 s1, s0  }
0xbd: {  	s0 =	sadd.s32 $0x8F2B, s0  }
0xbe: {  	[sflag:s0] =	ssyncadd.remote.s32 $0x1  }
0xbf: {  	_ =	sfence.sel $0xFFFF  }
0xc0: {  	[dreg:$0x0] =	wrdreg $0xFFFFFFFF;
	(pc) =	sbr.abs _section_cstart, $3  }
0xc1: {  	[dreg:$0x1] =	wrdreg $0xFFFFFFFF  }
0xc2: {  	_ =	task.clear_ibuf [dreg:s7], $0x2FFFF;
	_ =	strace $0x9FFFFFFF  }
0xc3: {  	(tm) =	ssettm $0x7FFFFFFF  }
tec
execute0_lowered:
.L_overlay_start_1:
0x0: {  	(tag) =	ssettag $0x1  }
0x1: {  	s7 =	rddreg [dreg:$0x0]  }
0x2: {  	s5 =	rddreg [dreg:$0x1]  }
0x3: {  	s2 =	rddreg [dreg:$0x2]  }
0x4: {  	s0 =	rddreg [dreg:$0x3]  }
0x5: {  	s1 =	stileid.u32;
	s4 =	srdreg.scid  }
0x6: {  	s3 =	simm.s32 $0x0;
	s14 =	simm.s32 $0x1;
	s15 =	simm.s32 $0x0  }
0x7: {  	s6 =	smul.u32 $0x14000, s1;
	s8 =	sand.u32 $0x1, s4;
	[smem:$0x7FF] =	sst s3  }
0x8: {  	s4 =	sadd.s32 $0x1800, s5;
	s12 =	smul.u32 $0x50000, s1;
	s30 =	sshll.u32 s1, $0x6  }
0x9: {  	s9 =	smul.u32 $0x140000, s8;
	_ =	strace $0x80000047;
	s26 =	ssub.s32 $0x2, s8  }
0xa: {  	s8 =	sshll.u32 s8, $0x4;
	s10 =	sshrl.u32 s6, $0x3;
	s11 =	sshrl.u32 s26, $0x1  }
0xb: {  	s28 =	sor.u32 s1, s8;
	s29 =	sshrl.u32 s12, $0x2;
	s6 =	sadd.s32 s6, s9  }
0xc: {  	s25 =	sadd.s32 s10, s5;
	s10 =	ssub.s32 s26, s11;
	s31 =	smul.u32 $0x500, s28  }
0xd: {  	s12 =	sadd.s32 s29, s2;
	s11 =	simm.s32 $0x2;
	s6 =	sshrl.u32 s6, $0x3  }
0xe: {  	s9 =	smax.u32 s10, $0x1;
	s10 =	sshrl.u32 s12, $0x3;
	s12 =	simm.s32 $0x2800  }
0xf: {  	s13 =	sadd.s32 s6, s5;
	s5 =	sadd.s32 $0x2000, s25;
	s6 =	sor.u32 $0x1C02, s30  }
0x10: {  	s7 =	sadd.s32 s7, s31;
	s8 =	sadd.s32 $0x2A000, s13;
	s13 =	simm.s32 $0x7D  }
.LBB2_1:
0x11: {  	[spmem:s10], [sflag:s6] =	dma.local [hbm:s5], $0x2800  }
0x12: {  	_ =	swait.ge [sflag:s11], $0x2800  }
0x13: {  	[sflag:s11] =	ssyncset.done $0x0  }
0x14: {  	[sflag:s11] =	ssyncadd.s32 $0xFFFFD800  }
0x15: {  	[tilespmem:s3], [sflag:$0x2] =	stream.linear.gather [hbm4b:s7+s3], $0x2800, $0x38;
	[tilespmem:$0x1A800] =	vst v63  }
0x16: {  	_ =	swait.ge [sflag:s11], $0x2800  }
0x17: {  	[sflag:s11] =	ssyncset.done $0x0  }
0x18: {  	[sflag:s11] =	ssyncadd.s32 $0xFFFFD800  }
0x19: {  	[tilespmem:s12], [sflag:$0x2] =	stream.linear.gather [hbm4b:s4+s3], $0x3E80, $0x38;
	[tilespmem:$0x1A800] =	vst v63  }
0x1a: {  	_ =	swait.ge [sflag:s11], $0x3E80  }
0x1b: {  	[sflag:s11] =	ssyncset.done $0x0  }
0x1c: {  	[sflag:s11] =	ssyncadd.s32 $0xFFFFC180  }
0x1d: {  	s16 =	simm.s32 $0x0;
	[bflag:$0x0] =	sbarrier.arrive $0xFFFF  }
0x1e: {  	[spmem:s2] =	stream.indirect.scatter.add.f32 [tilespmem:s12], [sflag:$0x1], $0x80, s16, s13, $0xb8;
	[tilespmem:$0x1A800] =	vst v63  }
0x1f: {  	s24 =	simm.s32 $0x80  }
0x20: {  	[spmem:s2] =	stream.indirect.scatter.add.f32 [tilespmem:s12], [sflag:$0x1], $0x80, s24, s13, $0xb8;
	[tilespmem:$0x1A800] =	vst v63  }
0x21: {  	s25 =	simm.s32 $0x100  }
0x22: {  	[spmem:s2] =	stream.indirect.scatter.add.f32 [tilespmem:s12], [sflag:$0x1], $0x80, s25, s13, $0xb8;
	[tilespmem:$0x1A800] =	vst v63  }
0x23: {  	s26 =	simm.s32 $0x180  }
0x24: {  	[spmem:s2] =	stream.indirect.scatter.add.f32 [tilespmem:s12], [sflag:$0x1], $0x80, s26, s13, $0xb8;
	[tilespmem:$0x1A800] =	vst v63  }
0x25: {  	s28 =	simm.s32 $0x200  }
0x26: {  	[spmem:s2] =	stream.indirect.scatter.add.f32 [tilespmem:s12], [sflag:$0x1], $0x80, s28, s13, $0xb8;
	[tilespmem:$0x1A800] =	vst v63  }
0x27: {  	s29 =	simm.s32 $0x280  }
0x28: {  	[spmem:s2] =	stream.indirect.scatter.add.f32 [tilespmem:s12], [sflag:$0x1], $0x80, s29, s13, $0xb8;
	[tilespmem:$0x1A800] =	vst v63  }
0x29: {  	s30 =	simm.s32 $0x300  }
0x2a: {  	[spmem:s2] =	stream.indirect.scatter.add.f32 [tilespmem:s12], [sflag:$0x1], $0x80, s30, s13, $0xb8;
	[tilespmem:$0x1A800] =	vst v63  }
0x2b: {  	s31 =	simm.s32 $0x380  }
0x2c: {  	[spmem:s2] =	stream.indirect.scatter.add.f32 [tilespmem:s12], [sflag:$0x1], $0x80, s31, s13, $0xb8;
	[tilespmem:$0x1A800] =	vst v63  }
0x2d: {  	_ =	swait.ge [sflag:s14], $0x3E80  }
0x2e: {  	[sflag:s14] =	ssyncset.done $0x0  }
0x2f: {  	[sflag:s14] =	ssyncadd.s32 $0xFFFFC180  }
0x30: {  	_ =	swait.ge [sflag:s14], $0x3E80  }
0x31: {  	[sflag:s14] =	ssyncset.done $0x0  }
0x32: {  	[sflag:s14] =	ssyncadd.s32 $0xFFFFC180  }
0x33: {  	_ =	swait.ge [sflag:s14], $0x3E80  }
0x34: {  	[sflag:s14] =	ssyncset.done $0x0  }
0x35: {  	[sflag:s14] =	ssyncadd.s32 $0xFFFFC180  }
0x36: {  	_ =	swait.ge [sflag:s14], $0x3E80  }
0x37: {  	[sflag:s14] =	ssyncset.done $0x0  }
0x38: {  	[sflag:s14] =	ssyncadd.s32 $0xFFFFC180  }
0x39: {  	_ =	swait.ge [sflag:s14], $0x3E80  }
0x3a: {  	[sflag:s14] =	ssyncset.done $0x0  }
0x3b: {  	[sflag:s14] =	ssyncadd.s32 $0xFFFFC180  }
0x3c: {  	_ =	swait.ge [sflag:s14], $0x3E80  }
0x3d: {  	[sflag:s14] =	ssyncset.done $0x0  }
0x3e: {  	[sflag:s14] =	ssyncadd.s32 $0xFFFFC180  }
0x3f: {  	_ =	swait.ge [sflag:s14], $0x3E80  }
0x40: {  	[sflag:s14] =	ssyncset.done $0x0  }
0x41: {  	[sflag:s14] =	ssyncadd.s32 $0xFFFFC180  }
0x42: {  	_ =	swait.ge [sflag:s14], $0x3E80  }
0x43: {  	s18 =	simm.s32 $0x2000;
	s16 =	simm.s32 $0x1000;
	[sflag:s14] =	ssyncset.done $0x0  }
.LBB2_2:
0x44: {  	s19 =	sshra.s32 s16, $0x2  }
0x45: {  	[sflag:s14] =	ssyncadd.s32 $0xFFFFC180;
	s16 =	smov.u32 s18;
	s17 =	sadd.s32 $0x1000, s18  }
0x46: {  	[spmem:s2] =	stream.indirect.scatter.add.f32 [tilespmem:s12], [sflag:$0x1], $0x80, s19, s13, $0xb8;
	[tilespmem:$0x1A800] =	vst v63  }
0x47: {  	p0 =	sne.s32 s18, $0x9000;
	s18 =	sadd.s32 $0x80, s19  }
0x48: {  	[spmem:s2] =	stream.indirect.scatter.add.f32 [tilespmem:s12], [sflag:$0x1], $0x80, s18, s13, $0xb8;
	[tilespmem:$0x1A800] =	vst v63  }
0x49: {  	s18 =	sadd.s32 $0x100, s19  }
0x4a: {  	[spmem:s2] =	stream.indirect.scatter.add.f32 [tilespmem:s12], [sflag:$0x1], $0x80, s18, s13, $0xb8;
	[tilespmem:$0x1A800] =	vst v63  }
0x4b: {  	s18 =	sadd.s32 $0x180, s19  }
0x4c: {  	[spmem:s2] =	stream.indirect.scatter.add.f32 [tilespmem:s12], [sflag:$0x1], $0x80, s18, s13, $0xb8;
	[tilespmem:$0x1A800] =	vst v63  }
0x4d: {  	s18 =	sadd.s32 $0x200, s19  }
0x4e: {  	[spmem:s2] =	stream.indirect.scatter.add.f32 [tilespmem:s12], [sflag:$0x1], $0x80, s18, s13, $0xb8;
	[tilespmem:$0x1A800] =	vst v63  }
0x4f: {  	s18 =	sadd.s32 $0x280, s19  }
0x50: {  	[spmem:s2] =	stream.indirect.scatter.add.f32 [tilespmem:s12], [sflag:$0x1], $0x80, s18, s13, $0xb8;
	[tilespmem:$0x1A800] =	vst v63  }
0x51: {  	s18 =	sadd.s32 $0x300, s19  }
0x52: {  	[spmem:s2] =	stream.indirect.scatter.add.f32 [tilespmem:s12], [sflag:$0x1], $0x80, s18, s13, $0xb8;
	[tilespmem:$0x1A800] =	vst v63  }
0x53: {  	s18 =	sadd.s32 $0x380, s19  }
0x54: {  	[spmem:s2] =	stream.indirect.scatter.add.f32 [tilespmem:s12], [sflag:$0x1], $0x80, s18, s13, $0xb8;
	[tilespmem:$0x1A800] =	vst v63  }
0x55: {  	_ =	swait.ge [sflag:s14], $0x3E80  }
0x56: {  	[sflag:s14] =	ssyncset.done $0x0  }
0x57: {  	[sflag:s14] =	ssyncadd.s32 $0xFFFFC180  }
0x58: {  	_ =	swait.ge [sflag:s14], $0x3E80  }
0x59: {  	[sflag:s14] =	ssyncset.done $0x0  }
0x5a: {  	[sflag:s14] =	ssyncadd.s32 $0xFFFFC180  }
0x5b: {  	_ =	swait.ge [sflag:s14], $0x3E80  }
0x5c: {  	[sflag:s14] =	ssyncset.done $0x0  }
0x5d: {  	[sflag:s14] =	ssyncadd.s32 $0xFFFFC180  }
0x5e: {  	_ =	swait.ge [sflag:s14], $0x3E80  }
0x5f: {  	[sflag:s14] =	ssyncset.done $0x0  }
0x60: {  	[sflag:s14] =	ssyncadd.s32 $0xFFFFC180  }
0x61: {  	_ =	swait.ge [sflag:s14], $0x3E80  }
0x62: {  	[sflag:s14] =	ssyncset.done $0x0  }
0x63: {  	[sflag:s14] =	ssyncadd.s32 $0xFFFFC180  }
0x64: {  	_ =	swait.ge [sflag:s14], $0x3E80  }
0x65: {  	[sflag:s14] =	ssyncset.done $0x0  }
0x66: {  	[sflag:s14] =	ssyncadd.s32 $0xFFFFC180  }
.Ltmp0:
0x67: {  	_ =	swait.ge [sflag:s14], $0x3E80;
	(pc) =	sbr.rel @p0 .LBB2_2-.Ltmp0, $4  }
0x68: {  	[sflag:s14] =	ssyncset.done $0x0  }
0x69: {  	[sflag:s14] =	ssyncadd.s32 $0xFFFFC180  }
0x6a: {  	_ =	swait.ge [sflag:s14], $0x3E80  }
0x6b: {  	s18 =	smov.u32 s17;
	[sflag:s14] =	ssyncset.done $0x0  }
0x6c: {  	s16 =	sshra.s32 s16, $0x2;
	[sflag:s14] =	ssyncadd.s32 $0xFFFFC180  }
0x6d: {  	[spmem:s2] =	stream.indirect.scatter.add.f32 [tilespmem:s12], [sflag:$0x1], $0x80, s16, s13, $0xb8;
	[tilespmem:$0x1A800] =	vst v63  }
0x6e: {  	s17 =	sadd.s32 $0x80, s16  }
0x6f: {  	[spmem:s2] =	stream.indirect.scatter.add.f32 [tilespmem:s12], [sflag:$0x1], $0x80, s17, s13, $0xb8;
	[tilespmem:$0x1A800] =	vst v63  }
0x70: {  	s26 =	sadd.s32 $0x100, s16  }
0x71: {  	[spmem:s2] =	stream.indirect.scatter.add.f32 [tilespmem:s12], [sflag:$0x1], $0x80, s26, s13, $0xb8;
	[tilespmem:$0x1A800] =	vst v63  }
0x72: {  	s28 =	sadd.s32 $0x180, s16  }
0x73: {  	[spmem:s2] =	stream.indirect.scatter.add.f32 [tilespmem:s12], [sflag:$0x1], $0x80, s28, s13, $0xb8;
	[tilespmem:$0x1A800] =	vst v63  }
0x74: {  	s29 =	sadd.s32 $0x200, s16  }
0x75: {  	[spmem:s2] =	stream.indirect.scatter.add.f32 [tilespmem:s12], [sflag:$0x1], $0x80, s29, s13, $0xb8;
	[tilespmem:$0x1A800] =	vst v63  }
0x76: {  	s30 =	sadd.s32 $0x280, s16  }
0x77: {  	[spmem:s2] =	stream.indirect.scatter.add.f32 [tilespmem:s12], [sflag:$0x1], $0x80, s30, s13, $0xb8;
	[tilespmem:$0x1A800] =	vst v63  }
0x78: {  	s31 =	sadd.s32 $0x300, s16  }
0x79: {  	[spmem:s2] =	stream.indirect.scatter.add.f32 [tilespmem:s12], [sflag:$0x1], $0x80, s31, s13, $0xb8;
	[tilespmem:$0x1A800] =	vst v63  }
0x7a: {  	s16 =	sadd.s32 $0x380, s16  }
0x7b: {  	[spmem:s2] =	stream.indirect.scatter.add.f32 [tilespmem:s12], [sflag:$0x1], $0x80, s16, s13, $0xb8;
	[tilespmem:$0x1A800] =	vst v63  }
0x7c: {  	_ =	swait.ge [sflag:s14], $0x3E80  }
0x7d: {  	[sflag:s14] =	ssyncset.done $0x0  }
0x7e: {  	[sflag:s14] =	ssyncadd.s32 $0xFFFFC180  }
0x7f: {  	_ =	swait.ge [sflag:s14], $0x3E80  }
0x80: {  	[sflag:s14] =	ssyncset.done $0x0  }
0x81: {  	[sflag:s14] =	ssyncadd.s32 $0xFFFFC180  }
0x82: {  	_ =	swait.ge [sflag:s14], $0x3E80  }
0x83: {  	[sflag:s14] =	ssyncset.done $0x0  }
0x84: {  	[sflag:s14] =	ssyncadd.s32 $0xFFFFC180  }
0x85: {  	_ =	swait.ge [sflag:s14], $0x3E80  }
0x86: {  	[sflag:s14] =	ssyncset.done $0x0  }
0x87: {  	[sflag:s14] =	ssyncadd.s32 $0xFFFFC180  }
0x88: {  	_ =	swait.ge [sflag:s14], $0x3E80  }
0x89: {  	[sflag:s14] =	ssyncset.done $0x0  }
0x8a: {  	[sflag:s14] =	ssyncadd.s32 $0xFFFFC180  }
0x8b: {  	_ =	swait.ge [sflag:s14], $0x3E80  }
0x8c: {  	[sflag:s14] =	ssyncset.done $0x0  }
0x8d: {  	[sflag:s14] =	ssyncadd.s32 $0xFFFFC180  }
0x8e: {  	_ =	swait.ge [sflag:s14], $0x3E80  }
0x8f: {  	[sflag:s14] =	ssyncset.done $0x0  }
0x90: {  	[sflag:s14] =	ssyncadd.s32 $0xFFFFC180  }
0x91: {  	_ =	swait.ge [sflag:s14], $0x3E80  }
0x92: {  	s15 =	sadd.s32 $0x1, s15;
	[sflag:s14] =	ssyncset.done $0x0  }
0x93: {  	p0 =	sne.s32 s15, s9;
	[sflag:s14] =	ssyncadd.s32 $0xFFFFC180  }
.Ltmp1:
0x94: {  	[bflag:$0x0] =	sbarrier.arrive $0xFFFF;
	(pc) =	sbr.rel @p0 .LBB2_1-.Ltmp1, $4  }
0x95: {  	[hbm:s8], [sflag:s6] =	dma.local [spmem:s10], $0x2800  }
0x96: {  	_ =	swait.ge [sflag:s11], $0x2800  }
0x97: {  	[sflag:s11] =	ssyncset.done $0x0  }
0x98: {  	[sflag:s11] =	ssyncadd.s32 $0xFFFFD800  }
0x99: {  	_ =	sfence.sel $0x180000  }
0x9a: {  	[bflag:$0x0] =	sbarrier.arrive $0xFFFF  }
0x9b: {  	p0 =	sne.s32 s1, $0x0;
	_ =	strace $0x90000047  }
0x9c: {  	s0 =	sadd.s32 @!p0 $0x100000, s0;
	[bflag:$0x2] =	sbarrier.arrive $0xFFFF  }
0x9d: {  	[sflag:s0] =	ssyncadd.tile.s32 @!p0 $0x1;
	_ =	shalt  }
.Lfunc_end2:
_tile_overlayer_lowered:
.L_overlay_start_2:
0x9e: {  	(tag) =	ssettag $0x2  }
0x9f: {  	s0 =	rddreg [dreg:$0x0];
	s2 =	stileid.u32  }
0xa0: {  	s1 =	rddreg [dreg:$0x1];
	p0 =	sne.s32 s2, $0x0  }
0xa1: {  	s3 =	rddreg [dreg:$0x2];
	[bflag:$0x3] =	sbarrier.arrive $0xFFFF;
	s2 =	simm.s32 @!p0 $0x1C02  }
0xa2: {  	[timem:s3], [sflag:s2] =	dma.local @!p0 [hbm:s0], s1  }
0xa3: {  	s0 =	simm.s32 @!p0 $0x2  }
0xa4: {  	_ =	swait.ge @!p0 [sflag:s0], s1  }
0xa5: {  	s1 =	ssub.s32 @!p0 $0x0, s1;
	[sflag:s0] =	ssyncset.done @!p0 $0x0  }
0xa6: {  	[sflag:s0] =	ssyncadd.s32 @!p0 s1  }
0xa7: {  	[bflag:$0x3] =	sbarrier.arrive $0xFFFF  }
0xa8: {  	_ =	shalt  }

</sc_bundles>
